<compile_context>
chip_gen: v7x
topology: tpu7x:2x2x1
jax: 0.10.2.dev20260603
libtpu: 0.0.44.dev20260713+nightly
codegen_flags: <defaults>
</compile_context>

<pallas_src>
import functools

import jax
import jax.numpy as jnp
from jax import lax
from jax.experimental import pallas as pl
from jax.experimental.pallas import tpu as pltpu
from jax.experimental.pallas import tpu_sc as plsc

N = 10000
E = 320000
D = 128
NC = 2
NS = 16
NW = NC * NS
EPW = E // NW
B = 80
NCH = EPW // B
RPT0 = 624
RPT_LAST = N - (NS - 1) * RPT0
CW = 128

_mesh = plsc.VectorSubcoreMesh(core_axis_name="c", subcore_axis_name="s")


def _zero_rows(ref, nrows, ncols, val=0.0):
    z = jnp.full((16,), val, jnp.float32)
    cpr = ncols // 16

    def body(i, carry):
        r = i // cpr
        c = (i % cpr) * 16
        ref[r, pl.ds(c, 16)] = z
        return carry

    lax.fori_loop(0, nrows * cpr, body, 0)


def _flush_zeros(zbuf, acc, row_base, nrows, bufrows):
    full = nrows // bufrows
    for k in range(full):
        pltpu.sync_copy(zbuf, acc.at[pl.ds(row_base + k * bufrows, bufrows)])
    rem = nrows - full * bufrows
    if rem:
        pltpu.sync_copy(zbuf.at[pl.ds(0, rem)],
                        acc.at[pl.ds(row_base + full * bufrows, rem)])


@functools.partial(
    pl.kernel,
    out_type=jax.ShapeDtypeStruct((NC * N, D), jnp.float32),
    mesh=_mesh,
    scratch_types=[
        pltpu.VMEM_SHARED((N, D), jnp.float32),
        pltpu.VMEM((EPW,), jnp.int32),
        pltpu.VMEM((EPW,), jnp.int32),
        pltpu.VMEM((3, B, D), jnp.float32),
        pltpu.SemaphoreType.DMA,
        pltpu.SemaphoreType.DMA,
        pltpu.SemaphoreType.DMA,
        pltpu.SemaphoreType.DMA,
        pltpu.SemaphoreType.DMA,
        pltpu.SemaphoreType.DMA,
        pltpu.SemaphoreType.DMA,
    ],
)
def _sc_scatter(h_hbm, src_hbm, dst_hbm, out_hbm, acc, src_v, dst_v, rows,
                semi, sg0, sg1, sg2, ss0, ss1, ss2):
    semg = [sg0, sg1, sg2]
    sems = [ss0, ss1, ss2]
    cid = lax.axis_index("c")
    sid = lax.axis_index("s")
    wid = cid * NS + sid
    row_base = sid * RPT0
    last = sid == NS - 1
    edge_base = wid * EPW
    cp_s = pltpu.async_copy(src_hbm.at[pl.ds(edge_base, EPW)], src_v, semi)
    cp_d = pltpu.async_copy(dst_hbm.at[pl.ds(edge_base, EPW)], dst_v, semi)
    _zero_rows(rows.at[0], B, D)

    @pl.when(jnp.logical_not(last))
    def _():
        _flush_zeros(rows.at[0], acc, row_base, RPT0, B)

    @pl.when(last)
    def _():
        _flush_zeros(rows.at[0], acc, row_base, RPT_LAST, B)

    plsc.subcore_barrier()
    cp_s.wait()
    cp_d.wait()

    def gather(k, b):
        pltpu.async_copy(h_hbm.at[src_v.at[pl.ds(k * B, B)]], rows.at[b],
                         semg[b])

    def wait_gather(k, b):
        pltpu.make_async_copy(h_hbm.at[src_v.at[pl.ds(k * B, B)]], rows.at[b],
                              semg[b]).wait()

    def scat(k, b):
        pltpu.async_copy(rows.at[b], acc.at[dst_v.at[pl.ds(k * B, B)]],
                         sems[b], add=True)

    def wait_scat(k, b):
        pltpu.make_async_copy(rows.at[b], acc.at[dst_v.at[pl.ds(k * B, B)]],
                              sems[b]).wait()

    for b in range(3):
        gather(b, b)

    def body(j, carry):
        k3 = 3 * j
        for b in range(3):
            wait_gather(k3 + b, b)
            scat(k3 + b, b)
        for b in range(3):
            wait_scat(k3 + b, b)

            @pl.when(k3 + b + 3 < NCH)
            def _():
                gather(k3 + b + 3, b)

        return carry

    lax.fori_loop(0, NCH // 3, body, 0)
    for k in range(3 * (NCH // 3), NCH):
        b = k % 3
        wait_gather(k, b)
        pltpu.sync_copy(rows.at[b], acc.at[dst_v.at[pl.ds(k * B, B)]],
                        add=True)
    plsc.subcore_barrier()

    @pl.when(jnp.logical_not(last))
    def _():
        pltpu.sync_copy(acc.at[pl.ds(row_base, RPT0)],
                        out_hbm.at[pl.ds(cid * N + row_base, RPT0)])

    @pl.when(last)
    def _():
        pltpu.sync_copy(acc.at[pl.ds(row_base, RPT_LAST)],
                        out_hbm.at[pl.ds(cid * N + row_base, RPT_LAST)])


@functools.partial(
    pl.kernel,
    out_type=jax.ShapeDtypeStruct((NC * N, D), jnp.float32),
    mesh=_mesh,
    scratch_types=[
        pltpu.VMEM_SHARED((N, D), jnp.float32),
        pltpu.VMEM((EPW,), jnp.int32),
        pltpu.VMEM((B, D), jnp.float32),
        pltpu.VMEM((B, D), jnp.float32),
        pltpu.SemaphoreType.DMA,
        pltpu.SemaphoreType.DMA,
        pltpu.SemaphoreType.DMA,
        pltpu.SemaphoreType.DMA,
    ],
)
def _sc_counts(dst_hbm, out_hbm, acc, dst_v, ones_r, zbuf,
               semi, ss0, ss1, ss2):
    sems = [ss0, ss1, ss2]
    cid = lax.axis_index("c")
    sid = lax.axis_index("s")
    wid = cid * NS + sid
    row_base = sid * RPT0
    last = sid == NS - 1
    cp_d = pltpu.async_copy(dst_hbm.at[pl.ds(wid * EPW, EPW)], dst_v, semi)
    _zero_rows(zbuf, B, D)
    _zero_rows(ones_r, B, D, val=1.0)

    @pl.when(jnp.logical_not(last))
    def _():
        _flush_zeros(zbuf, acc, row_base, RPT0, B)

    @pl.when(last)
    def _():
        _flush_zeros(zbuf, acc, row_base, RPT_LAST, B)

    plsc.subcore_barrier()
    cp_d.wait()

    def scat(k, b):
        pltpu.async_copy(ones_r, acc.at[dst_v.at[pl.ds(k * B, B)]],
                         sems[b], add=True)

    def wait_scat(k, b):
        pltpu.make_async_copy(ones_r, acc.at[dst_v.at[pl.ds(k * B, B)]],
                              sems[b]).wait()

    for b in range(3):
        scat(b, b)

    def body(j, carry):
        k3 = 3 * j
        for b in range(3):
            wait_scat(k3 + b, b)

            @pl.when(k3 + b + 3 < NCH)
            def _():
                scat(k3 + b + 3, b)

        return carry

    lax.fori_loop(0, NCH // 3, body, 0)
    for k in range(3 * (NCH // 3), NCH):
        wait_scat(k, k % 3)
    plsc.subcore_barrier()

    @pl.when(jnp.logical_not(last))
    def _():
        pltpu.sync_copy(acc.at[pl.ds(row_base, RPT0)],
                        out_hbm.at[pl.ds(cid * N + row_base, RPT0)])

    @pl.when(last)
    def _():
        pltpu.sync_copy(acc.at[pl.ds(row_base, RPT_LAST)],
                        out_hbm.at[pl.ds(cid * N + row_base, RPT_LAST)])


_BR = 1000
_GRID = N // _BR


def _lin_body(x_ref, wt_ref, b_ref, o_ref):
    y = jnp.dot(x_ref[...], wt_ref[...], preferred_element_type=jnp.float32)
    o_ref[...] = jnp.maximum(y + b_ref[...], 0.0)


def _upd_body(h_ref, p0_ref, p1_ref, c0_ref, c1_ref, o_ref):
    cnt = c0_ref[:, 0:1] + c1_ref[:, 0:1]
    inv = 1.0 / jnp.maximum(cnt, 1.0)
    o_ref[...] = (h_ref[...] + (p0_ref[...] + p1_ref[...]) * inv) * 0.5


def _upd_tail_body(h_ref, p0_ref, p1_ref, c0_ref, c1_ref, wpt_ref, wrt_ref,
                   b_ref, o_ref, acc_ref):
    i = pl.program_id(0)
    cnt = c0_ref[:, 0:1] + c1_ref[:, 0:1]
    inv = 1.0 / jnp.maximum(cnt, 1.0)
    h3 = (h_ref[...] + (p0_ref[...] + p1_ref[...]) * inv) * 0.5
    part = jnp.sum(jnp.maximum(h3, 0.0), axis=0, keepdims=True)

    @pl.when(i == 0)
    def _():
        acc_ref[...] = jnp.zeros_like(acc_ref)

    acc_ref[...] += part

    @pl.when(i == _GRID - 1)
    def _():
        g = jnp.dot(acc_ref[...] * (1.0 / N), wpt_ref[...],
                    preferred_element_type=jnp.float32)
        o_ref[...] = jnp.dot(g, wrt_ref[...],
                             preferred_element_type=jnp.float32) + b_ref[...]


def _tail_body(h_ref, wpt_ref, wrt_ref, b_ref, o_ref):
    s = jnp.sum(jnp.maximum(h_ref[...], 0.0), axis=0, keepdims=True)
    g = jnp.dot(s * (1.0 / N), wpt_ref[...], preferred_element_type=jnp.float32)
    o_ref[...] = jnp.dot(g, wrt_ref[...], preferred_element_type=jnp.float32) \
        + b_ref[...]


def _tc_lin(x, wt, b):
    return pl.pallas_call(
        _lin_body,
        grid=(_GRID,),
        in_specs=[
            pl.BlockSpec((_BR, D), lambda i: (i, 0)),
            pl.BlockSpec((D, D), lambda i: (0, 0)),
            pl.BlockSpec((1, D), lambda i: (0, 0)),
        ],
        out_specs=pl.BlockSpec((_BR, D), lambda i: (i, 0)),
        out_shape=jax.ShapeDtypeStruct((N, D), jnp.float32),
    )(x, wt, b)


def _tc_update(h, parts, c0, c1):
    return pl.pallas_call(
        _upd_body,
        grid=(_GRID,),
        in_specs=[
            pl.BlockSpec((_BR, D), lambda i: (i, 0)),
            pl.BlockSpec((_BR, D), lambda i: (i, 0)),
            pl.BlockSpec((_BR, D), lambda i: (i + _GRID, 0)),
            pl.BlockSpec((_BR, 8), lambda i: (i, 0)),
            pl.BlockSpec((_BR, 8), lambda i: (i, 0)),
        ],
        out_specs=pl.BlockSpec((_BR, D), lambda i: (i, 0)),
        out_shape=jax.ShapeDtypeStruct((N, D), jnp.float32),
    )(h, parts, parts, c0, c1)


def _tc_upd_tail(h, parts, c0, c1, wpt, wrt, b):
    return pl.pallas_call(
        _upd_tail_body,
        grid=(_GRID,),
        in_specs=[
            pl.BlockSpec((_BR, D), lambda i: (i, 0)),
            pl.BlockSpec((_BR, D), lambda i: (i, 0)),
            pl.BlockSpec((_BR, D), lambda i: (i + _GRID, 0)),
            pl.BlockSpec((_BR, 8), lambda i: (i, 0)),
            pl.BlockSpec((_BR, 8), lambda i: (i, 0)),
            pl.BlockSpec((D, 64), lambda i: (0, 0)),
            pl.BlockSpec((64, 1), lambda i: (0, 0)),
            pl.BlockSpec((1, 1), lambda i: (0, 0)),
        ],
        out_specs=pl.BlockSpec((1, 1), lambda i: (0, 0)),
        out_shape=jax.ShapeDtypeStruct((1, 1), jnp.float32),
        scratch_shapes=[pltpu.VMEM((1, D), jnp.float32)],
    )(h, parts, parts, c0, c1, wpt, wrt, b)


def kernel(x, edge_index, W_lin, b_lin, W_pool, W_read, b_read):
    src = edge_index[0].astype(jnp.int32)
    dst = edge_index[1].astype(jnp.int32)
    h = _tc_lin(x, W_lin.T, b_lin.reshape(1, D))
    cparts = _sc_counts(dst)
    c0 = cparts[:N, :8]
    c1 = cparts[N:, :8]
    for _ in range(2):
        parts = _sc_scatter(h, src, dst)
        h = _tc_update(h, parts, c0, c1)
    parts = _sc_scatter(h, src, dst)
    out = _tc_upd_tail(h, parts, c0, c1, W_pool.T, W_read.T,
                       b_read.reshape(1, 1))
    return out.reshape(1)

# --- scband reference (transcript-rebuilt; emitter-appended) ---
"""Pipeline reference for scband-model-25031069401684 (READ-ONLY COPY).

The authoritative reference and input builder live on the scoring server;
editing this copy changes nothing except your own understanding.
"""

import jax, jax.numpy as jnp
import numpy as np

N = 10000
E = 320000
D_IN = 128
D_H = 128
D_G = 64
STEPS = 3


def setup_inputs(seed: int = 0) -> dict:
    key = jax.random.key(seed)
    k_x, k_e, k_wl, k_bl, k_wp, k_wr, k_br = jax.random.split(key, 7)
    x = jax.random.normal(k_x, (N, D_IN), dtype=jnp.float32)
    edge_index = jax.random.randint(k_e, (2, E), 0, N, dtype=jnp.int64)
    # torch Linear weights have shape [out_features, in_features]
    W_lin = jax.random.normal(k_wl, (D_H, D_IN), dtype=jnp.float32) * (1.0 / np.sqrt(D_IN))
    b_lin = jax.random.normal(k_bl, (D_H,), dtype=jnp.float32) * 0.01
    W_pool = jax.random.normal(k_wp, (D_G, D_H), dtype=jnp.float32) * (1.0 / np.sqrt(D_H))
    W_read = jax.random.normal(k_wr, (1, D_G), dtype=jnp.float32) * (1.0 / np.sqrt(D_G))
    b_read = jax.random.normal(k_br, (1,), dtype=jnp.float32) * 0.01
    return {"x": x, "edge_index": edge_index, "W_lin": W_lin, "b_lin": b_lin,
            "W_pool": W_pool, "W_read": W_read, "b_read": b_read}


def reference(x, edge_index, W_lin, b_lin, W_pool, W_read, b_read):
    # MPNN.forward: lin + relu, then mpnn_steps of propagate with aggr='mean'
    h = jax.nn.relu(x @ W_lin.T + b_lin)
    src = edge_index[0]  # x_j source nodes
    dst = edge_index[1]  # aggregation targets
    ones = jnp.ones((E, 1), dtype=h.dtype)
    for _ in range(STEPS):
        msg = h[src]  # message(x_j) = x_j  (gather)
        s = jax.ops.segment_sum(msg, dst, num_segments=N)  # scatter-add
        cnt = jax.ops.segment_sum(ones, dst, num_segments=N)
        mean_msgs = s / jnp.maximum(cnt, 1.0)  # PyG mean aggr: 0 for empty segments
        h = (h + mean_msgs) / 2.0  # update
    # Model.forward tail
    h = jax.nn.relu(h)
    g = h @ W_pool.T  # pooling_layer (no bias)
    g = jnp.mean(g, axis=0)
    out = g @ W_read.T + b_read  # readout_layer -> shape [1]
    return out

if __name__ == "__main__":
    import jax
    _d = setup_inputs()
    print(jax.jit(kernel)(*tuple(_d.values())))

</pallas_src>

<mosaic_0001>
#map = affine_map<(d0, d1) -> (0, 0)>
#map1 = affine_map<(d0, d1) -> (0)>
module attributes {stable_mosaic.version = 14 : i64} {
  func.func @_sc_scatter(%arg0: i32, %arg1: i32, %arg2: memref<10000x128xf32, #tpu.memory_space<hbm>>, %arg3: memref<320000xi32, #tpu.memory_space<hbm>>, %arg4: memref<320000xi32, #tpu.memory_space<hbm>>, %arg5: memref<20000x128xf32, #tpu.memory_space<hbm>>, %arg6: memref<10000x128xf32, #tpu.memory_space<vmem_shared>>, %arg7: memref<10000xi32, #tpu.memory_space<vmem>>, %arg8: memref<10000xi32, #tpu.memory_space<vmem>>, %arg9: memref<3x80x128xf32, #tpu.memory_space<vmem>>, %arg10: memref<!tpu.dma_semaphore, #tpu.memory_space<semaphore_mem>>, %arg11: memref<!tpu.dma_semaphore, #tpu.memory_space<semaphore_mem>>, %arg12: memref<!tpu.dma_semaphore, #tpu.memory_space<semaphore_mem>>, %arg13: memref<!tpu.dma_semaphore, #tpu.memory_space<semaphore_mem>>, %arg14: memref<!tpu.dma_semaphore, #tpu.memory_space<semaphore_mem>>, %arg15: memref<!tpu.dma_semaphore, #tpu.memory_space<semaphore_mem>>, %arg16: memref<!tpu.dma_semaphore, #tpu.memory_space<semaphore_mem>>) attributes {dimension_semantics = [#tpu.dimension_semantics<core_parallel>, #tpu.dimension_semantics<subcore_parallel>], iteration_bounds = array<i64: 2, 16>, scalar_prefetch = 0 : i64, scratch_operands = 11 : i64, tpu.core_type = #tpu.core_type<sc_vector_subcore>, window_params = [{transform_indices = #map}, {transform_indices = #map1}, {transform_indices = #map1}, {transform_indices = #map}]} {
    %mul3A = arith.constant 16 : i32
    %mul3A_0 = arith.muli %arg0, %mul3A : i32
    %add3A = arith.addi %mul3A_0, %arg1 : i32
    %mul3A_1 = arith.constant 624 : i32
    %mul3A_2 = arith.muli %arg1, %mul3A_1 : i32
    %eq3A = arith.constant 15 : i32
    %eq3A_3 = arith.cmpi eq, %arg1, %eq3A : i32
    %mul3A_4 = arith.constant 10000 : i32
    %mul3A_5 = arith.muli %add3A, %mul3A_4 : i32
    %dma_start3A = tpu.memref_slice %arg3[%mul3A_5] : memref<320000xi32, #tpu.memory_space<hbm>> -> memref<10000xi32, #tpu.memory_space<hbm>>
    %dma_start3A_6 = tpu.memref_slice %arg3[%mul3A_5] : memref<320000xi32, #tpu.memory_space<hbm>> -> memref<10000xi32, #tpu.memory_space<hbm>>
    tpu.enqueue_dma source(%dma_start3A_6 : memref<10000xi32, #tpu.memory_space<hbm>>) target(%arg7 : memref<10000xi32, #tpu.memory_space<vmem>>) target_semaphore(%arg10 : memref<!tpu.dma_semaphore, #tpu.memory_space<semaphore_mem>>)
    %dma_start3A_7 = tpu.memref_slice %arg4[%mul3A_5] : memref<320000xi32, #tpu.memory_space<hbm>> -> memref<10000xi32, #tpu.memory_space<hbm>>
    %dma_start3A_8 = tpu.memref_slice %arg4[%mul3A_5] : memref<320000xi32, #tpu.memory_space<hbm>> -> memref<10000xi32, #tpu.memory_space<hbm>>
    tpu.enqueue_dma source(%dma_start3A_8 : memref<10000xi32, #tpu.memory_space<hbm>>) target(%arg8 : memref<10000xi32, #tpu.memory_space<vmem>>) target_semaphore(%arg10 : memref<!tpu.dma_semaphore, #tpu.memory_space<semaphore_mem>>)
    %broadcast_in_dim3A = arith.constant 0.000000e+00 : f32
    %broadcast_in_dim3A_9 = vector.broadcast %broadcast_in_dim3A : f32 to vector<16xf32>
    %scan3A = arith.constant 0 : i32
    %scan3A_10 = arith.constant 0 : i32
    %scan3A_11 = arith.constant 0 : i32
    %scan3A_12 = arith.constant 640 : i32
    %scan3A_13 = arith.addi %scan3A_11, %scan3A_12 : i32
    %scan3A_14 = arith.constant 1 : i32
    scf.for %scan3A_90 = %scan3A_11 to %scan3A_13 step %scan3A_14  : i32 {
      %jit3A = arith.constant 8 : i32
      %div3A = arith.divsi %scan3A_90, %jit3A : i32
      %sign3A = arith.constant 0 : i32
      %sign3A_91 = arith.cmpi sgt, %scan3A_90, %sign3A : i32
      %sign3A_92 = arith.extui %sign3A_91 : i1 to i32
      %sign3A_93 = arith.constant 0 : i32
      %sign3A_94 = arith.cmpi slt, %scan3A_90, %sign3A_93 : i32
      %sign3A_95 = arith.extui %sign3A_94 : i1 to i32
      %sign3A_96 = arith.subi %sign3A_92, %sign3A_95 : i32
      %sign3A_97 = arith.constant 0 : i32
      %sign3A_98 = arith.cmpi sgt, %jit3A, %sign3A_97 : i32
      %sign3A_99 = arith.extui %sign3A_98 : i1 to i32
      %sign3A_100 = arith.constant 0 : i32
      %sign3A_101 = arith.cmpi slt, %jit3A, %sign3A_100 : i32
      %sign3A_102 = arith.extui %sign3A_101 : i1 to i32
      %sign3A_103 = arith.subi %sign3A_99, %sign3A_102 : i32
      %ne3A = arith.cmpi ne, %sign3A_96, %sign3A_103 : i32
      %rem3A = arith.remsi %scan3A_90, %jit3A : i32
      %ne3A_104 = arith.constant 0 : i32
      %ne3A_105 = arith.cmpi ne, %rem3A, %ne3A_104 : i32
      %and3A = arith.andi %ne3A, %ne3A_105 : i1
      %sub3A = arith.constant 1 : i32
      %sub3A_106 = arith.subi %div3A, %sub3A : i32
      %select_n3A = arith.select %and3A, %sub3A_106, %div3A : i32
      %jit3A_107 = arith.constant 8 : i32
      %eq3A_108 = arith.constant 0 : i32
      %eq3A_109 = arith.cmpi eq, %jit3A_107, %eq3A_108 : i32
      %jit3A_110 = arith.constant 1 : i32
      %select_n3A_111 = arith.select %eq3A_109, %jit3A_110, %jit3A_107 : i32
      %rem3A_112 = arith.remsi %scan3A_90, %select_n3A_111 : i32
      %ne3A_113 = arith.constant 0 : i32
      %ne3A_114 = arith.cmpi ne, %rem3A_112, %ne3A_113 : i32
      %lt3A = arith.constant 0 : i32
      %lt3A_115 = arith.cmpi slt, %rem3A_112, %lt3A : i32
      %lt3A_116 = arith.constant 0 : i32
      %lt3A_117 = arith.cmpi slt, %select_n3A_111, %lt3A_116 : i32
      %ne3A_118 = arith.xori %lt3A_115, %lt3A_117 : i1
      %and3A_119 = arith.andi %ne3A_118, %ne3A_114 : i1
      %add3A_120 = arith.addi %rem3A_112, %select_n3A_111 : i32
      %select_n3A_121 = arith.select %and3A_119, %add3A_120, %rem3A_112 : i32
      %mul3A_122 = arith.constant 16 : i32
      %mul3A_123 = arith.muli %select_n3A_121, %mul3A_122 : i32
      %swap3A = arith.constant 0 : i32
      %swap3A_124 = arith.constant 0 : i32
      %swap3A_125 = tpu.memref_slice %arg9[%scan3A_10, %swap3A, %swap3A_124] : memref<3x80x128xf32, #tpu.memory_space<vmem>> -> memref<1x80x128xf32, #tpu.memory_space<vmem>>
      %swap3A_126 = tpu.memref_squeeze %swap3A_125 : memref<1x80x128xf32, #tpu.memory_space<vmem>> -> memref<80x128xf32, #tpu.memory_space<vmem>>
      %swap3A_127 = arith.index_cast %select_n3A : i32 to index
      %swap3A_128 = arith.index_cast %mul3A_123 : i32 to index
      %swap3A_129 = tpu.vector_load %swap3A_126[%swap3A_127, %swap3A_128] {strides = array<i32>} : memref<80x128xf32, #tpu.memory_space<vmem>>, vector<1x16xf32>,
      %swap3A_130 = vector.shape_cast %swap3A_129 : vector<1x16xf32> to vector<16xf32>
      %swap3A_131 = vector.shape_cast %broadcast_in_dim3A_9 : vector<16xf32> to vector<1x16xf32>
      tpu.vector_store %swap3A_126[%swap3A_127, %swap3A_128], %swap3A_131 {strides = array<i32>} : memref<80x128xf32, #tpu.memory_space<vmem>>, vector<1x16xf32>,
    }
    %scan3A_15 = arith.constant 640 : i32
    %not3A = arith.constant true
    %not3A_16 = arith.xori %eq3A_3, %not3A : i1
    %convert_element_type3A = arith.extui %not3A_16 : i1 to i32
    %cond3A = arith.constant 0 : i32
    %cond3A_17 = arith.cmpi ne, %convert_element_type3A, %cond3A : i32
    scf.if %cond3A_17 {
      %add3A_90 = arith.constant 0 : i32
      %add3A_91 = arith.addi %mul3A_2, %add3A_90 : i32
      %run_scoped3A_92 = arith.constant 0 : i32
      "tpu.region"() ({
        %run_scoped3A_114 = tpu.sem_alloc : memref<!tpu.dma_semaphore, #tpu.memory_space<semaphore_mem>>
        %dma_start3A_115 = arith.constant 0 : i32
        %dma_start3A_116 = arith.constant 0 : i32
        %dma_start3A_117 = tpu.memref_slice %arg9[%run_scoped3A_92, %dma_start3A_115, %dma_start3A_116] : memref<3x80x128xf32, #tpu.memory_space<vmem>> -> memref<1x80x128xf32, #tpu.memory_space<vmem>>
        %dma_start3A_118 = tpu.memref_squeeze %dma_start3A_117 : memref<1x80x128xf32, #tpu.memory_space<vmem>> -> memref<80x128xf32, #tpu.memory_space<vmem>>
        %dma_start3A_119 = arith.constant 0 : i32
        %dma_start3A_120 = tpu.memref_slice %arg6[%add3A_91, %dma_start3A_119] : memref<10000x128xf32, #tpu.memory_space<vmem_shared>> -> memref<80x128xf32, #tpu.memory_space<vmem_shared>>
        %dma_start3A_121 = arith.constant 0 : i32
        %dma_start3A_122 = tpu.memref_slice %arg6[%add3A_91, %dma_start3A_121] : memref<10000x128xf32, #tpu.memory_space<vmem_shared>> -> memref<80x128xf32, #tpu.memory_space<vmem_shared>>
        %dma_start3A_123 = arith.constant 0 : i32
        %dma_start3A_124 = arith.constant 0 : i32
        %dma_start3A_125 = tpu.memref_slice %arg9[%run_scoped3A_92, %dma_start3A_123, %dma_start3A_124] : memref<3x80x128xf32, #tpu.memory_space<vmem>> -> memref<1x80x128xf32, #tpu.memory_space<vmem>>
        %dma_start3A_126 = tpu.memref_squeeze %dma_start3A_125 : memref<1x80x128xf32, #tpu.memory_space<vmem>> -> memref<80x128xf32, #tpu.memory_space<vmem>>
        tpu.enqueue_dma source(%dma_start3A_126 : memref<80x128xf32, #tpu.memory_space<vmem>>) target(%dma_start3A_122 : memref<80x128xf32, #tpu.memory_space<vmem_shared>>) target_semaphore(%run_scoped3A_114 : memref<!tpu.dma_semaphore, #tpu.memory_space<semaphore_mem>>)
        %dma_wait3A_127 = arith.constant 0 : i32
        %dma_wait3A_128 = arith.constant 0 : i32
        %dma_wait3A_129 = tpu.memref_slice %arg9[%run_scoped3A_92, %dma_wait3A_127, %dma_wait3A_128] : memref<3x80x128xf32, #tpu.memory_space<vmem>> -> memref<1x80x128xf32, #tpu.memory_space<vmem>>
        %dma_wait3A_130 = tpu.memref_squeeze %dma_wait3A_129 : memref<1x80x128xf32, #tpu.memory_space<vmem>> -> memref<80x128xf32, #tpu.memory_space<vmem>>
        %dma_wait3A_131 = arith.constant 0 : i32
        %dma_wait3A_132 = tpu.memref_slice %arg6[%add3A_91, %dma_wait3A_131] : memref<10000x128xf32, #tpu.memory_space<vmem_shared>> -> memref<80x128xf32, #tpu.memory_space<vmem_shared>>
        %dma_wait3A_133 = arith.constant 0 : i32
        %dma_wait3A_134 = tpu.memref_slice %arg6[%add3A_91, %dma_wait3A_133] : memref<10000x128xf32, #tpu.memory_space<vmem_shared>> -> memref<80x128xf32, #tpu.memory_space<vmem_shared>>
        %dma_wait3A_135 = arith.constant 0 : i32
        %dma_wait3A_136 = arith.constant 0 : i32
        %dma_wait3A_137 = tpu.memref_slice %arg9[%run_scoped3A_92, %dma_wait3A_135, %dma_wait3A_136] : memref<3x80x128xf32, #tpu.memory_space<vmem>> -> memref<1x80x128xf32, #tpu.memory_space<vmem>>
        %dma_wait3A_138 = tpu.memref_squeeze %dma_wait3A_137 : memref<1x80x128xf32, #tpu.memory_space<vmem>> -> memref<80x128xf32, #tpu.memory_space<vmem>>
        tpu.wait_dma2 semaphore(%run_scoped3A_114 : memref<!tpu.dma_semaphore, #tpu.memory_space<semaphore_mem>>) src(%dma_wait3A_138 : memref<80x128xf32, #tpu.memory_space<vmem>>) dst(%dma_wait3A_134 : memref<80x128xf32, #tpu.memory_space<vmem_shared>>)
        tpu.yield
      }) : () -> ()
      %add3A_93 = arith.constant 80 : i32
      %add3A_94 = arith.addi %mul3A_2, %add3A_93 : i32
      %run_scoped3A_95 = arith.constant 0 : i32
      "tpu.region"() ({
        %run_scoped3A_114 = tpu.sem_alloc : memref<!tpu.dma_semaphore, #tpu.memory_space<semaphore_mem>>
        %dma_start3A_115 = arith.constant 0 : i32
        %dma_start3A_116 = arith.constant 0 : i32
        %dma_start3A_117 = tpu.memref_slice %arg9[%run_scoped3A_95, %dma_start3A_115, %dma_start3A_116] : memref<3x80x128xf32, #tpu.memory_space<vmem>> -> memref<1x80x128xf32, #tpu.memory_space<vmem>>
        %dma_start3A_118 = tpu.memref_squeeze %dma_start3A_117 : memref<1x80x128xf32, #tpu.memory_space<vmem>> -> memref<80x128xf32, #tpu.memory_space<vmem>>
        %dma_start3A_119 = arith.constant 0 : i32
        %dma_start3A_120 = tpu.memref_slice %arg6[%add3A_94, %dma_start3A_119] : memref<10000x128xf32, #tpu.memory_space<vmem_shared>> -> memref<80x128xf32, #tpu.memory_space<vmem_shared>>
        %dma_start3A_121 = arith.constant 0 : i32
        %dma_start3A_122 = tpu.memref_slice %arg6[%add3A_94, %dma_start3A_121] : memref<10000x128xf32, #tpu.memory_space<vmem_shared>> -> memref<80x128xf32, #tpu.memory_space<vmem_shared>>
        %dma_start3A_123 = arith.constant 0 : i32
        %dma_start3A_124 = arith.constant 0 : i32
        %dma_start3A_125 = tpu.memref_slice %arg9[%run_scoped3A_95, %dma_start3A_123, %dma_start3A_124] : memref<3x80x128xf32, #tpu.memory_space<vmem>> -> memref<1x80x128xf32, #tpu.memory_space<vmem>>
        %dma_start3A_126 = tpu.memref_squeeze %dma_start3A_125 : memref<1x80x128xf32, #tpu.memory_space<vmem>> -> memref<80x128xf32, #tpu.memory_space<vmem>>
        tpu.enqueue_dma source(%dma_start3A_126 : memref<80x128xf32, #tpu.memory_space<vmem>>) target(%dma_start3A_122 : memref<80x128xf32, #tpu.memory_space<vmem_shared>>) target_semaphore(%run_scoped3A_114 : memref<!tpu.dma_semaphore, #tpu.memory_space<semaphore_mem>>)
        %dma_wait3A_127 = arith.constant 0 : i32
        %dma_wait3A_128 = arith.constant 0 : i32
        %dma_wait3A_129 = tpu.memref_slice %arg9[%run_scoped3A_95, %dma_wait3A_127, %dma_wait3A_128] : memref<3x80x128xf32, #tpu.memory_space<vmem>> -> memref<1x80x128xf32, #tpu.memory_space<vmem>>
        %dma_wait3A_130 = tpu.memref_squeeze %dma_wait3A_129 : memref<1x80x128xf32, #tpu.memory_space<vmem>> -> memref<80x128xf32, #tpu.memory_space<vmem>>
        %dma_wait3A_131 = arith.constant 0 : i32
        %dma_wait3A_132 = tpu.memref_slice %arg6[%add3A_94, %dma_wait3A_131] : memref<10000x128xf32, #tpu.memory_space<vmem_shared>> -> memref<80x128xf32, #tpu.memory_space<vmem_shared>>
        %dma_wait3A_133 = arith.constant 0 : i32
        %dma_wait3A_134 = tpu.memref_slice %arg6[%add3A_94, %dma_wait3A_133] : memref<10000x128xf32, #tpu.memory_space<vmem_shared>> -> memref<80x128xf32, #tpu.memory_space<vmem_shared>>
        %dma_wait3A_135 = arith.constant 0 : i32
        %dma_wait3A_136 = arith.constant 0 : i32
        %dma_wait3A_137 = tpu.memref_slice %arg9[%run_scoped3A_95, %dma_wait3A_135, %dma_wait3A_136] : memref<3x80x128xf32, #tpu.memory_space<vmem>> -> memref<1x80x128xf32, #tpu.memory_space<vmem>>
        %dma_wait3A_138 = tpu.memref_squeeze %dma_wait3A_137 : memref<1x80x128xf32, #tpu.memory_space<vmem>> -> memref<80x128xf32, #tpu.memory_space<vmem>>
        tpu.wait_dma2 semaphore(%run_scoped3A_114 : memref<!tpu.dma_semaphore, #tpu.memory_space<semaphore_mem>>) src(%dma_wait3A_138 : memref<80x128xf32, #tpu.memory_space<vmem>>) dst(%dma_wait3A_134 : memref<80x128xf32, #tpu.memory_space<vmem_shared>>)
        tpu.yield
      }) : () -> ()
      %add3A_96 = arith.constant 160 : i32
      %add3A_97 = arith.addi %mul3A_2, %add3A_96 : i32
      %run_scoped3A_98 = arith.constant 0 : i32
      "tpu.region"() ({
        %run_scoped3A_114 = tpu.sem_alloc : memref<!tpu.dma_semaphore, #tpu.memory_space<semaphore_mem>>
        %dma_start3A_115 = arith.constant 0 : i32
        %dma_start3A_116 = arith.constant 0 : i32
        %dma_start3A_117 = tpu.memref_slice %arg9[%run_scoped3A_98, %dma_start3A_115, %dma_start3A_116] : memref<3x80x128xf32, #tpu.memory_space<vmem>> -> memref<1x80x128xf32, #tpu.memory_space<vmem>>
        %dma_start3A_118 = tpu.memref_squeeze %dma_start3A_117 : memref<1x80x128xf32, #tpu.memory_space<vmem>> -> memref<80x128xf32, #tpu.memory_space<vmem>>
        %dma_start3A_119 = arith.constant 0 : i32
        %dma_start3A_120 = tpu.memref_slice %arg6[%add3A_97, %dma_start3A_119] : memref<10000x128xf32, #tpu.memory_space<vmem_shared>> -> memref<80x128xf32, #tpu.memory_space<vmem_shared>>
        %dma_start3A_121 = arith.constant 0 : i32
        %dma_start3A_122 = tpu.memref_slice %arg6[%add3A_97, %dma_start3A_121] : memref<10000x128xf32, #tpu.memory_space<vmem_shared>> -> memref<80x128xf32, #tpu.memory_space<vmem_shared>>
        %dma_start3A_123 = arith.constant 0 : i32
        %dma_start3A_124 = arith.constant 0 : i32
        %dma_start3A_125 = tpu.memref_slice %arg9[%run_scoped3A_98, %dma_start3A_123, %dma_start3A_124] : memref<3x80x128xf32, #tpu.memory_space<vmem>> -> memref<1x80x128xf32, #tpu.memory_space<vmem>>
        %dma_start3A_126 = tpu.memref_squeeze %dma_start3A_125 : memref<1x80x128xf32, #tpu.memory_space<vmem>> -> memref<80x128xf32, #tpu.memory_space<vmem>>
        tpu.enqueue_dma source(%dma_start3A_126 : memref<80x128xf32, #tpu.memory_space<vmem>>) target(%dma_start3A_122 : memref<80x128xf32, #tpu.memory_space<vmem_shared>>) target_semaphore(%run_scoped3A_114 : memref<!tpu.dma_semaphore, #tpu.memory_space<semaphore_mem>>)
        %dma_wait3A_127 = arith.constant 0 : i32
        %dma_wait3A_128 = arith.constant 0 : i32
        %dma_wait3A_129 = tpu.memref_slice %arg9[%run_scoped3A_98, %dma_wait3A_127, %dma_wait3A_128] : memref<3x80x128xf32, #tpu.memory_space<vmem>> -> memref<1x80x128xf32, #tpu.memory_space<vmem>>
        %dma_wait3A_130 = tpu.memref_squeeze %dma_wait3A_129 : memref<1x80x128xf32, #tpu.memory_space<vmem>> -> memref<80x128xf32, #tpu.memory_space<vmem>>
        %dma_wait3A_131 = arith.constant 0 : i32
        %dma_wait3A_132 = tpu.memref_slice %arg6[%add3A_97, %dma_wait3A_131] : memref<10000x128xf32, #tpu.memory_space<vmem_shared>> -> memref<80x128xf32, #tpu.memory_space<vmem_shared>>
        %dma_wait3A_133 = arith.constant 0 : i32
        %dma_wait3A_134 = tpu.memref_slice %arg6[%add3A_97, %dma_wait3A_133] : memref<10000x128xf32, #tpu.memory_space<vmem_shared>> -> memref<80x128xf32, #tpu.memory_space<vmem_shared>>
        %dma_wait3A_135 = arith.constant 0 : i32
        %dma_wait3A_136 = arith.constant 0 : i32
        %dma_wait3A_137 = tpu.memref_slice %arg9[%run_scoped3A_98, %dma_wait3A_135, %dma_wait3A_136] : memref<3x80x128xf32, #tpu.memory_space<vmem>> -> memref<1x80x128xf32, #tpu.memory_space<vmem>>
        %dma_wait3A_138 = tpu.memref_squeeze %dma_wait3A_137 : memref<1x80x128xf32, #tpu.memory_space<vmem>> -> memref<80x128xf32, #tpu.memory_space<vmem>>
        tpu.wait_dma2 semaphore(%run_scoped3A_114 : memref<!tpu.dma_semaphore, #tpu.memory_space<semaphore_mem>>) src(%dma_wait3A_138 : memref<80x128xf32, #tpu.memory_space<vmem>>) dst(%dma_wait3A_134 : memref<80x128xf32, #tpu.memory_space<vmem_shared>>)
        tpu.yield
      }) : () -> ()
      %add3A_99 = arith.constant 240 : i32
      %add3A_100 = arith.addi %mul3A_2, %add3A_99 : i32
      %run_scoped3A_101 = arith.constant 0 : i32
      "tpu.region"() ({
        %run_scoped3A_114 = tpu.sem_alloc : memref<!tpu.dma_semaphore, #tpu.memory_space<semaphore_mem>>
        %dma_start3A_115 = arith.constant 0 : i32
        %dma_start3A_116 = arith.constant 0 : i32
        %dma_start3A_117 = tpu.memref_slice %arg9[%run_scoped3A_101, %dma_start3A_115, %dma_start3A_116] : memref<3x80x128xf32, #tpu.memory_space<vmem>> -> memref<1x80x128xf32, #tpu.memory_space<vmem>>
        %dma_start3A_118 = tpu.memref_squeeze %dma_start3A_117 : memref<1x80x128xf32, #tpu.memory_space<vmem>> -> memref<80x128xf32, #tpu.memory_space<vmem>>
        %dma_start3A_119 = arith.constant 0 : i32
        %dma_start3A_120 = tpu.memref_slice %arg6[%add3A_100, %dma_start3A_119] : memref<10000x128xf32, #tpu.memory_space<vmem_shared>> -> memref<80x128xf32, #tpu.memory_space<vmem_shared>>
        %dma_start3A_121 = arith.constant 0 : i32
        %dma_start3A_122 = tpu.memref_slice %arg6[%add3A_100, %dma_start3A_121] : memref<10000x128xf32, #tpu.memory_space<vmem_shared>> -> memref<80x128xf32, #tpu.memory_space<vmem_shared>>
        %dma_start3A_123 = arith.constant 0 : i32
        %dma_start3A_124 = arith.constant 0 : i32
        %dma_start3A_125 = tpu.memref_slice %arg9[%run_scoped3A_101, %dma_start3A_123, %dma_start3A_124] : memref<3x80x128xf32, #tpu.memory_space<vmem>> -> memref<1x80x128xf32, #tpu.memory_space<vmem>>
        %dma_start3A_126 = tpu.memref_squeeze %dma_start3A_125 : memref<1x80x128xf32, #tpu.memory_space<vmem>> -> memref<80x128xf32, #tpu.memory_space<vmem>>
        tpu.enqueue_dma source(%dma_start3A_126 : memref<80x128xf32, #tpu.memory_space<vmem>>) target(%dma_start3A_122 : memref<80x128xf32, #tpu.memory_space<vmem_shared>>) target_semaphore(%run_scoped3A_114 : memref<!tpu.dma_semaphore, #tpu.memory_space<semaphore_mem>>)
        %dma_wait3A_127 = arith.constant 0 : i32
        %dma_wait3A_128 = arith.constant 0 : i32
        %dma_wait3A_129 = tpu.memref_slice %arg9[%run_scoped3A_101, %dma_wait3A_127, %dma_wait3A_128] : memref<3x80x128xf32, #tpu.memory_space<vmem>> -> memref<1x80x128xf32, #tpu.memory_space<vmem>>
        %dma_wait3A_130 = tpu.memref_squeeze %dma_wait3A_129 : memref<1x80x128xf32, #tpu.memory_space<vmem>> -> memref<80x128xf32, #tpu.memory_space<vmem>>
        %dma_wait3A_131 = arith.constant 0 : i32
        %dma_wait3A_132 = tpu.memref_slice %arg6[%add3A_100, %dma_wait3A_131] : memref<10000x128xf32, #tpu.memory_space<vmem_shared>> -> memref<80x128xf32, #tpu.memory_space<vmem_shared>>
        %dma_wait3A_133 = arith.constant 0 : i32
        %dma_wait3A_134 = tpu.memref_slice %arg6[%add3A_100, %dma_wait3A_133] : memref<10000x128xf32, #tpu.memory_space<vmem_shared>> -> memref<80x128xf32, #tpu.memory_space<vmem_shared>>
        %dma_wait3A_135 = arith.constant 0 : i32
        %dma_wait3A_136 = arith.constant 0 : i32
        %dma_wait3A_137 = tpu.memref_slice %arg9[%run_scoped3A_101, %dma_wait3A_135, %dma_wait3A_136] : memref<3x80x128xf32, #tpu.memory_space<vmem>> -> memref<1x80x128xf32, #tpu.memory_space<vmem>>
        %dma_wait3A_138 = tpu.memref_squeeze %dma_wait3A_137 : memref<1x80x128xf32, #tpu.memory_space<vmem>> -> memref<80x128xf32, #tpu.memory_space<vmem>>
        tpu.wait_dma2 semaphore(%run_scoped3A_114 : memref<!tpu.dma_semaphore, #tpu.memory_space<semaphore_mem>>) src(%dma_wait3A_138 : memref<80x128xf32, #tpu.memory_space<vmem>>) dst(%dma_wait3A_134 : memref<80x128xf32, #tpu.memory_space<vmem_shared>>)
        tpu.yield
      }) : () -> ()
      %add3A_102 = arith.constant 320 : i32
      %add3A_103 = arith.addi %mul3A_2, %add3A_102 : i32
      %run_scoped3A_104 = arith.constant 0 : i32
      "tpu.region"() ({
        %run_scoped3A_114 = tpu.sem_alloc : memref<!tpu.dma_semaphore, #tpu.memory_space<semaphore_mem>>
        %dma_start3A_115 = arith.constant 0 : i32
        %dma_start3A_116 = arith.constant 0 : i32
        %dma_start3A_117 = tpu.memref_slice %arg9[%run_scoped3A_104, %dma_start3A_115, %dma_start3A_116] : memref<3x80x128xf32, #tpu.memory_space<vmem>> -> memref<1x80x128xf32, #tpu.memory_space<vmem>>
        %dma_start3A_118 = tpu.memref_squeeze %dma_start3A_117 : memref<1x80x128xf32, #tpu.memory_space<vmem>> -> memref<80x128xf32, #tpu.memory_space<vmem>>
        %dma_start3A_119 = arith.constant 0 : i32
        %dma_start3A_120 = tpu.memref_slice %arg6[%add3A_103, %dma_start3A_119] : memref<10000x128xf32, #tpu.memory_space<vmem_shared>> -> memref<80x128xf32, #tpu.memory_space<vmem_shared>>
        %dma_start3A_121 = arith.constant 0 : i32
        %dma_start3A_122 = tpu.memref_slice %arg6[%add3A_103, %dma_start3A_121] : memref<10000x128xf32, #tpu.memory_space<vmem_shared>> -> memref<80x128xf32, #tpu.memory_space<vmem_shared>>
        %dma_start3A_123 = arith.constant 0 : i32
        %dma_start3A_124 = arith.constant 0 : i32
        %dma_start3A_125 = tpu.memref_slice %arg9[%run_scoped3A_104, %dma_start3A_123, %dma_start3A_124] : memref<3x80x128xf32, #tpu.memory_space<vmem>> -> memref<1x80x128xf32, #tpu.memory_space<vmem>>
        %dma_start3A_126 = tpu.memref_squeeze %dma_start3A_125 : memref<1x80x128xf32, #tpu.memory_space<vmem>> -> memref<80x128xf32, #tpu.memory_space<vmem>>
        tpu.enqueue_dma source(%dma_start3A_126 : memref<80x128xf32, #tpu.memory_space<vmem>>) target(%dma_start3A_122 : memref<80x128xf32, #tpu.memory_space<vmem_shared>>) target_semaphore(%run_scoped3A_114 : memref<!tpu.dma_semaphore, #tpu.memory_space<semaphore_mem>>)
        %dma_wait3A_127 = arith.constant 0 : i32
        %dma_wait3A_128 = arith.constant 0 : i32
        %dma_wait3A_129 = tpu.memref_slice %arg9[%run_scoped3A_104, %dma_wait3A_127, %dma_wait3A_128] : memref<3x80x128xf32, #tpu.memory_space<vmem>> -> memref<1x80x128xf32, #tpu.memory_space<vmem>>
        %dma_wait3A_130 = tpu.memref_squeeze %dma_wait3A_129 : memref<1x80x128xf32, #tpu.memory_space<vmem>> -> memref<80x128xf32, #tpu.memory_space<vmem>>
        %dma_wait3A_131 = arith.constant 0 : i32
        %dma_wait3A_132 = tpu.memref_slice %arg6[%add3A_103, %dma_wait3A_131] : memref<10000x128xf32, #tpu.memory_space<vmem_shared>> -> memref<80x128xf32, #tpu.memory_space<vmem_shared>>
        %dma_wait3A_133 = arith.constant 0 : i32
        %dma_wait3A_134 = tpu.memref_slice %arg6[%add3A_103, %dma_wait3A_133] : memref<10000x128xf32, #tpu.memory_space<vmem_shared>> -> memref<80x128xf32, #tpu.memory_space<vmem_shared>>
        %dma_wait3A_135 = arith.constant 0 : i32
        %dma_wait3A_136 = arith.constant 0 : i32
        %dma_wait3A_137 = tpu.memref_slice %arg9[%run_scoped3A_104, %dma_wait3A_135, %dma_wait3A_136] : memref<3x80x128xf32, #tpu.memory_space<vmem>> -> memref<1x80x128xf32, #tpu.memory_space<vmem>>
        %dma_wait3A_138 = tpu.memref_squeeze %dma_wait3A_137 : memref<1x80x128xf32, #tpu.memory_space<vmem>> -> memref<80x128xf32, #tpu.memory_space<vmem>>
        tpu.wait_dma2 semaphore(%run_scoped3A_114 : memref<!tpu.dma_semaphore, #tpu.memory_space<semaphore_mem>>) src(%dma_wait3A_138 : memref<80x128xf32, #tpu.memory_space<vmem>>) dst(%dma_wait3A_134 : memref<80x128xf32, #tpu.memory_space<vmem_shared>>)
        tpu.yield
      }) : () -> ()
      %add3A_105 = arith.constant 400 : i32
      %add3A_106 = arith.addi %mul3A_2, %add3A_105 : i32
      %run_scoped3A_107 = arith.constant 0 : i32
      "tpu.region"() ({
        %run_scoped3A_114 = tpu.sem_alloc : memref<!tpu.dma_semaphore, #tpu.memory_space<semaphore_mem>>
        %dma_start3A_115 = arith.constant 0 : i32
        %dma_start3A_116 = arith.constant 0 : i32
        %dma_start3A_117 = tpu.memref_slice %arg9[%run_scoped3A_107, %dma_start3A_115, %dma_start3A_116] : memref<3x80x128xf32, #tpu.memory_space<vmem>> -> memref<1x80x128xf32, #tpu.memory_space<vmem>>
        %dma_start3A_118 = tpu.memref_squeeze %dma_start3A_117 : memref<1x80x128xf32, #tpu.memory_space<vmem>> -> memref<80x128xf32, #tpu.memory_space<vmem>>
        %dma_start3A_119 = arith.constant 0 : i32
        %dma_start3A_120 = tpu.memref_slice %arg6[%add3A_106, %dma_start3A_119] : memref<10000x128xf32, #tpu.memory_space<vmem_shared>> -> memref<80x128xf32, #tpu.memory_space<vmem_shared>>
        %dma_start3A_121 = arith.constant 0 : i32
        %dma_start3A_122 = tpu.memref_slice %arg6[%add3A_106, %dma_start3A_121] : memref<10000x128xf32, #tpu.memory_space<vmem_shared>> -> memref<80x128xf32, #tpu.memory_space<vmem_shared>>
        %dma_start3A_123 = arith.constant 0 : i32
        %dma_start3A_124 = arith.constant 0 : i32
        %dma_start3A_125 = tpu.memref_slice %arg9[%run_scoped3A_107, %dma_start3A_123, %dma_start3A_124] : memref<3x80x128xf32, #tpu.memory_space<vmem>> -> memref<1x80x128xf32, #tpu.memory_space<vmem>>
        %dma_start3A_126 = tpu.memref_squeeze %dma_start3A_125 : memref<1x80x128xf32, #tpu.memory_space<vmem>> -> memref<80x128xf32, #tpu.memory_space<vmem>>
        tpu.enqueue_dma source(%dma_start3A_126 : memref<80x128xf32, #tpu.memory_space<vmem>>) target(%dma_start3A_122 : memref<80x128xf32, #tpu.memory_space<vmem_shared>>) target_semaphore(%run_scoped3A_114 : memref<!tpu.dma_semaphore, #tpu.memory_space<semaphore_mem>>)
        %dma_wait3A_127 = arith.constant 0 : i32
        %dma_wait3A_128 = arith.constant 0 : i32
        %dma_wait3A_129 = tpu.memref_slice %arg9[%run_scoped3A_107, %dma_wait3A_127, %dma_wait3A_128] : memref<3x80x128xf32, #tpu.memory_space<vmem>> -> memref<1x80x128xf32, #tpu.memory_space<vmem>>
        %dma_wait3A_130 = tpu.memref_squeeze %dma_wait3A_129 : memref<1x80x128xf32, #tpu.memory_space<vmem>> -> memref<80x128xf32, #tpu.memory_space<vmem>>
        %dma_wait3A_131 = arith.constant 0 : i32
        %dma_wait3A_132 = tpu.memref_slice %arg6[%add3A_106, %dma_wait3A_131] : memref<10000x128xf32, #tpu.memory_space<vmem_shared>> -> memref<80x128xf32, #tpu.memory_space<vmem_shared>>
        %dma_wait3A_133 = arith.constant 0 : i32
        %dma_wait3A_134 = tpu.memref_slice %arg6[%add3A_106, %dma_wait3A_133] : memref<10000x128xf32, #tpu.memory_space<vmem_shared>> -> memref<80x128xf32, #tpu.memory_space<vmem_shared>>
        %dma_wait3A_135 = arith.constant 0 : i32
        %dma_wait3A_136 = arith.constant 0 : i32
        %dma_wait3A_137 = tpu.memref_slice %arg9[%run_scoped3A_107, %dma_wait3A_135, %dma_wait3A_136] : memref<3x80x128xf32, #tpu.memory_space<vmem>> -> memref<1x80x128xf32, #tpu.memory_space<vmem>>
        %dma_wait3A_138 = tpu.memref_squeeze %dma_wait3A_137 : memref<1x80x128xf32, #tpu.memory_space<vmem>> -> memref<80x128xf32, #tpu.memory_space<vmem>>
        tpu.wait_dma2 semaphore(%run_scoped3A_114 : memref<!tpu.dma_semaphore, #tpu.memory_space<semaphore_mem>>) src(%dma_wait3A_138 : memref<80x128xf32, #tpu.memory_space<vmem>>) dst(%dma_wait3A_134 : memref<80x128xf32, #tpu.memory_space<vmem_shared>>)
        tpu.yield
      }) : () -> ()
      %add3A_108 = arith.constant 480 : i32
      %add3A_109 = arith.addi %mul3A_2, %add3A_108 : i32
      %run_scoped3A_110 = arith.constant 0 : i32
      "tpu.region"() ({
        %run_scoped3A_114 = tpu.sem_alloc : memref<!tpu.dma_semaphore, #tpu.memory_space<semaphore_mem>>
        %dma_start3A_115 = arith.constant 0 : i32
        %dma_start3A_116 = arith.constant 0 : i32
        %dma_start3A_117 = tpu.memref_slice %arg9[%run_scoped3A_110, %dma_start3A_115, %dma_start3A_116] : memref<3x80x128xf32, #tpu.memory_space<vmem>> -> memref<1x80x128xf32, #tpu.memory_space<vmem>>
        %dma_start3A_118 = tpu.memref_squeeze %dma_start3A_117 : memref<1x80x128xf32, #tpu.memory_space<vmem>> -> memref<80x128xf32, #tpu.memory_space<vmem>>
        %dma_start3A_119 = arith.constant 0 : i32
        %dma_start3A_120 = tpu.memref_slice %arg6[%add3A_109, %dma_start3A_119] : memref<10000x128xf32, #tpu.memory_space<vmem_shared>> -> memref<80x128xf32, #tpu.memory_space<vmem_shared>>
        %dma_start3A_121 = arith.constant 0 : i32
        %dma_start3A_122 = tpu.memref_slice %arg6[%add3A_109, %dma_start3A_121] : memref<10000x128xf32, #tpu.memory_space<vmem_shared>> -> memref<80x128xf32, #tpu.memory_space<vmem_shared>>
        %dma_start3A_123 = arith.constant 0 : i32
        %dma_start3A_124 = arith.constant 0 : i32
        %dma_start3A_125 = tpu.memref_slice %arg9[%run_scoped3A_110, %dma_start3A_123, %dma_start3A_124] : memref<3x80x128xf32, #tpu.memory_space<vmem>> -> memref<1x80x128xf32, #tpu.memory_space<vmem>>
        %dma_start3A_126 = tpu.memref_squeeze %dma_start3A_125 : memref<1x80x128xf32, #tpu.memory_space<vmem>> -> memref<80x128xf32, #tpu.memory_space<vmem>>
        tpu.enqueue_dma source(%dma_start3A_126 : memref<80x128xf32, #tpu.memory_space<vmem>>) target(%dma_start3A_122 : memref<80x128xf32, #tpu.memory_space<vmem_shared>>) target_semaphore(%run_scoped3A_114 : memref<!tpu.dma_semaphore, #tpu.memory_space<semaphore_mem>>)
        %dma_wait3A_127 = arith.constant 0 : i32
        %dma_wait3A_128 = arith.constant 0 : i32
        %dma_wait3A_129 = tpu.memref_slice %arg9[%run_scoped3A_110, %dma_wait3A_127, %dma_wait3A_128] : memref<3x80x128xf32, #tpu.memory_space<vmem>> -> memref<1x80x128xf32, #tpu.memory_space<vmem>>
        %dma_wait3A_130 = tpu.memref_squeeze %dma_wait3A_129 : memref<1x80x128xf32, #tpu.memory_space<vmem>> -> memref<80x128xf32, #tpu.memory_space<vmem>>
        %dma_wait3A_131 = arith.constant 0 : i32
        %dma_wait3A_132 = tpu.memref_slice %arg6[%add3A_109, %dma_wait3A_131] : memref<10000x128xf32, #tpu.memory_space<vmem_shared>> -> memref<80x128xf32, #tpu.memory_space<vmem_shared>>
        %dma_wait3A_133 = arith.constant 0 : i32
        %dma_wait3A_134 = tpu.memref_slice %arg6[%add3A_109, %dma_wait3A_133] : memref<10000x128xf32, #tpu.memory_space<vmem_shared>> -> memref<80x128xf32, #tpu.memory_space<vmem_shared>>
        %dma_wait3A_135 = arith.constant 0 : i32
        %dma_wait3A_136 = arith.constant 0 : i32
        %dma_wait3A_137 = tpu.memref_slice %arg9[%run_scoped3A_110, %dma_wait3A_135, %dma_wait3A_136] : memref<3x80x128xf32, #tpu.memory_space<vmem>> -> memref<1x80x128xf32, #tpu.memory_space<vmem>>
        %dma_wait3A_138 = tpu.memref_squeeze %dma_wait3A_137 : memref<1x80x128xf32, #tpu.memory_space<vmem>> -> memref<80x128xf32, #tpu.memory_space<vmem>>
        tpu.wait_dma2 semaphore(%run_scoped3A_114 : memref<!tpu.dma_semaphore, #tpu.memory_space<semaphore_mem>>) src(%dma_wait3A_138 : memref<80x128xf32, #tpu.memory_space<vmem>>) dst(%dma_wait3A_134 : memref<80x128xf32, #tpu.memory_space<vmem_shared>>)
        tpu.yield
      }) : () -> ()
      %add3A_111 = arith.constant 560 : i32
      %add3A_112 = arith.addi %mul3A_2, %add3A_111 : i32
      %run_scoped3A_113 = arith.constant 0 : i32
      "tpu.region"() ({
        %run_scoped3A_114 = tpu.sem_alloc : memref<!tpu.dma_semaphore, #tpu.memory_space<semaphore_mem>>
        %dma_start3A_115 = arith.constant 0 : i32
        %dma_start3A_116 = arith.constant 0 : i32
        %dma_start3A_117 = tpu.memref_slice %arg9[%run_scoped3A_113, %dma_start3A_115, %dma_start3A_116] : memref<3x80x128xf32, #tpu.memory_space<vmem>> -> memref<1x80x128xf32, #tpu.memory_space<vmem>>
        %dma_start3A_118 = tpu.memref_squeeze %dma_start3A_117 : memref<1x80x128xf32, #tpu.memory_space<vmem>> -> memref<80x128xf32, #tpu.memory_space<vmem>>
        %dma_start3A_119 = arith.constant 0 : i32
        %dma_start3A_120 = arith.constant 0 : i32
        %dma_start3A_121 = tpu.memref_slice %dma_start3A_118[%dma_start3A_119, %dma_start3A_120] : memref<80x128xf32, #tpu.memory_space<vmem>> -> memref<64x128xf32, #tpu.memory_space<vmem>>
        %dma_start3A_122 = arith.constant 0 : i32
        %dma_start3A_123 = tpu.memref_slice %arg6[%add3A_112, %dma_start3A_122] : memref<10000x128xf32, #tpu.memory_space<vmem_shared>> -> memref<64x128xf32, #tpu.memory_space<vmem_shared>>
        %dma_start3A_124 = arith.constant 0 : i32
        %dma_start3A_125 = tpu.memref_slice %arg6[%add3A_112, %dma_start3A_124] : memref<10000x128xf32, #tpu.memory_space<vmem_shared>> -> memref<64x128xf32, #tpu.memory_space<vmem_shared>>
        %dma_start3A_126 = arith.constant 0 : i32
        %dma_start3A_127 = arith.constant 0 : i32
        %dma_start3A_128 = tpu.memref_slice %arg9[%run_scoped3A_113, %dma_start3A_126, %dma_start3A_127] : memref<3x80x128xf32, #tpu.memory_space<vmem>> -> memref<1x80x128xf32, #tpu.memory_space<vmem>>
        %dma_start3A_129 = tpu.memref_squeeze %dma_start3A_128 : memref<1x80x128xf32, #tpu.memory_space<vmem>> -> memref<80x128xf32, #tpu.memory_space<vmem>>
        %dma_start3A_130 = arith.constant 0 : i32
        %dma_start3A_131 = arith.constant 0 : i32
        %dma_start3A_132 = tpu.memref_slice %dma_start3A_129[%dma_start3A_130, %dma_start3A_131] : memref<80x128xf32, #tpu.memory_space<vmem>> -> memref<64x128xf32, #tpu.memory_space<vmem>>
        tpu.enqueue_dma source(%dma_start3A_132 : memref<64x128xf32, #tpu.memory_space<vmem>>) target(%dma_start3A_125 : memref<64x128xf32, #tpu.memory_space<vmem_shared>>) target_semaphore(%run_scoped3A_114 : memref<!tpu.dma_semaphore, #tpu.memory_space<semaphore_mem>>)
        %dma_wait3A_133 = arith.constant 0 : i32
        %dma_wait3A_134 = arith.constant 0 : i32
        %dma_wait3A_135 = tpu.memref_slice %arg9[%run_scoped3A_113, %dma_wait3A_133, %dma_wait3A_134] : memref<3x80x128xf32, #tpu.memory_space<vmem>> -> memref<1x80x128xf32, #tpu.memory_space<vmem>>
        %dma_wait3A_136 = tpu.memref_squeeze %dma_wait3A_135 : memref<1x80x128xf32, #tpu.memory_space<vmem>> -> memref<80x128xf32, #tpu.memory_space<vmem>>
        %dma_wait3A_137 = arith.constant 0 : i32
        %dma_wait3A_138 = arith.constant 0 : i32
        %dma_wait3A_139 = tpu.memref_slice %dma_wait3A_136[%dma_wait3A_137, %dma_wait3A_138] : memref<80x128xf32, #tpu.memory_space<vmem>> -> memref<64x128xf32, #tpu.memory_space<vmem>>
        %dma_wait3A_140 = arith.constant 0 : i32
        %dma_wait3A_141 = tpu.memref_slice %arg6[%add3A_112, %dma_wait3A_140] : memref<10000x128xf32, #tpu.memory_space<vmem_shared>> -> memref<64x128xf32, #tpu.memory_space<vmem_shared>>
        %dma_wait3A_142 = arith.constant 0 : i32
        %dma_wait3A_143 = tpu.memref_slice %arg6[%add3A_112, %dma_wait3A_142] : memref<10000x128xf32, #tpu.memory_space<vmem_shared>> -> memref<64x128xf32, #tpu.memory_space<vmem_shared>>
        %dma_wait3A_144 = arith.constant 0 : i32
        %dma_wait3A_145 = arith.constant 0 : i32
        %dma_wait3A_146 = tpu.memref_slice %arg9[%run_scoped3A_113, %dma_wait3A_144, %dma_wait3A_145] : memref<3x80x128xf32, #tpu.memory_space<vmem>> -> memref<1x80x128xf32, #tpu.memory_space<vmem>>
        %dma_wait3A_147 = tpu.memref_squeeze %dma_wait3A_146 : memref<1x80x128xf32, #tpu.memory_space<vmem>> -> memref<80x128xf32, #tpu.memory_space<vmem>>
        %dma_wait3A_148 = arith.constant 0 : i32
        %dma_wait3A_149 = arith.constant 0 : i32
        %dma_wait3A_150 = tpu.memref_slice %dma_wait3A_147[%dma_wait3A_148, %dma_wait3A_149] : memref<80x128xf32, #tpu.memory_space<vmem>> -> memref<64x128xf32, #tpu.memory_space<vmem>>
        tpu.wait_dma2 semaphore(%run_scoped3A_114 : memref<!tpu.dma_semaphore, #tpu.memory_space<semaphore_mem>>) src(%dma_wait3A_150 : memref<64x128xf32, #tpu.memory_space<vmem>>) dst(%dma_wait3A_143 : memref<64x128xf32, #tpu.memory_space<vmem_shared>>)
        tpu.yield
      }) : () -> ()
    } else {
    }
    %convert_element_type3A_18 = arith.extui %eq3A_3 : i1 to i32
    %cond3A_19 = arith.constant 0 : i32
    %cond3A_20 = arith.cmpi ne, %convert_element_type3A_18, %cond3A_19 : i32
    scf.if %cond3A_20 {
      %add3A_90 = arith.constant 0 : i32
      %add3A_91 = arith.addi %mul3A_2, %add3A_90 : i32
      %run_scoped3A_92 = arith.constant 0 : i32
      "tpu.region"() ({
        %run_scoped3A_114 = tpu.sem_alloc : memref<!tpu.dma_semaphore, #tpu.memory_space<semaphore_mem>>
        %dma_start3A_115 = arith.constant 0 : i32
        %dma_start3A_116 = arith.constant 0 : i32
        %dma_start3A_117 = tpu.memref_slice %arg9[%run_scoped3A_92, %dma_start3A_115, %dma_start3A_116] : memref<3x80x128xf32, #tpu.memory_space<vmem>> -> memref<1x80x128xf32, #tpu.memory_space<vmem>>
        %dma_start3A_118 = tpu.memref_squeeze %dma_start3A_117 : memref<1x80x128xf32, #tpu.memory_space<vmem>> -> memref<80x128xf32, #tpu.memory_space<vmem>>
        %dma_start3A_119 = arith.constant 0 : i32
        %dma_start3A_120 = tpu.memref_slice %arg6[%add3A_91, %dma_start3A_119] : memref<10000x128xf32, #tpu.memory_space<vmem_shared>> -> memref<80x128xf32, #tpu.memory_space<vmem_shared>>
        %dma_start3A_121 = arith.constant 0 : i32
        %dma_start3A_122 = tpu.memref_slice %arg6[%add3A_91, %dma_start3A_121] : memref<10000x128xf32, #tpu.memory_space<vmem_shared>> -> memref<80x128xf32, #tpu.memory_space<vmem_shared>>
        %dma_start3A_123 = arith.constant 0 : i32
        %dma_start3A_124 = arith.constant 0 : i32
        %dma_start3A_125 = tpu.memref_slice %arg9[%run_scoped3A_92, %dma_start3A_123, %dma_start3A_124] : memref<3x80x128xf32, #tpu.memory_space<vmem>> -> memref<1x80x128xf32, #tpu.memory_space<vmem>>
        %dma_start3A_126 = tpu.memref_squeeze %dma_start3A_125 : memref<1x80x128xf32, #tpu.memory_space<vmem>> -> memref<80x128xf32, #tpu.memory_space<vmem>>
        tpu.enqueue_dma source(%dma_start3A_126 : memref<80x128xf32, #tpu.memory_space<vmem>>) target(%dma_start3A_122 : memref<80x128xf32, #tpu.memory_space<vmem_shared>>) target_semaphore(%run_scoped3A_114 : memref<!tpu.dma_semaphore, #tpu.memory_space<semaphore_mem>>)
        %dma_wait3A_127 = arith.constant 0 : i32
        %dma_wait3A_128 = arith.constant 0 : i32
        %dma_wait3A_129 = tpu.memref_slice %arg9[%run_scoped3A_92, %dma_wait3A_127, %dma_wait3A_128] : memref<3x80x128xf32, #tpu.memory_space<vmem>> -> memref<1x80x128xf32, #tpu.memory_space<vmem>>
        %dma_wait3A_130 = tpu.memref_squeeze %dma_wait3A_129 : memref<1x80x128xf32, #tpu.memory_space<vmem>> -> memref<80x128xf32, #tpu.memory_space<vmem>>
        %dma_wait3A_131 = arith.constant 0 : i32
        %dma_wait3A_132 = tpu.memref_slice %arg6[%add3A_91, %dma_wait3A_131] : memref<10000x128xf32, #tpu.memory_space<vmem_shared>> -> memref<80x128xf32, #tpu.memory_space<vmem_shared>>
        %dma_wait3A_133 = arith.constant 0 : i32
        %dma_wait3A_134 = tpu.memref_slice %arg6[%add3A_91, %dma_wait3A_133] : memref<10000x128xf32, #tpu.memory_space<vmem_shared>> -> memref<80x128xf32, #tpu.memory_space<vmem_shared>>
        %dma_wait3A_135 = arith.constant 0 : i32
        %dma_wait3A_136 = arith.constant 0 : i32
        %dma_wait3A_137 = tpu.memref_slice %arg9[%run_scoped3A_92, %dma_wait3A_135, %dma_wait3A_136] : memref<3x80x128xf32, #tpu.memory_space<vmem>> -> memref<1x80x128xf32, #tpu.memory_space<vmem>>
        %dma_wait3A_138 = tpu.memref_squeeze %dma_wait3A_137 : memref<1x80x128xf32, #tpu.memory_space<vmem>> -> memref<80x128xf32, #tpu.memory_space<vmem>>
        tpu.wait_dma2 semaphore(%run_scoped3A_114 : memref<!tpu.dma_semaphore, #tpu.memory_space<semaphore_mem>>) src(%dma_wait3A_138 : memref<80x128xf32, #tpu.memory_space<vmem>>) dst(%dma_wait3A_134 : memref<80x128xf32, #tpu.memory_space<vmem_shared>>)
        tpu.yield
      }) : () -> ()
      %add3A_93 = arith.constant 80 : i32
      %add3A_94 = arith.addi %mul3A_2, %add3A_93 : i32
      %run_scoped3A_95 = arith.constant 0 : i32
      "tpu.region"() ({
        %run_scoped3A_114 = tpu.sem_alloc : memref<!tpu.dma_semaphore, #tpu.memory_space<semaphore_mem>>
        %dma_start3A_115 = arith.constant 0 : i32
        %dma_start3A_116 = arith.constant 0 : i32
        %dma_start3A_117 = tpu.memref_slice %arg9[%run_scoped3A_95, %dma_start3A_115, %dma_start3A_116] : memref<3x80x128xf32, #tpu.memory_space<vmem>> -> memref<1x80x128xf32, #tpu.memory_space<vmem>>
        %dma_start3A_118 = tpu.memref_squeeze %dma_start3A_117 : memref<1x80x128xf32, #tpu.memory_space<vmem>> -> memref<80x128xf32, #tpu.memory_space<vmem>>
        %dma_start3A_119 = arith.constant 0 : i32
        %dma_start3A_120 = tpu.memref_slice %arg6[%add3A_94, %dma_start3A_119] : memref<10000x128xf32, #tpu.memory_space<vmem_shared>> -> memref<80x128xf32, #tpu.memory_space<vmem_shared>>
        %dma_start3A_121 = arith.constant 0 : i32
        %dma_start3A_122 = tpu.memref_slice %arg6[%add3A_94, %dma_start3A_121] : memref<10000x128xf32, #tpu.memory_space<vmem_shared>> -> memref<80x128xf32, #tpu.memory_space<vmem_shared>>
        %dma_start3A_123 = arith.constant 0 : i32
        %dma_start3A_124 = arith.constant 0 : i32
        %dma_start3A_125 = tpu.memref_slice %arg9[%run_scoped3A_95, %dma_start3A_123, %dma_start3A_124] : memref<3x80x128xf32, #tpu.memory_space<vmem>> -> memref<1x80x128xf32, #tpu.memory_space<vmem>>
        %dma_start3A_126 = tpu.memref_squeeze %dma_start3A_125 : memref<1x80x128xf32, #tpu.memory_space<vmem>> -> memref<80x128xf32, #tpu.memory_space<vmem>>
        tpu.enqueue_dma source(%dma_start3A_126 : memref<80x128xf32, #tpu.memory_space<vmem>>) target(%dma_start3A_122 : memref<80x128xf32, #tpu.memory_space<vmem_shared>>) target_semaphore(%run_scoped3A_114 : memref<!tpu.dma_semaphore, #tpu.memory_space<semaphore_mem>>)
        %dma_wait3A_127 = arith.constant 0 : i32
        %dma_wait3A_128 = arith.constant 0 : i32
        %dma_wait3A_129 = tpu.memref_slice %arg9[%run_scoped3A_95, %dma_wait3A_127, %dma_wait3A_128] : memref<3x80x128xf32, #tpu.memory_space<vmem>> -> memref<1x80x128xf32, #tpu.memory_space<vmem>>
        %dma_wait3A_130 = tpu.memref_squeeze %dma_wait3A_129 : memref<1x80x128xf32, #tpu.memory_space<vmem>> -> memref<80x128xf32, #tpu.memory_space<vmem>>
        %dma_wait3A_131 = arith.constant 0 : i32
        %dma_wait3A_132 = tpu.memref_slice %arg6[%add3A_94, %dma_wait3A_131] : memref<10000x128xf32, #tpu.memory_space<vmem_shared>> -> memref<80x128xf32, #tpu.memory_space<vmem_shared>>
        %dma_wait3A_133 = arith.constant 0 : i32
        %dma_wait3A_134 = tpu.memref_slice %arg6[%add3A_94, %dma_wait3A_133] : memref<10000x128xf32, #tpu.memory_space<vmem_shared>> -> memref<80x128xf32, #tpu.memory_space<vmem_shared>>
        %dma_wait3A_135 = arith.constant 0 : i32
        %dma_wait3A_136 = arith.constant 0 : i32
        %dma_wait3A_137 = tpu.memref_slice %arg9[%run_scoped3A_95, %dma_wait3A_135, %dma_wait3A_136] : memref<3x80x128xf32, #tpu.memory_space<vmem>> -> memref<1x80x128xf32, #tpu.memory_space<vmem>>
        %dma_wait3A_138 = tpu.memref_squeeze %dma_wait3A_137 : memref<1x80x128xf32, #tpu.memory_space<vmem>> -> memref<80x128xf32, #tpu.memory_space<vmem>>
        tpu.wait_dma2 semaphore(%run_scoped3A_114 : memref<!tpu.dma_semaphore, #tpu.memory_space<semaphore_mem>>) src(%dma_wait3A_138 : memref<80x128xf32, #tpu.memory_space<vmem>>) dst(%dma_wait3A_134 : memref<80x128xf32, #tpu.memory_space<vmem_shared>>)
        tpu.yield
      }) : () -> ()
      %add3A_96 = arith.constant 160 : i32
      %add3A_97 = arith.addi %mul3A_2, %add3A_96 : i32
      %run_scoped3A_98 = arith.constant 0 : i32
      "tpu.region"() ({
        %run_scoped3A_114 = tpu.sem_alloc : memref<!tpu.dma_semaphore, #tpu.memory_space<semaphore_mem>>
        %dma_start3A_115 = arith.constant 0 : i32
        %dma_start3A_116 = arith.constant 0 : i32
        %dma_start3A_117 = tpu.memref_slice %arg9[%run_scoped3A_98, %dma_start3A_115, %dma_start3A_116] : memref<3x80x128xf32, #tpu.memory_space<vmem>> -> memref<1x80x128xf32, #tpu.memory_space<vmem>>
        %dma_start3A_118 = tpu.memref_squeeze %dma_start3A_117 : memref<1x80x128xf32, #tpu.memory_space<vmem>> -> memref<80x128xf32, #tpu.memory_space<vmem>>
        %dma_start3A_119 = arith.constant 0 : i32
        %dma_start3A_120 = tpu.memref_slice %arg6[%add3A_97, %dma_start3A_119] : memref<10000x128xf32, #tpu.memory_space<vmem_shared>> -> memref<80x128xf32, #tpu.memory_space<vmem_shared>>
        %dma_start3A_121 = arith.constant 0 : i32
        %dma_start3A_122 = tpu.memref_slice %arg6[%add3A_97, %dma_start3A_121] : memref<10000x128xf32, #tpu.memory_space<vmem_shared>> -> memref<80x128xf32, #tpu.memory_space<vmem_shared>>
        %dma_start3A_123 = arith.constant 0 : i32
        %dma_start3A_124 = arith.constant 0 : i32
        %dma_start3A_125 = tpu.memref_slice %arg9[%run_scoped3A_98, %dma_start3A_123, %dma_start3A_124] : memref<3x80x128xf32, #tpu.memory_space<vmem>> -> memref<1x80x128xf32, #tpu.memory_space<vmem>>
        %dma_start3A_126 = tpu.memref_squeeze %dma_start3A_125 : memref<1x80x128xf32, #tpu.memory_space<vmem>> -> memref<80x128xf32, #tpu.memory_space<vmem>>
        tpu.enqueue_dma source(%dma_start3A_126 : memref<80x128xf32, #tpu.memory_space<vmem>>) target(%dma_start3A_122 : memref<80x128xf32, #tpu.memory_space<vmem_shared>>) target_semaphore(%run_scoped3A_114 : memref<!tpu.dma_semaphore, #tpu.memory_space<semaphore_mem>>)
        %dma_wait3A_127 = arith.constant 0 : i32
        %dma_wait3A_128 = arith.constant 0 : i32
        %dma_wait3A_129 = tpu.memref_slice %arg9[%run_scoped3A_98, %dma_wait3A_127, %dma_wait3A_128] : memref<3x80x128xf32, #tpu.memory_space<vmem>> -> memref<1x80x128xf32, #tpu.memory_space<vmem>>
        %dma_wait3A_130 = tpu.memref_squeeze %dma_wait3A_129 : memref<1x80x128xf32, #tpu.memory_space<vmem>> -> memref<80x128xf32, #tpu.memory_space<vmem>>
        %dma_wait3A_131 = arith.constant 0 : i32
        %dma_wait3A_132 = tpu.memref_slice %arg6[%add3A_97, %dma_wait3A_131] : memref<10000x128xf32, #tpu.memory_space<vmem_shared>> -> memref<80x128xf32, #tpu.memory_space<vmem_shared>>
        %dma_wait3A_133 = arith.constant 0 : i32
        %dma_wait3A_134 = tpu.memref_slice %arg6[%add3A_97, %dma_wait3A_133] : memref<10000x128xf32, #tpu.memory_space<vmem_shared>> -> memref<80x128xf32, #tpu.memory_space<vmem_shared>>
        %dma_wait3A_135 = arith.constant 0 : i32
        %dma_wait3A_136 = arith.constant 0 : i32
        %dma_wait3A_137 = tpu.memref_slice %arg9[%run_scoped3A_98, %dma_wait3A_135, %dma_wait3A_136] : memref<3x80x128xf32, #tpu.memory_space<vmem>> -> memref<1x80x128xf32, #tpu.memory_space<vmem>>
        %dma_wait3A_138 = tpu.memref_squeeze %dma_wait3A_137 : memref<1x80x128xf32, #tpu.memory_space<vmem>> -> memref<80x128xf32, #tpu.memory_space<vmem>>
        tpu.wait_dma2 semaphore(%run_scoped3A_114 : memref<!tpu.dma_semaphore, #tpu.memory_space<semaphore_mem>>) src(%dma_wait3A_138 : memref<80x128xf32, #tpu.memory_space<vmem>>) dst(%dma_wait3A_134 : memref<80x128xf32, #tpu.memory_space<vmem_shared>>)
        tpu.yield
      }) : () -> ()
      %add3A_99 = arith.constant 240 : i32
      %add3A_100 = arith.addi %mul3A_2, %add3A_99 : i32
      %run_scoped3A_101 = arith.constant 0 : i32
      "tpu.region"() ({
        %run_scoped3A_114 = tpu.sem_alloc : memref<!tpu.dma_semaphore, #tpu.memory_space<semaphore_mem>>
        %dma_start3A_115 = arith.constant 0 : i32
        %dma_start3A_116 = arith.constant 0 : i32
        %dma_start3A_117 = tpu.memref_slice %arg9[%run_scoped3A_101, %dma_start3A_115, %dma_start3A_116] : memref<3x80x128xf32, #tpu.memory_space<vmem>> -> memref<1x80x128xf32, #tpu.memory_space<vmem>>
        %dma_start3A_118 = tpu.memref_squeeze %dma_start3A_117 : memref<1x80x128xf32, #tpu.memory_space<vmem>> -> memref<80x128xf32, #tpu.memory_space<vmem>>
        %dma_start3A_119 = arith.constant 0 : i32
        %dma_start3A_120 = tpu.memref_slice %arg6[%add3A_100, %dma_start3A_119] : memref<10000x128xf32, #tpu.memory_space<vmem_shared>> -> memref<80x128xf32, #tpu.memory_space<vmem_shared>>
        %dma_start3A_121 = arith.constant 0 : i32
        %dma_start3A_122 = tpu.memref_slice %arg6[%add3A_100, %dma_start3A_121] : memref<10000x128xf32, #tpu.memory_space<vmem_shared>> -> memref<80x128xf32, #tpu.memory_space<vmem_shared>>
        %dma_start3A_123 = arith.constant 0 : i32
        %dma_start3A_124 = arith.constant 0 : i32
        %dma_start3A_125 = tpu.memref_slice %arg9[%run_scoped3A_101, %dma_start3A_123, %dma_start3A_124] : memref<3x80x128xf32, #tpu.memory_space<vmem>> -> memref<1x80x128xf32, #tpu.memory_space<vmem>>
        %dma_start3A_126 = tpu.memref_squeeze %dma_start3A_125 : memref<1x80x128xf32, #tpu.memory_space<vmem>> -> memref<80x128xf32, #tpu.memory_space<vmem>>
        tpu.enqueue_dma source(%dma_start3A_126 : memref<80x128xf32, #tpu.memory_space<vmem>>) target(%dma_start3A_122 : memref<80x128xf32, #tpu.memory_space<vmem_shared>>) target_semaphore(%run_scoped3A_114 : memref<!tpu.dma_semaphore, #tpu.memory_space<semaphore_mem>>)
        %dma_wait3A_127 = arith.constant 0 : i32
        %dma_wait3A_128 = arith.constant 0 : i32
        %dma_wait3A_129 = tpu.memref_slice %arg9[%run_scoped3A_101, %dma_wait3A_127, %dma_wait3A_128] : memref<3x80x128xf32, #tpu.memory_space<vmem>> -> memref<1x80x128xf32, #tpu.memory_space<vmem>>
        %dma_wait3A_130 = tpu.memref_squeeze %dma_wait3A_129 : memref<1x80x128xf32, #tpu.memory_space<vmem>> -> memref<80x128xf32, #tpu.memory_space<vmem>>
        %dma_wait3A_131 = arith.constant 0 : i32
        %dma_wait3A_132 = tpu.memref_slice %arg6[%add3A_100, %dma_wait3A_131] : memref<10000x128xf32, #tpu.memory_space<vmem_shared>> -> memref<80x128xf32, #tpu.memory_space<vmem_shared>>
        %dma_wait3A_133 = arith.constant 0 : i32
        %dma_wait3A_134 = tpu.memref_slice %arg6[%add3A_100, %dma_wait3A_133] : memref<10000x128xf32, #tpu.memory_space<vmem_shared>> -> memref<80x128xf32, #tpu.memory_space<vmem_shared>>
        %dma_wait3A_135 = arith.constant 0 : i32
        %dma_wait3A_136 = arith.constant 0 : i32
        %dma_wait3A_137 = tpu.memref_slice %arg9[%run_scoped3A_101, %dma_wait3A_135, %dma_wait3A_136] : memref<3x80x128xf32, #tpu.memory_space<vmem>> -> memref<1x80x128xf32, #tpu.memory_space<vmem>>
        %dma_wait3A_138 = tpu.memref_squeeze %dma_wait3A_137 : memref<1x80x128xf32, #tpu.memory_space<vmem>> -> memref<80x128xf32, #tpu.memory_space<vmem>>
        tpu.wait_dma2 semaphore(%run_scoped3A_114 : memref<!tpu.dma_semaphore, #tpu.memory_space<semaphore_mem>>) src(%dma_wait3A_138 : memref<80x128xf32, #tpu.memory_space<vmem>>) dst(%dma_wait3A_134 : memref<80x128xf32, #tpu.memory_space<vmem_shared>>)
        tpu.yield
      }) : () -> ()
      %add3A_102 = arith.constant 320 : i32
      %add3A_103 = arith.addi %mul3A_2, %add3A_102 : i32
      %run_scoped3A_104 = arith.constant 0 : i32
      "tpu.region"() ({
        %run_scoped3A_114 = tpu.sem_alloc : memref<!tpu.dma_semaphore, #tpu.memory_space<semaphore_mem>>
        %dma_start3A_115 = arith.constant 0 : i32
        %dma_start3A_116 = arith.constant 0 : i32
        %dma_start3A_117 = tpu.memref_slice %arg9[%run_scoped3A_104, %dma_start3A_115, %dma_start3A_116] : memref<3x80x128xf32, #tpu.memory_space<vmem>> -> memref<1x80x128xf32, #tpu.memory_space<vmem>>
        %dma_start3A_118 = tpu.memref_squeeze %dma_start3A_117 : memref<1x80x128xf32, #tpu.memory_space<vmem>> -> memref<80x128xf32, #tpu.memory_space<vmem>>
        %dma_start3A_119 = arith.constant 0 : i32
        %dma_start3A_120 = tpu.memref_slice %arg6[%add3A_103, %dma_start3A_119] : memref<10000x128xf32, #tpu.memory_space<vmem_shared>> -> memref<80x128xf32, #tpu.memory_space<vmem_shared>>
        %dma_start3A_121 = arith.constant 0 : i32
        %dma_start3A_122 = tpu.memref_slice %arg6[%add3A_103, %dma_start3A_121] : memref<10000x128xf32, #tpu.memory_space<vmem_shared>> -> memref<80x128xf32, #tpu.memory_space<vmem_shared>>
        %dma_start3A_123 = arith.constant 0 : i32
        %dma_start3A_124 = arith.constant 0 : i32
        %dma_start3A_125 = tpu.memref_slice %arg9[%run_scoped3A_104, %dma_start3A_123, %dma_start3A_124] : memref<3x80x128xf32, #tpu.memory_space<vmem>> -> memref<1x80x128xf32, #tpu.memory_space<vmem>>
        %dma_start3A_126 = tpu.memref_squeeze %dma_start3A_125 : memref<1x80x128xf32, #tpu.memory_space<vmem>> -> memref<80x128xf32, #tpu.memory_space<vmem>>
        tpu.enqueue_dma source(%dma_start3A_126 : memref<80x128xf32, #tpu.memory_space<vmem>>) target(%dma_start3A_122 : memref<80x128xf32, #tpu.memory_space<vmem_shared>>) target_semaphore(%run_scoped3A_114 : memref<!tpu.dma_semaphore, #tpu.memory_space<semaphore_mem>>)
        %dma_wait3A_127 = arith.constant 0 : i32
        %dma_wait3A_128 = arith.constant 0 : i32
        %dma_wait3A_129 = tpu.memref_slice %arg9[%run_scoped3A_104, %dma_wait3A_127, %dma_wait3A_128] : memref<3x80x128xf32, #tpu.memory_space<vmem>> -> memref<1x80x128xf32, #tpu.memory_space<vmem>>
        %dma_wait3A_130 = tpu.memref_squeeze %dma_wait3A_129 : memref<1x80x128xf32, #tpu.memory_space<vmem>> -> memref<80x128xf32, #tpu.memory_space<vmem>>
        %dma_wait3A_131 = arith.constant 0 : i32
        %dma_wait3A_132 = tpu.memref_slice %arg6[%add3A_103, %dma_wait3A_131] : memref<10000x128xf32, #tpu.memory_space<vmem_shared>> -> memref<80x128xf32, #tpu.memory_space<vmem_shared>>
        %dma_wait3A_133 = arith.constant 0 : i32
        %dma_wait3A_134 = tpu.memref_slice %arg6[%add3A_103, %dma_wait3A_133] : memref<10000x128xf32, #tpu.memory_space<vmem_shared>> -> memref<80x128xf32, #tpu.memory_space<vmem_shared>>
        %dma_wait3A_135 = arith.constant 0 : i32
        %dma_wait3A_136 = arith.constant 0 : i32
        %dma_wait3A_137 = tpu.memref_slice %arg9[%run_scoped3A_104, %dma_wait3A_135, %dma_wait3A_136] : memref<3x80x128xf32, #tpu.memory_space<vmem>> -> memref<1x80x128xf32, #tpu.memory_space<vmem>>
        %dma_wait3A_138 = tpu.memref_squeeze %dma_wait3A_137 : memref<1x80x128xf32, #tpu.memory_space<vmem>> -> memref<80x128xf32, #tpu.memory_space<vmem>>
        tpu.wait_dma2 semaphore(%run_scoped3A_114 : memref<!tpu.dma_semaphore, #tpu.memory_space<semaphore_mem>>) src(%dma_wait3A_138 : memref<80x128xf32, #tpu.memory_space<vmem>>) dst(%dma_wait3A_134 : memref<80x128xf32, #tpu.memory_space<vmem_shared>>)
        tpu.yield
      }) : () -> ()
      %add3A_105 = arith.constant 400 : i32
      %add3A_106 = arith.addi %mul3A_2, %add3A_105 : i32
      %run_scoped3A_107 = arith.constant 0 : i32
      "tpu.region"() ({
        %run_scoped3A_114 = tpu.sem_alloc : memref<!tpu.dma_semaphore, #tpu.memory_space<semaphore_mem>>
        %dma_start3A_115 = arith.constant 0 : i32
        %dma_start3A_116 = arith.constant 0 : i32
        %dma_start3A_117 = tpu.memref_slice %arg9[%run_scoped3A_107, %dma_start3A_115, %dma_start3A_116] : memref<3x80x128xf32, #tpu.memory_space<vmem>> -> memref<1x80x128xf32, #tpu.memory_space<vmem>>
        %dma_start3A_118 = tpu.memref_squeeze %dma_start3A_117 : memref<1x80x128xf32, #tpu.memory_space<vmem>> -> memref<80x128xf32, #tpu.memory_space<vmem>>
        %dma_start3A_119 = arith.constant 0 : i32
        %dma_start3A_120 = tpu.memref_slice %arg6[%add3A_106, %dma_start3A_119] : memref<10000x128xf32, #tpu.memory_space<vmem_shared>> -> memref<80x128xf32, #tpu.memory_space<vmem_shared>>
        %dma_start3A_121 = arith.constant 0 : i32
        %dma_start3A_122 = tpu.memref_slice %arg6[%add3A_106, %dma_start3A_121] : memref<10000x128xf32, #tpu.memory_space<vmem_shared>> -> memref<80x128xf32, #tpu.memory_space<vmem_shared>>
        %dma_start3A_123 = arith.constant 0 : i32
        %dma_start3A_124 = arith.constant 0 : i32
        %dma_start3A_125 = tpu.memref_slice %arg9[%run_scoped3A_107, %dma_start3A_123, %dma_start3A_124] : memref<3x80x128xf32, #tpu.memory_space<vmem>> -> memref<1x80x128xf32, #tpu.memory_space<vmem>>
        %dma_start3A_126 = tpu.memref_squeeze %dma_start3A_125 : memref<1x80x128xf32, #tpu.memory_space<vmem>> -> memref<80x128xf32, #tpu.memory_space<vmem>>
        tpu.enqueue_dma source(%dma_start3A_126 : memref<80x128xf32, #tpu.memory_space<vmem>>) target(%dma_start3A_122 : memref<80x128xf32, #tpu.memory_space<vmem_shared>>) target_semaphore(%run_scoped3A_114 : memref<!tpu.dma_semaphore, #tpu.memory_space<semaphore_mem>>)
        %dma_wait3A_127 = arith.constant 0 : i32
        %dma_wait3A_128 = arith.constant 0 : i32
        %dma_wait3A_129 = tpu.memref_slice %arg9[%run_scoped3A_107, %dma_wait3A_127, %dma_wait3A_128] : memref<3x80x128xf32, #tpu.memory_space<vmem>> -> memref<1x80x128xf32, #tpu.memory_space<vmem>>
        %dma_wait3A_130 = tpu.memref_squeeze %dma_wait3A_129 : memref<1x80x128xf32, #tpu.memory_space<vmem>> -> memref<80x128xf32, #tpu.memory_space<vmem>>
        %dma_wait3A_131 = arith.constant 0 : i32
        %dma_wait3A_132 = tpu.memref_slice %arg6[%add3A_106, %dma_wait3A_131] : memref<10000x128xf32, #tpu.memory_space<vmem_shared>> -> memref<80x128xf32, #tpu.memory_space<vmem_shared>>
        %dma_wait3A_133 = arith.constant 0 : i32
        %dma_wait3A_134 = tpu.memref_slice %arg6[%add3A_106, %dma_wait3A_133] : memref<10000x128xf32, #tpu.memory_space<vmem_shared>> -> memref<80x128xf32, #tpu.memory_space<vmem_shared>>
        %dma_wait3A_135 = arith.constant 0 : i32
        %dma_wait3A_136 = arith.constant 0 : i32
        %dma_wait3A_137 = tpu.memref_slice %arg9[%run_scoped3A_107, %dma_wait3A_135, %dma_wait3A_136] : memref<3x80x128xf32, #tpu.memory_space<vmem>> -> memref<1x80x128xf32, #tpu.memory_space<vmem>>
        %dma_wait3A_138 = tpu.memref_squeeze %dma_wait3A_137 : memref<1x80x128xf32, #tpu.memory_space<vmem>> -> memref<80x128xf32, #tpu.memory_space<vmem>>
        tpu.wait_dma2 semaphore(%run_scoped3A_114 : memref<!tpu.dma_semaphore, #tpu.memory_space<semaphore_mem>>) src(%dma_wait3A_138 : memref<80x128xf32, #tpu.memory_space<vmem>>) dst(%dma_wait3A_134 : memref<80x128xf32, #tpu.memory_space<vmem_shared>>)
        tpu.yield
      }) : () -> ()
      %add3A_108 = arith.constant 480 : i32
      %add3A_109 = arith.addi %mul3A_2, %add3A_108 : i32
      %run_scoped3A_110 = arith.constant 0 : i32
      "tpu.region"() ({
        %run_scoped3A_114 = tpu.sem_alloc : memref<!tpu.dma_semaphore, #tpu.memory_space<semaphore_mem>>
        %dma_start3A_115 = arith.constant 0 : i32
        %dma_start3A_116 = arith.constant 0 : i32
        %dma_start3A_117 = tpu.memref_slice %arg9[%run_scoped3A_110, %dma_start3A_115, %dma_start3A_116] : memref<3x80x128xf32, #tpu.memory_space<vmem>> -> memref<1x80x128xf32, #tpu.memory_space<vmem>>
        %dma_start3A_118 = tpu.memref_squeeze %dma_start3A_117 : memref<1x80x128xf32, #tpu.memory_space<vmem>> -> memref<80x128xf32, #tpu.memory_space<vmem>>
        %dma_start3A_119 = arith.constant 0 : i32
        %dma_start3A_120 = tpu.memref_slice %arg6[%add3A_109, %dma_start3A_119] : memref<10000x128xf32, #tpu.memory_space<vmem_shared>> -> memref<80x128xf32, #tpu.memory_space<vmem_shared>>
        %dma_start3A_121 = arith.constant 0 : i32
        %dma_start3A_122 = tpu.memref_slice %arg6[%add3A_109, %dma_start3A_121] : memref<10000x128xf32, #tpu.memory_space<vmem_shared>> -> memref<80x128xf32, #tpu.memory_space<vmem_shared>>
        %dma_start3A_123 = arith.constant 0 : i32
        %dma_start3A_124 = arith.constant 0 : i32
        %dma_start3A_125 = tpu.memref_slice %arg9[%run_scoped3A_110, %dma_start3A_123, %dma_start3A_124] : memref<3x80x128xf32, #tpu.memory_space<vmem>> -> memref<1x80x128xf32, #tpu.memory_space<vmem>>
        %dma_start3A_126 = tpu.memref_squeeze %dma_start3A_125 : memref<1x80x128xf32, #tpu.memory_space<vmem>> -> memref<80x128xf32, #tpu.memory_space<vmem>>
        tpu.enqueue_dma source(%dma_start3A_126 : memref<80x128xf32, #tpu.memory_space<vmem>>) target(%dma_start3A_122 : memref<80x128xf32, #tpu.memory_space<vmem_shared>>) target_semaphore(%run_scoped3A_114 : memref<!tpu.dma_semaphore, #tpu.memory_space<semaphore_mem>>)
        %dma_wait3A_127 = arith.constant 0 : i32
        %dma_wait3A_128 = arith.constant 0 : i32
        %dma_wait3A_129 = tpu.memref_slice %arg9[%run_scoped3A_110, %dma_wait3A_127, %dma_wait3A_128] : memref<3x80x128xf32, #tpu.memory_space<vmem>> -> memref<1x80x128xf32, #tpu.memory_space<vmem>>
        %dma_wait3A_130 = tpu.memref_squeeze %dma_wait3A_129 : memref<1x80x128xf32, #tpu.memory_space<vmem>> -> memref<80x128xf32, #tpu.memory_space<vmem>>
        %dma_wait3A_131 = arith.constant 0 : i32
        %dma_wait3A_132 = tpu.memref_slice %arg6[%add3A_109, %dma_wait3A_131] : memref<10000x128xf32, #tpu.memory_space<vmem_shared>> -> memref<80x128xf32, #tpu.memory_space<vmem_shared>>
        %dma_wait3A_133 = arith.constant 0 : i32
        %dma_wait3A_134 = tpu.memref_slice %arg6[%add3A_109, %dma_wait3A_133] : memref<10000x128xf32, #tpu.memory_space<vmem_shared>> -> memref<80x128xf32, #tpu.memory_space<vmem_shared>>
        %dma_wait3A_135 = arith.constant 0 : i32
        %dma_wait3A_136 = arith.constant 0 : i32
        %dma_wait3A_137 = tpu.memref_slice %arg9[%run_scoped3A_110, %dma_wait3A_135, %dma_wait3A_136] : memref<3x80x128xf32, #tpu.memory_space<vmem>> -> memref<1x80x128xf32, #tpu.memory_space<vmem>>
        %dma_wait3A_138 = tpu.memref_squeeze %dma_wait3A_137 : memref<1x80x128xf32, #tpu.memory_space<vmem>> -> memref<80x128xf32, #tpu.memory_space<vmem>>
        tpu.wait_dma2 semaphore(%run_scoped3A_114 : memref<!tpu.dma_semaphore, #tpu.memory_space<semaphore_mem>>) src(%dma_wait3A_138 : memref<80x128xf32, #tpu.memory_space<vmem>>) dst(%dma_wait3A_134 : memref<80x128xf32, #tpu.memory_space<vmem_shared>>)
        tpu.yield
      }) : () -> ()
      %add3A_111 = arith.constant 560 : i32
      %add3A_112 = arith.addi %mul3A_2, %add3A_111 : i32
      %run_scoped3A_113 = arith.constant 0 : i32
      "tpu.region"() ({
        %run_scoped3A_114 = tpu.sem_alloc : memref<!tpu.dma_semaphore, #tpu.memory_space<semaphore_mem>>
        %dma_start3A_115 = arith.constant 0 : i32
        %dma_start3A_116 = arith.constant 0 : i32
        %dma_start3A_117 = tpu.memref_slice %arg9[%run_scoped3A_113, %dma_start3A_115, %dma_start3A_116] : memref<3x80x128xf32, #tpu.memory_space<vmem>> -> memref<1x80x128xf32, #tpu.memory_space<vmem>>
        %dma_start3A_118 = tpu.memref_squeeze %dma_start3A_117 : memref<1x80x128xf32, #tpu.memory_space<vmem>> -> memref<80x128xf32, #tpu.memory_space<vmem>>
        %dma_start3A_119 = arith.constant 0 : i32
        %dma_start3A_120 = tpu.memref_slice %arg6[%add3A_112, %dma_start3A_119] : memref<10000x128xf32, #tpu.memory_space<vmem_shared>> -> memref<80x128xf32, #tpu.memory_space<vmem_shared>>
        %dma_start3A_121 = arith.constant 0 : i32
        %dma_start3A_122 = tpu.memref_slice %arg6[%add3A_112, %dma_start3A_121] : memref<10000x128xf32, #tpu.memory_space<vmem_shared>> -> memref<80x128xf32, #tpu.memory_space<vmem_shared>>
        %dma_start3A_123 = arith.constant 0 : i32
        %dma_start3A_124 = arith.constant 0 : i32
        %dma_start3A_125 = tpu.memref_slice %arg9[%run_scoped3A_113, %dma_start3A_123, %dma_start3A_124] : memref<3x80x128xf32, #tpu.memory_space<vmem>> -> memref<1x80x128xf32, #tpu.memory_space<vmem>>
        %dma_start3A_126 = tpu.memref_squeeze %dma_start3A_125 : memref<1x80x128xf32, #tpu.memory_space<vmem>> -> memref<80x128xf32, #tpu.memory_space<vmem>>
        tpu.enqueue_dma source(%dma_start3A_126 : memref<80x128xf32, #tpu.memory_space<vmem>>) target(%dma_start3A_122 : memref<80x128xf32, #tpu.memory_space<vmem_shared>>) target_semaphore(%run_scoped3A_114 : memref<!tpu.dma_semaphore, #tpu.memory_space<semaphore_mem>>)
        %dma_wait3A_127 = arith.constant 0 : i32
        %dma_wait3A_128 = arith.constant 0 : i32
        %dma_wait3A_129 = tpu.memref_slice %arg9[%run_scoped3A_113, %dma_wait3A_127, %dma_wait3A_128] : memref<3x80x128xf32, #tpu.memory_space<vmem>> -> memref<1x80x128xf32, #tpu.memory_space<vmem>>
        %dma_wait3A_130 = tpu.memref_squeeze %dma_wait3A_129 : memref<1x80x128xf32, #tpu.memory_space<vmem>> -> memref<80x128xf32, #tpu.memory_space<vmem>>
        %dma_wait3A_131 = arith.constant 0 : i32
        %dma_wait3A_132 = tpu.memref_slice %arg6[%add3A_112, %dma_wait3A_131] : memref<10000x128xf32, #tpu.memory_space<vmem_shared>> -> memref<80x128xf32, #tpu.memory_space<vmem_shared>>
        %dma_wait3A_133 = arith.constant 0 : i32
        %dma_wait3A_134 = tpu.memref_slice %arg6[%add3A_112, %dma_wait3A_133] : memref<10000x128xf32, #tpu.memory_space<vmem_shared>> -> memref<80x128xf32, #tpu.memory_space<vmem_shared>>
        %dma_wait3A_135 = arith.constant 0 : i32
        %dma_wait3A_136 = arith.constant 0 : i32
        %dma_wait3A_137 = tpu.memref_slice %arg9[%run_scoped3A_113, %dma_wait3A_135, %dma_wait3A_136] : memref<3x80x128xf32, #tpu.memory_space<vmem>> -> memref<1x80x128xf32, #tpu.memory_space<vmem>>
        %dma_wait3A_138 = tpu.memref_squeeze %dma_wait3A_137 : memref<1x80x128xf32, #tpu.memory_space<vmem>> -> memref<80x128xf32, #tpu.memory_space<vmem>>
        tpu.wait_dma2 semaphore(%run_scoped3A_114 : memref<!tpu.dma_semaphore, #tpu.memory_space<semaphore_mem>>) src(%dma_wait3A_138 : memref<80x128xf32, #tpu.memory_space<vmem>>) dst(%dma_wait3A_134 : memref<80x128xf32, #tpu.memory_space<vmem_shared>>)
        tpu.yield
      }) : () -> ()
    } else {
    }
    %barrier3A = arith.constant 0 : index
    tpu.barrier barrier_id(%barrier3A)
    %dma_wait3A = tpu.memref_slice %arg3[%mul3A_5] : memref<320000xi32, #tpu.memory_space<hbm>> -> memref<10000xi32, #tpu.memory_space<hbm>>
    %dma_wait3A_21 = tpu.memref_slice %arg3[%mul3A_5] : memref<320000xi32, #tpu.memory_space<hbm>> -> memref<10000xi32, #tpu.memory_space<hbm>>
    tpu.wait_dma2 semaphore(%arg10 : memref<!tpu.dma_semaphore, #tpu.memory_space<semaphore_mem>>) src(%dma_wait3A_21 : memref<10000xi32, #tpu.memory_space<hbm>>) dst(%arg7 : memref<10000xi32, #tpu.memory_space<vmem>>)
    %dma_wait3A_22 = tpu.memref_slice %arg4[%mul3A_5] : memref<320000xi32, #tpu.memory_space<hbm>> -> memref<10000xi32, #tpu.memory_space<hbm>>
    %dma_wait3A_23 = tpu.memref_slice %arg4[%mul3A_5] : memref<320000xi32, #tpu.memory_space<hbm>> -> memref<10000xi32, #tpu.memory_space<hbm>>
    tpu.wait_dma2 semaphore(%arg10 : memref<!tpu.dma_semaphore, #tpu.memory_space<semaphore_mem>>) src(%dma_wait3A_23 : memref<10000xi32, #tpu.memory_space<hbm>>) dst(%arg8 : memref<10000xi32, #tpu.memory_space<vmem>>)
    %dma_start3A_24 = arith.constant 0 : i32
    %dma_start3A_25 = arith.constant 0 : i32
    %dma_start3A_26 = arith.constant 0 : i32
    %dma_start3A_27 = tpu.memref_slice %arg9[%dma_start3A_24, %dma_start3A_25, %dma_start3A_26] : memref<3x80x128xf32, #tpu.memory_space<vmem>> -> memref<1x80x128xf32, #tpu.memory_space<vmem>>
    %dma_start3A_28 = tpu.memref_squeeze %dma_start3A_27 : memref<1x80x128xf32, #tpu.memory_space<vmem>> -> memref<80x128xf32, #tpu.memory_space<vmem>>
    %dma_start3A_29 = arith.constant 0 : i32
    %dma_start3A_30 = tpu.memref_slice %arg7[%dma_start3A_29] : memref<10000xi32, #tpu.memory_space<vmem>> -> memref<80xi32, #tpu.memory_space<vmem>>
    %dma_start3A_31 = arith.constant 0 : i32
    %dma_start3A_32 = arith.constant 0 : i32
    %dma_start3A_33 = tpu.memref_slice %arg2[%dma_start3A_31, %dma_start3A_32] : memref<10000x128xf32, #tpu.memory_space<hbm>> -> memref<10000x128xf32, #tpu.memory_space<hbm>>
    tpu.enqueue_indirect_dma source(%dma_start3A_33 : memref<10000x128xf32, #tpu.memory_space<hbm>>) target(%dma_start3A_28 : memref<80x128xf32, #tpu.memory_space<vmem>>) offsets(%dma_start3A_30 : memref<80xi32, #tpu.memory_space<vmem>>) semaphore(%arg11 : memref<!tpu.dma_semaphore, #tpu.memory_space<semaphore_mem>>)
    %dma_start3A_34 = arith.constant 1 : i32
    %dma_start3A_35 = arith.constant 0 : i32
    %dma_start3A_36 = arith.constant 0 : i32
    %dma_start3A_37 = tpu.memref_slice %arg9[%dma_start3A_34, %dma_start3A_35, %dma_start3A_36] : memref<3x80x128xf32, #tpu.memory_space<vmem>> -> memref<1x80x128xf32, #tpu.memory_space<vmem>>
    %dma_start3A_38 = tpu.memref_squeeze %dma_start3A_37 : memref<1x80x128xf32, #tpu.memory_space<vmem>> -> memref<80x128xf32, #tpu.memory_space<vmem>>
    %dma_start3A_39 = arith.constant 80 : i32
    %dma_start3A_40 = tpu.memref_slice %arg7[%dma_start3A_39] : memref<10000xi32, #tpu.memory_space<vmem>> -> memref<80xi32, #tpu.memory_space<vmem>>
    %dma_start3A_41 = arith.constant 0 : i32
    %dma_start3A_42 = arith.constant 0 : i32
    %dma_start3A_43 = tpu.memref_slice %arg2[%dma_start3A_41, %dma_start3A_42] : memref<10000x128xf32, #tpu.memory_space<hbm>> -> memref<10000x128xf32, #tpu.memory_space<hbm>>
    tpu.enqueue_indirect_dma source(%dma_start3A_43 : memref<10000x128xf32, #tpu.memory_space<hbm>>) target(%dma_start3A_38 : memref<80x128xf32, #tpu.memory_space<vmem>>) offsets(%dma_start3A_40 : memref<80xi32, #tpu.memory_space<vmem>>) semaphore(%arg12 : memref<!tpu.dma_semaphore, #tpu.memory_space<semaphore_mem>>)
    %dma_start3A_44 = arith.constant 2 : i32
    %dma_start3A_45 = arith.constant 0 : i32
    %dma_start3A_46 = arith.constant 0 : i32
    %dma_start3A_47 = tpu.memref_slice %arg9[%dma_start3A_44, %dma_start3A_45, %dma_start3A_46] : memref<3x80x128xf32, #tpu.memory_space<vmem>> -> memref<1x80x128xf32, #tpu.memory_space<vmem>>
    %dma_start3A_48 = tpu.memref_squeeze %dma_start3A_47 : memref<1x80x128xf32, #tpu.memory_space<vmem>> -> memref<80x128xf32, #tpu.memory_space<vmem>>
    %dma_start3A_49 = arith.constant 160 : i32
    %dma_start3A_50 = tpu.memref_slice %arg7[%dma_start3A_49] : memref<10000xi32, #tpu.memory_space<vmem>> -> memref<80xi32, #tpu.memory_space<vmem>>
    %dma_start3A_51 = arith.constant 0 : i32
    %dma_start3A_52 = arith.constant 0 : i32
    %dma_start3A_53 = tpu.memref_slice %arg2[%dma_start3A_51, %dma_start3A_52] : memref<10000x128xf32, #tpu.memory_space<hbm>> -> memref<10000x128xf32, #tpu.memory_space<hbm>>
    tpu.enqueue_indirect_dma source(%dma_start3A_53 : memref<10000x128xf32, #tpu.memory_space<hbm>>) target(%dma_start3A_48 : memref<80x128xf32, #tpu.memory_space<vmem>>) offsets(%dma_start3A_50 : memref<80xi32, #tpu.memory_space<vmem>>) semaphore(%arg13 : memref<!tpu.dma_semaphore, #tpu.memory_space<semaphore_mem>>)
    %scan3A_54 = arith.constant 0 : i32
    %scan3A_55 = arith.constant 0 : i32
    %scan3A_56 = arith.constant 41 : i32
    %scan3A_57 = arith.addi %scan3A_55, %scan3A_56 : i32
    %scan3A_58 = arith.constant 1 : i32
    scf.for %scan3A_90 = %scan3A_55 to %scan3A_57 step %scan3A_58  : i32 {
      %mul3A_91 = arith.constant 3 : i32
      %mul3A_92 = arith.muli %mul3A_91, %scan3A_90 : i32
      %add3A_93 = arith.constant 0 : i32
      %add3A_94 = arith.addi %mul3A_92, %add3A_93 : i32
      %mul3A_95 = arith.constant 80 : i32
      %mul3A_96 = arith.muli %add3A_94, %mul3A_95 : i32
      %dma_wait3A_97 = arith.constant 0 : i32
      %dma_wait3A_98 = arith.constant 0 : i32
      %dma_wait3A_99 = arith.constant 0 : i32
      %dma_wait3A_100 = tpu.memref_slice %arg9[%dma_wait3A_97, %dma_wait3A_98, %dma_wait3A_99] : memref<3x80x128xf32, #tpu.memory_space<vmem>> -> memref<1x80x128xf32, #tpu.memory_space<vmem>>
      %dma_wait3A_101 = tpu.memref_squeeze %dma_wait3A_100 : memref<1x80x128xf32, #tpu.memory_space<vmem>> -> memref<80x128xf32, #tpu.memory_space<vmem>>
      %dma_wait3A_102 = tpu.memref_slice %arg7[%mul3A_96] : memref<10000xi32, #tpu.memory_space<vmem>> -> memref<80xi32, #tpu.memory_space<vmem>>
      %dma_wait3A_103 = arith.constant 0 : i32
      %dma_wait3A_104 = arith.constant 0 : i32
      %dma_wait3A_105 = tpu.memref_slice %arg2[%dma_wait3A_103, %dma_wait3A_104] : memref<10000x128xf32, #tpu.memory_space<hbm>> -> memref<10000x128xf32, #tpu.memory_space<hbm>>
      tpu.wait_indirect_dma semaphore(%arg11 : memref<!tpu.dma_semaphore, #tpu.memory_space<semaphore_mem>>) src(%dma_wait3A_105 : memref<10000x128xf32, #tpu.memory_space<hbm>>) dst(%dma_wait3A_101 : memref<80x128xf32, #tpu.memory_space<vmem>>)
      %add3A_106 = arith.constant 0 : i32
      %add3A_107 = arith.addi %mul3A_92, %add3A_106 : i32
      %mul3A_108 = arith.constant 80 : i32
      %mul3A_109 = arith.muli %add3A_107, %mul3A_108 : i32
      %dma_start3A_110 = arith.constant 0 : i32
      %dma_start3A_111 = arith.constant 0 : i32
      %dma_start3A_112 = arith.constant 0 : i32
      %dma_start3A_113 = tpu.memref_slice %arg9[%dma_start3A_110, %dma_start3A_111, %dma_start3A_112] : memref<3x80x128xf32, #tpu.memory_space<vmem>> -> memref<1x80x128xf32, #tpu.memory_space<vmem>>
      %dma_start3A_114 = tpu.memref_squeeze %dma_start3A_113 : memref<1x80x128xf32, #tpu.memory_space<vmem>> -> memref<80x128xf32, #tpu.memory_space<vmem>>
      %dma_start3A_115 = tpu.memref_slice %arg8[%mul3A_109] : memref<10000xi32, #tpu.memory_space<vmem>> -> memref<80xi32, #tpu.memory_space<vmem>>
      %dma_start3A_116 = arith.constant 0 : i32
      %dma_start3A_117 = arith.constant 0 : i32
      %dma_start3A_118 = tpu.memref_slice %arg6[%dma_start3A_116, %dma_start3A_117] : memref<10000x128xf32, #tpu.memory_space<vmem_shared>> -> memref<10000x128xf32, #tpu.memory_space<vmem_shared>>
      tpu.enqueue_indirect_dma source(%dma_start3A_114 : memref<80x128xf32, #tpu.memory_space<vmem>>) target(%dma_start3A_118 : memref<10000x128xf32, #tpu.memory_space<vmem_shared>>) offsets(%dma_start3A_115 : memref<80xi32, #tpu.memory_space<vmem>>) semaphore(%arg14 : memref<!tpu.dma_semaphore, #tpu.memory_space<semaphore_mem>>) {add = true}
      %add3A_119 = arith.constant 1 : i32
      %add3A_120 = arith.addi %mul3A_92, %add3A_119 : i32
      %mul3A_121 = arith.constant 80 : i32
      %mul3A_122 = arith.muli %add3A_120, %mul3A_121 : i32
      %dma_wait3A_123 = arith.constant 1 : i32
      %dma_wait3A_124 = arith.constant 0 : i32
      %dma_wait3A_125 = arith.constant 0 : i32
      %dma_wait3A_126 = tpu.memref_slice %arg9[%dma_wait3A_123, %dma_wait3A_124, %dma_wait3A_125] : memref<3x80x128xf32, #tpu.memory_space<vmem>> -> memref<1x80x128xf32, #tpu.memory_space<vmem>>
      %dma_wait3A_127 = tpu.memref_squeeze %dma_wait3A_126 : memref<1x80x128xf32, #tpu.memory_space<vmem>> -> memref<80x128xf32, #tpu.memory_space<vmem>>
      %dma_wait3A_128 = tpu.memref_slice %arg7[%mul3A_122] : memref<10000xi32, #tpu.memory_space<vmem>> -> memref<80xi32, #tpu.memory_space<vmem>>
      %dma_wait3A_129 = arith.constant 0 : i32
      %dma_wait3A_130 = arith.constant 0 : i32
      %dma_wait3A_131 = tpu.memref_slice %arg2[%dma_wait3A_129, %dma_wait3A_130] : memref<10000x128xf32, #tpu.memory_space<hbm>> -> memref<10000x128xf32, #tpu.memory_space<hbm>>
      tpu.wait_indirect_dma semaphore(%arg12 : memref<!tpu.dma_semaphore, #tpu.memory_space<semaphore_mem>>) src(%dma_wait3A_131 : memref<10000x128xf32, #tpu.memory_space<hbm>>) dst(%dma_wait3A_127 : memref<80x128xf32, #tpu.memory_space<vmem>>)
      %add3A_132 = arith.constant 1 : i32
      %add3A_133 = arith.addi %mul3A_92, %add3A_132 : i32
      %mul3A_134 = arith.constant 80 : i32
      %mul3A_135 = arith.muli %add3A_133, %mul3A_134 : i32
      %dma_start3A_136 = arith.constant 1 : i32
      %dma_start3A_137 = arith.constant 0 : i32
      %dma_start3A_138 = arith.constant 0 : i32
      %dma_start3A_139 = tpu.memref_slice %arg9[%dma_start3A_136, %dma_start3A_137, %dma_start3A_138] : memref<3x80x128xf32, #tpu.memory_space<vmem>> -> memref<1x80x128xf32, #tpu.memory_space<vmem>>
      %dma_start3A_140 = tpu.memref_squeeze %dma_start3A_139 : memref<1x80x128xf32, #tpu.memory_space<vmem>> -> memref<80x128xf32, #tpu.memory_space<vmem>>
      %dma_start3A_141 = tpu.memref_slice %arg8[%mul3A_135] : memref<10000xi32, #tpu.memory_space<vmem>> -> memref<80xi32, #tpu.memory_space<vmem>>
      %dma_start3A_142 = arith.constant 0 : i32
      %dma_start3A_143 = arith.constant 0 : i32
      %dma_start3A_144 = tpu.memref_slice %arg6[%dma_start3A_142, %dma_start3A_143] : memref<10000x128xf32, #tpu.memory_space<vmem_shared>> -> memref<10000x128xf32, #tpu.memory_space<vmem_shared>>
      tpu.enqueue_indirect_dma source(%dma_start3A_140 : memref<80x128xf32, #tpu.memory_space<vmem>>) target(%dma_start3A_144 : memref<10000x128xf32, #tpu.memory_space<vmem_shared>>) offsets(%dma_start3A_141 : memref<80xi32, #tpu.memory_space<vmem>>) semaphore(%arg15 : memref<!tpu.dma_semaphore, #tpu.memory_space<semaphore_mem>>) {add = true}
      %add3A_145 = arith.constant 2 : i32
      %add3A_146 = arith.addi %mul3A_92, %add3A_145 : i32
      %mul3A_147 = arith.constant 80 : i32
      %mul3A_148 = arith.muli %add3A_146, %mul3A_147 : i32
      %dma_wait3A_149 = arith.constant 2 : i32
      %dma_wait3A_150 = arith.constant 0 : i32
      %dma_wait3A_151 = arith.constant 0 : i32
      %dma_wait3A_152 = tpu.memref_slice %arg9[%dma_wait3A_149, %dma_wait3A_150, %dma_wait3A_151] : memref<3x80x128xf32, #tpu.memory_space<vmem>> -> memref<1x80x128xf32, #tpu.memory_space<vmem>>
      %dma_wait3A_153 = tpu.memref_squeeze %dma_wait3A_152 : memref<1x80x128xf32, #tpu.memory_space<vmem>> -> memref<80x128xf32, #tpu.memory_space<vmem>>
      %dma_wait3A_154 = tpu.memref_slice %arg7[%mul3A_148] : memref<10000xi32, #tpu.memory_space<vmem>> -> memref<80xi32, #tpu.memory_space<vmem>>
      %dma_wait3A_155 = arith.constant 0 : i32
      %dma_wait3A_156 = arith.constant 0 : i32
      %dma_wait3A_157 = tpu.memref_slice %arg2[%dma_wait3A_155, %dma_wait3A_156] : memref<10000x128xf32, #tpu.memory_space<hbm>> -> memref<10000x128xf32, #tpu.memory_space<hbm>>
      tpu.wait_indirect_dma semaphore(%arg13 : memref<!tpu.dma_semaphore, #tpu.memory_space<semaphore_mem>>) src(%dma_wait3A_157 : memref<10000x128xf32, #tpu.memory_space<hbm>>) dst(%dma_wait3A_153 : memref<80x128xf32, #tpu.memory_space<vmem>>)
      %add3A_158 = arith.constant 2 : i32
      %add3A_159 = arith.addi %mul3A_92, %add3A_158 : i32
      %mul3A_160 = arith.constant 80 : i32
      %mul3A_161 = arith.muli %add3A_159, %mul3A_160 : i32
      %dma_start3A_162 = arith.constant 2 : i32
      %dma_start3A_163 = arith.constant 0 : i32
      %dma_start3A_164 = arith.constant 0 : i32
      %dma_start3A_165 = tpu.memref_slice %arg9[%dma_start3A_162, %dma_start3A_163, %dma_start3A_164] : memref<3x80x128xf32, #tpu.memory_space<vmem>> -> memref<1x80x128xf32, #tpu.memory_space<vmem>>
      %dma_start3A_166 = tpu.memref_squeeze %dma_start3A_165 : memref<1x80x128xf32, #tpu.memory_space<vmem>> -> memref<80x128xf32, #tpu.memory_space<vmem>>
      %dma_start3A_167 = tpu.memref_slice %arg8[%mul3A_161] : memref<10000xi32, #tpu.memory_space<vmem>> -> memref<80xi32, #tpu.memory_space<vmem>>
      %dma_start3A_168 = arith.constant 0 : i32
      %dma_start3A_169 = arith.constant 0 : i32
      %dma_start3A_170 = tpu.memref_slice %arg6[%dma_start3A_168, %dma_start3A_169] : memref<10000x128xf32, #tpu.memory_space<vmem_shared>> -> memref<10000x128xf32, #tpu.memory_space<vmem_shared>>
      tpu.enqueue_indirect_dma source(%dma_start3A_166 : memref<80x128xf32, #tpu.memory_space<vmem>>) target(%dma_start3A_170 : memref<10000x128xf32, #tpu.memory_space<vmem_shared>>) offsets(%dma_start3A_167 : memref<80xi32, #tpu.memory_space<vmem>>) semaphore(%arg16 : memref<!tpu.dma_semaphore, #tpu.memory_space<semaphore_mem>>) {add = true}
      %add3A_171 = arith.constant 0 : i32
      %add3A_172 = arith.addi %mul3A_92, %add3A_171 : i32
      %mul3A_173 = arith.constant 80 : i32
      %mul3A_174 = arith.muli %add3A_172, %mul3A_173 : i32
      %dma_wait3A_175 = arith.constant 0 : i32
      %dma_wait3A_176 = arith.constant 0 : i32
      %dma_wait3A_177 = arith.constant 0 : i32
      %dma_wait3A_178 = tpu.memref_slice %arg9[%dma_wait3A_175, %dma_wait3A_176, %dma_wait3A_177] : memref<3x80x128xf32, #tpu.memory_space<vmem>> -> memref<1x80x128xf32, #tpu.memory_space<vmem>>
      %dma_wait3A_179 = tpu.memref_squeeze %dma_wait3A_178 : memref<1x80x128xf32, #tpu.memory_space<vmem>> -> memref<80x128xf32, #tpu.memory_space<vmem>>
      %dma_wait3A_180 = tpu.memref_slice %arg8[%mul3A_174] : memref<10000xi32, #tpu.memory_space<vmem>> -> memref<80xi32, #tpu.memory_space<vmem>>
      %dma_wait3A_181 = arith.constant 0 : i32
      %dma_wait3A_182 = arith.constant 0 : i32
      %dma_wait3A_183 = tpu.memref_slice %arg6[%dma_wait3A_181, %dma_wait3A_182] : memref<10000x128xf32, #tpu.memory_space<vmem_shared>> -> memref<10000x128xf32, #tpu.memory_space<vmem_shared>>
      tpu.wait_indirect_dma semaphore(%arg14 : memref<!tpu.dma_semaphore, #tpu.memory_space<semaphore_mem>>) src(%dma_wait3A_179 : memref<80x128xf32, #tpu.memory_space<vmem>>) dst(%dma_wait3A_183 : memref<10000x128xf32, #tpu.memory_space<vmem_shared>>)
      %add3A_184 = arith.constant 0 : i32
      %add3A_185 = arith.addi %mul3A_92, %add3A_184 : i32
      %add3A_186 = arith.constant 3 : i32
      %add3A_187 = arith.addi %add3A_185, %add3A_186 : i32
      %lt3A = arith.constant 125 : i32
      %lt3A_188 = arith.cmpi slt, %add3A_187, %lt3A : i32
      %convert_element_type3A_189 = arith.extui %lt3A_188 : i1 to i32
      %cond3A_190 = arith.constant 0 : i32
      %cond3A_191 = arith.cmpi ne, %convert_element_type3A_189, %cond3A_190 : i32
      scf.if %cond3A_191 {
        %add3A_236 = arith.constant 0 : i32
        %add3A_237 = arith.addi %mul3A_92, %add3A_236 : i32
        %add3A_238 = arith.constant 3 : i32
        %add3A_239 = arith.addi %add3A_237, %add3A_238 : i32
        %mul3A_240 = arith.constant 80 : i32
        %mul3A_241 = arith.muli %add3A_239, %mul3A_240 : i32
        %dma_start3A_242 = arith.constant 0 : i32
        %dma_start3A_243 = arith.constant 0 : i32
        %dma_start3A_244 = arith.constant 0 : i32
        %dma_start3A_245 = tpu.memref_slice %arg9[%dma_start3A_242, %dma_start3A_243, %dma_start3A_244] : memref<3x80x128xf32, #tpu.memory_space<vmem>> -> memref<1x80x128xf32, #tpu.memory_space<vmem>>
        %dma_start3A_246 = tpu.memref_squeeze %dma_start3A_245 : memref<1x80x128xf32, #tpu.memory_space<vmem>> -> memref<80x128xf32, #tpu.memory_space<vmem>>
        %dma_start3A_247 = tpu.memref_slice %arg7[%mul3A_241] : memref<10000xi32, #tpu.memory_space<vmem>> -> memref<80xi32, #tpu.memory_space<vmem>>
        %dma_start3A_248 = arith.constant 0 : i32
        %dma_start3A_249 = arith.constant 0 : i32
        %dma_start3A_250 = tpu.memref_slice %arg2[%dma_start3A_248, %dma_start3A_249] : memref<10000x128xf32, #tpu.memory_space<hbm>> -> memref<10000x128xf32, #tpu.memory_space<hbm>>
        tpu.enqueue_indirect_dma source(%dma_start3A_250 : memref<10000x128xf32, #tpu.memory_space<hbm>>) target(%dma_start3A_246 : memref<80x128xf32, #tpu.memory_space<vmem>>) offsets(%dma_start3A_247 : memref<80xi32, #tpu.memory_space<vmem>>) semaphore(%arg11 : memref<!tpu.dma_semaphore, #tpu.memory_space<semaphore_mem>>)
      } else {
      }
      %add3A_192 = arith.constant 1 : i32
      %add3A_193 = arith.addi %mul3A_92, %add3A_192 : i32
      %mul3A_194 = arith.constant 80 : i32
      %mul3A_195 = arith.muli %add3A_193, %mul3A_194 : i32
      %dma_wait3A_196 = arith.constant 1 : i32
      %dma_wait3A_197 = arith.constant 0 : i32
      %dma_wait3A_198 = arith.constant 0 : i32
      %dma_wait3A_199 = tpu.memref_slice %arg9[%dma_wait3A_196, %dma_wait3A_197, %dma_wait3A_198] : memref<3x80x128xf32, #tpu.memory_space<vmem>> -> memref<1x80x128xf32, #tpu.memory_space<vmem>>
      %dma_wait3A_200 = tpu.memref_squeeze %dma_wait3A_199 : memref<1x80x128xf32, #tpu.memory_space<vmem>> -> memref<80x128xf32, #tpu.memory_space<vmem>>
      %dma_wait3A_201 = tpu.memref_slice %arg8[%mul3A_195] : memref<10000xi32, #tpu.memory_space<vmem>> -> memref<80xi32, #tpu.memory_space<vmem>>
      %dma_wait3A_202 = arith.constant 0 : i32
      %dma_wait3A_203 = arith.constant 0 : i32
      %dma_wait3A_204 = tpu.memref_slice %arg6[%dma_wait3A_202, %dma_wait3A_203] : memref<10000x128xf32, #tpu.memory_space<vmem_shared>> -> memref<10000x128xf32, #tpu.memory_space<vmem_shared>>
      tpu.wait_indirect_dma semaphore(%arg15 : memref<!tpu.dma_semaphore, #tpu.memory_space<semaphore_mem>>) src(%dma_wait3A_200 : memref<80x128xf32, #tpu.memory_space<vmem>>) dst(%dma_wait3A_204 : memref<10000x128xf32, #tpu.memory_space<vmem_shared>>)
      %add3A_205 = arith.constant 1 : i32
      %add3A_206 = arith.addi %mul3A_92, %add3A_205 : i32
      %add3A_207 = arith.constant 3 : i32
      %add3A_208 = arith.addi %add3A_206, %add3A_207 : i32
      %lt3A_209 = arith.constant 125 : i32
      %lt3A_210 = arith.cmpi slt, %add3A_208, %lt3A_209 : i32
      %convert_element_type3A_211 = arith.extui %lt3A_210 : i1 to i32
      %cond3A_212 = arith.constant 0 : i32
      %cond3A_213 = arith.cmpi ne, %convert_element_type3A_211, %cond3A_212 : i32
      scf.if %cond3A_213 {
        %add3A_236 = arith.constant 1 : i32
        %add3A_237 = arith.addi %mul3A_92, %add3A_236 : i32
        %add3A_238 = arith.constant 3 : i32
        %add3A_239 = arith.addi %add3A_237, %add3A_238 : i32
        %mul3A_240 = arith.constant 80 : i32
        %mul3A_241 = arith.muli %add3A_239, %mul3A_240 : i32
        %dma_start3A_242 = arith.constant 1 : i32
        %dma_start3A_243 = arith.constant 0 : i32
        %dma_start3A_244 = arith.constant 0 : i32
        %dma_start3A_245 = tpu.memref_slice %arg9[%dma_start3A_242, %dma_start3A_243, %dma_start3A_244] : memref<3x80x128xf32, #tpu.memory_space<vmem>> -> memref<1x80x128xf32, #tpu.memory_space<vmem>>
        %dma_start3A_246 = tpu.memref_squeeze %dma_start3A_245 : memref<1x80x128xf32, #tpu.memory_space<vmem>> -> memref<80x128xf32, #tpu.memory_space<vmem>>
        %dma_start3A_247 = tpu.memref_slice %arg7[%mul3A_241] : memref<10000xi32, #tpu.memory_space<vmem>> -> memref<80xi32, #tpu.memory_space<vmem>>
        %dma_start3A_248 = arith.constant 0 : i32
        %dma_start3A_249 = arith.constant 0 : i32
        %dma_start3A_250 = tpu.memref_slice %arg2[%dma_start3A_248, %dma_start3A_249] : memref<10000x128xf32, #tpu.memory_space<hbm>> -> memref<10000x128xf32, #tpu.memory_space<hbm>>
        tpu.enqueue_indirect_dma source(%dma_start3A_250 : memref<10000x128xf32, #tpu.memory_space<hbm>>) target(%dma_start3A_246 : memref<80x128xf32, #tpu.memory_space<vmem>>) offsets(%dma_start3A_247 : memref<80xi32, #tpu.memory_space<vmem>>) semaphore(%arg12 : memref<!tpu.dma_semaphore, #tpu.memory_space<semaphore_mem>>)
      } else {
      }
      %add3A_214 = arith.constant 2 : i32
      %add3A_215 = arith.addi %mul3A_92, %add3A_214 : i32
      %mul3A_216 = arith.constant 80 : i32
      %mul3A_217 = arith.muli %add3A_215, %mul3A_216 : i32
      %dma_wait3A_218 = arith.constant 2 : i32
      %dma_wait3A_219 = arith.constant 0 : i32
      %dma_wait3A_220 = arith.constant 0 : i32
      %dma_wait3A_221 = tpu.memref_slice %arg9[%dma_wait3A_218, %dma_wait3A_219, %dma_wait3A_220] : memref<3x80x128xf32, #tpu.memory_space<vmem>> -> memref<1x80x128xf32, #tpu.memory_space<vmem>>
      %dma_wait3A_222 = tpu.memref_squeeze %dma_wait3A_221 : memref<1x80x128xf32, #tpu.memory_space<vmem>> -> memref<80x128xf32, #tpu.memory_space<vmem>>
      %dma_wait3A_223 = tpu.memref_slice %arg8[%mul3A_217] : memref<10000xi32, #tpu.memory_space<vmem>> -> memref<80xi32, #tpu.memory_space<vmem>>
      %dma_wait3A_224 = arith.constant 0 : i32
      %dma_wait3A_225 = arith.constant 0 : i32
      %dma_wait3A_226 = tpu.memref_slice %arg6[%dma_wait3A_224, %dma_wait3A_225] : memref<10000x128xf32, #tpu.memory_space<vmem_shared>> -> memref<10000x128xf32, #tpu.memory_space<vmem_shared>>
      tpu.wait_indirect_dma semaphore(%arg16 : memref<!tpu.dma_semaphore, #tpu.memory_space<semaphore_mem>>) src(%dma_wait3A_222 : memref<80x128xf32, #tpu.memory_space<vmem>>) dst(%dma_wait3A_226 : memref<10000x128xf32, #tpu.memory_space<vmem_shared>>)
      %add3A_227 = arith.constant 2 : i32
      %add3A_228 = arith.addi %mul3A_92, %add3A_227 : i32
      %add3A_229 = arith.constant 3 : i32
      %add3A_230 = arith.addi %add3A_228, %add3A_229 : i32
      %lt3A_231 = arith.constant 125 : i32
      %lt3A_232 = arith.cmpi slt, %add3A_230, %lt3A_231 : i32
      %convert_element_type3A_233 = arith.extui %lt3A_232 : i1 to i32
      %cond3A_234 = arith.constant 0 : i32
      %cond3A_235 = arith.cmpi ne, %convert_element_type3A_233, %cond3A_234 : i32
      scf.if %cond3A_235 {
        %add3A_236 = arith.constant 2 : i32
        %add3A_237 = arith.addi %mul3A_92, %add3A_236 : i32
        %add3A_238 = arith.constant 3 : i32
        %add3A_239 = arith.addi %add3A_237, %add3A_238 : i32
        %mul3A_240 = arith.constant 80 : i32
        %mul3A_241 = arith.muli %add3A_239, %mul3A_240 : i32
        %dma_start3A_242 = arith.constant 2 : i32
        %dma_start3A_243 = arith.constant 0 : i32
        %dma_start3A_244 = arith.constant 0 : i32
        %dma_start3A_245 = tpu.memref_slice %arg9[%dma_start3A_242, %dma_start3A_243, %dma_start3A_244] : memref<3x80x128xf32, #tpu.memory_space<vmem>> -> memref<1x80x128xf32, #tpu.memory_space<vmem>>
        %dma_start3A_246 = tpu.memref_squeeze %dma_start3A_245 : memref<1x80x128xf32, #tpu.memory_space<vmem>> -> memref<80x128xf32, #tpu.memory_space<vmem>>
        %dma_start3A_247 = tpu.memref_slice %arg7[%mul3A_241] : memref<10000xi32, #tpu.memory_space<vmem>> -> memref<80xi32, #tpu.memory_space<vmem>>
        %dma_start3A_248 = arith.constant 0 : i32
        %dma_start3A_249 = arith.constant 0 : i32
        %dma_start3A_250 = tpu.memref_slice %arg2[%dma_start3A_248, %dma_start3A_249] : memref<10000x128xf32, #tpu.memory_space<hbm>> -> memref<10000x128xf32, #tpu.memory_space<hbm>>
        tpu.enqueue_indirect_dma source(%dma_start3A_250 : memref<10000x128xf32, #tpu.memory_space<hbm>>) target(%dma_start3A_246 : memref<80x128xf32, #tpu.memory_space<vmem>>) offsets(%dma_start3A_247 : memref<80xi32, #tpu.memory_space<vmem>>) semaphore(%arg13 : memref<!tpu.dma_semaphore, #tpu.memory_space<semaphore_mem>>)
      } else {
      }
    }
    %scan3A_59 = arith.constant 41 : i32
    %dma_wait3A_60 = arith.constant 0 : i32
    %dma_wait3A_61 = arith.constant 0 : i32
    %dma_wait3A_62 = arith.constant 0 : i32
    %dma_wait3A_63 = tpu.memref_slice %arg9[%dma_wait3A_60, %dma_wait3A_61, %dma_wait3A_62] : memref<3x80x128xf32, #tpu.memory_space<vmem>> -> memref<1x80x128xf32, #tpu.memory_space<vmem>>
    %dma_wait3A_64 = tpu.memref_squeeze %dma_wait3A_63 : memref<1x80x128xf32, #tpu.memory_space<vmem>> -> memref<80x128xf32, #tpu.memory_space<vmem>>
    %dma_wait3A_65 = arith.constant 9840 : i32
    %dma_wait3A_66 = tpu.memref_slice %arg7[%dma_wait3A_65] : memref<10000xi32, #tpu.memory_space<vmem>> -> memref<80xi32, #tpu.memory_space<vmem>>
    %dma_wait3A_67 = arith.constant 0 : i32
    %dma_wait3A_68 = arith.constant 0 : i32
    %dma_wait3A_69 = tpu.memref_slice %arg2[%dma_wait3A_67, %dma_wait3A_68] : memref<10000x128xf32, #tpu.memory_space<hbm>> -> memref<10000x128xf32, #tpu.memory_space<hbm>>
    tpu.wait_indirect_dma semaphore(%arg11 : memref<!tpu.dma_semaphore, #tpu.memory_space<semaphore_mem>>) src(%dma_wait3A_69 : memref<10000x128xf32, #tpu.memory_space<hbm>>) dst(%dma_wait3A_64 : memref<80x128xf32, #tpu.memory_space<vmem>>)
    %run_scoped3A = arith.constant 0 : i32
    "tpu.region"() ({
      %run_scoped3A_90 = tpu.sem_alloc : memref<!tpu.dma_semaphore, #tpu.memory_space<semaphore_mem>>
      %dma_start3A_91 = arith.constant 0 : i32
      %dma_start3A_92 = arith.constant 0 : i32
      %dma_start3A_93 = tpu.memref_slice %arg9[%run_scoped3A, %dma_start3A_91, %dma_start3A_92] : memref<3x80x128xf32, #tpu.memory_space<vmem>> -> memref<1x80x128xf32, #tpu.memory_space<vmem>>
      %dma_start3A_94 = tpu.memref_squeeze %dma_start3A_93 : memref<1x80x128xf32, #tpu.memory_space<vmem>> -> memref<80x128xf32, #tpu.memory_space<vmem>>
      %dma_start3A_95 = arith.constant 9840 : i32
      %dma_start3A_96 = tpu.memref_slice %arg8[%dma_start3A_95] : memref<10000xi32, #tpu.memory_space<vmem>> -> memref<80xi32, #tpu.memory_space<vmem>>
      %dma_start3A_97 = arith.constant 0 : i32
      %dma_start3A_98 = arith.constant 0 : i32
      %dma_start3A_99 = tpu.memref_slice %arg6[%dma_start3A_97, %dma_start3A_98] : memref<10000x128xf32, #tpu.memory_space<vmem_shared>> -> memref<10000x128xf32, #tpu.memory_space<vmem_shared>>
      tpu.enqueue_indirect_dma source(%dma_start3A_94 : memref<80x128xf32, #tpu.memory_space<vmem>>) target(%dma_start3A_99 : memref<10000x128xf32, #tpu.memory_space<vmem_shared>>) offsets(%dma_start3A_96 : memref<80xi32, #tpu.memory_space<vmem>>) semaphore(%run_scoped3A_90 : memref<!tpu.dma_semaphore, #tpu.memory_space<semaphore_mem>>) {add = true}
      %dma_wait3A_100 = arith.constant 0 : i32
      %dma_wait3A_101 = arith.constant 0 : i32
      %dma_wait3A_102 = tpu.memref_slice %arg9[%run_scoped3A, %dma_wait3A_100, %dma_wait3A_101] : memref<3x80x128xf32, #tpu.memory_space<vmem>> -> memref<1x80x128xf32, #tpu.memory_space<vmem>>
      %dma_wait3A_103 = tpu.memref_squeeze %dma_wait3A_102 : memref<1x80x128xf32, #tpu.memory_space<vmem>> -> memref<80x128xf32, #tpu.memory_space<vmem>>
      %dma_wait3A_104 = arith.constant 9840 : i32
      %dma_wait3A_105 = tpu.memref_slice %arg8[%dma_wait3A_104] : memref<10000xi32, #tpu.memory_space<vmem>> -> memref<80xi32, #tpu.memory_space<vmem>>
      %dma_wait3A_106 = arith.constant 0 : i32
      %dma_wait3A_107 = arith.constant 0 : i32
      %dma_wait3A_108 = tpu.memref_slice %arg6[%dma_wait3A_106, %dma_wait3A_107] : memref<10000x128xf32, #tpu.memory_space<vmem_shared>> -> memref<10000x128xf32, #tpu.memory_space<vmem_shared>>
      tpu.wait_indirect_dma semaphore(%run_scoped3A_90 : memref<!tpu.dma_semaphore, #tpu.memory_space<semaphore_mem>>) src(%dma_wait3A_103 : memref<80x128xf32, #tpu.memory_space<vmem>>) dst(%dma_wait3A_108 : memref<10000x128xf32, #tpu.memory_space<vmem_shared>>)
      tpu.yield
    }) : () -> ()
    %dma_wait3A_70 = arith.constant 1 : i32
    %dma_wait3A_71 = arith.constant 0 : i32
    %dma_wait3A_72 = arith.constant 0 : i32
    %dma_wait3A_73 = tpu.memref_slice %arg9[%dma_wait3A_70, %dma_wait3A_71, %dma_wait3A_72] : memref<3x80x128xf32, #tpu.memory_space<vmem>> -> memref<1x80x128xf32, #tpu.memory_space<vmem>>
    %dma_wait3A_74 = tpu.memref_squeeze %dma_wait3A_73 : memref<1x80x128xf32, #tpu.memory_space<vmem>> -> memref<80x128xf32, #tpu.memory_space<vmem>>
    %dma_wait3A_75 = arith.constant 9920 : i32
    %dma_wait3A_76 = tpu.memref_slice %arg7[%dma_wait3A_75] : memref<10000xi32, #tpu.memory_space<vmem>> -> memref<80xi32, #tpu.memory_space<vmem>>
    %dma_wait3A_77 = arith.constant 0 : i32
    %dma_wait3A_78 = arith.constant 0 : i32
    %dma_wait3A_79 = tpu.memref_slice %arg2[%dma_wait3A_77, %dma_wait3A_78] : memref<10000x128xf32, #tpu.memory_space<hbm>> -> memref<10000x128xf32, #tpu.memory_space<hbm>>
    tpu.wait_indirect_dma semaphore(%arg12 : memref<!tpu.dma_semaphore, #tpu.memory_space<semaphore_mem>>) src(%dma_wait3A_79 : memref<10000x128xf32, #tpu.memory_space<hbm>>) dst(%dma_wait3A_74 : memref<80x128xf32, #tpu.memory_space<vmem>>)
    %run_scoped3A_80 = arith.constant 1 : i32
    "tpu.region"() ({
      %run_scoped3A_90 = tpu.sem_alloc : memref<!tpu.dma_semaphore, #tpu.memory_space<semaphore_mem>>
      %dma_start3A_91 = arith.constant 0 : i32
      %dma_start3A_92 = arith.constant 0 : i32
      %dma_start3A_93 = tpu.memref_slice %arg9[%run_scoped3A_80, %dma_start3A_91, %dma_start3A_92] : memref<3x80x128xf32, #tpu.memory_space<vmem>> -> memref<1x80x128xf32, #tpu.memory_space<vmem>>
      %dma_start3A_94 = tpu.memref_squeeze %dma_start3A_93 : memref<1x80x128xf32, #tpu.memory_space<vmem>> -> memref<80x128xf32, #tpu.memory_space<vmem>>
      %dma_start3A_95 = arith.constant 9920 : i32
      %dma_start3A_96 = tpu.memref_slice %arg8[%dma_start3A_95] : memref<10000xi32, #tpu.memory_space<vmem>> -> memref<80xi32, #tpu.memory_space<vmem>>
      %dma_start3A_97 = arith.constant 0 : i32
      %dma_start3A_98 = arith.constant 0 : i32
      %dma_start3A_99 = tpu.memref_slice %arg6[%dma_start3A_97, %dma_start3A_98] : memref<10000x128xf32, #tpu.memory_space<vmem_shared>> -> memref<10000x128xf32, #tpu.memory_space<vmem_shared>>
      tpu.enqueue_indirect_dma source(%dma_start3A_94 : memref<80x128xf32, #tpu.memory_space<vmem>>) target(%dma_start3A_99 : memref<10000x128xf32, #tpu.memory_space<vmem_shared>>) offsets(%dma_start3A_96 : memref<80xi32, #tpu.memory_space<vmem>>) semaphore(%run_scoped3A_90 : memref<!tpu.dma_semaphore, #tpu.memory_space<semaphore_mem>>) {add = true}
      %dma_wait3A_100 = arith.constant 0 : i32
      %dma_wait3A_101 = arith.constant 0 : i32
      %dma_wait3A_102 = tpu.memref_slice %arg9[%run_scoped3A_80, %dma_wait3A_100, %dma_wait3A_101] : memref<3x80x128xf32, #tpu.memory_space<vmem>> -> memref<1x80x128xf32, #tpu.memory_space<vmem>>
      %dma_wait3A_103 = tpu.memref_squeeze %dma_wait3A_102 : memref<1x80x128xf32, #tpu.memory_space<vmem>> -> memref<80x128xf32, #tpu.memory_space<vmem>>
      %dma_wait3A_104 = arith.constant 9920 : i32
      %dma_wait3A_105 = tpu.memref_slice %arg8[%dma_wait3A_104] : memref<10000xi32, #tpu.memory_space<vmem>> -> memref<80xi32, #tpu.memory_space<vmem>>
      %dma_wait3A_106 = arith.constant 0 : i32
      %dma_wait3A_107 = arith.constant 0 : i32
      %dma_wait3A_108 = tpu.memref_slice %arg6[%dma_wait3A_106, %dma_wait3A_107] : memref<10000x128xf32, #tpu.memory_space<vmem_shared>> -> memref<10000x128xf32, #tpu.memory_space<vmem_shared>>
      tpu.wait_indirect_dma semaphore(%run_scoped3A_90 : memref<!tpu.dma_semaphore, #tpu.memory_space<semaphore_mem>>) src(%dma_wait3A_103 : memref<80x128xf32, #tpu.memory_space<vmem>>) dst(%dma_wait3A_108 : memref<10000x128xf32, #tpu.memory_space<vmem_shared>>)
      tpu.yield
    }) : () -> ()
    %barrier3A_81 = arith.constant 0 : index
    tpu.barrier barrier_id(%barrier3A_81)
    %not3A_82 = arith.constant true
    %not3A_83 = arith.xori %eq3A_3, %not3A_82 : i1
    %convert_element_type3A_84 = arith.extui %not3A_83 : i1 to i32
    %cond3A_85 = arith.constant 0 : i32
    %cond3A_86 = arith.cmpi ne, %convert_element_type3A_84, %cond3A_85 : i32
    scf.if %cond3A_86 {
      %mul3A_90 = arith.constant 10000 : i32
      %mul3A_91 = arith.muli %arg0, %mul3A_90 : i32
      %add3A_92 = arith.addi %mul3A_91, %mul3A_2 : i32
      "tpu.region"() ({
        %run_scoped3A_93 = tpu.sem_alloc : memref<!tpu.dma_semaphore, #tpu.memory_space<semaphore_mem>>
        %dma_start3A_94 = arith.constant 0 : i32
        %dma_start3A_95 = tpu.memref_slice %arg5[%add3A_92, %dma_start3A_94] : memref<20000x128xf32, #tpu.memory_space<hbm>> -> memref<624x128xf32, #tpu.memory_space<hbm>>
        %dma_start3A_96 = arith.constant 0 : i32
        %dma_start3A_97 = tpu.memref_slice %arg6[%mul3A_2, %dma_start3A_96] : memref<10000x128xf32, #tpu.memory_space<vmem_shared>> -> memref<624x128xf32, #tpu.memory_space<vmem_shared>>
        tpu.enqueue_dma source(%dma_start3A_97 : memref<624x128xf32, #tpu.memory_space<vmem_shared>>) target(%dma_start3A_95 : memref<624x128xf32, #tpu.memory_space<hbm>>) target_semaphore(%run_scoped3A_93 : memref<!tpu.dma_semaphore, #tpu.memory_space<semaphore_mem>>)
        %dma_wait3A_98 = arith.constant 0 : i32
        %dma_wait3A_99 = tpu.memref_slice %arg5[%add3A_92, %dma_wait3A_98] : memref<20000x128xf32, #tpu.memory_space<hbm>> -> memref<624x128xf32, #tpu.memory_space<hbm>>
        %dma_wait3A_100 = arith.constant 0 : i32
        %dma_wait3A_101 = tpu.memref_slice %arg6[%mul3A_2, %dma_wait3A_100] : memref<10000x128xf32, #tpu.memory_space<vmem_shared>> -> memref<624x128xf32, #tpu.memory_space<vmem_shared>>
        tpu.wait_dma2 semaphore(%run_scoped3A_93 : memref<!tpu.dma_semaphore, #tpu.memory_space<semaphore_mem>>) src(%dma_wait3A_101 : memref<624x128xf32, #tpu.memory_space<vmem_shared>>) dst(%dma_wait3A_99 : memref<624x128xf32, #tpu.memory_space<hbm>>)
        tpu.yield
      }) : () -> ()
    } else {
    }
    %convert_element_type3A_87 = arith.extui %eq3A_3 : i1 to i32
    %cond3A_88 = arith.constant 0 : i32
    %cond3A_89 = arith.cmpi ne, %convert_element_type3A_87, %cond3A_88 : i32
    scf.if %cond3A_89 {
      %mul3A_90 = arith.constant 10000 : i32
      %mul3A_91 = arith.muli %arg0, %mul3A_90 : i32
      %add3A_92 = arith.addi %mul3A_91, %mul3A_2 : i32
      "tpu.region"() ({
        %run_scoped3A_93 = tpu.sem_alloc : memref<!tpu.dma_semaphore, #tpu.memory_space<semaphore_mem>>
        %dma_start3A_94 = arith.constant 0 : i32
        %dma_start3A_95 = tpu.memref_slice %arg5[%add3A_92, %dma_start3A_94] : memref<20000x128xf32, #tpu.memory_space<hbm>> -> memref<640x128xf32, #tpu.memory_space<hbm>>
        %dma_start3A_96 = arith.constant 0 : i32
        %dma_start3A_97 = tpu.memref_slice %arg6[%mul3A_2, %dma_start3A_96] : memref<10000x128xf32, #tpu.memory_space<vmem_shared>> -> memref<640x128xf32, #tpu.memory_space<vmem_shared>>
        tpu.enqueue_dma source(%dma_start3A_97 : memref<640x128xf32, #tpu.memory_space<vmem_shared>>) target(%dma_start3A_95 : memref<640x128xf32, #tpu.memory_space<hbm>>) target_semaphore(%run_scoped3A_93 : memref<!tpu.dma_semaphore, #tpu.memory_space<semaphore_mem>>)
        %dma_wait3A_98 = arith.constant 0 : i32
        %dma_wait3A_99 = tpu.memref_slice %arg5[%add3A_92, %dma_wait3A_98] : memref<20000x128xf32, #tpu.memory_space<hbm>> -> memref<640x128xf32, #tpu.memory_space<hbm>>
        %dma_wait3A_100 = arith.constant 0 : i32
        %dma_wait3A_101 = tpu.memref_slice %arg6[%mul3A_2, %dma_wait3A_100] : memref<10000x128xf32, #tpu.memory_space<vmem_shared>> -> memref<640x128xf32, #tpu.memory_space<vmem_shared>>
        tpu.wait_dma2 semaphore(%run_scoped3A_93 : memref<!tpu.dma_semaphore, #tpu.memory_space<semaphore_mem>>) src(%dma_wait3A_101 : memref<640x128xf32, #tpu.memory_space<vmem_shared>>) dst(%dma_wait3A_99 : memref<640x128xf32, #tpu.memory_space<hbm>>)
        tpu.yield
      }) : () -> ()
    } else {
    }
    return
  }
}

#map = affine_map<(d0, d1) -> (0)>
#map1 = affine_map<(d0, d1) -> (0, 0)>
module attributes {stable_mosaic.version = 14 : i64} {
  func.func @_sc_counts(%arg0: i32, %arg1: i32, %arg2: memref<320000xi32, #tpu.memory_space<hbm>>, %arg3: memref<20000x128xf32, #tpu.memory_space<hbm>>, %arg4: memref<10000x128xf32, #tpu.memory_space<vmem_shared>>, %arg5: memref<10000xi32, #tpu.memory_space<vmem>>, %arg6: memref<80x128xf32, #tpu.memory_space<vmem>>, %arg7: memref<80x128xf32, #tpu.memory_space<vmem>>, %arg8: memref<!tpu.dma_semaphore, #tpu.memory_space<semaphore_mem>>, %arg9: memref<!tpu.dma_semaphore, #tpu.memory_space<semaphore_mem>>, %arg10: memref<!tpu.dma_semaphore, #tpu.memory_space<semaphore_mem>>, %arg11: memref<!tpu.dma_semaphore, #tpu.memory_space<semaphore_mem>>) attributes {dimension_semantics = [#tpu.dimension_semantics<core_parallel>, #tpu.dimension_semantics<subcore_parallel>], iteration_bounds = array<i64: 2, 16>, scalar_prefetch = 0 : i64, scratch_operands = 8 : i64, tpu.core_type = #tpu.core_type<sc_vector_subcore>, window_params = [{transform_indices = #map}, {transform_indices = #map1}]} {
    %mul3A = arith.constant 16 : i32
    %mul3A_0 = arith.muli %arg0, %mul3A : i32
    %add3A = arith.addi %mul3A_0, %arg1 : i32
    %mul3A_1 = arith.constant 624 : i32
    %mul3A_2 = arith.muli %arg1, %mul3A_1 : i32
    %eq3A = arith.constant 15 : i32
    %eq3A_3 = arith.cmpi eq, %arg1, %eq3A : i32
    %mul3A_4 = arith.constant 10000 : i32
    %mul3A_5 = arith.muli %add3A, %mul3A_4 : i32
    %dma_start3A = tpu.memref_slice %arg2[%mul3A_5] : memref<320000xi32, #tpu.memory_space<hbm>> -> memref<10000xi32, #tpu.memory_space<hbm>>
    %dma_start3A_6 = tpu.memref_slice %arg2[%mul3A_5] : memref<320000xi32, #tpu.memory_space<hbm>> -> memref<10000xi32, #tpu.memory_space<hbm>>
    tpu.enqueue_dma source(%dma_start3A_6 : memref<10000xi32, #tpu.memory_space<hbm>>) target(%arg5 : memref<10000xi32, #tpu.memory_space<vmem>>) target_semaphore(%arg8 : memref<!tpu.dma_semaphore, #tpu.memory_space<semaphore_mem>>)
    %broadcast_in_dim3A = arith.constant 0.000000e+00 : f32
    %broadcast_in_dim3A_7 = vector.broadcast %broadcast_in_dim3A : f32 to vector<16xf32>
    %scan3A = arith.constant 0 : i32
    %scan3A_8 = arith.constant 0 : i32
    %scan3A_9 = arith.constant 640 : i32
    %scan3A_10 = arith.addi %scan3A_8, %scan3A_9 : i32
    %scan3A_11 = arith.constant 1 : i32
    scf.for %scan3A_67 = %scan3A_8 to %scan3A_10 step %scan3A_11  : i32 {
      %jit3A = arith.constant 8 : i32
      %div3A = arith.divsi %scan3A_67, %jit3A : i32
      %sign3A = arith.constant 0 : i32
      %sign3A_68 = arith.cmpi sgt, %scan3A_67, %sign3A : i32
      %sign3A_69 = arith.extui %sign3A_68 : i1 to i32
      %sign3A_70 = arith.constant 0 : i32
      %sign3A_71 = arith.cmpi slt, %scan3A_67, %sign3A_70 : i32
      %sign3A_72 = arith.extui %sign3A_71 : i1 to i32
      %sign3A_73 = arith.subi %sign3A_69, %sign3A_72 : i32
      %sign3A_74 = arith.constant 0 : i32
      %sign3A_75 = arith.cmpi sgt, %jit3A, %sign3A_74 : i32
      %sign3A_76 = arith.extui %sign3A_75 : i1 to i32
      %sign3A_77 = arith.constant 0 : i32
      %sign3A_78 = arith.cmpi slt, %jit3A, %sign3A_77 : i32
      %sign3A_79 = arith.extui %sign3A_78 : i1 to i32
      %sign3A_80 = arith.subi %sign3A_76, %sign3A_79 : i32
      %ne3A = arith.cmpi ne, %sign3A_73, %sign3A_80 : i32
      %rem3A = arith.remsi %scan3A_67, %jit3A : i32
      %ne3A_81 = arith.constant 0 : i32
      %ne3A_82 = arith.cmpi ne, %rem3A, %ne3A_81 : i32
      %and3A = arith.andi %ne3A, %ne3A_82 : i1
      %sub3A = arith.constant 1 : i32
      %sub3A_83 = arith.subi %div3A, %sub3A : i32
      %select_n3A = arith.select %and3A, %sub3A_83, %div3A : i32
      %jit3A_84 = arith.constant 8 : i32
      %eq3A_85 = arith.constant 0 : i32
      %eq3A_86 = arith.cmpi eq, %jit3A_84, %eq3A_85 : i32
      %jit3A_87 = arith.constant 1 : i32
      %select_n3A_88 = arith.select %eq3A_86, %jit3A_87, %jit3A_84 : i32
      %rem3A_89 = arith.remsi %scan3A_67, %select_n3A_88 : i32
      %ne3A_90 = arith.constant 0 : i32
      %ne3A_91 = arith.cmpi ne, %rem3A_89, %ne3A_90 : i32
      %lt3A = arith.constant 0 : i32
      %lt3A_92 = arith.cmpi slt, %rem3A_89, %lt3A : i32
      %lt3A_93 = arith.constant 0 : i32
      %lt3A_94 = arith.cmpi slt, %select_n3A_88, %lt3A_93 : i32
      %ne3A_95 = arith.xori %lt3A_92, %lt3A_94 : i1
      %and3A_96 = arith.andi %ne3A_95, %ne3A_91 : i1
      %add3A_97 = arith.addi %rem3A_89, %select_n3A_88 : i32
      %select_n3A_98 = arith.select %and3A_96, %add3A_97, %rem3A_89 : i32
      %mul3A_99 = arith.constant 16 : i32
      %mul3A_100 = arith.muli %select_n3A_98, %mul3A_99 : i32
      %swap3A = arith.index_cast %select_n3A : i32 to index
      %swap3A_101 = arith.index_cast %mul3A_100 : i32 to index
      %swap3A_102 = tpu.vector_load %arg7[%swap3A, %swap3A_101] {strides = array<i32>} : memref<80x128xf32, #tpu.memory_space<vmem>>, vector<1x16xf32>,
      %swap3A_103 = vector.shape_cast %swap3A_102 : vector<1x16xf32> to vector<16xf32>
      %swap3A_104 = vector.shape_cast %broadcast_in_dim3A_7 : vector<16xf32> to vector<1x16xf32>
      tpu.vector_store %arg7[%swap3A, %swap3A_101], %swap3A_104 {strides = array<i32>} : memref<80x128xf32, #tpu.memory_space<vmem>>, vector<1x16xf32>,
    }
    %scan3A_12 = arith.constant 640 : i32
    %broadcast_in_dim3A_13 = arith.constant 1.000000e+00 : f32
    %broadcast_in_dim3A_14 = vector.broadcast %broadcast_in_dim3A_13 : f32 to vector<16xf32>
    %scan3A_15 = arith.constant 0 : i32
    %scan3A_16 = arith.constant 0 : i32
    %scan3A_17 = arith.constant 640 : i32
    %scan3A_18 = arith.addi %scan3A_16, %scan3A_17 : i32
    %scan3A_19 = arith.constant 1 : i32
    scf.for %scan3A_67 = %scan3A_16 to %scan3A_18 step %scan3A_19  : i32 {
      %jit3A = arith.constant 8 : i32
      %div3A = arith.divsi %scan3A_67, %jit3A : i32
      %sign3A = arith.constant 0 : i32
      %sign3A_68 = arith.cmpi sgt, %scan3A_67, %sign3A : i32
      %sign3A_69 = arith.extui %sign3A_68 : i1 to i32
      %sign3A_70 = arith.constant 0 : i32
      %sign3A_71 = arith.cmpi slt, %scan3A_67, %sign3A_70 : i32
      %sign3A_72 = arith.extui %sign3A_71 : i1 to i32
      %sign3A_73 = arith.subi %sign3A_69, %sign3A_72 : i32
      %sign3A_74 = arith.constant 0 : i32
      %sign3A_75 = arith.cmpi sgt, %jit3A, %sign3A_74 : i32
      %sign3A_76 = arith.extui %sign3A_75 : i1 to i32
      %sign3A_77 = arith.constant 0 : i32
      %sign3A_78 = arith.cmpi slt, %jit3A, %sign3A_77 : i32
      %sign3A_79 = arith.extui %sign3A_78 : i1 to i32
      %sign3A_80 = arith.subi %sign3A_76, %sign3A_79 : i32
      %ne3A = arith.cmpi ne, %sign3A_73, %sign3A_80 : i32
      %rem3A = arith.remsi %scan3A_67, %jit3A : i32
      %ne3A_81 = arith.constant 0 : i32
      %ne3A_82 = arith.cmpi ne, %rem3A, %ne3A_81 : i32
      %and3A = arith.andi %ne3A, %ne3A_82 : i1
      %sub3A = arith.constant 1 : i32
      %sub3A_83 = arith.subi %div3A, %sub3A : i32
      %select_n3A = arith.select %and3A, %sub3A_83, %div3A : i32
      %jit3A_84 = arith.constant 8 : i32
      %eq3A_85 = arith.constant 0 : i32
      %eq3A_86 = arith.cmpi eq, %jit3A_84, %eq3A_85 : i32
      %jit3A_87 = arith.constant 1 : i32
      %select_n3A_88 = arith.select %eq3A_86, %jit3A_87, %jit3A_84 : i32
      %rem3A_89 = arith.remsi %scan3A_67, %select_n3A_88 : i32
      %ne3A_90 = arith.constant 0 : i32
      %ne3A_91 = arith.cmpi ne, %rem3A_89, %ne3A_90 : i32
      %lt3A = arith.constant 0 : i32
      %lt3A_92 = arith.cmpi slt, %rem3A_89, %lt3A : i32
      %lt3A_93 = arith.constant 0 : i32
      %lt3A_94 = arith.cmpi slt, %select_n3A_88, %lt3A_93 : i32
      %ne3A_95 = arith.xori %lt3A_92, %lt3A_94 : i1
      %and3A_96 = arith.andi %ne3A_95, %ne3A_91 : i1
      %add3A_97 = arith.addi %rem3A_89, %select_n3A_88 : i32
      %select_n3A_98 = arith.select %and3A_96, %add3A_97, %rem3A_89 : i32
      %mul3A_99 = arith.constant 16 : i32
      %mul3A_100 = arith.muli %select_n3A_98, %mul3A_99 : i32
      %swap3A = arith.index_cast %select_n3A : i32 to index
      %swap3A_101 = arith.index_cast %mul3A_100 : i32 to index
      %swap3A_102 = tpu.vector_load %arg6[%swap3A, %swap3A_101] {strides = array<i32>} : memref<80x128xf32, #tpu.memory_space<vmem>>, vector<1x16xf32>,
      %swap3A_103 = vector.shape_cast %swap3A_102 : vector<1x16xf32> to vector<16xf32>
      %swap3A_104 = vector.shape_cast %broadcast_in_dim3A_14 : vector<16xf32> to vector<1x16xf32>
      tpu.vector_store %arg6[%swap3A, %swap3A_101], %swap3A_104 {strides = array<i32>} : memref<80x128xf32, #tpu.memory_space<vmem>>, vector<1x16xf32>,
    }
    %scan3A_20 = arith.constant 640 : i32
    %not3A = arith.constant true
    %not3A_21 = arith.xori %eq3A_3, %not3A : i1
    %convert_element_type3A = arith.extui %not3A_21 : i1 to i32
    %cond3A = arith.constant 0 : i32
    %cond3A_22 = arith.cmpi ne, %convert_element_type3A, %cond3A : i32
    scf.if %cond3A_22 {
      %add3A_67 = arith.constant 0 : i32
      %add3A_68 = arith.addi %mul3A_2, %add3A_67 : i32
      "tpu.region"() ({
        %run_scoped3A = tpu.sem_alloc : memref<!tpu.dma_semaphore, #tpu.memory_space<semaphore_mem>>
        %dma_start3A_83 = arith.constant 0 : i32
        %dma_start3A_84 = tpu.memref_slice %arg4[%add3A_68, %dma_start3A_83] : memref<10000x128xf32, #tpu.memory_space<vmem_shared>> -> memref<80x128xf32, #tpu.memory_space<vmem_shared>>
        %dma_start3A_85 = arith.constant 0 : i32
        %dma_start3A_86 = tpu.memref_slice %arg4[%add3A_68, %dma_start3A_85] : memref<10000x128xf32, #tpu.memory_space<vmem_shared>> -> memref<80x128xf32, #tpu.memory_space<vmem_shared>>
        tpu.enqueue_dma source(%arg7 : memref<80x128xf32, #tpu.memory_space<vmem>>) target(%dma_start3A_86 : memref<80x128xf32, #tpu.memory_space<vmem_shared>>) target_semaphore(%run_scoped3A : memref<!tpu.dma_semaphore, #tpu.memory_space<semaphore_mem>>)
        %dma_wait3A_87 = arith.constant 0 : i32
        %dma_wait3A_88 = tpu.memref_slice %arg4[%add3A_68, %dma_wait3A_87] : memref<10000x128xf32, #tpu.memory_space<vmem_shared>> -> memref<80x128xf32, #tpu.memory_space<vmem_shared>>
        %dma_wait3A_89 = arith.constant 0 : i32
        %dma_wait3A_90 = tpu.memref_slice %arg4[%add3A_68, %dma_wait3A_89] : memref<10000x128xf32, #tpu.memory_space<vmem_shared>> -> memref<80x128xf32, #tpu.memory_space<vmem_shared>>
        tpu.wait_dma2 semaphore(%run_scoped3A : memref<!tpu.dma_semaphore, #tpu.memory_space<semaphore_mem>>) src(%arg7 : memref<80x128xf32, #tpu.memory_space<vmem>>) dst(%dma_wait3A_90 : memref<80x128xf32, #tpu.memory_space<vmem_shared>>)
        tpu.yield
      }) : () -> ()
      %add3A_69 = arith.constant 80 : i32
      %add3A_70 = arith.addi %mul3A_2, %add3A_69 : i32
      "tpu.region"() ({
        %run_scoped3A = tpu.sem_alloc : memref<!tpu.dma_semaphore, #tpu.memory_space<semaphore_mem>>
        %dma_start3A_83 = arith.constant 0 : i32
        %dma_start3A_84 = tpu.memref_slice %arg4[%add3A_70, %dma_start3A_83] : memref<10000x128xf32, #tpu.memory_space<vmem_shared>> -> memref<80x128xf32, #tpu.memory_space<vmem_shared>>
        %dma_start3A_85 = arith.constant 0 : i32
        %dma_start3A_86 = tpu.memref_slice %arg4[%add3A_70, %dma_start3A_85] : memref<10000x128xf32, #tpu.memory_space<vmem_shared>> -> memref<80x128xf32, #tpu.memory_space<vmem_shared>>
        tpu.enqueue_dma source(%arg7 : memref<80x128xf32, #tpu.memory_space<vmem>>) target(%dma_start3A_86 : memref<80x128xf32, #tpu.memory_space<vmem_shared>>) target_semaphore(%run_scoped3A : memref<!tpu.dma_semaphore, #tpu.memory_space<semaphore_mem>>)
        %dma_wait3A_87 = arith.constant 0 : i32
        %dma_wait3A_88 = tpu.memref_slice %arg4[%add3A_70, %dma_wait3A_87] : memref<10000x128xf32, #tpu.memory_space<vmem_shared>> -> memref<80x128xf32, #tpu.memory_space<vmem_shared>>
        %dma_wait3A_89 = arith.constant 0 : i32
        %dma_wait3A_90 = tpu.memref_slice %arg4[%add3A_70, %dma_wait3A_89] : memref<10000x128xf32, #tpu.memory_space<vmem_shared>> -> memref<80x128xf32, #tpu.memory_space<vmem_shared>>
        tpu.wait_dma2 semaphore(%run_scoped3A : memref<!tpu.dma_semaphore, #tpu.memory_space<semaphore_mem>>) src(%arg7 : memref<80x128xf32, #tpu.memory_space<vmem>>) dst(%dma_wait3A_90 : memref<80x128xf32, #tpu.memory_space<vmem_shared>>)
        tpu.yield
      }) : () -> ()
      %add3A_71 = arith.constant 160 : i32
      %add3A_72 = arith.addi %mul3A_2, %add3A_71 : i32
      "tpu.region"() ({
        %run_scoped3A = tpu.sem_alloc : memref<!tpu.dma_semaphore, #tpu.memory_space<semaphore_mem>>
        %dma_start3A_83 = arith.constant 0 : i32
        %dma_start3A_84 = tpu.memref_slice %arg4[%add3A_72, %dma_start3A_83] : memref<10000x128xf32, #tpu.memory_space<vmem_shared>> -> memref<80x128xf32, #tpu.memory_space<vmem_shared>>
        %dma_start3A_85 = arith.constant 0 : i32
        %dma_start3A_86 = tpu.memref_slice %arg4[%add3A_72, %dma_start3A_85] : memref<10000x128xf32, #tpu.memory_space<vmem_shared>> -> memref<80x128xf32, #tpu.memory_space<vmem_shared>>
        tpu.enqueue_dma source(%arg7 : memref<80x128xf32, #tpu.memory_space<vmem>>) target(%dma_start3A_86 : memref<80x128xf32, #tpu.memory_space<vmem_shared>>) target_semaphore(%run_scoped3A : memref<!tpu.dma_semaphore, #tpu.memory_space<semaphore_mem>>)
        %dma_wait3A_87 = arith.constant 0 : i32
        %dma_wait3A_88 = tpu.memref_slice %arg4[%add3A_72, %dma_wait3A_87] : memref<10000x128xf32, #tpu.memory_space<vmem_shared>> -> memref<80x128xf32, #tpu.memory_space<vmem_shared>>
        %dma_wait3A_89 = arith.constant 0 : i32
        %dma_wait3A_90 = tpu.memref_slice %arg4[%add3A_72, %dma_wait3A_89] : memref<10000x128xf32, #tpu.memory_space<vmem_shared>> -> memref<80x128xf32, #tpu.memory_space<vmem_shared>>
        tpu.wait_dma2 semaphore(%run_scoped3A : memref<!tpu.dma_semaphore, #tpu.memory_space<semaphore_mem>>) src(%arg7 : memref<80x128xf32, #tpu.memory_space<vmem>>) dst(%dma_wait3A_90 : memref<80x128xf32, #tpu.memory_space<vmem_shared>>)
        tpu.yield
      }) : () -> ()
      %add3A_73 = arith.constant 240 : i32
      %add3A_74 = arith.addi %mul3A_2, %add3A_73 : i32
      "tpu.region"() ({
        %run_scoped3A = tpu.sem_alloc : memref<!tpu.dma_semaphore, #tpu.memory_space<semaphore_mem>>
        %dma_start3A_83 = arith.constant 0 : i32
        %dma_start3A_84 = tpu.memref_slice %arg4[%add3A_74, %dma_start3A_83] : memref<10000x128xf32, #tpu.memory_space<vmem_shared>> -> memref<80x128xf32, #tpu.memory_space<vmem_shared>>
        %dma_start3A_85 = arith.constant 0 : i32
        %dma_start3A_86 = tpu.memref_slice %arg4[%add3A_74, %dma_start3A_85] : memref<10000x128xf32, #tpu.memory_space<vmem_shared>> -> memref<80x128xf32, #tpu.memory_space<vmem_shared>>
        tpu.enqueue_dma source(%arg7 : memref<80x128xf32, #tpu.memory_space<vmem>>) target(%dma_start3A_86 : memref<80x128xf32, #tpu.memory_space<vmem_shared>>) target_semaphore(%run_scoped3A : memref<!tpu.dma_semaphore, #tpu.memory_space<semaphore_mem>>)
        %dma_wait3A_87 = arith.constant 0 : i32
        %dma_wait3A_88 = tpu.memref_slice %arg4[%add3A_74, %dma_wait3A_87] : memref<10000x128xf32, #tpu.memory_space<vmem_shared>> -> memref<80x128xf32, #tpu.memory_space<vmem_shared>>
        %dma_wait3A_89 = arith.constant 0 : i32
        %dma_wait3A_90 = tpu.memref_slice %arg4[%add3A_74, %dma_wait3A_89] : memref<10000x128xf32, #tpu.memory_space<vmem_shared>> -> memref<80x128xf32, #tpu.memory_space<vmem_shared>>
        tpu.wait_dma2 semaphore(%run_scoped3A : memref<!tpu.dma_semaphore, #tpu.memory_space<semaphore_mem>>) src(%arg7 : memref<80x128xf32, #tpu.memory_space<vmem>>) dst(%dma_wait3A_90 : memref<80x128xf32, #tpu.memory_space<vmem_shared>>)
        tpu.yield
      }) : () -> ()
      %add3A_75 = arith.constant 320 : i32
      %add3A_76 = arith.addi %mul3A_2, %add3A_75 : i32
      "tpu.region"() ({
        %run_scoped3A = tpu.sem_alloc : memref<!tpu.dma_semaphore, #tpu.memory_space<semaphore_mem>>
        %dma_start3A_83 = arith.constant 0 : i32
        %dma_start3A_84 = tpu.memref_slice %arg4[%add3A_76, %dma_start3A_83] : memref<10000x128xf32, #tpu.memory_space<vmem_shared>> -> memref<80x128xf32, #tpu.memory_space<vmem_shared>>
        %dma_start3A_85 = arith.constant 0 : i32
        %dma_start3A_86 = tpu.memref_slice %arg4[%add3A_76, %dma_start3A_85] : memref<10000x128xf32, #tpu.memory_space<vmem_shared>> -> memref<80x128xf32, #tpu.memory_space<vmem_shared>>
        tpu.enqueue_dma source(%arg7 : memref<80x128xf32, #tpu.memory_space<vmem>>) target(%dma_start3A_86 : memref<80x128xf32, #tpu.memory_space<vmem_shared>>) target_semaphore(%run_scoped3A : memref<!tpu.dma_semaphore, #tpu.memory_space<semaphore_mem>>)
        %dma_wait3A_87 = arith.constant 0 : i32
        %dma_wait3A_88 = tpu.memref_slice %arg4[%add3A_76, %dma_wait3A_87] : memref<10000x128xf32, #tpu.memory_space<vmem_shared>> -> memref<80x128xf32, #tpu.memory_space<vmem_shared>>
        %dma_wait3A_89 = arith.constant 0 : i32
        %dma_wait3A_90 = tpu.memref_slice %arg4[%add3A_76, %dma_wait3A_89] : memref<10000x128xf32, #tpu.memory_space<vmem_shared>> -> memref<80x128xf32, #tpu.memory_space<vmem_shared>>
        tpu.wait_dma2 semaphore(%run_scoped3A : memref<!tpu.dma_semaphore, #tpu.memory_space<semaphore_mem>>) src(%arg7 : memref<80x128xf32, #tpu.memory_space<vmem>>) dst(%dma_wait3A_90 : memref<80x128xf32, #tpu.memory_space<vmem_shared>>)
        tpu.yield
      }) : () -> ()
      %add3A_77 = arith.constant 400 : i32
      %add3A_78 = arith.addi %mul3A_2, %add3A_77 : i32
      "tpu.region"() ({
        %run_scoped3A = tpu.sem_alloc : memref<!tpu.dma_semaphore, #tpu.memory_space<semaphore_mem>>
        %dma_start3A_83 = arith.constant 0 : i32
        %dma_start3A_84 = tpu.memref_slice %arg4[%add3A_78, %dma_start3A_83] : memref<10000x128xf32, #tpu.memory_space<vmem_shared>> -> memref<80x128xf32, #tpu.memory_space<vmem_shared>>
        %dma_start3A_85 = arith.constant 0 : i32
        %dma_start3A_86 = tpu.memref_slice %arg4[%add3A_78, %dma_start3A_85] : memref<10000x128xf32, #tpu.memory_space<vmem_shared>> -> memref<80x128xf32, #tpu.memory_space<vmem_shared>>
        tpu.enqueue_dma source(%arg7 : memref<80x128xf32, #tpu.memory_space<vmem>>) target(%dma_start3A_86 : memref<80x128xf32, #tpu.memory_space<vmem_shared>>) target_semaphore(%run_scoped3A : memref<!tpu.dma_semaphore, #tpu.memory_space<semaphore_mem>>)
        %dma_wait3A_87 = arith.constant 0 : i32
        %dma_wait3A_88 = tpu.memref_slice %arg4[%add3A_78, %dma_wait3A_87] : memref<10000x128xf32, #tpu.memory_space<vmem_shared>> -> memref<80x128xf32, #tpu.memory_space<vmem_shared>>
        %dma_wait3A_89 = arith.constant 0 : i32
        %dma_wait3A_90 = tpu.memref_slice %arg4[%add3A_78, %dma_wait3A_89] : memref<10000x128xf32, #tpu.memory_space<vmem_shared>> -> memref<80x128xf32, #tpu.memory_space<vmem_shared>>
        tpu.wait_dma2 semaphore(%run_scoped3A : memref<!tpu.dma_semaphore, #tpu.memory_space<semaphore_mem>>) src(%arg7 : memref<80x128xf32, #tpu.memory_space<vmem>>) dst(%dma_wait3A_90 : memref<80x128xf32, #tpu.memory_space<vmem_shared>>)
        tpu.yield
      }) : () -> ()
      %add3A_79 = arith.constant 480 : i32
      %add3A_80 = arith.addi %mul3A_2, %add3A_79 : i32
      "tpu.region"() ({
        %run_scoped3A = tpu.sem_alloc : memref<!tpu.dma_semaphore, #tpu.memory_space<semaphore_mem>>
        %dma_start3A_83 = arith.constant 0 : i32
        %dma_start3A_84 = tpu.memref_slice %arg4[%add3A_80, %dma_start3A_83] : memref<10000x128xf32, #tpu.memory_space<vmem_shared>> -> memref<80x128xf32, #tpu.memory_space<vmem_shared>>
        %dma_start3A_85 = arith.constant 0 : i32
        %dma_start3A_86 = tpu.memref_slice %arg4[%add3A_80, %dma_start3A_85] : memref<10000x128xf32, #tpu.memory_space<vmem_shared>> -> memref<80x128xf32, #tpu.memory_space<vmem_shared>>
        tpu.enqueue_dma source(%arg7 : memref<80x128xf32, #tpu.memory_space<vmem>>) target(%dma_start3A_86 : memref<80x128xf32, #tpu.memory_space<vmem_shared>>) target_semaphore(%run_scoped3A : memref<!tpu.dma_semaphore, #tpu.memory_space<semaphore_mem>>)
        %dma_wait3A_87 = arith.constant 0 : i32
        %dma_wait3A_88 = tpu.memref_slice %arg4[%add3A_80, %dma_wait3A_87] : memref<10000x128xf32, #tpu.memory_space<vmem_shared>> -> memref<80x128xf32, #tpu.memory_space<vmem_shared>>
        %dma_wait3A_89 = arith.constant 0 : i32
        %dma_wait3A_90 = tpu.memref_slice %arg4[%add3A_80, %dma_wait3A_89] : memref<10000x128xf32, #tpu.memory_space<vmem_shared>> -> memref<80x128xf32, #tpu.memory_space<vmem_shared>>
        tpu.wait_dma2 semaphore(%run_scoped3A : memref<!tpu.dma_semaphore, #tpu.memory_space<semaphore_mem>>) src(%arg7 : memref<80x128xf32, #tpu.memory_space<vmem>>) dst(%dma_wait3A_90 : memref<80x128xf32, #tpu.memory_space<vmem_shared>>)
        tpu.yield
      }) : () -> ()
      %add3A_81 = arith.constant 560 : i32
      %add3A_82 = arith.addi %mul3A_2, %add3A_81 : i32
      "tpu.region"() ({
        %run_scoped3A = tpu.sem_alloc : memref<!tpu.dma_semaphore, #tpu.memory_space<semaphore_mem>>
        %dma_start3A_83 = arith.constant 0 : i32
        %dma_start3A_84 = arith.constant 0 : i32
        %dma_start3A_85 = tpu.memref_slice %arg7[%dma_start3A_83, %dma_start3A_84] : memref<80x128xf32, #tpu.memory_space<vmem>> -> memref<64x128xf32, #tpu.memory_space<vmem>>
        %dma_start3A_86 = arith.constant 0 : i32
        %dma_start3A_87 = tpu.memref_slice %arg4[%add3A_82, %dma_start3A_86] : memref<10000x128xf32, #tpu.memory_space<vmem_shared>> -> memref<64x128xf32, #tpu.memory_space<vmem_shared>>
        %dma_start3A_88 = arith.constant 0 : i32
        %dma_start3A_89 = tpu.memref_slice %arg4[%add3A_82, %dma_start3A_88] : memref<10000x128xf32, #tpu.memory_space<vmem_shared>> -> memref<64x128xf32, #tpu.memory_space<vmem_shared>>
        %dma_start3A_90 = arith.constant 0 : i32
        %dma_start3A_91 = arith.constant 0 : i32
        %dma_start3A_92 = tpu.memref_slice %arg7[%dma_start3A_90, %dma_start3A_91] : memref<80x128xf32, #tpu.memory_space<vmem>> -> memref<64x128xf32, #tpu.memory_space<vmem>>
        tpu.enqueue_dma source(%dma_start3A_92 : memref<64x128xf32, #tpu.memory_space<vmem>>) target(%dma_start3A_89 : memref<64x128xf32, #tpu.memory_space<vmem_shared>>) target_semaphore(%run_scoped3A : memref<!tpu.dma_semaphore, #tpu.memory_space<semaphore_mem>>)
        %dma_wait3A_93 = arith.constant 0 : i32
        %dma_wait3A_94 = arith.constant 0 : i32
        %dma_wait3A_95 = tpu.memref_slice %arg7[%dma_wait3A_93, %dma_wait3A_94] : memref<80x128xf32, #tpu.memory_space<vmem>> -> memref<64x128xf32, #tpu.memory_space<vmem>>
        %dma_wait3A_96 = arith.constant 0 : i32
        %dma_wait3A_97 = tpu.memref_slice %arg4[%add3A_82, %dma_wait3A_96] : memref<10000x128xf32, #tpu.memory_space<vmem_shared>> -> memref<64x128xf32, #tpu.memory_space<vmem_shared>>
        %dma_wait3A_98 = arith.constant 0 : i32
        %dma_wait3A_99 = tpu.memref_slice %arg4[%add3A_82, %dma_wait3A_98] : memref<10000x128xf32, #tpu.memory_space<vmem_shared>> -> memref<64x128xf32, #tpu.memory_space<vmem_shared>>
        %dma_wait3A_100 = arith.constant 0 : i32
        %dma_wait3A_101 = arith.constant 0 : i32
        %dma_wait3A_102 = tpu.memref_slice %arg7[%dma_wait3A_100, %dma_wait3A_101] : memref<80x128xf32, #tpu.memory_space<vmem>> -> memref<64x128xf32, #tpu.memory_space<vmem>>
        tpu.wait_dma2 semaphore(%run_scoped3A : memref<!tpu.dma_semaphore, #tpu.memory_space<semaphore_mem>>) src(%dma_wait3A_102 : memref<64x128xf32, #tpu.memory_space<vmem>>) dst(%dma_wait3A_99 : memref<64x128xf32, #tpu.memory_space<vmem_shared>>)
        tpu.yield
      }) : () -> ()
    } else {
    }
    %convert_element_type3A_23 = arith.extui %eq3A_3 : i1 to i32
    %cond3A_24 = arith.constant 0 : i32
    %cond3A_25 = arith.cmpi ne, %convert_element_type3A_23, %cond3A_24 : i32
    scf.if %cond3A_25 {
      %add3A_67 = arith.constant 0 : i32
      %add3A_68 = arith.addi %mul3A_2, %add3A_67 : i32
      "tpu.region"() ({
        %run_scoped3A = tpu.sem_alloc : memref<!tpu.dma_semaphore, #tpu.memory_space<semaphore_mem>>
        %dma_start3A_83 = arith.constant 0 : i32
        %dma_start3A_84 = tpu.memref_slice %arg4[%add3A_68, %dma_start3A_83] : memref<10000x128xf32, #tpu.memory_space<vmem_shared>> -> memref<80x128xf32, #tpu.memory_space<vmem_shared>>
        %dma_start3A_85 = arith.constant 0 : i32
        %dma_start3A_86 = tpu.memref_slice %arg4[%add3A_68, %dma_start3A_85] : memref<10000x128xf32, #tpu.memory_space<vmem_shared>> -> memref<80x128xf32, #tpu.memory_space<vmem_shared>>
        tpu.enqueue_dma source(%arg7 : memref<80x128xf32, #tpu.memory_space<vmem>>) target(%dma_start3A_86 : memref<80x128xf32, #tpu.memory_space<vmem_shared>>) target_semaphore(%run_scoped3A : memref<!tpu.dma_semaphore, #tpu.memory_space<semaphore_mem>>)
        %dma_wait3A_87 = arith.constant 0 : i32
        %dma_wait3A_88 = tpu.memref_slice %arg4[%add3A_68, %dma_wait3A_87] : memref<10000x128xf32, #tpu.memory_space<vmem_shared>> -> memref<80x128xf32, #tpu.memory_space<vmem_shared>>
        %dma_wait3A_89 = arith.constant 0 : i32
        %dma_wait3A_90 = tpu.memref_slice %arg4[%add3A_68, %dma_wait3A_89] : memref<10000x128xf32, #tpu.memory_space<vmem_shared>> -> memref<80x128xf32, #tpu.memory_space<vmem_shared>>
        tpu.wait_dma2 semaphore(%run_scoped3A : memref<!tpu.dma_semaphore, #tpu.memory_space<semaphore_mem>>) src(%arg7 : memref<80x128xf32, #tpu.memory_space<vmem>>) dst(%dma_wait3A_90 : memref<80x128xf32, #tpu.memory_space<vmem_shared>>)
        tpu.yield
      }) : () -> ()
      %add3A_69 = arith.constant 80 : i32
      %add3A_70 = arith.addi %mul3A_2, %add3A_69 : i32
      "tpu.region"() ({
        %run_scoped3A = tpu.sem_alloc : memref<!tpu.dma_semaphore, #tpu.memory_space<semaphore_mem>>
        %dma_start3A_83 = arith.constant 0 : i32
        %dma_start3A_84 = tpu.memref_slice %arg4[%add3A_70, %dma_start3A_83] : memref<10000x128xf32, #tpu.memory_space<vmem_shared>> -> memref<80x128xf32, #tpu.memory_space<vmem_shared>>
        %dma_start3A_85 = arith.constant 0 : i32
        %dma_start3A_86 = tpu.memref_slice %arg4[%add3A_70, %dma_start3A_85] : memref<10000x128xf32, #tpu.memory_space<vmem_shared>> -> memref<80x128xf32, #tpu.memory_space<vmem_shared>>
        tpu.enqueue_dma source(%arg7 : memref<80x128xf32, #tpu.memory_space<vmem>>) target(%dma_start3A_86 : memref<80x128xf32, #tpu.memory_space<vmem_shared>>) target_semaphore(%run_scoped3A : memref<!tpu.dma_semaphore, #tpu.memory_space<semaphore_mem>>)
        %dma_wait3A_87 = arith.constant 0 : i32
        %dma_wait3A_88 = tpu.memref_slice %arg4[%add3A_70, %dma_wait3A_87] : memref<10000x128xf32, #tpu.memory_space<vmem_shared>> -> memref<80x128xf32, #tpu.memory_space<vmem_shared>>
        %dma_wait3A_89 = arith.constant 0 : i32
        %dma_wait3A_90 = tpu.memref_slice %arg4[%add3A_70, %dma_wait3A_89] : memref<10000x128xf32, #tpu.memory_space<vmem_shared>> -> memref<80x128xf32, #tpu.memory_space<vmem_shared>>
        tpu.wait_dma2 semaphore(%run_scoped3A : memref<!tpu.dma_semaphore, #tpu.memory_space<semaphore_mem>>) src(%arg7 : memref<80x128xf32, #tpu.memory_space<vmem>>) dst(%dma_wait3A_90 : memref<80x128xf32, #tpu.memory_space<vmem_shared>>)
        tpu.yield
      }) : () -> ()
      %add3A_71 = arith.constant 160 : i32
      %add3A_72 = arith.addi %mul3A_2, %add3A_71 : i32
      "tpu.region"() ({
        %run_scoped3A = tpu.sem_alloc : memref<!tpu.dma_semaphore, #tpu.memory_space<semaphore_mem>>
        %dma_start3A_83 = arith.constant 0 : i32
        %dma_start3A_84 = tpu.memref_slice %arg4[%add3A_72, %dma_start3A_83] : memref<10000x128xf32, #tpu.memory_space<vmem_shared>> -> memref<80x128xf32, #tpu.memory_space<vmem_shared>>
        %dma_start3A_85 = arith.constant 0 : i32
        %dma_start3A_86 = tpu.memref_slice %arg4[%add3A_72, %dma_start3A_85] : memref<10000x128xf32, #tpu.memory_space<vmem_shared>> -> memref<80x128xf32, #tpu.memory_space<vmem_shared>>
        tpu.enqueue_dma source(%arg7 : memref<80x128xf32, #tpu.memory_space<vmem>>) target(%dma_start3A_86 : memref<80x128xf32, #tpu.memory_space<vmem_shared>>) target_semaphore(%run_scoped3A : memref<!tpu.dma_semaphore, #tpu.memory_space<semaphore_mem>>)
        %dma_wait3A_87 = arith.constant 0 : i32
        %dma_wait3A_88 = tpu.memref_slice %arg4[%add3A_72, %dma_wait3A_87] : memref<10000x128xf32, #tpu.memory_space<vmem_shared>> -> memref<80x128xf32, #tpu.memory_space<vmem_shared>>
        %dma_wait3A_89 = arith.constant 0 : i32
        %dma_wait3A_90 = tpu.memref_slice %arg4[%add3A_72, %dma_wait3A_89] : memref<10000x128xf32, #tpu.memory_space<vmem_shared>> -> memref<80x128xf32, #tpu.memory_space<vmem_shared>>
        tpu.wait_dma2 semaphore(%run_scoped3A : memref<!tpu.dma_semaphore, #tpu.memory_space<semaphore_mem>>) src(%arg7 : memref<80x128xf32, #tpu.memory_space<vmem>>) dst(%dma_wait3A_90 : memref<80x128xf32, #tpu.memory_space<vmem_shared>>)
        tpu.yield
      }) : () -> ()
      %add3A_73 = arith.constant 240 : i32
      %add3A_74 = arith.addi %mul3A_2, %add3A_73 : i32
      "tpu.region"() ({
        %run_scoped3A = tpu.sem_alloc : memref<!tpu.dma_semaphore, #tpu.memory_space<semaphore_mem>>
        %dma_start3A_83 = arith.constant 0 : i32
        %dma_start3A_84 = tpu.memref_slice %arg4[%add3A_74, %dma_start3A_83] : memref<10000x128xf32, #tpu.memory_space<vmem_shared>> -> memref<80x128xf32, #tpu.memory_space<vmem_shared>>
        %dma_start3A_85 = arith.constant 0 : i32
        %dma_start3A_86 = tpu.memref_slice %arg4[%add3A_74, %dma_start3A_85] : memref<10000x128xf32, #tpu.memory_space<vmem_shared>> -> memref<80x128xf32, #tpu.memory_space<vmem_shared>>
        tpu.enqueue_dma source(%arg7 : memref<80x128xf32, #tpu.memory_space<vmem>>) target(%dma_start3A_86 : memref<80x128xf32, #tpu.memory_space<vmem_shared>>) target_semaphore(%run_scoped3A : memref<!tpu.dma_semaphore, #tpu.memory_space<semaphore_mem>>)
        %dma_wait3A_87 = arith.constant 0 : i32
        %dma_wait3A_88 = tpu.memref_slice %arg4[%add3A_74, %dma_wait3A_87] : memref<10000x128xf32, #tpu.memory_space<vmem_shared>> -> memref<80x128xf32, #tpu.memory_space<vmem_shared>>
        %dma_wait3A_89 = arith.constant 0 : i32
        %dma_wait3A_90 = tpu.memref_slice %arg4[%add3A_74, %dma_wait3A_89] : memref<10000x128xf32, #tpu.memory_space<vmem_shared>> -> memref<80x128xf32, #tpu.memory_space<vmem_shared>>
        tpu.wait_dma2 semaphore(%run_scoped3A : memref<!tpu.dma_semaphore, #tpu.memory_space<semaphore_mem>>) src(%arg7 : memref<80x128xf32, #tpu.memory_space<vmem>>) dst(%dma_wait3A_90 : memref<80x128xf32, #tpu.memory_space<vmem_shared>>)
        tpu.yield
      }) : () -> ()
      %add3A_75 = arith.constant 320 : i32
      %add3A_76 = arith.addi %mul3A_2, %add3A_75 : i32
      "tpu.region"() ({
        %run_scoped3A = tpu.sem_alloc : memref<!tpu.dma_semaphore, #tpu.memory_space<semaphore_mem>>
        %dma_start3A_83 = arith.constant 0 : i32
        %dma_start3A_84 = tpu.memref_slice %arg4[%add3A_76, %dma_start3A_83] : memref<10000x128xf32, #tpu.memory_space<vmem_shared>> -> memref<80x128xf32, #tpu.memory_space<vmem_shared>>
        %dma_start3A_85 = arith.constant 0 : i32
        %dma_start3A_86 = tpu.memref_slice %arg4[%add3A_76, %dma_start3A_85] : memref<10000x128xf32, #tpu.memory_space<vmem_shared>> -> memref<80x128xf32, #tpu.memory_space<vmem_shared>>
        tpu.enqueue_dma source(%arg7 : memref<80x128xf32, #tpu.memory_space<vmem>>) target(%dma_start3A_86 : memref<80x128xf32, #tpu.memory_space<vmem_shared>>) target_semaphore(%run_scoped3A : memref<!tpu.dma_semaphore, #tpu.memory_space<semaphore_mem>>)
        %dma_wait3A_87 = arith.constant 0 : i32
        %dma_wait3A_88 = tpu.memref_slice %arg4[%add3A_76, %dma_wait3A_87] : memref<10000x128xf32, #tpu.memory_space<vmem_shared>> -> memref<80x128xf32, #tpu.memory_space<vmem_shared>>
        %dma_wait3A_89 = arith.constant 0 : i32
        %dma_wait3A_90 = tpu.memref_slice %arg4[%add3A_76, %dma_wait3A_89] : memref<10000x128xf32, #tpu.memory_space<vmem_shared>> -> memref<80x128xf32, #tpu.memory_space<vmem_shared>>
        tpu.wait_dma2 semaphore(%run_scoped3A : memref<!tpu.dma_semaphore, #tpu.memory_space<semaphore_mem>>) src(%arg7 : memref<80x128xf32, #tpu.memory_space<vmem>>) dst(%dma_wait3A_90 : memref<80x128xf32, #tpu.memory_space<vmem_shared>>)
        tpu.yield
      }) : () -> ()
      %add3A_77 = arith.constant 400 : i32
      %add3A_78 = arith.addi %mul3A_2, %add3A_77 : i32
      "tpu.region"() ({
        %run_scoped3A = tpu.sem_alloc : memref<!tpu.dma_semaphore, #tpu.memory_space<semaphore_mem>>
        %dma_start3A_83 = arith.constant 0 : i32
        %dma_start3A_84 = tpu.memref_slice %arg4[%add3A_78, %dma_start3A_83] : memref<10000x128xf32, #tpu.memory_space<vmem_shared>> -> memref<80x128xf32, #tpu.memory_space<vmem_shared>>
        %dma_start3A_85 = arith.constant 0 : i32
        %dma_start3A_86 = tpu.memref_slice %arg4[%add3A_78, %dma_start3A_85] : memref<10000x128xf32, #tpu.memory_space<vmem_shared>> -> memref<80x128xf32, #tpu.memory_space<vmem_shared>>
        tpu.enqueue_dma source(%arg7 : memref<80x128xf32, #tpu.memory_space<vmem>>) target(%dma_start3A_86 : memref<80x128xf32, #tpu.memory_space<vmem_shared>>) target_semaphore(%run_scoped3A : memref<!tpu.dma_semaphore, #tpu.memory_space<semaphore_mem>>)
        %dma_wait3A_87 = arith.constant 0 : i32
        %dma_wait3A_88 = tpu.memref_slice %arg4[%add3A_78, %dma_wait3A_87] : memref<10000x128xf32, #tpu.memory_space<vmem_shared>> -> memref<80x128xf32, #tpu.memory_space<vmem_shared>>
        %dma_wait3A_89 = arith.constant 0 : i32
        %dma_wait3A_90 = tpu.memref_slice %arg4[%add3A_78, %dma_wait3A_89] : memref<10000x128xf32, #tpu.memory_space<vmem_shared>> -> memref<80x128xf32, #tpu.memory_space<vmem_shared>>
        tpu.wait_dma2 semaphore(%run_scoped3A : memref<!tpu.dma_semaphore, #tpu.memory_space<semaphore_mem>>) src(%arg7 : memref<80x128xf32, #tpu.memory_space<vmem>>) dst(%dma_wait3A_90 : memref<80x128xf32, #tpu.memory_space<vmem_shared>>)
        tpu.yield
      }) : () -> ()
      %add3A_79 = arith.constant 480 : i32
      %add3A_80 = arith.addi %mul3A_2, %add3A_79 : i32
      "tpu.region"() ({
        %run_scoped3A = tpu.sem_alloc : memref<!tpu.dma_semaphore, #tpu.memory_space<semaphore_mem>>
        %dma_start3A_83 = arith.constant 0 : i32
        %dma_start3A_84 = tpu.memref_slice %arg4[%add3A_80, %dma_start3A_83] : memref<10000x128xf32, #tpu.memory_space<vmem_shared>> -> memref<80x128xf32, #tpu.memory_space<vmem_shared>>
        %dma_start3A_85 = arith.constant 0 : i32
        %dma_start3A_86 = tpu.memref_slice %arg4[%add3A_80, %dma_start3A_85] : memref<10000x128xf32, #tpu.memory_space<vmem_shared>> -> memref<80x128xf32, #tpu.memory_space<vmem_shared>>
        tpu.enqueue_dma source(%arg7 : memref<80x128xf32, #tpu.memory_space<vmem>>) target(%dma_start3A_86 : memref<80x128xf32, #tpu.memory_space<vmem_shared>>) target_semaphore(%run_scoped3A : memref<!tpu.dma_semaphore, #tpu.memory_space<semaphore_mem>>)
        %dma_wait3A_87 = arith.constant 0 : i32
        %dma_wait3A_88 = tpu.memref_slice %arg4[%add3A_80, %dma_wait3A_87] : memref<10000x128xf32, #tpu.memory_space<vmem_shared>> -> memref<80x128xf32, #tpu.memory_space<vmem_shared>>
        %dma_wait3A_89 = arith.constant 0 : i32
        %dma_wait3A_90 = tpu.memref_slice %arg4[%add3A_80, %dma_wait3A_89] : memref<10000x128xf32, #tpu.memory_space<vmem_shared>> -> memref<80x128xf32, #tpu.memory_space<vmem_shared>>
        tpu.wait_dma2 semaphore(%run_scoped3A : memref<!tpu.dma_semaphore, #tpu.memory_space<semaphore_mem>>) src(%arg7 : memref<80x128xf32, #tpu.memory_space<vmem>>) dst(%dma_wait3A_90 : memref<80x128xf32, #tpu.memory_space<vmem_shared>>)
        tpu.yield
      }) : () -> ()
      %add3A_81 = arith.constant 560 : i32
      %add3A_82 = arith.addi %mul3A_2, %add3A_81 : i32
      "tpu.region"() ({
        %run_scoped3A = tpu.sem_alloc : memref<!tpu.dma_semaphore, #tpu.memory_space<semaphore_mem>>
        %dma_start3A_83 = arith.constant 0 : i32
        %dma_start3A_84 = tpu.memref_slice %arg4[%add3A_82, %dma_start3A_83] : memref<10000x128xf32, #tpu.memory_space<vmem_shared>> -> memref<80x128xf32, #tpu.memory_space<vmem_shared>>
        %dma_start3A_85 = arith.constant 0 : i32
        %dma_start3A_86 = tpu.memref_slice %arg4[%add3A_82, %dma_start3A_85] : memref<10000x128xf32, #tpu.memory_space<vmem_shared>> -> memref<80x128xf32, #tpu.memory_space<vmem_shared>>
        tpu.enqueue_dma source(%arg7 : memref<80x128xf32, #tpu.memory_space<vmem>>) target(%dma_start3A_86 : memref<80x128xf32, #tpu.memory_space<vmem_shared>>) target_semaphore(%run_scoped3A : memref<!tpu.dma_semaphore, #tpu.memory_space<semaphore_mem>>)
        %dma_wait3A_87 = arith.constant 0 : i32
        %dma_wait3A_88 = tpu.memref_slice %arg4[%add3A_82, %dma_wait3A_87] : memref<10000x128xf32, #tpu.memory_space<vmem_shared>> -> memref<80x128xf32, #tpu.memory_space<vmem_shared>>
        %dma_wait3A_89 = arith.constant 0 : i32
        %dma_wait3A_90 = tpu.memref_slice %arg4[%add3A_82, %dma_wait3A_89] : memref<10000x128xf32, #tpu.memory_space<vmem_shared>> -> memref<80x128xf32, #tpu.memory_space<vmem_shared>>
        tpu.wait_dma2 semaphore(%run_scoped3A : memref<!tpu.dma_semaphore, #tpu.memory_space<semaphore_mem>>) src(%arg7 : memref<80x128xf32, #tpu.memory_space<vmem>>) dst(%dma_wait3A_90 : memref<80x128xf32, #tpu.memory_space<vmem_shared>>)
        tpu.yield
      }) : () -> ()
    } else {
    }
    %barrier3A = arith.constant 0 : index
    tpu.barrier barrier_id(%barrier3A)
    %dma_wait3A = tpu.memref_slice %arg2[%mul3A_5] : memref<320000xi32, #tpu.memory_space<hbm>> -> memref<10000xi32, #tpu.memory_space<hbm>>
    %dma_wait3A_26 = tpu.memref_slice %arg2[%mul3A_5] : memref<320000xi32, #tpu.memory_space<hbm>> -> memref<10000xi32, #tpu.memory_space<hbm>>
    tpu.wait_dma2 semaphore(%arg8 : memref<!tpu.dma_semaphore, #tpu.memory_space<semaphore_mem>>) src(%dma_wait3A_26 : memref<10000xi32, #tpu.memory_space<hbm>>) dst(%arg5 : memref<10000xi32, #tpu.memory_space<vmem>>)
    %dma_start3A_27 = arith.constant 0 : i32
    %dma_start3A_28 = tpu.memref_slice %arg5[%dma_start3A_27] : memref<10000xi32, #tpu.memory_space<vmem>> -> memref<80xi32, #tpu.memory_space<vmem>>
    %dma_start3A_29 = arith.constant 0 : i32
    %dma_start3A_30 = arith.constant 0 : i32
    %dma_start3A_31 = tpu.memref_slice %arg4[%dma_start3A_29, %dma_start3A_30] : memref<10000x128xf32, #tpu.memory_space<vmem_shared>> -> memref<10000x128xf32, #tpu.memory_space<vmem_shared>>
    tpu.enqueue_indirect_dma source(%arg6 : memref<80x128xf32, #tpu.memory_space<vmem>>) target(%dma_start3A_31 : memref<10000x128xf32, #tpu.memory_space<vmem_shared>>) offsets(%dma_start3A_28 : memref<80xi32, #tpu.memory_space<vmem>>) semaphore(%arg9 : memref<!tpu.dma_semaphore, #tpu.memory_space<semaphore_mem>>) {add = true}
    %dma_start3A_32 = arith.constant 80 : i32
    %dma_start3A_33 = tpu.memref_slice %arg5[%dma_start3A_32] : memref<10000xi32, #tpu.memory_space<vmem>> -> memref<80xi32, #tpu.memory_space<vmem>>
    %dma_start3A_34 = arith.constant 0 : i32
    %dma_start3A_35 = arith.constant 0 : i32
    %dma_start3A_36 = tpu.memref_slice %arg4[%dma_start3A_34, %dma_start3A_35] : memref<10000x128xf32, #tpu.memory_space<vmem_shared>> -> memref<10000x128xf32, #tpu.memory_space<vmem_shared>>
    tpu.enqueue_indirect_dma source(%arg6 : memref<80x128xf32, #tpu.memory_space<vmem>>) target(%dma_start3A_36 : memref<10000x128xf32, #tpu.memory_space<vmem_shared>>) offsets(%dma_start3A_33 : memref<80xi32, #tpu.memory_space<vmem>>) semaphore(%arg10 : memref<!tpu.dma_semaphore, #tpu.memory_space<semaphore_mem>>) {add = true}
    %dma_start3A_37 = arith.constant 160 : i32
    %dma_start3A_38 = tpu.memref_slice %arg5[%dma_start3A_37] : memref<10000xi32, #tpu.memory_space<vmem>> -> memref<80xi32, #tpu.memory_space<vmem>>
    %dma_start3A_39 = arith.constant 0 : i32
    %dma_start3A_40 = arith.constant 0 : i32
    %dma_start3A_41 = tpu.memref_slice %arg4[%dma_start3A_39, %dma_start3A_40] : memref<10000x128xf32, #tpu.memory_space<vmem_shared>> -> memref<10000x128xf32, #tpu.memory_space<vmem_shared>>
    tpu.enqueue_indirect_dma source(%arg6 : memref<80x128xf32, #tpu.memory_space<vmem>>) target(%dma_start3A_41 : memref<10000x128xf32, #tpu.memory_space<vmem_shared>>) offsets(%dma_start3A_38 : memref<80xi32, #tpu.memory_space<vmem>>) semaphore(%arg11 : memref<!tpu.dma_semaphore, #tpu.memory_space<semaphore_mem>>) {add = true}
    %scan3A_42 = arith.constant 0 : i32
    %scan3A_43 = arith.constant 0 : i32
    %scan3A_44 = arith.constant 41 : i32
    %scan3A_45 = arith.addi %scan3A_43, %scan3A_44 : i32
    %scan3A_46 = arith.constant 1 : i32
    scf.for %scan3A_67 = %scan3A_43 to %scan3A_45 step %scan3A_46  : i32 {
      %mul3A_68 = arith.constant 3 : i32
      %mul3A_69 = arith.muli %mul3A_68, %scan3A_67 : i32
      %add3A_70 = arith.constant 0 : i32
      %add3A_71 = arith.addi %mul3A_69, %add3A_70 : i32
      %mul3A_72 = arith.constant 80 : i32
      %mul3A_73 = arith.muli %add3A_71, %mul3A_72 : i32
      %dma_wait3A_74 = tpu.memref_slice %arg5[%mul3A_73] : memref<10000xi32, #tpu.memory_space<vmem>> -> memref<80xi32, #tpu.memory_space<vmem>>
      %dma_wait3A_75 = arith.constant 0 : i32
      %dma_wait3A_76 = arith.constant 0 : i32
      %dma_wait3A_77 = tpu.memref_slice %arg4[%dma_wait3A_75, %dma_wait3A_76] : memref<10000x128xf32, #tpu.memory_space<vmem_shared>> -> memref<10000x128xf32, #tpu.memory_space<vmem_shared>>
      tpu.wait_indirect_dma semaphore(%arg9 : memref<!tpu.dma_semaphore, #tpu.memory_space<semaphore_mem>>) src(%arg6 : memref<80x128xf32, #tpu.memory_space<vmem>>) dst(%dma_wait3A_77 : memref<10000x128xf32, #tpu.memory_space<vmem_shared>>)
      %add3A_78 = arith.constant 0 : i32
      %add3A_79 = arith.addi %mul3A_69, %add3A_78 : i32
      %add3A_80 = arith.constant 3 : i32
      %add3A_81 = arith.addi %add3A_79, %add3A_80 : i32
      %lt3A = arith.constant 125 : i32
      %lt3A_82 = arith.cmpi slt, %add3A_81, %lt3A : i32
      %convert_element_type3A_83 = arith.extui %lt3A_82 : i1 to i32
      %cond3A_84 = arith.constant 0 : i32
      %cond3A_85 = arith.cmpi ne, %convert_element_type3A_83, %cond3A_84 : i32
      scf.if %cond3A_85 {
        %add3A_120 = arith.constant 0 : i32
        %add3A_121 = arith.addi %mul3A_69, %add3A_120 : i32
        %add3A_122 = arith.constant 3 : i32
        %add3A_123 = arith.addi %add3A_121, %add3A_122 : i32
        %mul3A_124 = arith.constant 80 : i32
        %mul3A_125 = arith.muli %add3A_123, %mul3A_124 : i32
        %dma_start3A_126 = tpu.memref_slice %arg5[%mul3A_125] : memref<10000xi32, #tpu.memory_space<vmem>> -> memref<80xi32, #tpu.memory_space<vmem>>
        %dma_start3A_127 = arith.constant 0 : i32
        %dma_start3A_128 = arith.constant 0 : i32
        %dma_start3A_129 = tpu.memref_slice %arg4[%dma_start3A_127, %dma_start3A_128] : memref<10000x128xf32, #tpu.memory_space<vmem_shared>> -> memref<10000x128xf32, #tpu.memory_space<vmem_shared>>
        tpu.enqueue_indirect_dma source(%arg6 : memref<80x128xf32, #tpu.memory_space<vmem>>) target(%dma_start3A_129 : memref<10000x128xf32, #tpu.memory_space<vmem_shared>>) offsets(%dma_start3A_126 : memref<80xi32, #tpu.memory_space<vmem>>) semaphore(%arg9 : memref<!tpu.dma_semaphore, #tpu.memory_space<semaphore_mem>>) {add = true}
      } else {
      }
      %add3A_86 = arith.constant 1 : i32
      %add3A_87 = arith.addi %mul3A_69, %add3A_86 : i32
      %mul3A_88 = arith.constant 80 : i32
      %mul3A_89 = arith.muli %add3A_87, %mul3A_88 : i32
      %dma_wait3A_90 = tpu.memref_slice %arg5[%mul3A_89] : memref<10000xi32, #tpu.memory_space<vmem>> -> memref<80xi32, #tpu.memory_space<vmem>>
      %dma_wait3A_91 = arith.constant 0 : i32
      %dma_wait3A_92 = arith.constant 0 : i32
      %dma_wait3A_93 = tpu.memref_slice %arg4[%dma_wait3A_91, %dma_wait3A_92] : memref<10000x128xf32, #tpu.memory_space<vmem_shared>> -> memref<10000x128xf32, #tpu.memory_space<vmem_shared>>
      tpu.wait_indirect_dma semaphore(%arg10 : memref<!tpu.dma_semaphore, #tpu.memory_space<semaphore_mem>>) src(%arg6 : memref<80x128xf32, #tpu.memory_space<vmem>>) dst(%dma_wait3A_93 : memref<10000x128xf32, #tpu.memory_space<vmem_shared>>)
      %add3A_94 = arith.constant 1 : i32
      %add3A_95 = arith.addi %mul3A_69, %add3A_94 : i32
      %add3A_96 = arith.constant 3 : i32
      %add3A_97 = arith.addi %add3A_95, %add3A_96 : i32
      %lt3A_98 = arith.constant 125 : i32
      %lt3A_99 = arith.cmpi slt, %add3A_97, %lt3A_98 : i32
      %convert_element_type3A_100 = arith.extui %lt3A_99 : i1 to i32
      %cond3A_101 = arith.constant 0 : i32
      %cond3A_102 = arith.cmpi ne, %convert_element_type3A_100, %cond3A_101 : i32
      scf.if %cond3A_102 {
        %add3A_120 = arith.constant 1 : i32
        %add3A_121 = arith.addi %mul3A_69, %add3A_120 : i32
        %add3A_122 = arith.constant 3 : i32
        %add3A_123 = arith.addi %add3A_121, %add3A_122 : i32
        %mul3A_124 = arith.constant 80 : i32
        %mul3A_125 = arith.muli %add3A_123, %mul3A_124 : i32
        %dma_start3A_126 = tpu.memref_slice %arg5[%mul3A_125] : memref<10000xi32, #tpu.memory_space<vmem>> -> memref<80xi32, #tpu.memory_space<vmem>>
        %dma_start3A_127 = arith.constant 0 : i32
        %dma_start3A_128 = arith.constant 0 : i32
        %dma_start3A_129 = tpu.memref_slice %arg4[%dma_start3A_127, %dma_start3A_128] : memref<10000x128xf32, #tpu.memory_space<vmem_shared>> -> memref<10000x128xf32, #tpu.memory_space<vmem_shared>>
        tpu.enqueue_indirect_dma source(%arg6 : memref<80x128xf32, #tpu.memory_space<vmem>>) target(%dma_start3A_129 : memref<10000x128xf32, #tpu.memory_space<vmem_shared>>) offsets(%dma_start3A_126 : memref<80xi32, #tpu.memory_space<vmem>>) semaphore(%arg10 : memref<!tpu.dma_semaphore, #tpu.memory_space<semaphore_mem>>) {add = true}
      } else {
      }
      %add3A_103 = arith.constant 2 : i32
      %add3A_104 = arith.addi %mul3A_69, %add3A_103 : i32
      %mul3A_105 = arith.constant 80 : i32
      %mul3A_106 = arith.muli %add3A_104, %mul3A_105 : i32
      %dma_wait3A_107 = tpu.memref_slice %arg5[%mul3A_106] : memref<10000xi32, #tpu.memory_space<vmem>> -> memref<80xi32, #tpu.memory_space<vmem>>
      %dma_wait3A_108 = arith.constant 0 : i32
      %dma_wait3A_109 = arith.constant 0 : i32
      %dma_wait3A_110 = tpu.memref_slice %arg4[%dma_wait3A_108, %dma_wait3A_109] : memref<10000x128xf32, #tpu.memory_space<vmem_shared>> -> memref<10000x128xf32, #tpu.memory_space<vmem_shared>>
      tpu.wait_indirect_dma semaphore(%arg11 : memref<!tpu.dma_semaphore, #tpu.memory_space<semaphore_mem>>) src(%arg6 : memref<80x128xf32, #tpu.memory_space<vmem>>) dst(%dma_wait3A_110 : memref<10000x128xf32, #tpu.memory_space<vmem_shared>>)
      %add3A_111 = arith.constant 2 : i32
      %add3A_112 = arith.addi %mul3A_69, %add3A_111 : i32
      %add3A_113 = arith.constant 3 : i32
      %add3A_114 = arith.addi %add3A_112, %add3A_113 : i32
      %lt3A_115 = arith.constant 125 : i32
      %lt3A_116 = arith.cmpi slt, %add3A_114, %lt3A_115 : i32
      %convert_element_type3A_117 = arith.extui %lt3A_116 : i1 to i32
      %cond3A_118 = arith.constant 0 : i32
      %cond3A_119 = arith.cmpi ne, %convert_element_type3A_117, %cond3A_118 : i32
      scf.if %cond3A_119 {
        %add3A_120 = arith.constant 2 : i32
        %add3A_121 = arith.addi %mul3A_69, %add3A_120 : i32
        %add3A_122 = arith.constant 3 : i32
        %add3A_123 = arith.addi %add3A_121, %add3A_122 : i32
        %mul3A_124 = arith.constant 80 : i32
        %mul3A_125 = arith.muli %add3A_123, %mul3A_124 : i32
        %dma_start3A_126 = tpu.memref_slice %arg5[%mul3A_125] : memref<10000xi32, #tpu.memory_space<vmem>> -> memref<80xi32, #tpu.memory_space<vmem>>
        %dma_start3A_127 = arith.constant 0 : i32
        %dma_start3A_128 = arith.constant 0 : i32
        %dma_start3A_129 = tpu.memref_slice %arg4[%dma_start3A_127, %dma_start3A_128] : memref<10000x128xf32, #tpu.memory_space<vmem_shared>> -> memref<10000x128xf32, #tpu.memory_space<vmem_shared>>
        tpu.enqueue_indirect_dma source(%arg6 : memref<80x128xf32, #tpu.memory_space<vmem>>) target(%dma_start3A_129 : memref<10000x128xf32, #tpu.memory_space<vmem_shared>>) offsets(%dma_start3A_126 : memref<80xi32, #tpu.memory_space<vmem>>) semaphore(%arg11 : memref<!tpu.dma_semaphore, #tpu.memory_space<semaphore_mem>>) {add = true}
      } else {
      }
    }
    %scan3A_47 = arith.constant 41 : i32
    %dma_wait3A_48 = arith.constant 9840 : i32
    %dma_wait3A_49 = tpu.memref_slice %arg5[%dma_wait3A_48] : memref<10000xi32, #tpu.memory_space<vmem>> -> memref<80xi32, #tpu.memory_space<vmem>>
    %dma_wait3A_50 = arith.constant 0 : i32
    %dma_wait3A_51 = arith.constant 0 : i32
    %dma_wait3A_52 = tpu.memref_slice %arg4[%dma_wait3A_50, %dma_wait3A_51] : memref<10000x128xf32, #tpu.memory_space<vmem_shared>> -> memref<10000x128xf32, #tpu.memory_space<vmem_shared>>
    tpu.wait_indirect_dma semaphore(%arg9 : memref<!tpu.dma_semaphore, #tpu.memory_space<semaphore_mem>>) src(%arg6 : memref<80x128xf32, #tpu.memory_space<vmem>>) dst(%dma_wait3A_52 : memref<10000x128xf32, #tpu.memory_space<vmem_shared>>)
    %dma_wait3A_53 = arith.constant 9920 : i32
    %dma_wait3A_54 = tpu.memref_slice %arg5[%dma_wait3A_53] : memref<10000xi32, #tpu.memory_space<vmem>> -> memref<80xi32, #tpu.memory_space<vmem>>
    %dma_wait3A_55 = arith.constant 0 : i32
    %dma_wait3A_56 = arith.constant 0 : i32
    %dma_wait3A_57 = tpu.memref_slice %arg4[%dma_wait3A_55, %dma_wait3A_56] : memref<10000x128xf32, #tpu.memory_space<vmem_shared>> -> memref<10000x128xf32, #tpu.memory_space<vmem_shared>>
    tpu.wait_indirect_dma semaphore(%arg10 : memref<!tpu.dma_semaphore, #tpu.memory_space<semaphore_mem>>) src(%arg6 : memref<80x128xf32, #tpu.memory_space<vmem>>) dst(%dma_wait3A_57 : memref<10000x128xf32, #tpu.memory_space<vmem_shared>>)
    %barrier3A_58 = arith.constant 0 : index
    tpu.barrier barrier_id(%barrier3A_58)
    %not3A_59 = arith.constant true
    %not3A_60 = arith.xori %eq3A_3, %not3A_59 : i1
    %convert_element_type3A_61 = arith.extui %not3A_60 : i1 to i32
    %cond3A_62 = arith.constant 0 : i32
    %cond3A_63 = arith.cmpi ne, %convert_element_type3A_61, %cond3A_62 : i32
    scf.if %cond3A_63 {
      %mul3A_67 = arith.constant 10000 : i32
      %mul3A_68 = arith.muli %arg0, %mul3A_67 : i32
      %add3A_69 = arith.addi %mul3A_68, %mul3A_2 : i32
      "tpu.region"() ({
        %run_scoped3A = tpu.sem_alloc : memref<!tpu.dma_semaphore, #tpu.memory_space<semaphore_mem>>
        %dma_start3A_70 = arith.constant 0 : i32
        %dma_start3A_71 = tpu.memref_slice %arg3[%add3A_69, %dma_start3A_70] : memref<20000x128xf32, #tpu.memory_space<hbm>> -> memref<624x128xf32, #tpu.memory_space<hbm>>
        %dma_start3A_72 = arith.constant 0 : i32
        %dma_start3A_73 = tpu.memref_slice %arg4[%mul3A_2, %dma_start3A_72] : memref<10000x128xf32, #tpu.memory_space<vmem_shared>> -> memref<624x128xf32, #tpu.memory_space<vmem_shared>>
        tpu.enqueue_dma source(%dma_start3A_73 : memref<624x128xf32, #tpu.memory_space<vmem_shared>>) target(%dma_start3A_71 : memref<624x128xf32, #tpu.memory_space<hbm>>) target_semaphore(%run_scoped3A : memref<!tpu.dma_semaphore, #tpu.memory_space<semaphore_mem>>)
        %dma_wait3A_74 = arith.constant 0 : i32
        %dma_wait3A_75 = tpu.memref_slice %arg3[%add3A_69, %dma_wait3A_74] : memref<20000x128xf32, #tpu.memory_space<hbm>> -> memref<624x128xf32, #tpu.memory_space<hbm>>
        %dma_wait3A_76 = arith.constant 0 : i32
        %dma_wait3A_77 = tpu.memref_slice %arg4[%mul3A_2, %dma_wait3A_76] : memref<10000x128xf32, #tpu.memory_space<vmem_shared>> -> memref<624x128xf32, #tpu.memory_space<vmem_shared>>
        tpu.wait_dma2 semaphore(%run_scoped3A : memref<!tpu.dma_semaphore, #tpu.memory_space<semaphore_mem>>) src(%dma_wait3A_77 : memref<624x128xf32, #tpu.memory_space<vmem_shared>>) dst(%dma_wait3A_75 : memref<624x128xf32, #tpu.memory_space<hbm>>)
        tpu.yield
      }) : () -> ()
    } else {
    }
    %convert_element_type3A_64 = arith.extui %eq3A_3 : i1 to i32
    %cond3A_65 = arith.constant 0 : i32
    %cond3A_66 = arith.cmpi ne, %convert_element_type3A_64, %cond3A_65 : i32
    scf.if %cond3A_66 {
      %mul3A_67 = arith.constant 10000 : i32
      %mul3A_68 = arith.muli %arg0, %mul3A_67 : i32
      %add3A_69 = arith.addi %mul3A_68, %mul3A_2 : i32
      "tpu.region"() ({
        %run_scoped3A = tpu.sem_alloc : memref<!tpu.dma_semaphore, #tpu.memory_space<semaphore_mem>>
        %dma_start3A_70 = arith.constant 0 : i32
        %dma_start3A_71 = tpu.memref_slice %arg3[%add3A_69, %dma_start3A_70] : memref<20000x128xf32, #tpu.memory_space<hbm>> -> memref<640x128xf32, #tpu.memory_space<hbm>>
        %dma_start3A_72 = arith.constant 0 : i32
        %dma_start3A_73 = tpu.memref_slice %arg4[%mul3A_2, %dma_start3A_72] : memref<10000x128xf32, #tpu.memory_space<vmem_shared>> -> memref<640x128xf32, #tpu.memory_space<vmem_shared>>
        tpu.enqueue_dma source(%dma_start3A_73 : memref<640x128xf32, #tpu.memory_space<vmem_shared>>) target(%dma_start3A_71 : memref<640x128xf32, #tpu.memory_space<hbm>>) target_semaphore(%run_scoped3A : memref<!tpu.dma_semaphore, #tpu.memory_space<semaphore_mem>>)
        %dma_wait3A_74 = arith.constant 0 : i32
        %dma_wait3A_75 = tpu.memref_slice %arg3[%add3A_69, %dma_wait3A_74] : memref<20000x128xf32, #tpu.memory_space<hbm>> -> memref<640x128xf32, #tpu.memory_space<hbm>>
        %dma_wait3A_76 = arith.constant 0 : i32
        %dma_wait3A_77 = tpu.memref_slice %arg4[%mul3A_2, %dma_wait3A_76] : memref<10000x128xf32, #tpu.memory_space<vmem_shared>> -> memref<640x128xf32, #tpu.memory_space<vmem_shared>>
        tpu.wait_dma2 semaphore(%run_scoped3A : memref<!tpu.dma_semaphore, #tpu.memory_space<semaphore_mem>>) src(%dma_wait3A_77 : memref<640x128xf32, #tpu.memory_space<vmem_shared>>) dst(%dma_wait3A_75 : memref<640x128xf32, #tpu.memory_space<hbm>>)
        tpu.yield
      }) : () -> ()
    } else {
    }
    return
  }
}

#map = affine_map<(d0, d1) -> (0, 0)>
#map1 = affine_map<(d0, d1) -> (0)>
module attributes {stable_mosaic.version = 14 : i64} {
  func.func @_sc_scatter(%arg0: i32, %arg1: i32, %arg2: memref<10000x128xf32, #tpu.memory_space<hbm>>, %arg3: memref<320000xi32, #tpu.memory_space<hbm>>, %arg4: memref<320000xi32, #tpu.memory_space<hbm>>, %arg5: memref<20000x128xf32, #tpu.memory_space<hbm>>, %arg6: memref<10000x128xf32, #tpu.memory_space<vmem_shared>>, %arg7: memref<10000xi32, #tpu.memory_space<vmem>>, %arg8: memref<10000xi32, #tpu.memory_space<vmem>>, %arg9: memref<3x80x128xf32, #tpu.memory_space<vmem>>, %arg10: memref<!tpu.dma_semaphore, #tpu.memory_space<semaphore_mem>>, %arg11: memref<!tpu.dma_semaphore, #tpu.memory_space<semaphore_mem>>, %arg12: memref<!tpu.dma_semaphore, #tpu.memory_space<semaphore_mem>>, %arg13: memref<!tpu.dma_semaphore, #tpu.memory_space<semaphore_mem>>, %arg14: memref<!tpu.dma_semaphore, #tpu.memory_space<semaphore_mem>>, %arg15: memref<!tpu.dma_semaphore, #tpu.memory_space<semaphore_mem>>, %arg16: memref<!tpu.dma_semaphore, #tpu.memory_space<semaphore_mem>>) attributes {dimension_semantics = [#tpu.dimension_semantics<core_parallel>, #tpu.dimension_semantics<subcore_parallel>], iteration_bounds = array<i64: 2, 16>, scalar_prefetch = 0 : i64, scratch_operands = 11 : i64, tpu.core_type = #tpu.core_type<sc_vector_subcore>, window_params = [{transform_indices = #map}, {transform_indices = #map1}, {transform_indices = #map1}, {transform_indices = #map}]} {
    %mul3A = arith.constant 16 : i32
    %mul3A_0 = arith.muli %arg0, %mul3A : i32
    %add3A = arith.addi %mul3A_0, %arg1 : i32
    %mul3A_1 = arith.constant 624 : i32
    %mul3A_2 = arith.muli %arg1, %mul3A_1 : i32
    %eq3A = arith.constant 15 : i32
    %eq3A_3 = arith.cmpi eq, %arg1, %eq3A : i32
    %mul3A_4 = arith.constant 10000 : i32
    %mul3A_5 = arith.muli %add3A, %mul3A_4 : i32
    %dma_start3A = tpu.memref_slice %arg3[%mul3A_5] : memref<320000xi32, #tpu.memory_space<hbm>> -> memref<10000xi32, #tpu.memory_space<hbm>>
    %dma_start3A_6 = tpu.memref_slice %arg3[%mul3A_5] : memref<320000xi32, #tpu.memory_space<hbm>> -> memref<10000xi32, #tpu.memory_space<hbm>>
    tpu.enqueue_dma source(%dma_start3A_6 : memref<10000xi32, #tpu.memory_space<hbm>>) target(%arg7 : memref<10000xi32, #tpu.memory_space<vmem>>) target_semaphore(%arg10 : memref<!tpu.dma_semaphore, #tpu.memory_space<semaphore_mem>>)
    %dma_start3A_7 = tpu.memref_slice %arg4[%mul3A_5] : memref<320000xi32, #tpu.memory_space<hbm>> -> memref<10000xi32, #tpu.memory_space<hbm>>
    %dma_start3A_8 = tpu.memref_slice %arg4[%mul3A_5] : memref<320000xi32, #tpu.memory_space<hbm>> -> memref<10000xi32, #tpu.memory_space<hbm>>
    tpu.enqueue_dma source(%dma_start3A_8 : memref<10000xi32, #tpu.memory_space<hbm>>) target(%arg8 : memref<10000xi32, #tpu.memory_space<vmem>>) target_semaphore(%arg10 : memref<!tpu.dma_semaphore, #tpu.memory_space<semaphore_mem>>)
    %broadcast_in_dim3A = arith.constant 0.000000e+00 : f32
    %broadcast_in_dim3A_9 = vector.broadcast %broadcast_in_dim3A : f32 to vector<16xf32>
    %scan3A = arith.constant 0 : i32
    %scan3A_10 = arith.constant 0 : i32
    %scan3A_11 = arith.constant 0 : i32
    %scan3A_12 = arith.constant 640 : i32
    %scan3A_13 = arith.addi %scan3A_11, %scan3A_12 : i32
    %scan3A_14 = arith.constant 1 : i32
    scf.for %scan3A_90 = %scan3A_11 to %scan3A_13 step %scan3A_14  : i32 {
      %jit3A = arith.constant 8 : i32
      %div3A = arith.divsi %scan3A_90, %jit3A : i32
      %sign3A = arith.constant 0 : i32
      %sign3A_91 = arith.cmpi sgt, %scan3A_90, %sign3A : i32
      %sign3A_92 = arith.extui %sign3A_91 : i1 to i32
      %sign3A_93 = arith.constant 0 : i32
      %sign3A_94 = arith.cmpi slt, %scan3A_90, %sign3A_93 : i32
      %sign3A_95 = arith.extui %sign3A_94 : i1 to i32
      %sign3A_96 = arith.subi %sign3A_92, %sign3A_95 : i32
      %sign3A_97 = arith.constant 0 : i32
      %sign3A_98 = arith.cmpi sgt, %jit3A, %sign3A_97 : i32
      %sign3A_99 = arith.extui %sign3A_98 : i1 to i32
      %sign3A_100 = arith.constant 0 : i32
      %sign3A_101 = arith.cmpi slt, %jit3A, %sign3A_100 : i32
      %sign3A_102 = arith.extui %sign3A_101 : i1 to i32
      %sign3A_103 = arith.subi %sign3A_99, %sign3A_102 : i32
      %ne3A = arith.cmpi ne, %sign3A_96, %sign3A_103 : i32
      %rem3A = arith.remsi %scan3A_90, %jit3A : i32
      %ne3A_104 = arith.constant 0 : i32
      %ne3A_105 = arith.cmpi ne, %rem3A, %ne3A_104 : i32
      %and3A = arith.andi %ne3A, %ne3A_105 : i1
      %sub3A = arith.constant 1 : i32
      %sub3A_106 = arith.subi %div3A, %sub3A : i32
      %select_n3A = arith.select %and3A, %sub3A_106, %div3A : i32
      %jit3A_107 = arith.constant 8 : i32
      %eq3A_108 = arith.constant 0 : i32
      %eq3A_109 = arith.cmpi eq, %jit3A_107, %eq3A_108 : i32
      %jit3A_110 = arith.constant 1 : i32
      %select_n3A_111 = arith.select %eq3A_109, %jit3A_110, %jit3A_107 : i32
      %rem3A_112 = arith.remsi %scan3A_90, %select_n3A_111 : i32
      %ne3A_113 = arith.constant 0 : i32
      %ne3A_114 = arith.cmpi ne, %rem3A_112, %ne3A_113 : i32
      %lt3A = arith.constant 0 : i32
      %lt3A_115 = arith.cmpi slt, %rem3A_112, %lt3A : i32
      %lt3A_116 = arith.constant 0 : i32
      %lt3A_117 = arith.cmpi slt, %select_n3A_111, %lt3A_116 : i32
      %ne3A_118 = arith.xori %lt3A_115, %lt3A_117 : i1
      %and3A_119 = arith.andi %ne3A_118, %ne3A_114 : i1
      %add3A_120 = arith.addi %rem3A_112, %select_n3A_111 : i32
      %select_n3A_121 = arith.select %and3A_119, %add3A_120, %rem3A_112 : i32
      %mul3A_122 = arith.constant 16 : i32
      %mul3A_123 = arith.muli %select_n3A_121, %mul3A_122 : i32
      %swap3A = arith.constant 0 : i32
      %swap3A_124 = arith.constant 0 : i32
      %swap3A_125 = tpu.memref_slice %arg9[%scan3A_10, %swap3A, %swap3A_124] : memref<3x80x128xf32, #tpu.memory_space<vmem>> -> memref<1x80x128xf32, #tpu.memory_space<vmem>>
      %swap3A_126 = tpu.memref_squeeze %swap3A_125 : memref<1x80x128xf32, #tpu.memory_space<vmem>> -> memref<80x128xf32, #tpu.memory_space<vmem>>
      %swap3A_127 = arith.index_cast %select_n3A : i32 to index
      %swap3A_128 = arith.index_cast %mul3A_123 : i32 to index
      %swap3A_129 = tpu.vector_load %swap3A_126[%swap3A_127, %swap3A_128] {strides = array<i32>} : memref<80x128xf32, #tpu.memory_space<vmem>>, vector<1x16xf32>,
      %swap3A_130 = vector.shape_cast %swap3A_129 : vector<1x16xf32> to vector<16xf32>
      %swap3A_131 = vector.shape_cast %broadcast_in_dim3A_9 : vector<16xf32> to vector<1x16xf32>
      tpu.vector_store %swap3A_126[%swap3A_127, %swap3A_128], %swap3A_131 {strides = array<i32>} : memref<80x128xf32, #tpu.memory_space<vmem>>, vector<1x16xf32>,
    }
    %scan3A_15 = arith.constant 640 : i32
    %not3A = arith.constant true
    %not3A_16 = arith.xori %eq3A_3, %not3A : i1
    %convert_element_type3A = arith.extui %not3A_16 : i1 to i32
    %cond3A = arith.constant 0 : i32
    %cond3A_17 = arith.cmpi ne, %convert_element_type3A, %cond3A : i32
    scf.if %cond3A_17 {
      %add3A_90 = arith.constant 0 : i32
      %add3A_91 = arith.addi %mul3A_2, %add3A_90 : i32
      %run_scoped3A_92 = arith.constant 0 : i32
      "tpu.region"() ({
        %run_scoped3A_114 = tpu.sem_alloc : memref<!tpu.dma_semaphore, #tpu.memory_space<semaphore_mem>>
        %dma_start3A_115 = arith.constant 0 : i32
        %dma_start3A_116 = arith.constant 0 : i32
        %dma_start3A_117 = tpu.memref_slice %arg9[%run_scoped3A_92, %dma_start3A_115, %dma_start3A_116] : memref<3x80x128xf32, #tpu.memory_space<vmem>> -> memref<1x80x128xf32, #tpu.memory_space<vmem>>
        %dma_start3A_118 = tpu.memref_squeeze %dma_start3A_117 : memref<1x80x128xf32, #tpu.memory_space<vmem>> -> memref<80x128xf32, #tpu.memory_space<vmem>>
        %dma_start3A_119 = arith.constant 0 : i32
        %dma_start3A_120 = tpu.memref_slice %arg6[%add3A_91, %dma_start3A_119] : memref<10000x128xf32, #tpu.memory_space<vmem_shared>> -> memref<80x128xf32, #tpu.memory_space<vmem_shared>>
        %dma_start3A_121 = arith.constant 0 : i32
        %dma_start3A_122 = tpu.memref_slice %arg6[%add3A_91, %dma_start3A_121] : memref<10000x128xf32, #tpu.memory_space<vmem_shared>> -> memref<80x128xf32, #tpu.memory_space<vmem_shared>>
        %dma_start3A_123 = arith.constant 0 : i32
        %dma_start3A_124 = arith.constant 0 : i32
        %dma_start3A_125 = tpu.memref_slice %arg9[%run_scoped3A_92, %dma_start3A_123, %dma_start3A_124] : memref<3x80x128xf32, #tpu.memory_space<vmem>> -> memref<1x80x128xf32, #tpu.memory_space<vmem>>
        %dma_start3A_126 = tpu.memref_squeeze %dma_start3A_125 : memref<1x80x128xf32, #tpu.memory_space<vmem>> -> memref<80x128xf32, #tpu.memory_space<vmem>>
        tpu.enqueue_dma source(%dma_start3A_126 : memref<80x128xf32, #tpu.memory_space<vmem>>) target(%dma_start3A_122 : memref<80x128xf32, #tpu.memory_space<vmem_shared>>) target_semaphore(%run_scoped3A_114 : memref<!tpu.dma_semaphore, #tpu.memory_space<semaphore_mem>>)
        %dma_wait3A_127 = arith.constant 0 : i32
        %dma_wait3A_128 = arith.constant 0 : i32
        %dma_wait3A_129 = tpu.memref_slice %arg9[%run_scoped3A_92, %dma_wait3A_127, %dma_wait3A_128] : memref<3x80x128xf32, #tpu.memory_space<vmem>> -> memref<1x80x128xf32, #tpu.memory_space<vmem>>
        %dma_wait3A_130 = tpu.memref_squeeze %dma_wait3A_129 : memref<1x80x128xf32, #tpu.memory_space<vmem>> -> memref<80x128xf32, #tpu.memory_space<vmem>>
        %dma_wait3A_131 = arith.constant 0 : i32
        %dma_wait3A_132 = tpu.memref_slice %arg6[%add3A_91, %dma_wait3A_131] : memref<10000x128xf32, #tpu.memory_space<vmem_shared>> -> memref<80x128xf32, #tpu.memory_space<vmem_shared>>
        %dma_wait3A_133 = arith.constant 0 : i32
        %dma_wait3A_134 = tpu.memref_slice %arg6[%add3A_91, %dma_wait3A_133] : memref<10000x128xf32, #tpu.memory_space<vmem_shared>> -> memref<80x128xf32, #tpu.memory_space<vmem_shared>>
        %dma_wait3A_135 = arith.constant 0 : i32
        %dma_wait3A_136 = arith.constant 0 : i32
        %dma_wait3A_137 = tpu.memref_slice %arg9[%run_scoped3A_92, %dma_wait3A_135, %dma_wait3A_136] : memref<3x80x128xf32, #tpu.memory_space<vmem>> -> memref<1x80x128xf32, #tpu.memory_space<vmem>>
        %dma_wait3A_138 = tpu.memref_squeeze %dma_wait3A_137 : memref<1x80x128xf32, #tpu.memory_space<vmem>> -> memref<80x128xf32, #tpu.memory_space<vmem>>
        tpu.wait_dma2 semaphore(%run_scoped3A_114 : memref<!tpu.dma_semaphore, #tpu.memory_space<semaphore_mem>>) src(%dma_wait3A_138 : memref<80x128xf32, #tpu.memory_space<vmem>>) dst(%dma_wait3A_134 : memref<80x128xf32, #tpu.memory_space<vmem_shared>>)
        tpu.yield
      }) : () -> ()
      %add3A_93 = arith.constant 80 : i32
      %add3A_94 = arith.addi %mul3A_2, %add3A_93 : i32
      %run_scoped3A_95 = arith.constant 0 : i32
      "tpu.region"() ({
        %run_scoped3A_114 = tpu.sem_alloc : memref<!tpu.dma_semaphore, #tpu.memory_space<semaphore_mem>>
        %dma_start3A_115 = arith.constant 0 : i32
        %dma_start3A_116 = arith.constant 0 : i32
        %dma_start3A_117 = tpu.memref_slice %arg9[%run_scoped3A_95, %dma_start3A_115, %dma_start3A_116] : memref<3x80x128xf32, #tpu.memory_space<vmem>> -> memref<1x80x128xf32, #tpu.memory_space<vmem>>
        %dma_start3A_118 = tpu.memref_squeeze %dma_start3A_117 : memref<1x80x128xf32, #tpu.memory_space<vmem>> -> memref<80x128xf32, #tpu.memory_space<vmem>>
        %dma_start3A_119 = arith.constant 0 : i32
        %dma_start3A_120 = tpu.memref_slice %arg6[%add3A_94, %dma_start3A_119] : memref<10000x128xf32, #tpu.memory_space<vmem_shared>> -> memref<80x128xf32, #tpu.memory_space<vmem_shared>>
        %dma_start3A_121 = arith.constant 0 : i32
        %dma_start3A_122 = tpu.memref_slice %arg6[%add3A_94, %dma_start3A_121] : memref<10000x128xf32, #tpu.memory_space<vmem_shared>> -> memref<80x128xf32, #tpu.memory_space<vmem_shared>>
        %dma_start3A_123 = arith.constant 0 : i32
        %dma_start3A_124 = arith.constant 0 : i32
        %dma_start3A_125 = tpu.memref_slice %arg9[%run_scoped3A_95, %dma_start3A_123, %dma_start3A_124] : memref<3x80x128xf32, #tpu.memory_space<vmem>> -> memref<1x80x128xf32, #tpu.memory_space<vmem>>
        %dma_start3A_126 = tpu.memref_squeeze %dma_start3A_125 : memref<1x80x128xf32, #tpu.memory_space<vmem>> -> memref<80x128xf32, #tpu.memory_space<vmem>>
        tpu.enqueue_dma source(%dma_start3A_126 : memref<80x128xf32, #tpu.memory_space<vmem>>) target(%dma_start3A_122 : memref<80x128xf32, #tpu.memory_space<vmem_shared>>) target_semaphore(%run_scoped3A_114 : memref<!tpu.dma_semaphore, #tpu.memory_space<semaphore_mem>>)
        %dma_wait3A_127 = arith.constant 0 : i32
        %dma_wait3A_128 = arith.constant 0 : i32
        %dma_wait3A_129 = tpu.memref_slice %arg9[%run_scoped3A_95, %dma_wait3A_127, %dma_wait3A_128] : memref<3x80x128xf32, #tpu.memory_space<vmem>> -> memref<1x80x128xf32, #tpu.memory_space<vmem>>
        %dma_wait3A_130 = tpu.memref_squeeze %dma_wait3A_129 : memref<1x80x128xf32, #tpu.memory_space<vmem>> -> memref<80x128xf32, #tpu.memory_space<vmem>>
        %dma_wait3A_131 = arith.constant 0 : i32
        %dma_wait3A_132 = tpu.memref_slice %arg6[%add3A_94, %dma_wait3A_131] : memref<10000x128xf32, #tpu.memory_space<vmem_shared>> -> memref<80x128xf32, #tpu.memory_space<vmem_shared>>
        %dma_wait3A_133 = arith.constant 0 : i32
        %dma_wait3A_134 = tpu.memref_slice %arg6[%add3A_94, %dma_wait3A_133] : memref<10000x128xf32, #tpu.memory_space<vmem_shared>> -> memref<80x128xf32, #tpu.memory_space<vmem_shared>>
        %dma_wait3A_135 = arith.constant 0 : i32
        %dma_wait3A_136 = arith.constant 0 : i32
        %dma_wait3A_137 = tpu.memref_slice %arg9[%run_scoped3A_95, %dma_wait3A_135, %dma_wait3A_136] : memref<3x80x128xf32, #tpu.memory_space<vmem>> -> memref<1x80x128xf32, #tpu.memory_space<vmem>>
        %dma_wait3A_138 = tpu.memref_squeeze %dma_wait3A_137 : memref<1x80x128xf32, #tpu.memory_space<vmem>> -> memref<80x128xf32, #tpu.memory_space<vmem>>
        tpu.wait_dma2 semaphore(%run_scoped3A_114 : memref<!tpu.dma_semaphore, #tpu.memory_space<semaphore_mem>>) src(%dma_wait3A_138 : memref<80x128xf32, #tpu.memory_space<vmem>>) dst(%dma_wait3A_134 : memref<80x128xf32, #tpu.memory_space<vmem_shared>>)
        tpu.yield
      }) : () -> ()
      %add3A_96 = arith.constant 160 : i32
      %add3A_97 = arith.addi %mul3A_2, %add3A_96 : i32
      %run_scoped3A_98 = arith.constant 0 : i32
      "tpu.region"() ({
        %run_scoped3A_114 = tpu.sem_alloc : memref<!tpu.dma_semaphore, #tpu.memory_space<semaphore_mem>>
        %dma_start3A_115 = arith.constant 0 : i32
        %dma_start3A_116 = arith.constant 0 : i32
        %dma_start3A_117 = tpu.memref_slice %arg9[%run_scoped3A_98, %dma_start3A_115, %dma_start3A_116] : memref<3x80x128xf32, #tpu.memory_space<vmem>> -> memref<1x80x128xf32, #tpu.memory_space<vmem>>
        %dma_start3A_118 = tpu.memref_squeeze %dma_start3A_117 : memref<1x80x128xf32, #tpu.memory_space<vmem>> -> memref<80x128xf32, #tpu.memory_space<vmem>>
        %dma_start3A_119 = arith.constant 0 : i32
        %dma_start3A_120 = tpu.memref_slice %arg6[%add3A_97, %dma_start3A_119] : memref<10000x128xf32, #tpu.memory_space<vmem_shared>> -> memref<80x128xf32, #tpu.memory_space<vmem_shared>>
        %dma_start3A_121 = arith.constant 0 : i32
        %dma_start3A_122 = tpu.memref_slice %arg6[%add3A_97, %dma_start3A_121] : memref<10000x128xf32, #tpu.memory_space<vmem_shared>> -> memref<80x128xf32, #tpu.memory_space<vmem_shared>>
        %dma_start3A_123 = arith.constant 0 : i32
        %dma_start3A_124 = arith.constant 0 : i32
        %dma_start3A_125 = tpu.memref_slice %arg9[%run_scoped3A_98, %dma_start3A_123, %dma_start3A_124] : memref<3x80x128xf32, #tpu.memory_space<vmem>> -> memref<1x80x128xf32, #tpu.memory_space<vmem>>
        %dma_start3A_126 = tpu.memref_squeeze %dma_start3A_125 : memref<1x80x128xf32, #tpu.memory_space<vmem>> -> memref<80x128xf32, #tpu.memory_space<vmem>>
        tpu.enqueue_dma source(%dma_start3A_126 : memref<80x128xf32, #tpu.memory_space<vmem>>) target(%dma_start3A_122 : memref<80x128xf32, #tpu.memory_space<vmem_shared>>) target_semaphore(%run_scoped3A_114 : memref<!tpu.dma_semaphore, #tpu.memory_space<semaphore_mem>>)
        %dma_wait3A_127 = arith.constant 0 : i32
        %dma_wait3A_128 = arith.constant 0 : i32
        %dma_wait3A_129 = tpu.memref_slice %arg9[%run_scoped3A_98, %dma_wait3A_127, %dma_wait3A_128] : memref<3x80x128xf32, #tpu.memory_space<vmem>> -> memref<1x80x128xf32, #tpu.memory_space<vmem>>
        %dma_wait3A_130 = tpu.memref_squeeze %dma_wait3A_129 : memref<1x80x128xf32, #tpu.memory_space<vmem>> -> memref<80x128xf32, #tpu.memory_space<vmem>>
        %dma_wait3A_131 = arith.constant 0 : i32
        %dma_wait3A_132 = tpu.memref_slice %arg6[%add3A_97, %dma_wait3A_131] : memref<10000x128xf32, #tpu.memory_space<vmem_shared>> -> memref<80x128xf32, #tpu.memory_space<vmem_shared>>
        %dma_wait3A_133 = arith.constant 0 : i32
        %dma_wait3A_134 = tpu.memref_slice %arg6[%add3A_97, %dma_wait3A_133] : memref<10000x128xf32, #tpu.memory_space<vmem_shared>> -> memref<80x128xf32, #tpu.memory_space<vmem_shared>>
        %dma_wait3A_135 = arith.constant 0 : i32
        %dma_wait3A_136 = arith.constant 0 : i32
        %dma_wait3A_137 = tpu.memref_slice %arg9[%run_scoped3A_98, %dma_wait3A_135, %dma_wait3A_136] : memref<3x80x128xf32, #tpu.memory_space<vmem>> -> memref<1x80x128xf32, #tpu.memory_space<vmem>>
        %dma_wait3A_138 = tpu.memref_squeeze %dma_wait3A_137 : memref<1x80x128xf32, #tpu.memory_space<vmem>> -> memref<80x128xf32, #tpu.memory_space<vmem>>
        tpu.wait_dma2 semaphore(%run_scoped3A_114 : memref<!tpu.dma_semaphore, #tpu.memory_space<semaphore_mem>>) src(%dma_wait3A_138 : memref<80x128xf32, #tpu.memory_space<vmem>>) dst(%dma_wait3A_134 : memref<80x128xf32, #tpu.memory_space<vmem_shared>>)
        tpu.yield
      }) : () -> ()
      %add3A_99 = arith.constant 240 : i32
      %add3A_100 = arith.addi %mul3A_2, %add3A_99 : i32
      %run_scoped3A_101 = arith.constant 0 : i32
      "tpu.region"() ({
        %run_scoped3A_114 = tpu.sem_alloc : memref<!tpu.dma_semaphore, #tpu.memory_space<semaphore_mem>>
        %dma_start3A_115 = arith.constant 0 : i32
        %dma_start3A_116 = arith.constant 0 : i32
        %dma_start3A_117 = tpu.memref_slice %arg9[%run_scoped3A_101, %dma_start3A_115, %dma_start3A_116] : memref<3x80x128xf32, #tpu.memory_space<vmem>> -> memref<1x80x128xf32, #tpu.memory_space<vmem>>
        %dma_start3A_118 = tpu.memref_squeeze %dma_start3A_117 : memref<1x80x128xf32, #tpu.memory_space<vmem>> -> memref<80x128xf32, #tpu.memory_space<vmem>>
        %dma_start3A_119 = arith.constant 0 : i32
        %dma_start3A_120 = tpu.memref_slice %arg6[%add3A_100, %dma_start3A_119] : memref<10000x128xf32, #tpu.memory_space<vmem_shared>> -> memref<80x128xf32, #tpu.memory_space<vmem_shared>>
        %dma_start3A_121 = arith.constant 0 : i32
        %dma_start3A_122 = tpu.memref_slice %arg6[%add3A_100, %dma_start3A_121] : memref<10000x128xf32, #tpu.memory_space<vmem_shared>> -> memref<80x128xf32, #tpu.memory_space<vmem_shared>>
        %dma_start3A_123 = arith.constant 0 : i32
        %dma_start3A_124 = arith.constant 0 : i32
        %dma_start3A_125 = tpu.memref_slice %arg9[%run_scoped3A_101, %dma_start3A_123, %dma_start3A_124] : memref<3x80x128xf32, #tpu.memory_space<vmem>> -> memref<1x80x128xf32, #tpu.memory_space<vmem>>
        %dma_start3A_126 = tpu.memref_squeeze %dma_start3A_125 : memref<1x80x128xf32, #tpu.memory_space<vmem>> -> memref<80x128xf32, #tpu.memory_space<vmem>>
        tpu.enqueue_dma source(%dma_start3A_126 : memref<80x128xf32, #tpu.memory_space<vmem>>) target(%dma_start3A_122 : memref<80x128xf32, #tpu.memory_space<vmem_shared>>) target_semaphore(%run_scoped3A_114 : memref<!tpu.dma_semaphore, #tpu.memory_space<semaphore_mem>>)
        %dma_wait3A_127 = arith.constant 0 : i32
        %dma_wait3A_128 = arith.constant 0 : i32
        %dma_wait3A_129 = tpu.memref_slice %arg9[%run_scoped3A_101, %dma_wait3A_127, %dma_wait3A_128] : memref<3x80x128xf32, #tpu.memory_space<vmem>> -> memref<1x80x128xf32, #tpu.memory_space<vmem>>
        %dma_wait3A_130 = tpu.memref_squeeze %dma_wait3A_129 : memref<1x80x128xf32, #tpu.memory_space<vmem>> -> memref<80x128xf32, #tpu.memory_space<vmem>>
        %dma_wait3A_131 = arith.constant 0 : i32
        %dma_wait3A_132 = tpu.memref_slice %arg6[%add3A_100, %dma_wait3A_131] : memref<10000x128xf32, #tpu.memory_space<vmem_shared>> -> memref<80x128xf32, #tpu.memory_space<vmem_shared>>
        %dma_wait3A_133 = arith.constant 0 : i32
        %dma_wait3A_134 = tpu.memref_slice %arg6[%add3A_100, %dma_wait3A_133] : memref<10000x128xf32, #tpu.memory_space<vmem_shared>> -> memref<80x128xf32, #tpu.memory_space<vmem_shared>>
        %dma_wait3A_135 = arith.constant 0 : i32
        %dma_wait3A_136 = arith.constant 0 : i32
        %dma_wait3A_137 = tpu.memref_slice %arg9[%run_scoped3A_101, %dma_wait3A_135, %dma_wait3A_136] : memref<3x80x128xf32, #tpu.memory_space<vmem>> -> memref<1x80x128xf32, #tpu.memory_space<vmem>>
        %dma_wait3A_138 = tpu.memref_squeeze %dma_wait3A_137 : memref<1x80x128xf32, #tpu.memory_space<vmem>> -> memref<80x128xf32, #tpu.memory_space<vmem>>
        tpu.wait_dma2 semaphore(%run_scoped3A_114 : memref<!tpu.dma_semaphore, #tpu.memory_space<semaphore_mem>>) src(%dma_wait3A_138 : memref<80x128xf32, #tpu.memory_space<vmem>>) dst(%dma_wait3A_134 : memref<80x128xf32, #tpu.memory_space<vmem_shared>>)
        tpu.yield
      }) : () -> ()
      %add3A_102 = arith.constant 320 : i32
      %add3A_103 = arith.addi %mul3A_2, %add3A_102 : i32
      %run_scoped3A_104 = arith.constant 0 : i32
      "tpu.region"() ({
        %run_scoped3A_114 = tpu.sem_alloc : memref<!tpu.dma_semaphore, #tpu.memory_space<semaphore_mem>>
        %dma_start3A_115 = arith.constant 0 : i32
        %dma_start3A_116 = arith.constant 0 : i32
        %dma_start3A_117 = tpu.memref_slice %arg9[%run_scoped3A_104, %dma_start3A_115, %dma_start3A_116] : memref<3x80x128xf32, #tpu.memory_space<vmem>> -> memref<1x80x128xf32, #tpu.memory_space<vmem>>
        %dma_start3A_118 = tpu.memref_squeeze %dma_start3A_117 : memref<1x80x128xf32, #tpu.memory_space<vmem>> -> memref<80x128xf32, #tpu.memory_space<vmem>>
        %dma_start3A_119 = arith.constant 0 : i32
        %dma_start3A_120 = tpu.memref_slice %arg6[%add3A_103, %dma_start3A_119] : memref<10000x128xf32, #tpu.memory_space<vmem_shared>> -> memref<80x128xf32, #tpu.memory_space<vmem_shared>>
        %dma_start3A_121 = arith.constant 0 : i32
        %dma_start3A_122 = tpu.memref_slice %arg6[%add3A_103, %dma_start3A_121] : memref<10000x128xf32, #tpu.memory_space<vmem_shared>> -> memref<80x128xf32, #tpu.memory_space<vmem_shared>>
        %dma_start3A_123 = arith.constant 0 : i32
        %dma_start3A_124 = arith.constant 0 : i32
        %dma_start3A_125 = tpu.memref_slice %arg9[%run_scoped3A_104, %dma_start3A_123, %dma_start3A_124] : memref<3x80x128xf32, #tpu.memory_space<vmem>> -> memref<1x80x128xf32, #tpu.memory_space<vmem>>
        %dma_start3A_126 = tpu.memref_squeeze %dma_start3A_125 : memref<1x80x128xf32, #tpu.memory_space<vmem>> -> memref<80x128xf32, #tpu.memory_space<vmem>>
        tpu.enqueue_dma source(%dma_start3A_126 : memref<80x128xf32, #tpu.memory_space<vmem>>) target(%dma_start3A_122 : memref<80x128xf32, #tpu.memory_space<vmem_shared>>) target_semaphore(%run_scoped3A_114 : memref<!tpu.dma_semaphore, #tpu.memory_space<semaphore_mem>>)
        %dma_wait3A_127 = arith.constant 0 : i32
        %dma_wait3A_128 = arith.constant 0 : i32
        %dma_wait3A_129 = tpu.memref_slice %arg9[%run_scoped3A_104, %dma_wait3A_127, %dma_wait3A_128] : memref<3x80x128xf32, #tpu.memory_space<vmem>> -> memref<1x80x128xf32, #tpu.memory_space<vmem>>
        %dma_wait3A_130 = tpu.memref_squeeze %dma_wait3A_129 : memref<1x80x128xf32, #tpu.memory_space<vmem>> -> memref<80x128xf32, #tpu.memory_space<vmem>>
        %dma_wait3A_131 = arith.constant 0 : i32
        %dma_wait3A_132 = tpu.memref_slice %arg6[%add3A_103, %dma_wait3A_131] : memref<10000x128xf32, #tpu.memory_space<vmem_shared>> -> memref<80x128xf32, #tpu.memory_space<vmem_shared>>
        %dma_wait3A_133 = arith.constant 0 : i32
        %dma_wait3A_134 = tpu.memref_slice %arg6[%add3A_103, %dma_wait3A_133] : memref<10000x128xf32, #tpu.memory_space<vmem_shared>> -> memref<80x128xf32, #tpu.memory_space<vmem_shared>>
        %dma_wait3A_135 = arith.constant 0 : i32
        %dma_wait3A_136 = arith.constant 0 : i32
        %dma_wait3A_137 = tpu.memref_slice %arg9[%run_scoped3A_104, %dma_wait3A_135, %dma_wait3A_136] : memref<3x80x128xf32, #tpu.memory_space<vmem>> -> memref<1x80x128xf32, #tpu.memory_space<vmem>>
        %dma_wait3A_138 = tpu.memref_squeeze %dma_wait3A_137 : memref<1x80x128xf32, #tpu.memory_space<vmem>> -> memref<80x128xf32, #tpu.memory_space<vmem>>
        tpu.wait_dma2 semaphore(%run_scoped3A_114 : memref<!tpu.dma_semaphore, #tpu.memory_space<semaphore_mem>>) src(%dma_wait3A_138 : memref<80x128xf32, #tpu.memory_space<vmem>>) dst(%dma_wait3A_134 : memref<80x128xf32, #tpu.memory_space<vmem_shared>>)
        tpu.yield
      }) : () -> ()
      %add3A_105 = arith.constant 400 : i32
      %add3A_106 = arith.addi %mul3A_2, %add3A_105 : i32
      %run_scoped3A_107 = arith.constant 0 : i32
      "tpu.region"() ({
        %run_scoped3A_114 = tpu.sem_alloc : memref<!tpu.dma_semaphore, #tpu.memory_space<semaphore_mem>>
        %dma_start3A_115 = arith.constant 0 : i32
        %dma_start3A_116 = arith.constant 0 : i32
        %dma_start3A_117 = tpu.memref_slice %arg9[%run_scoped3A_107, %dma_start3A_115, %dma_start3A_116] : memref<3x80x128xf32, #tpu.memory_space<vmem>> -> memref<1x80x128xf32, #tpu.memory_space<vmem>>
        %dma_start3A_118 = tpu.memref_squeeze %dma_start3A_117 : memref<1x80x128xf32, #tpu.memory_space<vmem>> -> memref<80x128xf32, #tpu.memory_space<vmem>>
        %dma_start3A_119 = arith.constant 0 : i32
        %dma_start3A_120 = tpu.memref_slice %arg6[%add3A_106, %dma_start3A_119] : memref<10000x128xf32, #tpu.memory_space<vmem_shared>> -> memref<80x128xf32, #tpu.memory_space<vmem_shared>>
        %dma_start3A_121 = arith.constant 0 : i32
        %dma_start3A_122 = tpu.memref_slice %arg6[%add3A_106, %dma_start3A_121] : memref<10000x128xf32, #tpu.memory_space<vmem_shared>> -> memref<80x128xf32, #tpu.memory_space<vmem_shared>>
        %dma_start3A_123 = arith.constant 0 : i32
        %dma_start3A_124 = arith.constant 0 : i32
        %dma_start3A_125 = tpu.memref_slice %arg9[%run_scoped3A_107, %dma_start3A_123, %dma_start3A_124] : memref<3x80x128xf32, #tpu.memory_space<vmem>> -> memref<1x80x128xf32, #tpu.memory_space<vmem>>
        %dma_start3A_126 = tpu.memref_squeeze %dma_start3A_125 : memref<1x80x128xf32, #tpu.memory_space<vmem>> -> memref<80x128xf32, #tpu.memory_space<vmem>>
        tpu.enqueue_dma source(%dma_start3A_126 : memref<80x128xf32, #tpu.memory_space<vmem>>) target(%dma_start3A_122 : memref<80x128xf32, #tpu.memory_space<vmem_shared>>) target_semaphore(%run_scoped3A_114 : memref<!tpu.dma_semaphore, #tpu.memory_space<semaphore_mem>>)
        %dma_wait3A_127 = arith.constant 0 : i32
        %dma_wait3A_128 = arith.constant 0 : i32
        %dma_wait3A_129 = tpu.memref_slice %arg9[%run_scoped3A_107, %dma_wait3A_127, %dma_wait3A_128] : memref<3x80x128xf32, #tpu.memory_space<vmem>> -> memref<1x80x128xf32, #tpu.memory_space<vmem>>
        %dma_wait3A_130 = tpu.memref_squeeze %dma_wait3A_129 : memref<1x80x128xf32, #tpu.memory_space<vmem>> -> memref<80x128xf32, #tpu.memory_space<vmem>>
        %dma_wait3A_131 = arith.constant 0 : i32
        %dma_wait3A_132 = tpu.memref_slice %arg6[%add3A_106, %dma_wait3A_131] : memref<10000x128xf32, #tpu.memory_space<vmem_shared>> -> memref<80x128xf32, #tpu.memory_space<vmem_shared>>
        %dma_wait3A_133 = arith.constant 0 : i32
        %dma_wait3A_134 = tpu.memref_slice %arg6[%add3A_106, %dma_wait3A_133] : memref<10000x128xf32, #tpu.memory_space<vmem_shared>> -> memref<80x128xf32, #tpu.memory_space<vmem_shared>>
        %dma_wait3A_135 = arith.constant 0 : i32
        %dma_wait3A_136 = arith.constant 0 : i32
        %dma_wait3A_137 = tpu.memref_slice %arg9[%run_scoped3A_107, %dma_wait3A_135, %dma_wait3A_136] : memref<3x80x128xf32, #tpu.memory_space<vmem>> -> memref<1x80x128xf32, #tpu.memory_space<vmem>>
        %dma_wait3A_138 = tpu.memref_squeeze %dma_wait3A_137 : memref<1x80x128xf32, #tpu.memory_space<vmem>> -> memref<80x128xf32, #tpu.memory_space<vmem>>
        tpu.wait_dma2 semaphore(%run_scoped3A_114 : memref<!tpu.dma_semaphore, #tpu.memory_space<semaphore_mem>>) src(%dma_wait3A_138 : memref<80x128xf32, #tpu.memory_space<vmem>>) dst(%dma_wait3A_134 : memref<80x128xf32, #tpu.memory_space<vmem_shared>>)
        tpu.yield
      }) : () -> ()
      %add3A_108 = arith.constant 480 : i32
      %add3A_109 = arith.addi %mul3A_2, %add3A_108 : i32
      %run_scoped3A_110 = arith.constant 0 : i32
      "tpu.region"() ({
        %run_scoped3A_114 = tpu.sem_alloc : memref<!tpu.dma_semaphore, #tpu.memory_space<semaphore_mem>>
        %dma_start3A_115 = arith.constant 0 : i32
        %dma_start3A_116 = arith.constant 0 : i32
        %dma_start3A_117 = tpu.memref_slice %arg9[%run_scoped3A_110, %dma_start3A_115, %dma_start3A_116] : memref<3x80x128xf32, #tpu.memory_space<vmem>> -> memref<1x80x128xf32, #tpu.memory_space<vmem>>
        %dma_start3A_118 = tpu.memref_squeeze %dma_start3A_117 : memref<1x80x128xf32, #tpu.memory_space<vmem>> -> memref<80x128xf32, #tpu.memory_space<vmem>>
        %dma_start3A_119 = arith.constant 0 : i32
        %dma_start3A_120 = tpu.memref_slice %arg6[%add3A_109, %dma_start3A_119] : memref<10000x128xf32, #tpu.memory_space<vmem_shared>> -> memref<80x128xf32, #tpu.memory_space<vmem_shared>>
        %dma_start3A_121 = arith.constant 0 : i32
        %dma_start3A_122 = tpu.memref_slice %arg6[%add3A_109, %dma_start3A_121] : memref<10000x128xf32, #tpu.memory_space<vmem_shared>> -> memref<80x128xf32, #tpu.memory_space<vmem_shared>>
        %dma_start3A_123 = arith.constant 0 : i32
        %dma_start3A_124 = arith.constant 0 : i32
        %dma_start3A_125 = tpu.memref_slice %arg9[%run_scoped3A_110, %dma_start3A_123, %dma_start3A_124] : memref<3x80x128xf32, #tpu.memory_space<vmem>> -> memref<1x80x128xf32, #tpu.memory_space<vmem>>
        %dma_start3A_126 = tpu.memref_squeeze %dma_start3A_125 : memref<1x80x128xf32, #tpu.memory_space<vmem>> -> memref<80x128xf32, #tpu.memory_space<vmem>>
        tpu.enqueue_dma source(%dma_start3A_126 : memref<80x128xf32, #tpu.memory_space<vmem>>) target(%dma_start3A_122 : memref<80x128xf32, #tpu.memory_space<vmem_shared>>) target_semaphore(%run_scoped3A_114 : memref<!tpu.dma_semaphore, #tpu.memory_space<semaphore_mem>>)
        %dma_wait3A_127 = arith.constant 0 : i32
        %dma_wait3A_128 = arith.constant 0 : i32
        %dma_wait3A_129 = tpu.memref_slice %arg9[%run_scoped3A_110, %dma_wait3A_127, %dma_wait3A_128] : memref<3x80x128xf32, #tpu.memory_space<vmem>> -> memref<1x80x128xf32, #tpu.memory_space<vmem>>
        %dma_wait3A_130 = tpu.memref_squeeze %dma_wait3A_129 : memref<1x80x128xf32, #tpu.memory_space<vmem>> -> memref<80x128xf32, #tpu.memory_space<vmem>>
        %dma_wait3A_131 = arith.constant 0 : i32
        %dma_wait3A_132 = tpu.memref_slice %arg6[%add3A_109, %dma_wait3A_131] : memref<10000x128xf32, #tpu.memory_space<vmem_shared>> -> memref<80x128xf32, #tpu.memory_space<vmem_shared>>
        %dma_wait3A_133 = arith.constant 0 : i32
        %dma_wait3A_134 = tpu.memref_slice %arg6[%add3A_109, %dma_wait3A_133] : memref<10000x128xf32, #tpu.memory_space<vmem_shared>> -> memref<80x128xf32, #tpu.memory_space<vmem_shared>>
        %dma_wait3A_135 = arith.constant 0 : i32
        %dma_wait3A_136 = arith.constant 0 : i32
        %dma_wait3A_137 = tpu.memref_slice %arg9[%run_scoped3A_110, %dma_wait3A_135, %dma_wait3A_136] : memref<3x80x128xf32, #tpu.memory_space<vmem>> -> memref<1x80x128xf32, #tpu.memory_space<vmem>>
        %dma_wait3A_138 = tpu.memref_squeeze %dma_wait3A_137 : memref<1x80x128xf32, #tpu.memory_space<vmem>> -> memref<80x128xf32, #tpu.memory_space<vmem>>
        tpu.wait_dma2 semaphore(%run_scoped3A_114 : memref<!tpu.dma_semaphore, #tpu.memory_space<semaphore_mem>>) src(%dma_wait3A_138 : memref<80x128xf32, #tpu.memory_space<vmem>>) dst(%dma_wait3A_134 : memref<80x128xf32, #tpu.memory_space<vmem_shared>>)
        tpu.yield
      }) : () -> ()
      %add3A_111 = arith.constant 560 : i32
      %add3A_112 = arith.addi %mul3A_2, %add3A_111 : i32
      %run_scoped3A_113 = arith.constant 0 : i32
      "tpu.region"() ({
        %run_scoped3A_114 = tpu.sem_alloc : memref<!tpu.dma_semaphore, #tpu.memory_space<semaphore_mem>>
        %dma_start3A_115 = arith.constant 0 : i32
        %dma_start3A_116 = arith.constant 0 : i32
        %dma_start3A_117 = tpu.memref_slice %arg9[%run_scoped3A_113, %dma_start3A_115, %dma_start3A_116] : memref<3x80x128xf32, #tpu.memory_space<vmem>> -> memref<1x80x128xf32, #tpu.memory_space<vmem>>
        %dma_start3A_118 = tpu.memref_squeeze %dma_start3A_117 : memref<1x80x128xf32, #tpu.memory_space<vmem>> -> memref<80x128xf32, #tpu.memory_space<vmem>>
        %dma_start3A_119 = arith.constant 0 : i32
        %dma_start3A_120 = arith.constant 0 : i32
        %dma_start3A_121 = tpu.memref_slice %dma_start3A_118[%dma_start3A_119, %dma_start3A_120] : memref<80x128xf32, #tpu.memory_space<vmem>> -> memref<64x128xf32, #tpu.memory_space<vmem>>
        %dma_start3A_122 = arith.constant 0 : i32
        %dma_start3A_123 = tpu.memref_slice %arg6[%add3A_112, %dma_start3A_122] : memref<10000x128xf32, #tpu.memory_space<vmem_shared>> -> memref<64x128xf32, #tpu.memory_space<vmem_shared>>
        %dma_start3A_124 = arith.constant 0 : i32
        %dma_start3A_125 = tpu.memref_slice %arg6[%add3A_112, %dma_start3A_124] : memref<10000x128xf32, #tpu.memory_space<vmem_shared>> -> memref<64x128xf32, #tpu.memory_space<vmem_shared>>
        %dma_start3A_126 = arith.constant 0 : i32
        %dma_start3A_127 = arith.constant 0 : i32
        %dma_start3A_128 = tpu.memref_slice %arg9[%run_scoped3A_113, %dma_start3A_126, %dma_start3A_127] : memref<3x80x128xf32, #tpu.memory_space<vmem>> -> memref<1x80x128xf32, #tpu.memory_space<vmem>>
        %dma_start3A_129 = tpu.memref_squeeze %dma_start3A_128 : memref<1x80x128xf32, #tpu.memory_space<vmem>> -> memref<80x128xf32, #tpu.memory_space<vmem>>
        %dma_start3A_130 = arith.constant 0 : i32
        %dma_start3A_131 = arith.constant 0 : i32
        %dma_start3A_132 = tpu.memref_slice %dma_start3A_129[%dma_start3A_130, %dma_start3A_131] : memref<80x128xf32, #tpu.memory_space<vmem>> -> memref<64x128xf32, #tpu.memory_space<vmem>>
        tpu.enqueue_dma source(%dma_start3A_132 : memref<64x128xf32, #tpu.memory_space<vmem>>) target(%dma_start3A_125 : memref<64x128xf32, #tpu.memory_space<vmem_shared>>) target_semaphore(%run_scoped3A_114 : memref<!tpu.dma_semaphore, #tpu.memory_space<semaphore_mem>>)
        %dma_wait3A_133 = arith.constant 0 : i32
        %dma_wait3A_134 = arith.constant 0 : i32
        %dma_wait3A_135 = tpu.memref_slice %arg9[%run_scoped3A_113, %dma_wait3A_133, %dma_wait3A_134] : memref<3x80x128xf32, #tpu.memory_space<vmem>> -> memref<1x80x128xf32, #tpu.memory_space<vmem>>
        %dma_wait3A_136 = tpu.memref_squeeze %dma_wait3A_135 : memref<1x80x128xf32, #tpu.memory_space<vmem>> -> memref<80x128xf32, #tpu.memory_space<vmem>>
        %dma_wait3A_137 = arith.constant 0 : i32
        %dma_wait3A_138 = arith.constant 0 : i32
        %dma_wait3A_139 = tpu.memref_slice %dma_wait3A_136[%dma_wait3A_137, %dma_wait3A_138] : memref<80x128xf32, #tpu.memory_space<vmem>> -> memref<64x128xf32, #tpu.memory_space<vmem>>
        %dma_wait3A_140 = arith.constant 0 : i32
        %dma_wait3A_141 = tpu.memref_slice %arg6[%add3A_112, %dma_wait3A_140] : memref<10000x128xf32, #tpu.memory_space<vmem_shared>> -> memref<64x128xf32, #tpu.memory_space<vmem_shared>>
        %dma_wait3A_142 = arith.constant 0 : i32
        %dma_wait3A_143 = tpu.memref_slice %arg6[%add3A_112, %dma_wait3A_142] : memref<10000x128xf32, #tpu.memory_space<vmem_shared>> -> memref<64x128xf32, #tpu.memory_space<vmem_shared>>
        %dma_wait3A_144 = arith.constant 0 : i32
        %dma_wait3A_145 = arith.constant 0 : i32
        %dma_wait3A_146 = tpu.memref_slice %arg9[%run_scoped3A_113, %dma_wait3A_144, %dma_wait3A_145] : memref<3x80x128xf32, #tpu.memory_space<vmem>> -> memref<1x80x128xf32, #tpu.memory_space<vmem>>
        %dma_wait3A_147 = tpu.memref_squeeze %dma_wait3A_146 : memref<1x80x128xf32, #tpu.memory_space<vmem>> -> memref<80x128xf32, #tpu.memory_space<vmem>>
        %dma_wait3A_148 = arith.constant 0 : i32
        %dma_wait3A_149 = arith.constant 0 : i32
        %dma_wait3A_150 = tpu.memref_slice %dma_wait3A_147[%dma_wait3A_148, %dma_wait3A_149] : memref<80x128xf32, #tpu.memory_space<vmem>> -> memref<64x128xf32, #tpu.memory_space<vmem>>
        tpu.wait_dma2 semaphore(%run_scoped3A_114 : memref<!tpu.dma_semaphore, #tpu.memory_space<semaphore_mem>>) src(%dma_wait3A_150 : memref<64x128xf32, #tpu.memory_space<vmem>>) dst(%dma_wait3A_143 : memref<64x128xf32, #tpu.memory_space<vmem_shared>>)
        tpu.yield
      }) : () -> ()
    } else {
    }
    %convert_element_type3A_18 = arith.extui %eq3A_3 : i1 to i32
    %cond3A_19 = arith.constant 0 : i32
    %cond3A_20 = arith.cmpi ne, %convert_element_type3A_18, %cond3A_19 : i32
    scf.if %cond3A_20 {
      %add3A_90 = arith.constant 0 : i32
      %add3A_91 = arith.addi %mul3A_2, %add3A_90 : i32
      %run_scoped3A_92 = arith.constant 0 : i32
      "tpu.region"() ({
        %run_scoped3A_114 = tpu.sem_alloc : memref<!tpu.dma_semaphore, #tpu.memory_space<semaphore_mem>>
        %dma_start3A_115 = arith.constant 0 : i32
        %dma_start3A_116 = arith.constant 0 : i32
        %dma_start3A_117 = tpu.memref_slice %arg9[%run_scoped3A_92, %dma_start3A_115, %dma_start3A_116] : memref<3x80x128xf32, #tpu.memory_space<vmem>> -> memref<1x80x128xf32, #tpu.memory_space<vmem>>
        %dma_start3A_118 = tpu.memref_squeeze %dma_start3A_117 : memref<1x80x128xf32, #tpu.memory_space<vmem>> -> memref<80x128xf32, #tpu.memory_space<vmem>>
        %dma_start3A_119 = arith.constant 0 : i32
        %dma_start3A_120 = tpu.memref_slice %arg6[%add3A_91, %dma_start3A_119] : memref<10000x128xf32, #tpu.memory_space<vmem_shared>> -> memref<80x128xf32, #tpu.memory_space<vmem_shared>>
        %dma_start3A_121 = arith.constant 0 : i32
        %dma_start3A_122 = tpu.memref_slice %arg6[%add3A_91, %dma_start3A_121] : memref<10000x128xf32, #tpu.memory_space<vmem_shared>> -> memref<80x128xf32, #tpu.memory_space<vmem_shared>>
        %dma_start3A_123 = arith.constant 0 : i32
        %dma_start3A_124 = arith.constant 0 : i32
        %dma_start3A_125 = tpu.memref_slice %arg9[%run_scoped3A_92, %dma_start3A_123, %dma_start3A_124] : memref<3x80x128xf32, #tpu.memory_space<vmem>> -> memref<1x80x128xf32, #tpu.memory_space<vmem>>
        %dma_start3A_126 = tpu.memref_squeeze %dma_start3A_125 : memref<1x80x128xf32, #tpu.memory_space<vmem>> -> memref<80x128xf32, #tpu.memory_space<vmem>>
        tpu.enqueue_dma source(%dma_start3A_126 : memref<80x128xf32, #tpu.memory_space<vmem>>) target(%dma_start3A_122 : memref<80x128xf32, #tpu.memory_space<vmem_shared>>) target_semaphore(%run_scoped3A_114 : memref<!tpu.dma_semaphore, #tpu.memory_space<semaphore_mem>>)
        %dma_wait3A_127 = arith.constant 0 : i32
        %dma_wait3A_128 = arith.constant 0 : i32
        %dma_wait3A_129 = tpu.memref_slice %arg9[%run_scoped3A_92, %dma_wait3A_127, %dma_wait3A_128] : memref<3x80x128xf32, #tpu.memory_space<vmem>> -> memref<1x80x128xf32, #tpu.memory_space<vmem>>
        %dma_wait3A_130 = tpu.memref_squeeze %dma_wait3A_129 : memref<1x80x128xf32, #tpu.memory_space<vmem>> -> memref<80x128xf32, #tpu.memory_space<vmem>>
        %dma_wait3A_131 = arith.constant 0 : i32
        %dma_wait3A_132 = tpu.memref_slice %arg6[%add3A_91, %dma_wait3A_131] : memref<10000x128xf32, #tpu.memory_space<vmem_shared>> -> memref<80x128xf32, #tpu.memory_space<vmem_shared>>
        %dma_wait3A_133 = arith.constant 0 : i32
        %dma_wait3A_134 = tpu.memref_slice %arg6[%add3A_91, %dma_wait3A_133] : memref<10000x128xf32, #tpu.memory_space<vmem_shared>> -> memref<80x128xf32, #tpu.memory_space<vmem_shared>>
        %dma_wait3A_135 = arith.constant 0 : i32
        %dma_wait3A_136 = arith.constant 0 : i32
        %dma_wait3A_137 = tpu.memref_slice %arg9[%run_scoped3A_92, %dma_wait3A_135, %dma_wait3A_136] : memref<3x80x128xf32, #tpu.memory_space<vmem>> -> memref<1x80x128xf32, #tpu.memory_space<vmem>>
        %dma_wait3A_138 = tpu.memref_squeeze %dma_wait3A_137 : memref<1x80x128xf32, #tpu.memory_space<vmem>> -> memref<80x128xf32, #tpu.memory_space<vmem>>
        tpu.wait_dma2 semaphore(%run_scoped3A_114 : memref<!tpu.dma_semaphore, #tpu.memory_space<semaphore_mem>>) src(%dma_wait3A_138 : memref<80x128xf32, #tpu.memory_space<vmem>>) dst(%dma_wait3A_134 : memref<80x128xf32, #tpu.memory_space<vmem_shared>>)
        tpu.yield
      }) : () -> ()
      %add3A_93 = arith.constant 80 : i32
      %add3A_94 = arith.addi %mul3A_2, %add3A_93 : i32
      %run_scoped3A_95 = arith.constant 0 : i32
      "tpu.region"() ({
        %run_scoped3A_114 = tpu.sem_alloc : memref<!tpu.dma_semaphore, #tpu.memory_space<semaphore_mem>>
        %dma_start3A_115 = arith.constant 0 : i32
        %dma_start3A_116 = arith.constant 0 : i32
        %dma_start3A_117 = tpu.memref_slice %arg9[%run_scoped3A_95, %dma_start3A_115, %dma_start3A_116] : memref<3x80x128xf32, #tpu.memory_space<vmem>> -> memref<1x80x128xf32, #tpu.memory_space<vmem>>
        %dma_start3A_118 = tpu.memref_squeeze %dma_start3A_117 : memref<1x80x128xf32, #tpu.memory_space<vmem>> -> memref<80x128xf32, #tpu.memory_space<vmem>>
        %dma_start3A_119 = arith.constant 0 : i32
        %dma_start3A_120 = tpu.memref_slice %arg6[%add3A_94, %dma_start3A_119] : memref<10000x128xf32, #tpu.memory_space<vmem_shared>> -> memref<80x128xf32, #tpu.memory_space<vmem_shared>>
        %dma_start3A_121 = arith.constant 0 : i32
        %dma_start3A_122 = tpu.memref_slice %arg6[%add3A_94, %dma_start3A_121] : memref<10000x128xf32, #tpu.memory_space<vmem_shared>> -> memref<80x128xf32, #tpu.memory_space<vmem_shared>>
        %dma_start3A_123 = arith.constant 0 : i32
        %dma_start3A_124 = arith.constant 0 : i32
        %dma_start3A_125 = tpu.memref_slice %arg9[%run_scoped3A_95, %dma_start3A_123, %dma_start3A_124] : memref<3x80x128xf32, #tpu.memory_space<vmem>> -> memref<1x80x128xf32, #tpu.memory_space<vmem>>
        %dma_start3A_126 = tpu.memref_squeeze %dma_start3A_125 : memref<1x80x128xf32, #tpu.memory_space<vmem>> -> memref<80x128xf32, #tpu.memory_space<vmem>>
        tpu.enqueue_dma source(%dma_start3A_126 : memref<80x128xf32, #tpu.memory_space<vmem>>) target(%dma_start3A_122 : memref<80x128xf32, #tpu.memory_space<vmem_shared>>) target_semaphore(%run_scoped3A_114 : memref<!tpu.dma_semaphore, #tpu.memory_space<semaphore_mem>>)
        %dma_wait3A_127 = arith.constant 0 : i32
        %dma_wait3A_128 = arith.constant 0 : i32
        %dma_wait3A_129 = tpu.memref_slice %arg9[%run_scoped3A_95, %dma_wait3A_127, %dma_wait3A_128] : memref<3x80x128xf32, #tpu.memory_space<vmem>> -> memref<1x80x128xf32, #tpu.memory_space<vmem>>
        %dma_wait3A_130 = tpu.memref_squeeze %dma_wait3A_129 : memref<1x80x128xf32, #tpu.memory_space<vmem>> -> memref<80x128xf32, #tpu.memory_space<vmem>>
        %dma_wait3A_131 = arith.constant 0 : i32
        %dma_wait3A_132 = tpu.memref_slice %arg6[%add3A_94, %dma_wait3A_131] : memref<10000x128xf32, #tpu.memory_space<vmem_shared>> -> memref<80x128xf32, #tpu.memory_space<vmem_shared>>
        %dma_wait3A_133 = arith.constant 0 : i32
        %dma_wait3A_134 = tpu.memref_slice %arg6[%add3A_94, %dma_wait3A_133] : memref<10000x128xf32, #tpu.memory_space<vmem_shared>> -> memref<80x128xf32, #tpu.memory_space<vmem_shared>>
        %dma_wait3A_135 = arith.constant 0 : i32
        %dma_wait3A_136 = arith.constant 0 : i32
        %dma_wait3A_137 = tpu.memref_slice %arg9[%run_scoped3A_95, %dma_wait3A_135, %dma_wait3A_136] : memref<3x80x128xf32, #tpu.memory_space<vmem>> -> memref<1x80x128xf32, #tpu.memory_space<vmem>>
        %dma_wait3A_138 = tpu.memref_squeeze %dma_wait3A_137 : memref<1x80x128xf32, #tpu.memory_space<vmem>> -> memref<80x128xf32, #tpu.memory_space<vmem>>
        tpu.wait_dma2 semaphore(%run_scoped3A_114 : memref<!tpu.dma_semaphore, #tpu.memory_space<semaphore_mem>>) src(%dma_wait3A_138 : memref<80x128xf32, #tpu.memory_space<vmem>>) dst(%dma_wait3A_134 : memref<80x128xf32, #tpu.memory_space<vmem_shared>>)
        tpu.yield
      }) : () -> ()
      %add3A_96 = arith.constant 160 : i32
      %add3A_97 = arith.addi %mul3A_2, %add3A_96 : i32
      %run_scoped3A_98 = arith.constant 0 : i32
      "tpu.region"() ({
        %run_scoped3A_114 = tpu.sem_alloc : memref<!tpu.dma_semaphore, #tpu.memory_space<semaphore_mem>>
        %dma_start3A_115 = arith.constant 0 : i32
        %dma_start3A_116 = arith.constant 0 : i32
        %dma_start3A_117 = tpu.memref_slice %arg9[%run_scoped3A_98, %dma_start3A_115, %dma_start3A_116] : memref<3x80x128xf32, #tpu.memory_space<vmem>> -> memref<1x80x128xf32, #tpu.memory_space<vmem>>
        %dma_start3A_118 = tpu.memref_squeeze %dma_start3A_117 : memref<1x80x128xf32, #tpu.memory_space<vmem>> -> memref<80x128xf32, #tpu.memory_space<vmem>>
        %dma_start3A_119 = arith.constant 0 : i32
        %dma_start3A_120 = tpu.memref_slice %arg6[%add3A_97, %dma_start3A_119] : memref<10000x128xf32, #tpu.memory_space<vmem_shared>> -> memref<80x128xf32, #tpu.memory_space<vmem_shared>>
        %dma_start3A_121 = arith.constant 0 : i32
        %dma_start3A_122 = tpu.memref_slice %arg6[%add3A_97, %dma_start3A_121] : memref<10000x128xf32, #tpu.memory_space<vmem_shared>> -> memref<80x128xf32, #tpu.memory_space<vmem_shared>>
        %dma_start3A_123 = arith.constant 0 : i32
        %dma_start3A_124 = arith.constant 0 : i32
        %dma_start3A_125 = tpu.memref_slice %arg9[%run_scoped3A_98, %dma_start3A_123, %dma_start3A_124] : memref<3x80x128xf32, #tpu.memory_space<vmem>> -> memref<1x80x128xf32, #tpu.memory_space<vmem>>
        %dma_start3A_126 = tpu.memref_squeeze %dma_start3A_125 : memref<1x80x128xf32, #tpu.memory_space<vmem>> -> memref<80x128xf32, #tpu.memory_space<vmem>>
        tpu.enqueue_dma source(%dma_start3A_126 : memref<80x128xf32, #tpu.memory_space<vmem>>) target(%dma_start3A_122 : memref<80x128xf32, #tpu.memory_space<vmem_shared>>) target_semaphore(%run_scoped3A_114 : memref<!tpu.dma_semaphore, #tpu.memory_space<semaphore_mem>>)
        %dma_wait3A_127 = arith.constant 0 : i32
        %dma_wait3A_128 = arith.constant 0 : i32
        %dma_wait3A_129 = tpu.memref_slice %arg9[%run_scoped3A_98, %dma_wait3A_127, %dma_wait3A_128] : memref<3x80x128xf32, #tpu.memory_space<vmem>> -> memref<1x80x128xf32, #tpu.memory_space<vmem>>
        %dma_wait3A_130 = tpu.memref_squeeze %dma_wait3A_129 : memref<1x80x128xf32, #tpu.memory_space<vmem>> -> memref<80x128xf32, #tpu.memory_space<vmem>>
        %dma_wait3A_131 = arith.constant 0 : i32
        %dma_wait3A_132 = tpu.memref_slice %arg6[%add3A_97, %dma_wait3A_131] : memref<10000x128xf32, #tpu.memory_space<vmem_shared>> -> memref<80x128xf32, #tpu.memory_space<vmem_shared>>
        %dma_wait3A_133 = arith.constant 0 : i32
        %dma_wait3A_134 = tpu.memref_slice %arg6[%add3A_97, %dma_wait3A_133] : memref<10000x128xf32, #tpu.memory_space<vmem_shared>> -> memref<80x128xf32, #tpu.memory_space<vmem_shared>>
        %dma_wait3A_135 = arith.constant 0 : i32
        %dma_wait3A_136 = arith.constant 0 : i32
        %dma_wait3A_137 = tpu.memref_slice %arg9[%run_scoped3A_98, %dma_wait3A_135, %dma_wait3A_136] : memref<3x80x128xf32, #tpu.memory_space<vmem>> -> memref<1x80x128xf32, #tpu.memory_space<vmem>>
        %dma_wait3A_138 = tpu.memref_squeeze %dma_wait3A_137 : memref<1x80x128xf32, #tpu.memory_space<vmem>> -> memref<80x128xf32, #tpu.memory_space<vmem>>
        tpu.wait_dma2 semaphore(%run_scoped3A_114 : memref<!tpu.dma_semaphore, #tpu.memory_space<semaphore_mem>>) src(%dma_wait3A_138 : memref<80x128xf32, #tpu.memory_space<vmem>>) dst(%dma_wait3A_134 : memref<80x128xf32, #tpu.memory_space<vmem_shared>>)
        tpu.yield
      }) : () -> ()
      %add3A_99 = arith.constant 240 : i32
      %add3A_100 = arith.addi %mul3A_2, %add3A_99 : i32
      %run_scoped3A_101 = arith.constant 0 : i32
      "tpu.region"() ({
        %run_scoped3A_114 = tpu.sem_alloc : memref<!tpu.dma_semaphore, #tpu.memory_space<semaphore_mem>>
        %dma_start3A_115 = arith.constant 0 : i32
        %dma_start3A_116 = arith.constant 0 : i32
        %dma_start3A_117 = tpu.memref_slice %arg9[%run_scoped3A_101, %dma_start3A_115, %dma_start3A_116] : memref<3x80x128xf32, #tpu.memory_space<vmem>> -> memref<1x80x128xf32, #tpu.memory_space<vmem>>
        %dma_start3A_118 = tpu.memref_squeeze %dma_start3A_117 : memref<1x80x128xf32, #tpu.memory_space<vmem>> -> memref<80x128xf32, #tpu.memory_space<vmem>>
        %dma_start3A_119 = arith.constant 0 : i32
        %dma_start3A_120 = tpu.memref_slice %arg6[%add3A_100, %dma_start3A_119] : memref<10000x128xf32, #tpu.memory_space<vmem_shared>> -> memref<80x128xf32, #tpu.memory_space<vmem_shared>>
        %dma_start3A_121 = arith.constant 0 : i32
        %dma_start3A_122 = tpu.memref_slice %arg6[%add3A_100, %dma_start3A_121] : memref<10000x128xf32, #tpu.memory_space<vmem_shared>> -> memref<80x128xf32, #tpu.memory_space<vmem_shared>>
        %dma_start3A_123 = arith.constant 0 : i32
        %dma_start3A_124 = arith.constant 0 : i32
        %dma_start3A_125 = tpu.memref_slice %arg9[%run_scoped3A_101, %dma_start3A_123, %dma_start3A_124] : memref<3x80x128xf32, #tpu.memory_space<vmem>> -> memref<1x80x128xf32, #tpu.memory_space<vmem>>
        %dma_start3A_126 = tpu.memref_squeeze %dma_start3A_125 : memref<1x80x128xf32, #tpu.memory_space<vmem>> -> memref<80x128xf32, #tpu.memory_space<vmem>>
        tpu.enqueue_dma source(%dma_start3A_126 : memref<80x128xf32, #tpu.memory_space<vmem>>) target(%dma_start3A_122 : memref<80x128xf32, #tpu.memory_space<vmem_shared>>) target_semaphore(%run_scoped3A_114 : memref<!tpu.dma_semaphore, #tpu.memory_space<semaphore_mem>>)
        %dma_wait3A_127 = arith.constant 0 : i32
        %dma_wait3A_128 = arith.constant 0 : i32
        %dma_wait3A_129 = tpu.memref_slice %arg9[%run_scoped3A_101, %dma_wait3A_127, %dma_wait3A_128] : memref<3x80x128xf32, #tpu.memory_space<vmem>> -> memref<1x80x128xf32, #tpu.memory_space<vmem>>
        %dma_wait3A_130 = tpu.memref_squeeze %dma_wait3A_129 : memref<1x80x128xf32, #tpu.memory_space<vmem>> -> memref<80x128xf32, #tpu.memory_space<vmem>>
        %dma_wait3A_131 = arith.constant 0 : i32
        %dma_wait3A_132 = tpu.memref_slice %arg6[%add3A_100, %dma_wait3A_131] : memref<10000x128xf32, #tpu.memory_space<vmem_shared>> -> memref<80x128xf32, #tpu.memory_space<vmem_shared>>
        %dma_wait3A_133 = arith.constant 0 : i32
        %dma_wait3A_134 = tpu.memref_slice %arg6[%add3A_100, %dma_wait3A_133] : memref<10000x128xf32, #tpu.memory_space<vmem_shared>> -> memref<80x128xf32, #tpu.memory_space<vmem_shared>>
        %dma_wait3A_135 = arith.constant 0 : i32
        %dma_wait3A_136 = arith.constant 0 : i32
        %dma_wait3A_137 = tpu.memref_slice %arg9[%run_scoped3A_101, %dma_wait3A_135, %dma_wait3A_136] : memref<3x80x128xf32, #tpu.memory_space<vmem>> -> memref<1x80x128xf32, #tpu.memory_space<vmem>>
        %dma_wait3A_138 = tpu.memref_squeeze %dma_wait3A_137 : memref<1x80x128xf32, #tpu.memory_space<vmem>> -> memref<80x128xf32, #tpu.memory_space<vmem>>
        tpu.wait_dma2 semaphore(%run_scoped3A_114 : memref<!tpu.dma_semaphore, #tpu.memory_space<semaphore_mem>>) src(%dma_wait3A_138 : memref<80x128xf32, #tpu.memory_space<vmem>>) dst(%dma_wait3A_134 : memref<80x128xf32, #tpu.memory_space<vmem_shared>>)
        tpu.yield
      }) : () -> ()
      %add3A_102 = arith.constant 320 : i32
      %add3A_103 = arith.addi %mul3A_2, %add3A_102 : i32
      %run_scoped3A_104 = arith.constant 0 : i32
      "tpu.region"() ({
        %run_scoped3A_114 = tpu.sem_alloc : memref<!tpu.dma_semaphore, #tpu.memory_space<semaphore_mem>>
        %dma_start3A_115 = arith.constant 0 : i32
        %dma_start3A_116 = arith.constant 0 : i32
        %dma_start3A_117 = tpu.memref_slice %arg9[%run_scoped3A_104, %dma_start3A_115, %dma_start3A_116] : memref<3x80x128xf32, #tpu.memory_space<vmem>> -> memref<1x80x128xf32, #tpu.memory_space<vmem>>
        %dma_start3A_118 = tpu.memref_squeeze %dma_start3A_117 : memref<1x80x128xf32, #tpu.memory_space<vmem>> -> memref<80x128xf32, #tpu.memory_space<vmem>>
        %dma_start3A_119 = arith.constant 0 : i32
        %dma_start3A_120 = tpu.memref_slice %arg6[%add3A_103, %dma_start3A_119] : memref<10000x128xf32, #tpu.memory_space<vmem_shared>> -> memref<80x128xf32, #tpu.memory_space<vmem_shared>>
        %dma_start3A_121 = arith.constant 0 : i32
        %dma_start3A_122 = tpu.memref_slice %arg6[%add3A_103, %dma_start3A_121] : memref<10000x128xf32, #tpu.memory_space<vmem_shared>> -> memref<80x128xf32, #tpu.memory_space<vmem_shared>>
        %dma_start3A_123 = arith.constant 0 : i32
        %dma_start3A_124 = arith.constant 0 : i32
        %dma_start3A_125 = tpu.memref_slice %arg9[%run_scoped3A_104, %dma_start3A_123, %dma_start3A_124] : memref<3x80x128xf32, #tpu.memory_space<vmem>> -> memref<1x80x128xf32, #tpu.memory_space<vmem>>
        %dma_start3A_126 = tpu.memref_squeeze %dma_start3A_125 : memref<1x80x128xf32, #tpu.memory_space<vmem>> -> memref<80x128xf32, #tpu.memory_space<vmem>>
        tpu.enqueue_dma source(%dma_start3A_126 : memref<80x128xf32, #tpu.memory_space<vmem>>) target(%dma_start3A_122 : memref<80x128xf32, #tpu.memory_space<vmem_shared>>) target_semaphore(%run_scoped3A_114 : memref<!tpu.dma_semaphore, #tpu.memory_space<semaphore_mem>>)
        %dma_wait3A_127 = arith.constant 0 : i32
        %dma_wait3A_128 = arith.constant 0 : i32
        %dma_wait3A_129 = tpu.memref_slice %arg9[%run_scoped3A_104, %dma_wait3A_127, %dma_wait3A_128] : memref<3x80x128xf32, #tpu.memory_space<vmem>> -> memref<1x80x128xf32, #tpu.memory_space<vmem>>
        %dma_wait3A_130 = tpu.memref_squeeze %dma_wait3A_129 : memref<1x80x128xf32, #tpu.memory_space<vmem>> -> memref<80x128xf32, #tpu.memory_space<vmem>>
        %dma_wait3A_131 = arith.constant 0 : i32
        %dma_wait3A_132 = tpu.memref_slice %arg6[%add3A_103, %dma_wait3A_131] : memref<10000x128xf32, #tpu.memory_space<vmem_shared>> -> memref<80x128xf32, #tpu.memory_space<vmem_shared>>
        %dma_wait3A_133 = arith.constant 0 : i32
        %dma_wait3A_134 = tpu.memref_slice %arg6[%add3A_103, %dma_wait3A_133] : memref<10000x128xf32, #tpu.memory_space<vmem_shared>> -> memref<80x128xf32, #tpu.memory_space<vmem_shared>>
        %dma_wait3A_135 = arith.constant 0 : i32
        %dma_wait3A_136 = arith.constant 0 : i32
        %dma_wait3A_137 = tpu.memref_slice %arg9[%run_scoped3A_104, %dma_wait3A_135, %dma_wait3A_136] : memref<3x80x128xf32, #tpu.memory_space<vmem>> -> memref<1x80x128xf32, #tpu.memory_space<vmem>>
        %dma_wait3A_138 = tpu.memref_squeeze %dma_wait3A_137 : memref<1x80x128xf32, #tpu.memory_space<vmem>> -> memref<80x128xf32, #tpu.memory_space<vmem>>
        tpu.wait_dma2 semaphore(%run_scoped3A_114 : memref<!tpu.dma_semaphore, #tpu.memory_space<semaphore_mem>>) src(%dma_wait3A_138 : memref<80x128xf32, #tpu.memory_space<vmem>>) dst(%dma_wait3A_134 : memref<80x128xf32, #tpu.memory_space<vmem_shared>>)
        tpu.yield
      }) : () -> ()
      %add3A_105 = arith.constant 400 : i32
      %add3A_106 = arith.addi %mul3A_2, %add3A_105 : i32
      %run_scoped3A_107 = arith.constant 0 : i32
      "tpu.region"() ({
        %run_scoped3A_114 = tpu.sem_alloc : memref<!tpu.dma_semaphore, #tpu.memory_space<semaphore_mem>>
        %dma_start3A_115 = arith.constant 0 : i32
        %dma_start3A_116 = arith.constant 0 : i32
        %dma_start3A_117 = tpu.memref_slice %arg9[%run_scoped3A_107, %dma_start3A_115, %dma_start3A_116] : memref<3x80x128xf32, #tpu.memory_space<vmem>> -> memref<1x80x128xf32, #tpu.memory_space<vmem>>
        %dma_start3A_118 = tpu.memref_squeeze %dma_start3A_117 : memref<1x80x128xf32, #tpu.memory_space<vmem>> -> memref<80x128xf32, #tpu.memory_space<vmem>>
        %dma_start3A_119 = arith.constant 0 : i32
        %dma_start3A_120 = tpu.memref_slice %arg6[%add3A_106, %dma_start3A_119] : memref<10000x128xf32, #tpu.memory_space<vmem_shared>> -> memref<80x128xf32, #tpu.memory_space<vmem_shared>>
        %dma_start3A_121 = arith.constant 0 : i32
        %dma_start3A_122 = tpu.memref_slice %arg6[%add3A_106, %dma_start3A_121] : memref<10000x128xf32, #tpu.memory_space<vmem_shared>> -> memref<80x128xf32, #tpu.memory_space<vmem_shared>>
        %dma_start3A_123 = arith.constant 0 : i32
        %dma_start3A_124 = arith.constant 0 : i32
        %dma_start3A_125 = tpu.memref_slice %arg9[%run_scoped3A_107, %dma_start3A_123, %dma_start3A_124] : memref<3x80x128xf32, #tpu.memory_space<vmem>> -> memref<1x80x128xf32, #tpu.memory_space<vmem>>
        %dma_start3A_126 = tpu.memref_squeeze %dma_start3A_125 : memref<1x80x128xf32, #tpu.memory_space<vmem>> -> memref<80x128xf32, #tpu.memory_space<vmem>>
        tpu.enqueue_dma source(%dma_start3A_126 : memref<80x128xf32, #tpu.memory_space<vmem>>) target(%dma_start3A_122 : memref<80x128xf32, #tpu.memory_space<vmem_shared>>) target_semaphore(%run_scoped3A_114 : memref<!tpu.dma_semaphore, #tpu.memory_space<semaphore_mem>>)
        %dma_wait3A_127 = arith.constant 0 : i32
        %dma_wait3A_128 = arith.constant 0 : i32
        %dma_wait3A_129 = tpu.memref_slice %arg9[%run_scoped3A_107, %dma_wait3A_127, %dma_wait3A_128] : memref<3x80x128xf32, #tpu.memory_space<vmem>> -> memref<1x80x128xf32, #tpu.memory_space<vmem>>
        %dma_wait3A_130 = tpu.memref_squeeze %dma_wait3A_129 : memref<1x80x128xf32, #tpu.memory_space<vmem>> -> memref<80x128xf32, #tpu.memory_space<vmem>>
        %dma_wait3A_131 = arith.constant 0 : i32
        %dma_wait3A_132 = tpu.memref_slice %arg6[%add3A_106, %dma_wait3A_131] : memref<10000x128xf32, #tpu.memory_space<vmem_shared>> -> memref<80x128xf32, #tpu.memory_space<vmem_shared>>
        %dma_wait3A_133 = arith.constant 0 : i32
        %dma_wait3A_134 = tpu.memref_slice %arg6[%add3A_106, %dma_wait3A_133] : memref<10000x128xf32, #tpu.memory_space<vmem_shared>> -> memref<80x128xf32, #tpu.memory_space<vmem_shared>>
        %dma_wait3A_135 = arith.constant 0 : i32
        %dma_wait3A_136 = arith.constant 0 : i32
        %dma_wait3A_137 = tpu.memref_slice %arg9[%run_scoped3A_107, %dma_wait3A_135, %dma_wait3A_136] : memref<3x80x128xf32, #tpu.memory_space<vmem>> -> memref<1x80x128xf32, #tpu.memory_space<vmem>>
        %dma_wait3A_138 = tpu.memref_squeeze %dma_wait3A_137 : memref<1x80x128xf32, #tpu.memory_space<vmem>> -> memref<80x128xf32, #tpu.memory_space<vmem>>
        tpu.wait_dma2 semaphore(%run_scoped3A_114 : memref<!tpu.dma_semaphore, #tpu.memory_space<semaphore_mem>>) src(%dma_wait3A_138 : memref<80x128xf32, #tpu.memory_space<vmem>>) dst(%dma_wait3A_134 : memref<80x128xf32, #tpu.memory_space<vmem_shared>>)
        tpu.yield
      }) : () -> ()
      %add3A_108 = arith.constant 480 : i32
      %add3A_109 = arith.addi %mul3A_2, %add3A_108 : i32
      %run_scoped3A_110 = arith.constant 0 : i32
      "tpu.region"() ({
        %run_scoped3A_114 = tpu.sem_alloc : memref<!tpu.dma_semaphore, #tpu.memory_space<semaphore_mem>>
        %dma_start3A_115 = arith.constant 0 : i32
        %dma_start3A_116 = arith.constant 0 : i32
        %dma_start3A_117 = tpu.memref_slice %arg9[%run_scoped3A_110, %dma_start3A_115, %dma_start3A_116] : memref<3x80x128xf32, #tpu.memory_space<vmem>> -> memref<1x80x128xf32, #tpu.memory_space<vmem>>
        %dma_start3A_118 = tpu.memref_squeeze %dma_start3A_117 : memref<1x80x128xf32, #tpu.memory_space<vmem>> -> memref<80x128xf32, #tpu.memory_space<vmem>>
        %dma_start3A_119 = arith.constant 0 : i32
        %dma_start3A_120 = tpu.memref_slice %arg6[%add3A_109, %dma_start3A_119] : memref<10000x128xf32, #tpu.memory_space<vmem_shared>> -> memref<80x128xf32, #tpu.memory_space<vmem_shared>>
        %dma_start3A_121 = arith.constant 0 : i32
        %dma_start3A_122 = tpu.memref_slice %arg6[%add3A_109, %dma_start3A_121] : memref<10000x128xf32, #tpu.memory_space<vmem_shared>> -> memref<80x128xf32, #tpu.memory_space<vmem_shared>>
        %dma_start3A_123 = arith.constant 0 : i32
        %dma_start3A_124 = arith.constant 0 : i32
        %dma_start3A_125 = tpu.memref_slice %arg9[%run_scoped3A_110, %dma_start3A_123, %dma_start3A_124] : memref<3x80x128xf32, #tpu.memory_space<vmem>> -> memref<1x80x128xf32, #tpu.memory_space<vmem>>
        %dma_start3A_126 = tpu.memref_squeeze %dma_start3A_125 : memref<1x80x128xf32, #tpu.memory_space<vmem>> -> memref<80x128xf32, #tpu.memory_space<vmem>>
        tpu.enqueue_dma source(%dma_start3A_126 : memref<80x128xf32, #tpu.memory_space<vmem>>) target(%dma_start3A_122 : memref<80x128xf32, #tpu.memory_space<vmem_shared>>) target_semaphore(%run_scoped3A_114 : memref<!tpu.dma_semaphore, #tpu.memory_space<semaphore_mem>>)
        %dma_wait3A_127 = arith.constant 0 : i32
        %dma_wait3A_128 = arith.constant 0 : i32
        %dma_wait3A_129 = tpu.memref_slice %arg9[%run_scoped3A_110, %dma_wait3A_127, %dma_wait3A_128] : memref<3x80x128xf32, #tpu.memory_space<vmem>> -> memref<1x80x128xf32, #tpu.memory_space<vmem>>
        %dma_wait3A_130 = tpu.memref_squeeze %dma_wait3A_129 : memref<1x80x128xf32, #tpu.memory_space<vmem>> -> memref<80x128xf32, #tpu.memory_space<vmem>>
        %dma_wait3A_131 = arith.constant 0 : i32
        %dma_wait3A_132 = tpu.memref_slice %arg6[%add3A_109, %dma_wait3A_131] : memref<10000x128xf32, #tpu.memory_space<vmem_shared>> -> memref<80x128xf32, #tpu.memory_space<vmem_shared>>
        %dma_wait3A_133 = arith.constant 0 : i32
        %dma_wait3A_134 = tpu.memref_slice %arg6[%add3A_109, %dma_wait3A_133] : memref<10000x128xf32, #tpu.memory_space<vmem_shared>> -> memref<80x128xf32, #tpu.memory_space<vmem_shared>>
        %dma_wait3A_135 = arith.constant 0 : i32
        %dma_wait3A_136 = arith.constant 0 : i32
        %dma_wait3A_137 = tpu.memref_slice %arg9[%run_scoped3A_110, %dma_wait3A_135, %dma_wait3A_136] : memref<3x80x128xf32, #tpu.memory_space<vmem>> -> memref<1x80x128xf32, #tpu.memory_space<vmem>>
        %dma_wait3A_138 = tpu.memref_squeeze %dma_wait3A_137 : memref<1x80x128xf32, #tpu.memory_space<vmem>> -> memref<80x128xf32, #tpu.memory_space<vmem>>
        tpu.wait_dma2 semaphore(%run_scoped3A_114 : memref<!tpu.dma_semaphore, #tpu.memory_space<semaphore_mem>>) src(%dma_wait3A_138 : memref<80x128xf32, #tpu.memory_space<vmem>>) dst(%dma_wait3A_134 : memref<80x128xf32, #tpu.memory_space<vmem_shared>>)
        tpu.yield
      }) : () -> ()
      %add3A_111 = arith.constant 560 : i32
      %add3A_112 = arith.addi %mul3A_2, %add3A_111 : i32
      %run_scoped3A_113 = arith.constant 0 : i32
      "tpu.region"() ({
        %run_scoped3A_114 = tpu.sem_alloc : memref<!tpu.dma_semaphore, #tpu.memory_space<semaphore_mem>>
        %dma_start3A_115 = arith.constant 0 : i32
        %dma_start3A_116 = arith.constant 0 : i32
        %dma_start3A_117 = tpu.memref_slice %arg9[%run_scoped3A_113, %dma_start3A_115, %dma_start3A_116] : memref<3x80x128xf32, #tpu.memory_space<vmem>> -> memref<1x80x128xf32, #tpu.memory_space<vmem>>
        %dma_start3A_118 = tpu.memref_squeeze %dma_start3A_117 : memref<1x80x128xf32, #tpu.memory_space<vmem>> -> memref<80x128xf32, #tpu.memory_space<vmem>>
        %dma_start3A_119 = arith.constant 0 : i32
        %dma_start3A_120 = tpu.memref_slice %arg6[%add3A_112, %dma_start3A_119] : memref<10000x128xf32, #tpu.memory_space<vmem_shared>> -> memref<80x128xf32, #tpu.memory_space<vmem_shared>>
        %dma_start3A_121 = arith.constant 0 : i32
        %dma_start3A_122 = tpu.memref_slice %arg6[%add3A_112, %dma_start3A_121] : memref<10000x128xf32, #tpu.memory_space<vmem_shared>> -> memref<80x128xf32, #tpu.memory_space<vmem_shared>>
        %dma_start3A_123 = arith.constant 0 : i32
        %dma_start3A_124 = arith.constant 0 : i32
        %dma_start3A_125 = tpu.memref_slice %arg9[%run_scoped3A_113, %dma_start3A_123, %dma_start3A_124] : memref<3x80x128xf32, #tpu.memory_space<vmem>> -> memref<1x80x128xf32, #tpu.memory_space<vmem>>
        %dma_start3A_126 = tpu.memref_squeeze %dma_start3A_125 : memref<1x80x128xf32, #tpu.memory_space<vmem>> -> memref<80x128xf32, #tpu.memory_space<vmem>>
        tpu.enqueue_dma source(%dma_start3A_126 : memref<80x128xf32, #tpu.memory_space<vmem>>) target(%dma_start3A_122 : memref<80x128xf32, #tpu.memory_space<vmem_shared>>) target_semaphore(%run_scoped3A_114 : memref<!tpu.dma_semaphore, #tpu.memory_space<semaphore_mem>>)
        %dma_wait3A_127 = arith.constant 0 : i32
        %dma_wait3A_128 = arith.constant 0 : i32
        %dma_wait3A_129 = tpu.memref_slice %arg9[%run_scoped3A_113, %dma_wait3A_127, %dma_wait3A_128] : memref<3x80x128xf32, #tpu.memory_space<vmem>> -> memref<1x80x128xf32, #tpu.memory_space<vmem>>
        %dma_wait3A_130 = tpu.memref_squeeze %dma_wait3A_129 : memref<1x80x128xf32, #tpu.memory_space<vmem>> -> memref<80x128xf32, #tpu.memory_space<vmem>>
        %dma_wait3A_131 = arith.constant 0 : i32
        %dma_wait3A_132 = tpu.memref_slice %arg6[%add3A_112, %dma_wait3A_131] : memref<10000x128xf32, #tpu.memory_space<vmem_shared>> -> memref<80x128xf32, #tpu.memory_space<vmem_shared>>
        %dma_wait3A_133 = arith.constant 0 : i32
        %dma_wait3A_134 = tpu.memref_slice %arg6[%add3A_112, %dma_wait3A_133] : memref<10000x128xf32, #tpu.memory_space<vmem_shared>> -> memref<80x128xf32, #tpu.memory_space<vmem_shared>>
        %dma_wait3A_135 = arith.constant 0 : i32
        %dma_wait3A_136 = arith.constant 0 : i32
        %dma_wait3A_137 = tpu.memref_slice %arg9[%run_scoped3A_113, %dma_wait3A_135, %dma_wait3A_136] : memref<3x80x128xf32, #tpu.memory_space<vmem>> -> memref<1x80x128xf32, #tpu.memory_space<vmem>>
        %dma_wait3A_138 = tpu.memref_squeeze %dma_wait3A_137 : memref<1x80x128xf32, #tpu.memory_space<vmem>> -> memref<80x128xf32, #tpu.memory_space<vmem>>
        tpu.wait_dma2 semaphore(%run_scoped3A_114 : memref<!tpu.dma_semaphore, #tpu.memory_space<semaphore_mem>>) src(%dma_wait3A_138 : memref<80x128xf32, #tpu.memory_space<vmem>>) dst(%dma_wait3A_134 : memref<80x128xf32, #tpu.memory_space<vmem_shared>>)
        tpu.yield
      }) : () -> ()
    } else {
    }
    %barrier3A = arith.constant 0 : index
    tpu.barrier barrier_id(%barrier3A)
    %dma_wait3A = tpu.memref_slice %arg3[%mul3A_5] : memref<320000xi32, #tpu.memory_space<hbm>> -> memref<10000xi32, #tpu.memory_space<hbm>>
    %dma_wait3A_21 = tpu.memref_slice %arg3[%mul3A_5] : memref<320000xi32, #tpu.memory_space<hbm>> -> memref<10000xi32, #tpu.memory_space<hbm>>
    tpu.wait_dma2 semaphore(%arg10 : memref<!tpu.dma_semaphore, #tpu.memory_space<semaphore_mem>>) src(%dma_wait3A_21 : memref<10000xi32, #tpu.memory_space<hbm>>) dst(%arg7 : memref<10000xi32, #tpu.memory_space<vmem>>)
    %dma_wait3A_22 = tpu.memref_slice %arg4[%mul3A_5] : memref<320000xi32, #tpu.memory_space<hbm>> -> memref<10000xi32, #tpu.memory_space<hbm>>
    %dma_wait3A_23 = tpu.memref_slice %arg4[%mul3A_5] : memref<320000xi32, #tpu.memory_space<hbm>> -> memref<10000xi32, #tpu.memory_space<hbm>>
    tpu.wait_dma2 semaphore(%arg10 : memref<!tpu.dma_semaphore, #tpu.memory_space<semaphore_mem>>) src(%dma_wait3A_23 : memref<10000xi32, #tpu.memory_space<hbm>>) dst(%arg8 : memref<10000xi32, #tpu.memory_space<vmem>>)
    %dma_start3A_24 = arith.constant 0 : i32
    %dma_start3A_25 = arith.constant 0 : i32
    %dma_start3A_26 = arith.constant 0 : i32
    %dma_start3A_27 = tpu.memref_slice %arg9[%dma_start3A_24, %dma_start3A_25, %dma_start3A_26] : memref<3x80x128xf32, #tpu.memory_space<vmem>> -> memref<1x80x128xf32, #tpu.memory_space<vmem>>
    %dma_start3A_28 = tpu.memref_squeeze %dma_start3A_27 : memref<1x80x128xf32, #tpu.memory_space<vmem>> -> memref<80x128xf32, #tpu.memory_space<vmem>>
    %dma_start3A_29 = arith.constant 0 : i32
    %dma_start3A_30 = tpu.memref_slice %arg7[%dma_start3A_29] : memref<10000xi32, #tpu.memory_space<vmem>> -> memref<80xi32, #tpu.memory_space<vmem>>
    %dma_start3A_31 = arith.constant 0 : i32
    %dma_start3A_32 = arith.constant 0 : i32
    %dma_start3A_33 = tpu.memref_slice %arg2[%dma_start3A_31, %dma_start3A_32] : memref<10000x128xf32, #tpu.memory_space<hbm>> -> memref<10000x128xf32, #tpu.memory_space<hbm>>
    tpu.enqueue_indirect_dma source(%dma_start3A_33 : memref<10000x128xf32, #tpu.memory_space<hbm>>) target(%dma_start3A_28 : memref<80x128xf32, #tpu.memory_space<vmem>>) offsets(%dma_start3A_30 : memref<80xi32, #tpu.memory_space<vmem>>) semaphore(%arg11 : memref<!tpu.dma_semaphore, #tpu.memory_space<semaphore_mem>>)
    %dma_start3A_34 = arith.constant 1 : i32
    %dma_start3A_35 = arith.constant 0 : i32
    %dma_start3A_36 = arith.constant 0 : i32
    %dma_start3A_37 = tpu.memref_slice %arg9[%dma_start3A_34, %dma_start3A_35, %dma_start3A_36] : memref<3x80x128xf32, #tpu.memory_space<vmem>> -> memref<1x80x128xf32, #tpu.memory_space<vmem>>
    %dma_start3A_38 = tpu.memref_squeeze %dma_start3A_37 : memref<1x80x128xf32, #tpu.memory_space<vmem>> -> memref<80x128xf32, #tpu.memory_space<vmem>>
    %dma_start3A_39 = arith.constant 80 : i32
    %dma_start3A_40 = tpu.memref_slice %arg7[%dma_start3A_39] : memref<10000xi32, #tpu.memory_space<vmem>> -> memref<80xi32, #tpu.memory_space<vmem>>
    %dma_start3A_41 = arith.constant 0 : i32
    %dma_start3A_42 = arith.constant 0 : i32
    %dma_start3A_43 = tpu.memref_slice %arg2[%dma_start3A_41, %dma_start3A_42] : memref<10000x128xf32, #tpu.memory_space<hbm>> -> memref<10000x128xf32, #tpu.memory_space<hbm>>
    tpu.enqueue_indirect_dma source(%dma_start3A_43 : memref<10000x128xf32, #tpu.memory_space<hbm>>) target(%dma_start3A_38 : memref<80x128xf32, #tpu.memory_space<vmem>>) offsets(%dma_start3A_40 : memref<80xi32, #tpu.memory_space<vmem>>) semaphore(%arg12 : memref<!tpu.dma_semaphore, #tpu.memory_space<semaphore_mem>>)
    %dma_start3A_44 = arith.constant 2 : i32
    %dma_start3A_45 = arith.constant 0 : i32
    %dma_start3A_46 = arith.constant 0 : i32
    %dma_start3A_47 = tpu.memref_slice %arg9[%dma_start3A_44, %dma_start3A_45, %dma_start3A_46] : memref<3x80x128xf32, #tpu.memory_space<vmem>> -> memref<1x80x128xf32, #tpu.memory_space<vmem>>
    %dma_start3A_48 = tpu.memref_squeeze %dma_start3A_47 : memref<1x80x128xf32, #tpu.memory_space<vmem>> -> memref<80x128xf32, #tpu.memory_space<vmem>>
    %dma_start3A_49 = arith.constant 160 : i32
    %dma_start3A_50 = tpu.memref_slice %arg7[%dma_start3A_49] : memref<10000xi32, #tpu.memory_space<vmem>> -> memref<80xi32, #tpu.memory_space<vmem>>
    %dma_start3A_51 = arith.constant 0 : i32
    %dma_start3A_52 = arith.constant 0 : i32
    %dma_start3A_53 = tpu.memref_slice %arg2[%dma_start3A_51, %dma_start3A_52] : memref<10000x128xf32, #tpu.memory_space<hbm>> -> memref<10000x128xf32, #tpu.memory_space<hbm>>
    tpu.enqueue_indirect_dma source(%dma_start3A_53 : memref<10000x128xf32, #tpu.memory_space<hbm>>) target(%dma_start3A_48 : memref<80x128xf32, #tpu.memory_space<vmem>>) offsets(%dma_start3A_50 : memref<80xi32, #tpu.memory_space<vmem>>) semaphore(%arg13 : memref<!tpu.dma_semaphore, #tpu.memory_space<semaphore_mem>>)
    %scan3A_54 = arith.constant 0 : i32
    %scan3A_55 = arith.constant 0 : i32
    %scan3A_56 = arith.constant 41 : i32
    %scan3A_57 = arith.addi %scan3A_55, %scan3A_56 : i32
    %scan3A_58 = arith.constant 1 : i32
    scf.for %scan3A_90 = %scan3A_55 to %scan3A_57 step %scan3A_58  : i32 {
      %mul3A_91 = arith.constant 3 : i32
      %mul3A_92 = arith.muli %mul3A_91, %scan3A_90 : i32
      %add3A_93 = arith.constant 0 : i32
      %add3A_94 = arith.addi %mul3A_92, %add3A_93 : i32
      %mul3A_95 = arith.constant 80 : i32
      %mul3A_96 = arith.muli %add3A_94, %mul3A_95 : i32
      %dma_wait3A_97 = arith.constant 0 : i32
      %dma_wait3A_98 = arith.constant 0 : i32
      %dma_wait3A_99 = arith.constant 0 : i32
      %dma_wait3A_100 = tpu.memref_slice %arg9[%dma_wait3A_97, %dma_wait3A_98, %dma_wait3A_99] : memref<3x80x128xf32, #tpu.memory_space<vmem>> -> memref<1x80x128xf32, #tpu.memory_space<vmem>>
      %dma_wait3A_101 = tpu.memref_squeeze %dma_wait3A_100 : memref<1x80x128xf32, #tpu.memory_space<vmem>> -> memref<80x128xf32, #tpu.memory_space<vmem>>
      %dma_wait3A_102 = tpu.memref_slice %arg7[%mul3A_96] : memref<10000xi32, #tpu.memory_space<vmem>> -> memref<80xi32, #tpu.memory_space<vmem>>
      %dma_wait3A_103 = arith.constant 0 : i32
      %dma_wait3A_104 = arith.constant 0 : i32
      %dma_wait3A_105 = tpu.memref_slice %arg2[%dma_wait3A_103, %dma_wait3A_104] : memref<10000x128xf32, #tpu.memory_space<hbm>> -> memref<10000x128xf32, #tpu.memory_space<hbm>>
      tpu.wait_indirect_dma semaphore(%arg11 : memref<!tpu.dma_semaphore, #tpu.memory_space<semaphore_mem>>) src(%dma_wait3A_105 : memref<10000x128xf32, #tpu.memory_space<hbm>>) dst(%dma_wait3A_101 : memref<80x128xf32, #tpu.memory_space<vmem>>)
      %add3A_106 = arith.constant 0 : i32
      %add3A_107 = arith.addi %mul3A_92, %add3A_106 : i32
      %mul3A_108 = arith.constant 80 : i32
      %mul3A_109 = arith.muli %add3A_107, %mul3A_108 : i32
      %dma_start3A_110 = arith.constant 0 : i32
      %dma_start3A_111 = arith.constant 0 : i32
      %dma_start3A_112 = arith.constant 0 : i32
      %dma_start3A_113 = tpu.memref_slice %arg9[%dma_start3A_110, %dma_start3A_111, %dma_start3A_112] : memref<3x80x128xf32, #tpu.memory_space<vmem>> -> memref<1x80x128xf32, #tpu.memory_space<vmem>>
      %dma_start3A_114 = tpu.memref_squeeze %dma_start3A_113 : memref<1x80x128xf32, #tpu.memory_space<vmem>> -> memref<80x128xf32, #tpu.memory_space<vmem>>
      %dma_start3A_115 = tpu.memref_slice %arg8[%mul3A_109] : memref<10000xi32, #tpu.memory_space<vmem>> -> memref<80xi32, #tpu.memory_space<vmem>>
      %dma_start3A_116 = arith.constant 0 : i32
      %dma_start3A_117 = arith.constant 0 : i32
      %dma_start3A_118 = tpu.memref_slice %arg6[%dma_start3A_116, %dma_start3A_117] : memref<10000x128xf32, #tpu.memory_space<vmem_shared>> -> memref<10000x128xf32, #tpu.memory_space<vmem_shared>>
      tpu.enqueue_indirect_dma source(%dma_start3A_114 : memref<80x128xf32, #tpu.memory_space<vmem>>) target(%dma_start3A_118 : memref<10000x128xf32, #tpu.memory_space<vmem_shared>>) offsets(%dma_start3A_115 : memref<80xi32, #tpu.memory_space<vmem>>) semaphore(%arg14 : memref<!tpu.dma_semaphore, #tpu.memory_space<semaphore_mem>>) {add = true}
      %add3A_119 = arith.constant 1 : i32
      %add3A_120 = arith.addi %mul3A_92, %add3A_119 : i32
      %mul3A_121 = arith.constant 80 : i32
      %mul3A_122 = arith.muli %add3A_120, %mul3A_121 : i32
      %dma_wait3A_123 = arith.constant 1 : i32
      %dma_wait3A_124 = arith.constant 0 : i32
      %dma_wait3A_125 = arith.constant 0 : i32
      %dma_wait3A_126 = tpu.memref_slice %arg9[%dma_wait3A_123, %dma_wait3A_124, %dma_wait3A_125] : memref<3x80x128xf32, #tpu.memory_space<vmem>> -> memref<1x80x128xf32, #tpu.memory_space<vmem>>
      %dma_wait3A_127 = tpu.memref_squeeze %dma_wait3A_126 : memref<1x80x128xf32, #tpu.memory_space<vmem>> -> memref<80x128xf32, #tpu.memory_space<vmem>>
      %dma_wait3A_128 = tpu.memref_slice %arg7[%mul3A_122] : memref<10000xi32, #tpu.memory_space<vmem>> -> memref<80xi32, #tpu.memory_space<vmem>>
      %dma_wait3A_129 = arith.constant 0 : i32
      %dma_wait3A_130 = arith.constant 0 : i32
      %dma_wait3A_131 = tpu.memref_slice %arg2[%dma_wait3A_129, %dma_wait3A_130] : memref<10000x128xf32, #tpu.memory_space<hbm>> -> memref<10000x128xf32, #tpu.memory_space<hbm>>
      tpu.wait_indirect_dma semaphore(%arg12 : memref<!tpu.dma_semaphore, #tpu.memory_space<semaphore_mem>>) src(%dma_wait3A_131 : memref<10000x128xf32, #tpu.memory_space<hbm>>) dst(%dma_wait3A_127 : memref<80x128xf32, #tpu.memory_space<vmem>>)
      %add3A_132 = arith.constant 1 : i32
      %add3A_133 = arith.addi %mul3A_92, %add3A_132 : i32
      %mul3A_134 = arith.constant 80 : i32
      %mul3A_135 = arith.muli %add3A_133, %mul3A_134 : i32
      %dma_start3A_136 = arith.constant 1 : i32
      %dma_start3A_137 = arith.constant 0 : i32
      %dma_start3A_138 = arith.constant 0 : i32
      %dma_start3A_139 = tpu.memref_slice %arg9[%dma_start3A_136, %dma_start3A_137, %dma_start3A_138] : memref<3x80x128xf32, #tpu.memory_space<vmem>> -> memref<1x80x128xf32, #tpu.memory_space<vmem>>
      %dma_start3A_140 = tpu.memref_squeeze %dma_start3A_139 : memref<1x80x128xf32, #tpu.memory_space<vmem>> -> memref<80x128xf32, #tpu.memory_space<vmem>>
      %dma_start3A_141 = tpu.memref_slice %arg8[%mul3A_135] : memref<10000xi32, #tpu.memory_space<vmem>> -> memref<80xi32, #tpu.memory_space<vmem>>
      %dma_start3A_142 = arith.constant 0 : i32
      %dma_start3A_143 = arith.constant 0 : i32
      %dma_start3A_144 = tpu.memref_slice %arg6[%dma_start3A_142, %dma_start3A_143] : memref<10000x128xf32, #tpu.memory_space<vmem_shared>> -> memref<10000x128xf32, #tpu.memory_space<vmem_shared>>
      tpu.enqueue_indirect_dma source(%dma_start3A_140 : memref<80x128xf32, #tpu.memory_space<vmem>>) target(%dma_start3A_144 : memref<10000x128xf32, #tpu.memory_space<vmem_shared>>) offsets(%dma_start3A_141 : memref<80xi32, #tpu.memory_space<vmem>>) semaphore(%arg15 : memref<!tpu.dma_semaphore, #tpu.memory_space<semaphore_mem>>) {add = true}
      %add3A_145 = arith.constant 2 : i32
      %add3A_146 = arith.addi %mul3A_92, %add3A_145 : i32
      %mul3A_147 = arith.constant 80 : i32
      %mul3A_148 = arith.muli %add3A_146, %mul3A_147 : i32
      %dma_wait3A_149 = arith.constant 2 : i32
      %dma_wait3A_150 = arith.constant 0 : i32
      %dma_wait3A_151 = arith.constant 0 : i32
      %dma_wait3A_152 = tpu.memref_slice %arg9[%dma_wait3A_149, %dma_wait3A_150, %dma_wait3A_151] : memref<3x80x128xf32, #tpu.memory_space<vmem>> -> memref<1x80x128xf32, #tpu.memory_space<vmem>>
      %dma_wait3A_153 = tpu.memref_squeeze %dma_wait3A_152 : memref<1x80x128xf32, #tpu.memory_space<vmem>> -> memref<80x128xf32, #tpu.memory_space<vmem>>
      %dma_wait3A_154 = tpu.memref_slice %arg7[%mul3A_148] : memref<10000xi32, #tpu.memory_space<vmem>> -> memref<80xi32, #tpu.memory_space<vmem>>
      %dma_wait3A_155 = arith.constant 0 : i32
      %dma_wait3A_156 = arith.constant 0 : i32
      %dma_wait3A_157 = tpu.memref_slice %arg2[%dma_wait3A_155, %dma_wait3A_156] : memref<10000x128xf32, #tpu.memory_space<hbm>> -> memref<10000x128xf32, #tpu.memory_space<hbm>>
      tpu.wait_indirect_dma semaphore(%arg13 : memref<!tpu.dma_semaphore, #tpu.memory_space<semaphore_mem>>) src(%dma_wait3A_157 : memref<10000x128xf32, #tpu.memory_space<hbm>>) dst(%dma_wait3A_153 : memref<80x128xf32, #tpu.memory_space<vmem>>)
      %add3A_158 = arith.constant 2 : i32
      %add3A_159 = arith.addi %mul3A_92, %add3A_158 : i32
      %mul3A_160 = arith.constant 80 : i32
      %mul3A_161 = arith.muli %add3A_159, %mul3A_160 : i32
      %dma_start3A_162 = arith.constant 2 : i32
      %dma_start3A_163 = arith.constant 0 : i32
      %dma_start3A_164 = arith.constant 0 : i32
      %dma_start3A_165 = tpu.memref_slice %arg9[%dma_start3A_162, %dma_start3A_163, %dma_start3A_164] : memref<3x80x128xf32, #tpu.memory_space<vmem>> -> memref<1x80x128xf32, #tpu.memory_space<vmem>>
      %dma_start3A_166 = tpu.memref_squeeze %dma_start3A_165 : memref<1x80x128xf32, #tpu.memory_space<vmem>> -> memref<80x128xf32, #tpu.memory_space<vmem>>
      %dma_start3A_167 = tpu.memref_slice %arg8[%mul3A_161] : memref<10000xi32, #tpu.memory_space<vmem>> -> memref<80xi32, #tpu.memory_space<vmem>>
      %dma_start3A_168 = arith.constant 0 : i32
      %dma_start3A_169 = arith.constant 0 : i32
      %dma_start3A_170 = tpu.memref_slice %arg6[%dma_start3A_168, %dma_start3A_169] : memref<10000x128xf32, #tpu.memory_space<vmem_shared>> -> memref<10000x128xf32, #tpu.memory_space<vmem_shared>>
      tpu.enqueue_indirect_dma source(%dma_start3A_166 : memref<80x128xf32, #tpu.memory_space<vmem>>) target(%dma_start3A_170 : memref<10000x128xf32, #tpu.memory_space<vmem_shared>>) offsets(%dma_start3A_167 : memref<80xi32, #tpu.memory_space<vmem>>) semaphore(%arg16 : memref<!tpu.dma_semaphore, #tpu.memory_space<semaphore_mem>>) {add = true}
      %add3A_171 = arith.constant 0 : i32
      %add3A_172 = arith.addi %mul3A_92, %add3A_171 : i32
      %mul3A_173 = arith.constant 80 : i32
      %mul3A_174 = arith.muli %add3A_172, %mul3A_173 : i32
      %dma_wait3A_175 = arith.constant 0 : i32
      %dma_wait3A_176 = arith.constant 0 : i32
      %dma_wait3A_177 = arith.constant 0 : i32
      %dma_wait3A_178 = tpu.memref_slice %arg9[%dma_wait3A_175, %dma_wait3A_176, %dma_wait3A_177] : memref<3x80x128xf32, #tpu.memory_space<vmem>> -> memref<1x80x128xf32, #tpu.memory_space<vmem>>
      %dma_wait3A_179 = tpu.memref_squeeze %dma_wait3A_178 : memref<1x80x128xf32, #tpu.memory_space<vmem>> -> memref<80x128xf32, #tpu.memory_space<vmem>>
      %dma_wait3A_180 = tpu.memref_slice %arg8[%mul3A_174] : memref<10000xi32, #tpu.memory_space<vmem>> -> memref<80xi32, #tpu.memory_space<vmem>>
      %dma_wait3A_181 = arith.constant 0 : i32
      %dma_wait3A_182 = arith.constant 0 : i32
      %dma_wait3A_183 = tpu.memref_slice %arg6[%dma_wait3A_181, %dma_wait3A_182] : memref<10000x128xf32, #tpu.memory_space<vmem_shared>> -> memref<10000x128xf32, #tpu.memory_space<vmem_shared>>
      tpu.wait_indirect_dma semaphore(%arg14 : memref<!tpu.dma_semaphore, #tpu.memory_space<semaphore_mem>>) src(%dma_wait3A_179 : memref<80x128xf32, #tpu.memory_space<vmem>>) dst(%dma_wait3A_183 : memref<10000x128xf32, #tpu.memory_space<vmem_shared>>)
      %add3A_184 = arith.constant 0 : i32
      %add3A_185 = arith.addi %mul3A_92, %add3A_184 : i32
      %add3A_186 = arith.constant 3 : i32
      %add3A_187 = arith.addi %add3A_185, %add3A_186 : i32
      %lt3A = arith.constant 125 : i32
      %lt3A_188 = arith.cmpi slt, %add3A_187, %lt3A : i32
      %convert_element_type3A_189 = arith.extui %lt3A_188 : i1 to i32
      %cond3A_190 = arith.constant 0 : i32
      %cond3A_191 = arith.cmpi ne, %convert_element_type3A_189, %cond3A_190 : i32
      scf.if %cond3A_191 {
        %add3A_236 = arith.constant 0 : i32
        %add3A_237 = arith.addi %mul3A_92, %add3A_236 : i32
        %add3A_238 = arith.constant 3 : i32
        %add3A_239 = arith.addi %add3A_237, %add3A_238 : i32
        %mul3A_240 = arith.constant 80 : i32
        %mul3A_241 = arith.muli %add3A_239, %mul3A_240 : i32
        %dma_start3A_242 = arith.constant 0 : i32
        %dma_start3A_243 = arith.constant 0 : i32
        %dma_start3A_244 = arith.constant 0 : i32
        %dma_start3A_245 = tpu.memref_slice %arg9[%dma_start3A_242, %dma_start3A_243, %dma_start3A_244] : memref<3x80x128xf32, #tpu.memory_space<vmem>> -> memref<1x80x128xf32, #tpu.memory_space<vmem>>
        %dma_start3A_246 = tpu.memref_squeeze %dma_start3A_245 : memref<1x80x128xf32, #tpu.memory_space<vmem>> -> memref<80x128xf32, #tpu.memory_space<vmem>>
        %dma_start3A_247 = tpu.memref_slice %arg7[%mul3A_241] : memref<10000xi32, #tpu.memory_space<vmem>> -> memref<80xi32, #tpu.memory_space<vmem>>
        %dma_start3A_248 = arith.constant 0 : i32
        %dma_start3A_249 = arith.constant 0 : i32
        %dma_start3A_250 = tpu.memref_slice %arg2[%dma_start3A_248, %dma_start3A_249] : memref<10000x128xf32, #tpu.memory_space<hbm>> -> memref<10000x128xf32, #tpu.memory_space<hbm>>
        tpu.enqueue_indirect_dma source(%dma_start3A_250 : memref<10000x128xf32, #tpu.memory_space<hbm>>) target(%dma_start3A_246 : memref<80x128xf32, #tpu.memory_space<vmem>>) offsets(%dma_start3A_247 : memref<80xi32, #tpu.memory_space<vmem>>) semaphore(%arg11 : memref<!tpu.dma_semaphore, #tpu.memory_space<semaphore_mem>>)
      } else {
      }
      %add3A_192 = arith.constant 1 : i32
      %add3A_193 = arith.addi %mul3A_92, %add3A_192 : i32
      %mul3A_194 = arith.constant 80 : i32
      %mul3A_195 = arith.muli %add3A_193, %mul3A_194 : i32
      %dma_wait3A_196 = arith.constant 1 : i32
      %dma_wait3A_197 = arith.constant 0 : i32
      %dma_wait3A_198 = arith.constant 0 : i32
      %dma_wait3A_199 = tpu.memref_slice %arg9[%dma_wait3A_196, %dma_wait3A_197, %dma_wait3A_198] : memref<3x80x128xf32, #tpu.memory_space<vmem>> -> memref<1x80x128xf32, #tpu.memory_space<vmem>>
      %dma_wait3A_200 = tpu.memref_squeeze %dma_wait3A_199 : memref<1x80x128xf32, #tpu.memory_space<vmem>> -> memref<80x128xf32, #tpu.memory_space<vmem>>
      %dma_wait3A_201 = tpu.memref_slice %arg8[%mul3A_195] : memref<10000xi32, #tpu.memory_space<vmem>> -> memref<80xi32, #tpu.memory_space<vmem>>
      %dma_wait3A_202 = arith.constant 0 : i32
      %dma_wait3A_203 = arith.constant 0 : i32
      %dma_wait3A_204 = tpu.memref_slice %arg6[%dma_wait3A_202, %dma_wait3A_203] : memref<10000x128xf32, #tpu.memory_space<vmem_shared>> -> memref<10000x128xf32, #tpu.memory_space<vmem_shared>>
      tpu.wait_indirect_dma semaphore(%arg15 : memref<!tpu.dma_semaphore, #tpu.memory_space<semaphore_mem>>) src(%dma_wait3A_200 : memref<80x128xf32, #tpu.memory_space<vmem>>) dst(%dma_wait3A_204 : memref<10000x128xf32, #tpu.memory_space<vmem_shared>>)
      %add3A_205 = arith.constant 1 : i32
      %add3A_206 = arith.addi %mul3A_92, %add3A_205 : i32
      %add3A_207 = arith.constant 3 : i32
      %add3A_208 = arith.addi %add3A_206, %add3A_207 : i32
      %lt3A_209 = arith.constant 125 : i32
      %lt3A_210 = arith.cmpi slt, %add3A_208, %lt3A_209 : i32
      %convert_element_type3A_211 = arith.extui %lt3A_210 : i1 to i32
      %cond3A_212 = arith.constant 0 : i32
      %cond3A_213 = arith.cmpi ne, %convert_element_type3A_211, %cond3A_212 : i32
      scf.if %cond3A_213 {
        %add3A_236 = arith.constant 1 : i32
        %add3A_237 = arith.addi %mul3A_92, %add3A_236 : i32
        %add3A_238 = arith.constant 3 : i32
        %add3A_239 = arith.addi %add3A_237, %add3A_238 : i32
        %mul3A_240 = arith.constant 80 : i32
        %mul3A_241 = arith.muli %add3A_239, %mul3A_240 : i32
        %dma_start3A_242 = arith.constant 1 : i32
        %dma_start3A_243 = arith.constant 0 : i32
        %dma_start3A_244 = arith.constant 0 : i32
        %dma_start3A_245 = tpu.memref_slice %arg9[%dma_start3A_242, %dma_start3A_243, %dma_start3A_244] : memref<3x80x128xf32, #tpu.memory_space<vmem>> -> memref<1x80x128xf32, #tpu.memory_space<vmem>>
        %dma_start3A_246 = tpu.memref_squeeze %dma_start3A_245 : memref<1x80x128xf32, #tpu.memory_space<vmem>> -> memref<80x128xf32, #tpu.memory_space<vmem>>
        %dma_start3A_247 = tpu.memref_slice %arg7[%mul3A_241] : memref<10000xi32, #tpu.memory_space<vmem>> -> memref<80xi32, #tpu.memory_space<vmem>>
        %dma_start3A_248 = arith.constant 0 : i32
        %dma_start3A_249 = arith.constant 0 : i32
        %dma_start3A_250 = tpu.memref_slice %arg2[%dma_start3A_248, %dma_start3A_249] : memref<10000x128xf32, #tpu.memory_space<hbm>> -> memref<10000x128xf32, #tpu.memory_space<hbm>>
        tpu.enqueue_indirect_dma source(%dma_start3A_250 : memref<10000x128xf32, #tpu.memory_space<hbm>>) target(%dma_start3A_246 : memref<80x128xf32, #tpu.memory_space<vmem>>) offsets(%dma_start3A_247 : memref<80xi32, #tpu.memory_space<vmem>>) semaphore(%arg12 : memref<!tpu.dma_semaphore, #tpu.memory_space<semaphore_mem>>)
      } else {
      }
      %add3A_214 = arith.constant 2 : i32
      %add3A_215 = arith.addi %mul3A_92, %add3A_214 : i32
      %mul3A_216 = arith.constant 80 : i32
      %mul3A_217 = arith.muli %add3A_215, %mul3A_216 : i32
      %dma_wait3A_218 = arith.constant 2 : i32
      %dma_wait3A_219 = arith.constant 0 : i32
      %dma_wait3A_220 = arith.constant 0 : i32
      %dma_wait3A_221 = tpu.memref_slice %arg9[%dma_wait3A_218, %dma_wait3A_219, %dma_wait3A_220] : memref<3x80x128xf32, #tpu.memory_space<vmem>> -> memref<1x80x128xf32, #tpu.memory_space<vmem>>
      %dma_wait3A_222 = tpu.memref_squeeze %dma_wait3A_221 : memref<1x80x128xf32, #tpu.memory_space<vmem>> -> memref<80x128xf32, #tpu.memory_space<vmem>>
      %dma_wait3A_223 = tpu.memref_slice %arg8[%mul3A_217] : memref<10000xi32, #tpu.memory_space<vmem>> -> memref<80xi32, #tpu.memory_space<vmem>>
      %dma_wait3A_224 = arith.constant 0 : i32
      %dma_wait3A_225 = arith.constant 0 : i32
      %dma_wait3A_226 = tpu.memref_slice %arg6[%dma_wait3A_224, %dma_wait3A_225] : memref<10000x128xf32, #tpu.memory_space<vmem_shared>> -> memref<10000x128xf32, #tpu.memory_space<vmem_shared>>
      tpu.wait_indirect_dma semaphore(%arg16 : memref<!tpu.dma_semaphore, #tpu.memory_space<semaphore_mem>>) src(%dma_wait3A_222 : memref<80x128xf32, #tpu.memory_space<vmem>>) dst(%dma_wait3A_226 : memref<10000x128xf32, #tpu.memory_space<vmem_shared>>)
      %add3A_227 = arith.constant 2 : i32
      %add3A_228 = arith.addi %mul3A_92, %add3A_227 : i32
      %add3A_229 = arith.constant 3 : i32
      %add3A_230 = arith.addi %add3A_228, %add3A_229 : i32
      %lt3A_231 = arith.constant 125 : i32
      %lt3A_232 = arith.cmpi slt, %add3A_230, %lt3A_231 : i32
      %convert_element_type3A_233 = arith.extui %lt3A_232 : i1 to i32
      %cond3A_234 = arith.constant 0 : i32
      %cond3A_235 = arith.cmpi ne, %convert_element_type3A_233, %cond3A_234 : i32
      scf.if %cond3A_235 {
        %add3A_236 = arith.constant 2 : i32
        %add3A_237 = arith.addi %mul3A_92, %add3A_236 : i32
        %add3A_238 = arith.constant 3 : i32
        %add3A_239 = arith.addi %add3A_237, %add3A_238 : i32
        %mul3A_240 = arith.constant 80 : i32
        %mul3A_241 = arith.muli %add3A_239, %mul3A_240 : i32
        %dma_start3A_242 = arith.constant 2 : i32
        %dma_start3A_243 = arith.constant 0 : i32
        %dma_start3A_244 = arith.constant 0 : i32
        %dma_start3A_245 = tpu.memref_slice %arg9[%dma_start3A_242, %dma_start3A_243, %dma_start3A_244] : memref<3x80x128xf32, #tpu.memory_space<vmem>> -> memref<1x80x128xf32, #tpu.memory_space<vmem>>
        %dma_start3A_246 = tpu.memref_squeeze %dma_start3A_245 : memref<1x80x128xf32, #tpu.memory_space<vmem>> -> memref<80x128xf32, #tpu.memory_space<vmem>>
        %dma_start3A_247 = tpu.memref_slice %arg7[%mul3A_241] : memref<10000xi32, #tpu.memory_space<vmem>> -> memref<80xi32, #tpu.memory_space<vmem>>
        %dma_start3A_248 = arith.constant 0 : i32
        %dma_start3A_249 = arith.constant 0 : i32
        %dma_start3A_250 = tpu.memref_slice %arg2[%dma_start3A_248, %dma_start3A_249] : memref<10000x128xf32, #tpu.memory_space<hbm>> -> memref<10000x128xf32, #tpu.memory_space<hbm>>
        tpu.enqueue_indirect_dma source(%dma_start3A_250 : memref<10000x128xf32, #tpu.memory_space<hbm>>) target(%dma_start3A_246 : memref<80x128xf32, #tpu.memory_space<vmem>>) offsets(%dma_start3A_247 : memref<80xi32, #tpu.memory_space<vmem>>) semaphore(%arg13 : memref<!tpu.dma_semaphore, #tpu.memory_space<semaphore_mem>>)
      } else {
      }
    }
    %scan3A_59 = arith.constant 41 : i32
    %dma_wait3A_60 = arith.constant 0 : i32
    %dma_wait3A_61 = arith.constant 0 : i32
    %dma_wait3A_62 = arith.constant 0 : i32
    %dma_wait3A_63 = tpu.memref_slice %arg9[%dma_wait3A_60, %dma_wait3A_61, %dma_wait3A_62] : memref<3x80x128xf32, #tpu.memory_space<vmem>> -> memref<1x80x128xf32, #tpu.memory_space<vmem>>
    %dma_wait3A_64 = tpu.memref_squeeze %dma_wait3A_63 : memref<1x80x128xf32, #tpu.memory_space<vmem>> -> memref<80x128xf32, #tpu.memory_space<vmem>>
    %dma_wait3A_65 = arith.constant 9840 : i32
    %dma_wait3A_66 = tpu.memref_slice %arg7[%dma_wait3A_65] : memref<10000xi32, #tpu.memory_space<vmem>> -> memref<80xi32, #tpu.memory_space<vmem>>
    %dma_wait3A_67 = arith.constant 0 : i32
    %dma_wait3A_68 = arith.constant 0 : i32
    %dma_wait3A_69 = tpu.memref_slice %arg2[%dma_wait3A_67, %dma_wait3A_68] : memref<10000x128xf32, #tpu.memory_space<hbm>> -> memref<10000x128xf32, #tpu.memory_space<hbm>>
    tpu.wait_indirect_dma semaphore(%arg11 : memref<!tpu.dma_semaphore, #tpu.memory_space<semaphore_mem>>) src(%dma_wait3A_69 : memref<10000x128xf32, #tpu.memory_space<hbm>>) dst(%dma_wait3A_64 : memref<80x128xf32, #tpu.memory_space<vmem>>)
    %run_scoped3A = arith.constant 0 : i32
    "tpu.region"() ({
      %run_scoped3A_90 = tpu.sem_alloc : memref<!tpu.dma_semaphore, #tpu.memory_space<semaphore_mem>>
      %dma_start3A_91 = arith.constant 0 : i32
      %dma_start3A_92 = arith.constant 0 : i32
      %dma_start3A_93 = tpu.memref_slice %arg9[%run_scoped3A, %dma_start3A_91, %dma_start3A_92] : memref<3x80x128xf32, #tpu.memory_space<vmem>> -> memref<1x80x128xf32, #tpu.memory_space<vmem>>
      %dma_start3A_94 = tpu.memref_squeeze %dma_start3A_93 : memref<1x80x128xf32, #tpu.memory_space<vmem>> -> memref<80x128xf32, #tpu.memory_space<vmem>>
      %dma_start3A_95 = arith.constant 9840 : i32
      %dma_start3A_96 = tpu.memref_slice %arg8[%dma_start3A_95] : memref<10000xi32, #tpu.memory_space<vmem>> -> memref<80xi32, #tpu.memory_space<vmem>>
      %dma_start3A_97 = arith.constant 0 : i32
      %dma_start3A_98 = arith.constant 0 : i32
      %dma_start3A_99 = tpu.memref_slice %arg6[%dma_start3A_97, %dma_start3A_98] : memref<10000x128xf32, #tpu.memory_space<vmem_shared>> -> memref<10000x128xf32, #tpu.memory_space<vmem_shared>>
      tpu.enqueue_indirect_dma source(%dma_start3A_94 : memref<80x128xf32, #tpu.memory_space<vmem>>) target(%dma_start3A_99 : memref<10000x128xf32, #tpu.memory_space<vmem_shared>>) offsets(%dma_start3A_96 : memref<80xi32, #tpu.memory_space<vmem>>) semaphore(%run_scoped3A_90 : memref<!tpu.dma_semaphore, #tpu.memory_space<semaphore_mem>>) {add = true}
      %dma_wait3A_100 = arith.constant 0 : i32
      %dma_wait3A_101 = arith.constant 0 : i32
      %dma_wait3A_102 = tpu.memref_slice %arg9[%run_scoped3A, %dma_wait3A_100, %dma_wait3A_101] : memref<3x80x128xf32, #tpu.memory_space<vmem>> -> memref<1x80x128xf32, #tpu.memory_space<vmem>>
      %dma_wait3A_103 = tpu.memref_squeeze %dma_wait3A_102 : memref<1x80x128xf32, #tpu.memory_space<vmem>> -> memref<80x128xf32, #tpu.memory_space<vmem>>
      %dma_wait3A_104 = arith.constant 9840 : i32
      %dma_wait3A_105 = tpu.memref_slice %arg8[%dma_wait3A_104] : memref<10000xi32, #tpu.memory_space<vmem>> -> memref<80xi32, #tpu.memory_space<vmem>>
      %dma_wait3A_106 = arith.constant 0 : i32
      %dma_wait3A_107 = arith.constant 0 : i32
      %dma_wait3A_108 = tpu.memref_slice %arg6[%dma_wait3A_106, %dma_wait3A_107] : memref<10000x128xf32, #tpu.memory_space<vmem_shared>> -> memref<10000x128xf32, #tpu.memory_space<vmem_shared>>
      tpu.wait_indirect_dma semaphore(%run_scoped3A_90 : memref<!tpu.dma_semaphore, #tpu.memory_space<semaphore_mem>>) src(%dma_wait3A_103 : memref<80x128xf32, #tpu.memory_space<vmem>>) dst(%dma_wait3A_108 : memref<10000x128xf32, #tpu.memory_space<vmem_shared>>)
      tpu.yield
    }) : () -> ()
    %dma_wait3A_70 = arith.constant 1 : i32
    %dma_wait3A_71 = arith.constant 0 : i32
    %dma_wait3A_72 = arith.constant 0 : i32
    %dma_wait3A_73 = tpu.memref_slice %arg9[%dma_wait3A_70, %dma_wait3A_71, %dma_wait3A_72] : memref<3x80x128xf32, #tpu.memory_space<vmem>> -> memref<1x80x128xf32, #tpu.memory_space<vmem>>
    %dma_wait3A_74 = tpu.memref_squeeze %dma_wait3A_73 : memref<1x80x128xf32, #tpu.memory_space<vmem>> -> memref<80x128xf32, #tpu.memory_space<vmem>>
    %dma_wait3A_75 = arith.constant 9920 : i32
    %dma_wait3A_76 = tpu.memref_slice %arg7[%dma_wait3A_75] : memref<10000xi32, #tpu.memory_space<vmem>> -> memref<80xi32, #tpu.memory_space<vmem>>
    %dma_wait3A_77 = arith.constant 0 : i32
    %dma_wait3A_78 = arith.constant 0 : i32
    %dma_wait3A_79 = tpu.memref_slice %arg2[%dma_wait3A_77, %dma_wait3A_78] : memref<10000x128xf32, #tpu.memory_space<hbm>> -> memref<10000x128xf32, #tpu.memory_space<hbm>>
    tpu.wait_indirect_dma semaphore(%arg12 : memref<!tpu.dma_semaphore, #tpu.memory_space<semaphore_mem>>) src(%dma_wait3A_79 : memref<10000x128xf32, #tpu.memory_space<hbm>>) dst(%dma_wait3A_74 : memref<80x128xf32, #tpu.memory_space<vmem>>)
    %run_scoped3A_80 = arith.constant 1 : i32
    "tpu.region"() ({
      %run_scoped3A_90 = tpu.sem_alloc : memref<!tpu.dma_semaphore, #tpu.memory_space<semaphore_mem>>
      %dma_start3A_91 = arith.constant 0 : i32
      %dma_start3A_92 = arith.constant 0 : i32
      %dma_start3A_93 = tpu.memref_slice %arg9[%run_scoped3A_80, %dma_start3A_91, %dma_start3A_92] : memref<3x80x128xf32, #tpu.memory_space<vmem>> -> memref<1x80x128xf32, #tpu.memory_space<vmem>>
      %dma_start3A_94 = tpu.memref_squeeze %dma_start3A_93 : memref<1x80x128xf32, #tpu.memory_space<vmem>> -> memref<80x128xf32, #tpu.memory_space<vmem>>
      %dma_start3A_95 = arith.constant 9920 : i32
      %dma_start3A_96 = tpu.memref_slice %arg8[%dma_start3A_95] : memref<10000xi32, #tpu.memory_space<vmem>> -> memref<80xi32, #tpu.memory_space<vmem>>
      %dma_start3A_97 = arith.constant 0 : i32
      %dma_start3A_98 = arith.constant 0 : i32
      %dma_start3A_99 = tpu.memref_slice %arg6[%dma_start3A_97, %dma_start3A_98] : memref<10000x128xf32, #tpu.memory_space<vmem_shared>> -> memref<10000x128xf32, #tpu.memory_space<vmem_shared>>
      tpu.enqueue_indirect_dma source(%dma_start3A_94 : memref<80x128xf32, #tpu.memory_space<vmem>>) target(%dma_start3A_99 : memref<10000x128xf32, #tpu.memory_space<vmem_shared>>) offsets(%dma_start3A_96 : memref<80xi32, #tpu.memory_space<vmem>>) semaphore(%run_scoped3A_90 : memref<!tpu.dma_semaphore, #tpu.memory_space<semaphore_mem>>) {add = true}
      %dma_wait3A_100 = arith.constant 0 : i32
      %dma_wait3A_101 = arith.constant 0 : i32
      %dma_wait3A_102 = tpu.memref_slice %arg9[%run_scoped3A_80, %dma_wait3A_100, %dma_wait3A_101] : memref<3x80x128xf32, #tpu.memory_space<vmem>> -> memref<1x80x128xf32, #tpu.memory_space<vmem>>
      %dma_wait3A_103 = tpu.memref_squeeze %dma_wait3A_102 : memref<1x80x128xf32, #tpu.memory_space<vmem>> -> memref<80x128xf32, #tpu.memory_space<vmem>>
      %dma_wait3A_104 = arith.constant 9920 : i32
      %dma_wait3A_105 = tpu.memref_slice %arg8[%dma_wait3A_104] : memref<10000xi32, #tpu.memory_space<vmem>> -> memref<80xi32, #tpu.memory_space<vmem>>
      %dma_wait3A_106 = arith.constant 0 : i32
      %dma_wait3A_107 = arith.constant 0 : i32
      %dma_wait3A_108 = tpu.memref_slice %arg6[%dma_wait3A_106, %dma_wait3A_107] : memref<10000x128xf32, #tpu.memory_space<vmem_shared>> -> memref<10000x128xf32, #tpu.memory_space<vmem_shared>>
      tpu.wait_indirect_dma semaphore(%run_scoped3A_90 : memref<!tpu.dma_semaphore, #tpu.memory_space<semaphore_mem>>) src(%dma_wait3A_103 : memref<80x128xf32, #tpu.memory_space<vmem>>) dst(%dma_wait3A_108 : memref<10000x128xf32, #tpu.memory_space<vmem_shared>>)
      tpu.yield
    }) : () -> ()
    %barrier3A_81 = arith.constant 0 : index
    tpu.barrier barrier_id(%barrier3A_81)
    %not3A_82 = arith.constant true
    %not3A_83 = arith.xori %eq3A_3, %not3A_82 : i1
    %convert_element_type3A_84 = arith.extui %not3A_83 : i1 to i32
    %cond3A_85 = arith.constant 0 : i32
    %cond3A_86 = arith.cmpi ne, %convert_element_type3A_84, %cond3A_85 : i32
    scf.if %cond3A_86 {
      %mul3A_90 = arith.constant 10000 : i32
      %mul3A_91 = arith.muli %arg0, %mul3A_90 : i32
      %add3A_92 = arith.addi %mul3A_91, %mul3A_2 : i32
      "tpu.region"() ({
        %run_scoped3A_93 = tpu.sem_alloc : memref<!tpu.dma_semaphore, #tpu.memory_space<semaphore_mem>>
        %dma_start3A_94 = arith.constant 0 : i32
        %dma_start3A_95 = tpu.memref_slice %arg5[%add3A_92, %dma_start3A_94] : memref<20000x128xf32, #tpu.memory_space<hbm>> -> memref<624x128xf32, #tpu.memory_space<hbm>>
        %dma_start3A_96 = arith.constant 0 : i32
        %dma_start3A_97 = tpu.memref_slice %arg6[%mul3A_2, %dma_start3A_96] : memref<10000x128xf32, #tpu.memory_space<vmem_shared>> -> memref<624x128xf32, #tpu.memory_space<vmem_shared>>
        tpu.enqueue_dma source(%dma_start3A_97 : memref<624x128xf32, #tpu.memory_space<vmem_shared>>) target(%dma_start3A_95 : memref<624x128xf32, #tpu.memory_space<hbm>>) target_semaphore(%run_scoped3A_93 : memref<!tpu.dma_semaphore, #tpu.memory_space<semaphore_mem>>)
        %dma_wait3A_98 = arith.constant 0 : i32
        %dma_wait3A_99 = tpu.memref_slice %arg5[%add3A_92, %dma_wait3A_98] : memref<20000x128xf32, #tpu.memory_space<hbm>> -> memref<624x128xf32, #tpu.memory_space<hbm>>
        %dma_wait3A_100 = arith.constant 0 : i32
        %dma_wait3A_101 = tpu.memref_slice %arg6[%mul3A_2, %dma_wait3A_100] : memref<10000x128xf32, #tpu.memory_space<vmem_shared>> -> memref<624x128xf32, #tpu.memory_space<vmem_shared>>
        tpu.wait_dma2 semaphore(%run_scoped3A_93 : memref<!tpu.dma_semaphore, #tpu.memory_space<semaphore_mem>>) src(%dma_wait3A_101 : memref<624x128xf32, #tpu.memory_space<vmem_shared>>) dst(%dma_wait3A_99 : memref<624x128xf32, #tpu.memory_space<hbm>>)
        tpu.yield
      }) : () -> ()
    } else {
    }
    %convert_element_type3A_87 = arith.extui %eq3A_3 : i1 to i32
    %cond3A_88 = arith.constant 0 : i32
    %cond3A_89 = arith.cmpi ne, %convert_element_type3A_87, %cond3A_88 : i32
    scf.if %cond3A_89 {
      %mul3A_90 = arith.constant 10000 : i32
      %mul3A_91 = arith.muli %arg0, %mul3A_90 : i32
      %add3A_92 = arith.addi %mul3A_91, %mul3A_2 : i32
      "tpu.region"() ({
        %run_scoped3A_93 = tpu.sem_alloc : memref<!tpu.dma_semaphore, #tpu.memory_space<semaphore_mem>>
        %dma_start3A_94 = arith.constant 0 : i32
        %dma_start3A_95 = tpu.memref_slice %arg5[%add3A_92, %dma_start3A_94] : memref<20000x128xf32, #tpu.memory_space<hbm>> -> memref<640x128xf32, #tpu.memory_space<hbm>>
        %dma_start3A_96 = arith.constant 0 : i32
        %dma_start3A_97 = tpu.memref_slice %arg6[%mul3A_2, %dma_start3A_96] : memref<10000x128xf32, #tpu.memory_space<vmem_shared>> -> memref<640x128xf32, #tpu.memory_space<vmem_shared>>
        tpu.enqueue_dma source(%dma_start3A_97 : memref<640x128xf32, #tpu.memory_space<vmem_shared>>) target(%dma_start3A_95 : memref<640x128xf32, #tpu.memory_space<hbm>>) target_semaphore(%run_scoped3A_93 : memref<!tpu.dma_semaphore, #tpu.memory_space<semaphore_mem>>)
        %dma_wait3A_98 = arith.constant 0 : i32
        %dma_wait3A_99 = tpu.memref_slice %arg5[%add3A_92, %dma_wait3A_98] : memref<20000x128xf32, #tpu.memory_space<hbm>> -> memref<640x128xf32, #tpu.memory_space<hbm>>
        %dma_wait3A_100 = arith.constant 0 : i32
        %dma_wait3A_101 = tpu.memref_slice %arg6[%mul3A_2, %dma_wait3A_100] : memref<10000x128xf32, #tpu.memory_space<vmem_shared>> -> memref<640x128xf32, #tpu.memory_space<vmem_shared>>
        tpu.wait_dma2 semaphore(%run_scoped3A_93 : memref<!tpu.dma_semaphore, #tpu.memory_space<semaphore_mem>>) src(%dma_wait3A_101 : memref<640x128xf32, #tpu.memory_space<vmem_shared>>) dst(%dma_wait3A_99 : memref<640x128xf32, #tpu.memory_space<hbm>>)
        tpu.yield
      }) : () -> ()
    } else {
    }
    return
  }
}

#map = affine_map<(d0, d1) -> (0, 0)>
#map1 = affine_map<(d0, d1) -> (0)>
module attributes {stable_mosaic.version = 14 : i64} {
  func.func @_sc_scatter(%arg0: i32, %arg1: i32, %arg2: memref<10000x128xf32, #tpu.memory_space<hbm>>, %arg3: memref<320000xi32, #tpu.memory_space<hbm>>, %arg4: memref<320000xi32, #tpu.memory_space<hbm>>, %arg5: memref<20000x128xf32, #tpu.memory_space<hbm>>, %arg6: memref<10000x128xf32, #tpu.memory_space<vmem_shared>>, %arg7: memref<10000xi32, #tpu.memory_space<vmem>>, %arg8: memref<10000xi32, #tpu.memory_space<vmem>>, %arg9: memref<3x80x128xf32, #tpu.memory_space<vmem>>, %arg10: memref<!tpu.dma_semaphore, #tpu.memory_space<semaphore_mem>>, %arg11: memref<!tpu.dma_semaphore, #tpu.memory_space<semaphore_mem>>, %arg12: memref<!tpu.dma_semaphore, #tpu.memory_space<semaphore_mem>>, %arg13: memref<!tpu.dma_semaphore, #tpu.memory_space<semaphore_mem>>, %arg14: memref<!tpu.dma_semaphore, #tpu.memory_space<semaphore_mem>>, %arg15: memref<!tpu.dma_semaphore, #tpu.memory_space<semaphore_mem>>, %arg16: memref<!tpu.dma_semaphore, #tpu.memory_space<semaphore_mem>>) attributes {dimension_semantics = [#tpu.dimension_semantics<core_parallel>, #tpu.dimension_semantics<subcore_parallel>], iteration_bounds = array<i64: 2, 16>, scalar_prefetch = 0 : i64, scratch_operands = 11 : i64, tpu.core_type = #tpu.core_type<sc_vector_subcore>, window_params = [{transform_indices = #map}, {transform_indices = #map1}, {transform_indices = #map1}, {transform_indices = #map}]} {
    %mul3A = arith.constant 16 : i32
    %mul3A_0 = arith.muli %arg0, %mul3A : i32
    %add3A = arith.addi %mul3A_0, %arg1 : i32
    %mul3A_1 = arith.constant 624 : i32
    %mul3A_2 = arith.muli %arg1, %mul3A_1 : i32
    %eq3A = arith.constant 15 : i32
    %eq3A_3 = arith.cmpi eq, %arg1, %eq3A : i32
    %mul3A_4 = arith.constant 10000 : i32
    %mul3A_5 = arith.muli %add3A, %mul3A_4 : i32
    %dma_start3A = tpu.memref_slice %arg3[%mul3A_5] : memref<320000xi32, #tpu.memory_space<hbm>> -> memref<10000xi32, #tpu.memory_space<hbm>>
    %dma_start3A_6 = tpu.memref_slice %arg3[%mul3A_5] : memref<320000xi32, #tpu.memory_space<hbm>> -> memref<10000xi32, #tpu.memory_space<hbm>>
    tpu.enqueue_dma source(%dma_start3A_6 : memref<10000xi32, #tpu.memory_space<hbm>>) target(%arg7 : memref<10000xi32, #tpu.memory_space<vmem>>) target_semaphore(%arg10 : memref<!tpu.dma_semaphore, #tpu.memory_space<semaphore_mem>>)
    %dma_start3A_7 = tpu.memref_slice %arg4[%mul3A_5] : memref<320000xi32, #tpu.memory_space<hbm>> -> memref<10000xi32, #tpu.memory_space<hbm>>
    %dma_start3A_8 = tpu.memref_slice %arg4[%mul3A_5] : memref<320000xi32, #tpu.memory_space<hbm>> -> memref<10000xi32, #tpu.memory_space<hbm>>
    tpu.enqueue_dma source(%dma_start3A_8 : memref<10000xi32, #tpu.memory_space<hbm>>) target(%arg8 : memref<10000xi32, #tpu.memory_space<vmem>>) target_semaphore(%arg10 : memref<!tpu.dma_semaphore, #tpu.memory_space<semaphore_mem>>)
    %broadcast_in_dim3A = arith.constant 0.000000e+00 : f32
    %broadcast_in_dim3A_9 = vector.broadcast %broadcast_in_dim3A : f32 to vector<16xf32>
    %scan3A = arith.constant 0 : i32
    %scan3A_10 = arith.constant 0 : i32
    %scan3A_11 = arith.constant 0 : i32
    %scan3A_12 = arith.constant 640 : i32
    %scan3A_13 = arith.addi %scan3A_11, %scan3A_12 : i32
    %scan3A_14 = arith.constant 1 : i32
    scf.for %scan3A_90 = %scan3A_11 to %scan3A_13 step %scan3A_14  : i32 {
      %jit3A = arith.constant 8 : i32
      %div3A = arith.divsi %scan3A_90, %jit3A : i32
      %sign3A = arith.constant 0 : i32
      %sign3A_91 = arith.cmpi sgt, %scan3A_90, %sign3A : i32
      %sign3A_92 = arith.extui %sign3A_91 : i1 to i32
      %sign3A_93 = arith.constant 0 : i32
      %sign3A_94 = arith.cmpi slt, %scan3A_90, %sign3A_93 : i32
      %sign3A_95 = arith.extui %sign3A_94 : i1 to i32
      %sign3A_96 = arith.subi %sign3A_92, %sign3A_95 : i32
      %sign3A_97 = arith.constant 0 : i32
      %sign3A_98 = arith.cmpi sgt, %jit3A, %sign3A_97 : i32
      %sign3A_99 = arith.extui %sign3A_98 : i1 to i32
      %sign3A_100 = arith.constant 0 : i32
      %sign3A_101 = arith.cmpi slt, %jit3A, %sign3A_100 : i32
      %sign3A_102 = arith.extui %sign3A_101 : i1 to i32
      %sign3A_103 = arith.subi %sign3A_99, %sign3A_102 : i32
      %ne3A = arith.cmpi ne, %sign3A_96, %sign3A_103 : i32
      %rem3A = arith.remsi %scan3A_90, %jit3A : i32
      %ne3A_104 = arith.constant 0 : i32
      %ne3A_105 = arith.cmpi ne, %rem3A, %ne3A_104 : i32
      %and3A = arith.andi %ne3A, %ne3A_105 : i1
      %sub3A = arith.constant 1 : i32
      %sub3A_106 = arith.subi %div3A, %sub3A : i32
      %select_n3A = arith.select %and3A, %sub3A_106, %div3A : i32
      %jit3A_107 = arith.constant 8 : i32
      %eq3A_108 = arith.constant 0 : i32
      %eq3A_109 = arith.cmpi eq, %jit3A_107, %eq3A_108 : i32
      %jit3A_110 = arith.constant 1 : i32
      %select_n3A_111 = arith.select %eq3A_109, %jit3A_110, %jit3A_107 : i32
      %rem3A_112 = arith.remsi %scan3A_90, %select_n3A_111 : i32
      %ne3A_113 = arith.constant 0 : i32
      %ne3A_114 = arith.cmpi ne, %rem3A_112, %ne3A_113 : i32
      %lt3A = arith.constant 0 : i32
      %lt3A_115 = arith.cmpi slt, %rem3A_112, %lt3A : i32
      %lt3A_116 = arith.constant 0 : i32
      %lt3A_117 = arith.cmpi slt, %select_n3A_111, %lt3A_116 : i32
      %ne3A_118 = arith.xori %lt3A_115, %lt3A_117 : i1
      %and3A_119 = arith.andi %ne3A_118, %ne3A_114 : i1
      %add3A_120 = arith.addi %rem3A_112, %select_n3A_111 : i32
      %select_n3A_121 = arith.select %and3A_119, %add3A_120, %rem3A_112 : i32
      %mul3A_122 = arith.constant 16 : i32
      %mul3A_123 = arith.muli %select_n3A_121, %mul3A_122 : i32
      %swap3A = arith.constant 0 : i32
      %swap3A_124 = arith.constant 0 : i32
      %swap3A_125 = tpu.memref_slice %arg9[%scan3A_10, %swap3A, %swap3A_124] : memref<3x80x128xf32, #tpu.memory_space<vmem>> -> memref<1x80x128xf32, #tpu.memory_space<vmem>>
      %swap3A_126 = tpu.memref_squeeze %swap3A_125 : memref<1x80x128xf32, #tpu.memory_space<vmem>> -> memref<80x128xf32, #tpu.memory_space<vmem>>
      %swap3A_127 = arith.index_cast %select_n3A : i32 to index
      %swap3A_128 = arith.index_cast %mul3A_123 : i32 to index
      %swap3A_129 = tpu.vector_load %swap3A_126[%swap3A_127, %swap3A_128] {strides = array<i32>} : memref<80x128xf32, #tpu.memory_space<vmem>>, vector<1x16xf32>,
      %swap3A_130 = vector.shape_cast %swap3A_129 : vector<1x16xf32> to vector<16xf32>
      %swap3A_131 = vector.shape_cast %broadcast_in_dim3A_9 : vector<16xf32> to vector<1x16xf32>
      tpu.vector_store %swap3A_126[%swap3A_127, %swap3A_128], %swap3A_131 {strides = array<i32>} : memref<80x128xf32, #tpu.memory_space<vmem>>, vector<1x16xf32>,
    }
    %scan3A_15 = arith.constant 640 : i32
    %not3A = arith.constant true
    %not3A_16 = arith.xori %eq3A_3, %not3A : i1
    %convert_element_type3A = arith.extui %not3A_16 : i1 to i32
    %cond3A = arith.constant 0 : i32
    %cond3A_17 = arith.cmpi ne, %convert_element_type3A, %cond3A : i32
    scf.if %cond3A_17 {
      %add3A_90 = arith.constant 0 : i32
      %add3A_91 = arith.addi %mul3A_2, %add3A_90 : i32
      %run_scoped3A_92 = arith.constant 0 : i32
      "tpu.region"() ({
        %run_scoped3A_114 = tpu.sem_alloc : memref<!tpu.dma_semaphore, #tpu.memory_space<semaphore_mem>>
        %dma_start3A_115 = arith.constant 0 : i32
        %dma_start3A_116 = arith.constant 0 : i32
        %dma_start3A_117 = tpu.memref_slice %arg9[%run_scoped3A_92, %dma_start3A_115, %dma_start3A_116] : memref<3x80x128xf32, #tpu.memory_space<vmem>> -> memref<1x80x128xf32, #tpu.memory_space<vmem>>
        %dma_start3A_118 = tpu.memref_squeeze %dma_start3A_117 : memref<1x80x128xf32, #tpu.memory_space<vmem>> -> memref<80x128xf32, #tpu.memory_space<vmem>>
        %dma_start3A_119 = arith.constant 0 : i32
        %dma_start3A_120 = tpu.memref_slice %arg6[%add3A_91, %dma_start3A_119] : memref<10000x128xf32, #tpu.memory_space<vmem_shared>> -> memref<80x128xf32, #tpu.memory_space<vmem_shared>>
        %dma_start3A_121 = arith.constant 0 : i32
        %dma_start3A_122 = tpu.memref_slice %arg6[%add3A_91, %dma_start3A_121] : memref<10000x128xf32, #tpu.memory_space<vmem_shared>> -> memref<80x128xf32, #tpu.memory_space<vmem_shared>>
        %dma_start3A_123 = arith.constant 0 : i32
        %dma_start3A_124 = arith.constant 0 : i32
        %dma_start3A_125 = tpu.memref_slice %arg9[%run_scoped3A_92, %dma_start3A_123, %dma_start3A_124] : memref<3x80x128xf32, #tpu.memory_space<vmem>> -> memref<1x80x128xf32, #tpu.memory_space<vmem>>
        %dma_start3A_126 = tpu.memref_squeeze %dma_start3A_125 : memref<1x80x128xf32, #tpu.memory_space<vmem>> -> memref<80x128xf32, #tpu.memory_space<vmem>>
        tpu.enqueue_dma source(%dma_start3A_126 : memref<80x128xf32, #tpu.memory_space<vmem>>) target(%dma_start3A_122 : memref<80x128xf32, #tpu.memory_space<vmem_shared>>) target_semaphore(%run_scoped3A_114 : memref<!tpu.dma_semaphore, #tpu.memory_space<semaphore_mem>>)
        %dma_wait3A_127 = arith.constant 0 : i32
        %dma_wait3A_128 = arith.constant 0 : i32
        %dma_wait3A_129 = tpu.memref_slice %arg9[%run_scoped3A_92, %dma_wait3A_127, %dma_wait3A_128] : memref<3x80x128xf32, #tpu.memory_space<vmem>> -> memref<1x80x128xf32, #tpu.memory_space<vmem>>
        %dma_wait3A_130 = tpu.memref_squeeze %dma_wait3A_129 : memref<1x80x128xf32, #tpu.memory_space<vmem>> -> memref<80x128xf32, #tpu.memory_space<vmem>>
        %dma_wait3A_131 = arith.constant 0 : i32
        %dma_wait3A_132 = tpu.memref_slice %arg6[%add3A_91, %dma_wait3A_131] : memref<10000x128xf32, #tpu.memory_space<vmem_shared>> -> memref<80x128xf32, #tpu.memory_space<vmem_shared>>
        %dma_wait3A_133 = arith.constant 0 : i32
        %dma_wait3A_134 = tpu.memref_slice %arg6[%add3A_91, %dma_wait3A_133] : memref<10000x128xf32, #tpu.memory_space<vmem_shared>> -> memref<80x128xf32, #tpu.memory_space<vmem_shared>>
        %dma_wait3A_135 = arith.constant 0 : i32
        %dma_wait3A_136 = arith.constant 0 : i32
        %dma_wait3A_137 = tpu.memref_slice %arg9[%run_scoped3A_92, %dma_wait3A_135, %dma_wait3A_136] : memref<3x80x128xf32, #tpu.memory_space<vmem>> -> memref<1x80x128xf32, #tpu.memory_space<vmem>>
        %dma_wait3A_138 = tpu.memref_squeeze %dma_wait3A_137 : memref<1x80x128xf32, #tpu.memory_space<vmem>> -> memref<80x128xf32, #tpu.memory_space<vmem>>
        tpu.wait_dma2 semaphore(%run_scoped3A_114 : memref<!tpu.dma_semaphore, #tpu.memory_space<semaphore_mem>>) src(%dma_wait3A_138 : memref<80x128xf32, #tpu.memory_space<vmem>>) dst(%dma_wait3A_134 : memref<80x128xf32, #tpu.memory_space<vmem_shared>>)
        tpu.yield
      }) : () -> ()
      %add3A_93 = arith.constant 80 : i32
      %add3A_94 = arith.addi %mul3A_2, %add3A_93 : i32
      %run_scoped3A_95 = arith.constant 0 : i32
      "tpu.region"() ({
        %run_scoped3A_114 = tpu.sem_alloc : memref<!tpu.dma_semaphore, #tpu.memory_space<semaphore_mem>>
        %dma_start3A_115 = arith.constant 0 : i32
        %dma_start3A_116 = arith.constant 0 : i32
        %dma_start3A_117 = tpu.memref_slice %arg9[%run_scoped3A_95, %dma_start3A_115, %dma_start3A_116] : memref<3x80x128xf32, #tpu.memory_space<vmem>> -> memref<1x80x128xf32, #tpu.memory_space<vmem>>
        %dma_start3A_118 = tpu.memref_squeeze %dma_start3A_117 : memref<1x80x128xf32, #tpu.memory_space<vmem>> -> memref<80x128xf32, #tpu.memory_space<vmem>>
        %dma_start3A_119 = arith.constant 0 : i32
        %dma_start3A_120 = tpu.memref_slice %arg6[%add3A_94, %dma_start3A_119] : memref<10000x128xf32, #tpu.memory_space<vmem_shared>> -> memref<80x128xf32, #tpu.memory_space<vmem_shared>>
        %dma_start3A_121 = arith.constant 0 : i32
        %dma_start3A_122 = tpu.memref_slice %arg6[%add3A_94, %dma_start3A_121] : memref<10000x128xf32, #tpu.memory_space<vmem_shared>> -> memref<80x128xf32, #tpu.memory_space<vmem_shared>>
        %dma_start3A_123 = arith.constant 0 : i32
        %dma_start3A_124 = arith.constant 0 : i32
        %dma_start3A_125 = tpu.memref_slice %arg9[%run_scoped3A_95, %dma_start3A_123, %dma_start3A_124] : memref<3x80x128xf32, #tpu.memory_space<vmem>> -> memref<1x80x128xf32, #tpu.memory_space<vmem>>
        %dma_start3A_126 = tpu.memref_squeeze %dma_start3A_125 : memref<1x80x128xf32, #tpu.memory_space<vmem>> -> memref<80x128xf32, #tpu.memory_space<vmem>>
        tpu.enqueue_dma source(%dma_start3A_126 : memref<80x128xf32, #tpu.memory_space<vmem>>) target(%dma_start3A_122 : memref<80x128xf32, #tpu.memory_space<vmem_shared>>) target_semaphore(%run_scoped3A_114 : memref<!tpu.dma_semaphore, #tpu.memory_space<semaphore_mem>>)
        %dma_wait3A_127 = arith.constant 0 : i32
        %dma_wait3A_128 = arith.constant 0 : i32
        %dma_wait3A_129 = tpu.memref_slice %arg9[%run_scoped3A_95, %dma_wait3A_127, %dma_wait3A_128] : memref<3x80x128xf32, #tpu.memory_space<vmem>> -> memref<1x80x128xf32, #tpu.memory_space<vmem>>
        %dma_wait3A_130 = tpu.memref_squeeze %dma_wait3A_129 : memref<1x80x128xf32, #tpu.memory_space<vmem>> -> memref<80x128xf32, #tpu.memory_space<vmem>>
        %dma_wait3A_131 = arith.constant 0 : i32
        %dma_wait3A_132 = tpu.memref_slice %arg6[%add3A_94, %dma_wait3A_131] : memref<10000x128xf32, #tpu.memory_space<vmem_shared>> -> memref<80x128xf32, #tpu.memory_space<vmem_shared>>
        %dma_wait3A_133 = arith.constant 0 : i32
        %dma_wait3A_134 = tpu.memref_slice %arg6[%add3A_94, %dma_wait3A_133] : memref<10000x128xf32, #tpu.memory_space<vmem_shared>> -> memref<80x128xf32, #tpu.memory_space<vmem_shared>>
        %dma_wait3A_135 = arith.constant 0 : i32
        %dma_wait3A_136 = arith.constant 0 : i32
        %dma_wait3A_137 = tpu.memref_slice %arg9[%run_scoped3A_95, %dma_wait3A_135, %dma_wait3A_136] : memref<3x80x128xf32, #tpu.memory_space<vmem>> -> memref<1x80x128xf32, #tpu.memory_space<vmem>>
        %dma_wait3A_138 = tpu.memref_squeeze %dma_wait3A_137 : memref<1x80x128xf32, #tpu.memory_space<vmem>> -> memref<80x128xf32, #tpu.memory_space<vmem>>
        tpu.wait_dma2 semaphore(%run_scoped3A_114 : memref<!tpu.dma_semaphore, #tpu.memory_space<semaphore_mem>>) src(%dma_wait3A_138 : memref<80x128xf32, #tpu.memory_space<vmem>>) dst(%dma_wait3A_134 : memref<80x128xf32, #tpu.memory_space<vmem_shared>>)
        tpu.yield
      }) : () -> ()
      %add3A_96 = arith.constant 160 : i32
      %add3A_97 = arith.addi %mul3A_2, %add3A_96 : i32
      %run_scoped3A_98 = arith.constant 0 : i32
      "tpu.region"() ({
        %run_scoped3A_114 = tpu.sem_alloc : memref<!tpu.dma_semaphore, #tpu.memory_space<semaphore_mem>>
        %dma_start3A_115 = arith.constant 0 : i32
        %dma_start3A_116 = arith.constant 0 : i32
        %dma_start3A_117 = tpu.memref_slice %arg9[%run_scoped3A_98, %dma_start3A_115, %dma_start3A_116] : memref<3x80x128xf32, #tpu.memory_space<vmem>> -> memref<1x80x128xf32, #tpu.memory_space<vmem>>
        %dma_start3A_118 = tpu.memref_squeeze %dma_start3A_117 : memref<1x80x128xf32, #tpu.memory_space<vmem>> -> memref<80x128xf32, #tpu.memory_space<vmem>>
        %dma_start3A_119 = arith.constant 0 : i32
        %dma_start3A_120 = tpu.memref_slice %arg6[%add3A_97, %dma_start3A_119] : memref<10000x128xf32, #tpu.memory_space<vmem_shared>> -> memref<80x128xf32, #tpu.memory_space<vmem_shared>>
        %dma_start3A_121 = arith.constant 0 : i32
        %dma_start3A_122 = tpu.memref_slice %arg6[%add3A_97, %dma_start3A_121] : memref<10000x128xf32, #tpu.memory_space<vmem_shared>> -> memref<80x128xf32, #tpu.memory_space<vmem_shared>>
        %dma_start3A_123 = arith.constant 0 : i32
        %dma_start3A_124 = arith.constant 0 : i32
        %dma_start3A_125 = tpu.memref_slice %arg9[%run_scoped3A_98, %dma_start3A_123, %dma_start3A_124] : memref<3x80x128xf32, #tpu.memory_space<vmem>> -> memref<1x80x128xf32, #tpu.memory_space<vmem>>
        %dma_start3A_126 = tpu.memref_squeeze %dma_start3A_125 : memref<1x80x128xf32, #tpu.memory_space<vmem>> -> memref<80x128xf32, #tpu.memory_space<vmem>>
        tpu.enqueue_dma source(%dma_start3A_126 : memref<80x128xf32, #tpu.memory_space<vmem>>) target(%dma_start3A_122 : memref<80x128xf32, #tpu.memory_space<vmem_shared>>) target_semaphore(%run_scoped3A_114 : memref<!tpu.dma_semaphore, #tpu.memory_space<semaphore_mem>>)
        %dma_wait3A_127 = arith.constant 0 : i32
        %dma_wait3A_128 = arith.constant 0 : i32
        %dma_wait3A_129 = tpu.memref_slice %arg9[%run_scoped3A_98, %dma_wait3A_127, %dma_wait3A_128] : memref<3x80x128xf32, #tpu.memory_space<vmem>> -> memref<1x80x128xf32, #tpu.memory_space<vmem>>
        %dma_wait3A_130 = tpu.memref_squeeze %dma_wait3A_129 : memref<1x80x128xf32, #tpu.memory_space<vmem>> -> memref<80x128xf32, #tpu.memory_space<vmem>>
        %dma_wait3A_131 = arith.constant 0 : i32
        %dma_wait3A_132 = tpu.memref_slice %arg6[%add3A_97, %dma_wait3A_131] : memref<10000x128xf32, #tpu.memory_space<vmem_shared>> -> memref<80x128xf32, #tpu.memory_space<vmem_shared>>
        %dma_wait3A_133 = arith.constant 0 : i32
        %dma_wait3A_134 = tpu.memref_slice %arg6[%add3A_97, %dma_wait3A_133] : memref<10000x128xf32, #tpu.memory_space<vmem_shared>> -> memref<80x128xf32, #tpu.memory_space<vmem_shared>>
        %dma_wait3A_135 = arith.constant 0 : i32
        %dma_wait3A_136 = arith.constant 0 : i32
        %dma_wait3A_137 = tpu.memref_slice %arg9[%run_scoped3A_98, %dma_wait3A_135, %dma_wait3A_136] : memref<3x80x128xf32, #tpu.memory_space<vmem>> -> memref<1x80x128xf32, #tpu.memory_space<vmem>>
        %dma_wait3A_138 = tpu.memref_squeeze %dma_wait3A_137 : memref<1x80x128xf32, #tpu.memory_space<vmem>> -> memref<80x128xf32, #tpu.memory_space<vmem>>
        tpu.wait_dma2 semaphore(%run_scoped3A_114 : memref<!tpu.dma_semaphore, #tpu.memory_space<semaphore_mem>>) src(%dma_wait3A_138 : memref<80x128xf32, #tpu.memory_space<vmem>>) dst(%dma_wait3A_134 : memref<80x128xf32, #tpu.memory_space<vmem_shared>>)
        tpu.yield
      }) : () -> ()
      %add3A_99 = arith.constant 240 : i32
      %add3A_100 = arith.addi %mul3A_2, %add3A_99 : i32
      %run_scoped3A_101 = arith.constant 0 : i32
      "tpu.region"() ({
        %run_scoped3A_114 = tpu.sem_alloc : memref<!tpu.dma_semaphore, #tpu.memory_space<semaphore_mem>>
        %dma_start3A_115 = arith.constant 0 : i32
        %dma_start3A_116 = arith.constant 0 : i32
        %dma_start3A_117 = tpu.memref_slice %arg9[%run_scoped3A_101, %dma_start3A_115, %dma_start3A_116] : memref<3x80x128xf32, #tpu.memory_space<vmem>> -> memref<1x80x128xf32, #tpu.memory_space<vmem>>
        %dma_start3A_118 = tpu.memref_squeeze %dma_start3A_117 : memref<1x80x128xf32, #tpu.memory_space<vmem>> -> memref<80x128xf32, #tpu.memory_space<vmem>>
        %dma_start3A_119 = arith.constant 0 : i32
        %dma_start3A_120 = tpu.memref_slice %arg6[%add3A_100, %dma_start3A_119] : memref<10000x128xf32, #tpu.memory_space<vmem_shared>> -> memref<80x128xf32, #tpu.memory_space<vmem_shared>>
        %dma_start3A_121 = arith.constant 0 : i32
        %dma_start3A_122 = tpu.memref_slice %arg6[%add3A_100, %dma_start3A_121] : memref<10000x128xf32, #tpu.memory_space<vmem_shared>> -> memref<80x128xf32, #tpu.memory_space<vmem_shared>>
        %dma_start3A_123 = arith.constant 0 : i32
        %dma_start3A_124 = arith.constant 0 : i32
        %dma_start3A_125 = tpu.memref_slice %arg9[%run_scoped3A_101, %dma_start3A_123, %dma_start3A_124] : memref<3x80x128xf32, #tpu.memory_space<vmem>> -> memref<1x80x128xf32, #tpu.memory_space<vmem>>
        %dma_start3A_126 = tpu.memref_squeeze %dma_start3A_125 : memref<1x80x128xf32, #tpu.memory_space<vmem>> -> memref<80x128xf32, #tpu.memory_space<vmem>>
        tpu.enqueue_dma source(%dma_start3A_126 : memref<80x128xf32, #tpu.memory_space<vmem>>) target(%dma_start3A_122 : memref<80x128xf32, #tpu.memory_space<vmem_shared>>) target_semaphore(%run_scoped3A_114 : memref<!tpu.dma_semaphore, #tpu.memory_space<semaphore_mem>>)
        %dma_wait3A_127 = arith.constant 0 : i32
        %dma_wait3A_128 = arith.constant 0 : i32
        %dma_wait3A_129 = tpu.memref_slice %arg9[%run_scoped3A_101, %dma_wait3A_127, %dma_wait3A_128] : memref<3x80x128xf32, #tpu.memory_space<vmem>> -> memref<1x80x128xf32, #tpu.memory_space<vmem>>
        %dma_wait3A_130 = tpu.memref_squeeze %dma_wait3A_129 : memref<1x80x128xf32, #tpu.memory_space<vmem>> -> memref<80x128xf32, #tpu.memory_space<vmem>>
        %dma_wait3A_131 = arith.constant 0 : i32
        %dma_wait3A_132 = tpu.memref_slice %arg6[%add3A_100, %dma_wait3A_131] : memref<10000x128xf32, #tpu.memory_space<vmem_shared>> -> memref<80x128xf32, #tpu.memory_space<vmem_shared>>
        %dma_wait3A_133 = arith.constant 0 : i32
        %dma_wait3A_134 = tpu.memref_slice %arg6[%add3A_100, %dma_wait3A_133] : memref<10000x128xf32, #tpu.memory_space<vmem_shared>> -> memref<80x128xf32, #tpu.memory_space<vmem_shared>>
        %dma_wait3A_135 = arith.constant 0 : i32
        %dma_wait3A_136 = arith.constant 0 : i32
        %dma_wait3A_137 = tpu.memref_slice %arg9[%run_scoped3A_101, %dma_wait3A_135, %dma_wait3A_136] : memref<3x80x128xf32, #tpu.memory_space<vmem>> -> memref<1x80x128xf32, #tpu.memory_space<vmem>>
        %dma_wait3A_138 = tpu.memref_squeeze %dma_wait3A_137 : memref<1x80x128xf32, #tpu.memory_space<vmem>> -> memref<80x128xf32, #tpu.memory_space<vmem>>
        tpu.wait_dma2 semaphore(%run_scoped3A_114 : memref<!tpu.dma_semaphore, #tpu.memory_space<semaphore_mem>>) src(%dma_wait3A_138 : memref<80x128xf32, #tpu.memory_space<vmem>>) dst(%dma_wait3A_134 : memref<80x128xf32, #tpu.memory_space<vmem_shared>>)
        tpu.yield
      }) : () -> ()
      %add3A_102 = arith.constant 320 : i32
      %add3A_103 = arith.addi %mul3A_2, %add3A_102 : i32
      %run_scoped3A_104 = arith.constant 0 : i32
      "tpu.region"() ({
        %run_scoped3A_114 = tpu.sem_alloc : memref<!tpu.dma_semaphore, #tpu.memory_space<semaphore_mem>>
        %dma_start3A_115 = arith.constant 0 : i32
        %dma_start3A_116 = arith.constant 0 : i32
        %dma_start3A_117 = tpu.memref_slice %arg9[%run_scoped3A_104, %dma_start3A_115, %dma_start3A_116] : memref<3x80x128xf32, #tpu.memory_space<vmem>> -> memref<1x80x128xf32, #tpu.memory_space<vmem>>
        %dma_start3A_118 = tpu.memref_squeeze %dma_start3A_117 : memref<1x80x128xf32, #tpu.memory_space<vmem>> -> memref<80x128xf32, #tpu.memory_space<vmem>>
        %dma_start3A_119 = arith.constant 0 : i32
        %dma_start3A_120 = tpu.memref_slice %arg6[%add3A_103, %dma_start3A_119] : memref<10000x128xf32, #tpu.memory_space<vmem_shared>> -> memref<80x128xf32, #tpu.memory_space<vmem_shared>>
        %dma_start3A_121 = arith.constant 0 : i32
        %dma_start3A_122 = tpu.memref_slice %arg6[%add3A_103, %dma_start3A_121] : memref<10000x128xf32, #tpu.memory_space<vmem_shared>> -> memref<80x128xf32, #tpu.memory_space<vmem_shared>>
        %dma_start3A_123 = arith.constant 0 : i32
        %dma_start3A_124 = arith.constant 0 : i32
        %dma_start3A_125 = tpu.memref_slice %arg9[%run_scoped3A_104, %dma_start3A_123, %dma_start3A_124] : memref<3x80x128xf32, #tpu.memory_space<vmem>> -> memref<1x80x128xf32, #tpu.memory_space<vmem>>
        %dma_start3A_126 = tpu.memref_squeeze %dma_start3A_125 : memref<1x80x128xf32, #tpu.memory_space<vmem>> -> memref<80x128xf32, #tpu.memory_space<vmem>>
        tpu.enqueue_dma source(%dma_start3A_126 : memref<80x128xf32, #tpu.memory_space<vmem>>) target(%dma_start3A_122 : memref<80x128xf32, #tpu.memory_space<vmem_shared>>) target_semaphore(%run_scoped3A_114 : memref<!tpu.dma_semaphore, #tpu.memory_space<semaphore_mem>>)
        %dma_wait3A_127 = arith.constant 0 : i32
        %dma_wait3A_128 = arith.constant 0 : i32
        %dma_wait3A_129 = tpu.memref_slice %arg9[%run_scoped3A_104, %dma_wait3A_127, %dma_wait3A_128] : memref<3x80x128xf32, #tpu.memory_space<vmem>> -> memref<1x80x128xf32, #tpu.memory_space<vmem>>
        %dma_wait3A_130 = tpu.memref_squeeze %dma_wait3A_129 : memref<1x80x128xf32, #tpu.memory_space<vmem>> -> memref<80x128xf32, #tpu.memory_space<vmem>>
        %dma_wait3A_131 = arith.constant 0 : i32
        %dma_wait3A_132 = tpu.memref_slice %arg6[%add3A_103, %dma_wait3A_131] : memref<10000x128xf32, #tpu.memory_space<vmem_shared>> -> memref<80x128xf32, #tpu.memory_space<vmem_shared>>
        %dma_wait3A_133 = arith.constant 0 : i32
        %dma_wait3A_134 = tpu.memref_slice %arg6[%add3A_103, %dma_wait3A_133] : memref<10000x128xf32, #tpu.memory_space<vmem_shared>> -> memref<80x128xf32, #tpu.memory_space<vmem_shared>>
        %dma_wait3A_135 = arith.constant 0 : i32
        %dma_wait3A_136 = arith.constant 0 : i32
        %dma_wait3A_137 = tpu.memref_slice %arg9[%run_scoped3A_104, %dma_wait3A_135, %dma_wait3A_136] : memref<3x80x128xf32, #tpu.memory_space<vmem>> -> memref<1x80x128xf32, #tpu.memory_space<vmem>>
        %dma_wait3A_138 = tpu.memref_squeeze %dma_wait3A_137 : memref<1x80x128xf32, #tpu.memory_space<vmem>> -> memref<80x128xf32, #tpu.memory_space<vmem>>
        tpu.wait_dma2 semaphore(%run_scoped3A_114 : memref<!tpu.dma_semaphore, #tpu.memory_space<semaphore_mem>>) src(%dma_wait3A_138 : memref<80x128xf32, #tpu.memory_space<vmem>>) dst(%dma_wait3A_134 : memref<80x128xf32, #tpu.memory_space<vmem_shared>>)
        tpu.yield
      }) : () -> ()
      %add3A_105 = arith.constant 400 : i32
      %add3A_106 = arith.addi %mul3A_2, %add3A_105 : i32
      %run_scoped3A_107 = arith.constant 0 : i32
      "tpu.region"() ({
        %run_scoped3A_114 = tpu.sem_alloc : memref<!tpu.dma_semaphore, #tpu.memory_space<semaphore_mem>>
        %dma_start3A_115 = arith.constant 0 : i32
        %dma_start3A_116 = arith.constant 0 : i32
        %dma_start3A_117 = tpu.memref_slice %arg9[%run_scoped3A_107, %dma_start3A_115, %dma_start3A_116] : memref<3x80x128xf32, #tpu.memory_space<vmem>> -> memref<1x80x128xf32, #tpu.memory_space<vmem>>
        %dma_start3A_118 = tpu.memref_squeeze %dma_start3A_117 : memref<1x80x128xf32, #tpu.memory_space<vmem>> -> memref<80x128xf32, #tpu.memory_space<vmem>>
        %dma_start3A_119 = arith.constant 0 : i32
        %dma_start3A_120 = tpu.memref_slice %arg6[%add3A_106, %dma_start3A_119] : memref<10000x128xf32, #tpu.memory_space<vmem_shared>> -> memref<80x128xf32, #tpu.memory_space<vmem_shared>>
        %dma_start3A_121 = arith.constant 0 : i32
        %dma_start3A_122 = tpu.memref_slice %arg6[%add3A_106, %dma_start3A_121] : memref<10000x128xf32, #tpu.memory_space<vmem_shared>> -> memref<80x128xf32, #tpu.memory_space<vmem_shared>>
        %dma_start3A_123 = arith.constant 0 : i32
        %dma_start3A_124 = arith.constant 0 : i32
        %dma_start3A_125 = tpu.memref_slice %arg9[%run_scoped3A_107, %dma_start3A_123, %dma_start3A_124] : memref<3x80x128xf32, #tpu.memory_space<vmem>> -> memref<1x80x128xf32, #tpu.memory_space<vmem>>
        %dma_start3A_126 = tpu.memref_squeeze %dma_start3A_125 : memref<1x80x128xf32, #tpu.memory_space<vmem>> -> memref<80x128xf32, #tpu.memory_space<vmem>>
        tpu.enqueue_dma source(%dma_start3A_126 : memref<80x128xf32, #tpu.memory_space<vmem>>) target(%dma_start3A_122 : memref<80x128xf32, #tpu.memory_space<vmem_shared>>) target_semaphore(%run_scoped3A_114 : memref<!tpu.dma_semaphore, #tpu.memory_space<semaphore_mem>>)
        %dma_wait3A_127 = arith.constant 0 : i32
        %dma_wait3A_128 = arith.constant 0 : i32
        %dma_wait3A_129 = tpu.memref_slice %arg9[%run_scoped3A_107, %dma_wait3A_127, %dma_wait3A_128] : memref<3x80x128xf32, #tpu.memory_space<vmem>> -> memref<1x80x128xf32, #tpu.memory_space<vmem>>
        %dma_wait3A_130 = tpu.memref_squeeze %dma_wait3A_129 : memref<1x80x128xf32, #tpu.memory_space<vmem>> -> memref<80x128xf32, #tpu.memory_space<vmem>>
        %dma_wait3A_131 = arith.constant 0 : i32
        %dma_wait3A_132 = tpu.memref_slice %arg6[%add3A_106, %dma_wait3A_131] : memref<10000x128xf32, #tpu.memory_space<vmem_shared>> -> memref<80x128xf32, #tpu.memory_space<vmem_shared>>
        %dma_wait3A_133 = arith.constant 0 : i32
        %dma_wait3A_134 = tpu.memref_slice %arg6[%add3A_106, %dma_wait3A_133] : memref<10000x128xf32, #tpu.memory_space<vmem_shared>> -> memref<80x128xf32, #tpu.memory_space<vmem_shared>>
        %dma_wait3A_135 = arith.constant 0 : i32
        %dma_wait3A_136 = arith.constant 0 : i32
        %dma_wait3A_137 = tpu.memref_slice %arg9[%run_scoped3A_107, %dma_wait3A_135, %dma_wait3A_136] : memref<3x80x128xf32, #tpu.memory_space<vmem>> -> memref<1x80x128xf32, #tpu.memory_space<vmem>>
        %dma_wait3A_138 = tpu.memref_squeeze %dma_wait3A_137 : memref<1x80x128xf32, #tpu.memory_space<vmem>> -> memref<80x128xf32, #tpu.memory_space<vmem>>
        tpu.wait_dma2 semaphore(%run_scoped3A_114 : memref<!tpu.dma_semaphore, #tpu.memory_space<semaphore_mem>>) src(%dma_wait3A_138 : memref<80x128xf32, #tpu.memory_space<vmem>>) dst(%dma_wait3A_134 : memref<80x128xf32, #tpu.memory_space<vmem_shared>>)
        tpu.yield
      }) : () -> ()
      %add3A_108 = arith.constant 480 : i32
      %add3A_109 = arith.addi %mul3A_2, %add3A_108 : i32
      %run_scoped3A_110 = arith.constant 0 : i32
      "tpu.region"() ({
        %run_scoped3A_114 = tpu.sem_alloc : memref<!tpu.dma_semaphore, #tpu.memory_space<semaphore_mem>>
        %dma_start3A_115 = arith.constant 0 : i32
        %dma_start3A_116 = arith.constant 0 : i32
        %dma_start3A_117 = tpu.memref_slice %arg9[%run_scoped3A_110, %dma_start3A_115, %dma_start3A_116] : memref<3x80x128xf32, #tpu.memory_space<vmem>> -> memref<1x80x128xf32, #tpu.memory_space<vmem>>
        %dma_start3A_118 = tpu.memref_squeeze %dma_start3A_117 : memref<1x80x128xf32, #tpu.memory_space<vmem>> -> memref<80x128xf32, #tpu.memory_space<vmem>>
        %dma_start3A_119 = arith.constant 0 : i32
        %dma_start3A_120 = tpu.memref_slice %arg6[%add3A_109, %dma_start3A_119] : memref<10000x128xf32, #tpu.memory_space<vmem_shared>> -> memref<80x128xf32, #tpu.memory_space<vmem_shared>>
        %dma_start3A_121 = arith.constant 0 : i32
        %dma_start3A_122 = tpu.memref_slice %arg6[%add3A_109, %dma_start3A_121] : memref<10000x128xf32, #tpu.memory_space<vmem_shared>> -> memref<80x128xf32, #tpu.memory_space<vmem_shared>>
        %dma_start3A_123 = arith.constant 0 : i32
        %dma_start3A_124 = arith.constant 0 : i32
        %dma_start3A_125 = tpu.memref_slice %arg9[%run_scoped3A_110, %dma_start3A_123, %dma_start3A_124] : memref<3x80x128xf32, #tpu.memory_space<vmem>> -> memref<1x80x128xf32, #tpu.memory_space<vmem>>
        %dma_start3A_126 = tpu.memref_squeeze %dma_start3A_125 : memref<1x80x128xf32, #tpu.memory_space<vmem>> -> memref<80x128xf32, #tpu.memory_space<vmem>>
        tpu.enqueue_dma source(%dma_start3A_126 : memref<80x128xf32, #tpu.memory_space<vmem>>) target(%dma_start3A_122 : memref<80x128xf32, #tpu.memory_space<vmem_shared>>) target_semaphore(%run_scoped3A_114 : memref<!tpu.dma_semaphore, #tpu.memory_space<semaphore_mem>>)
        %dma_wait3A_127 = arith.constant 0 : i32
        %dma_wait3A_128 = arith.constant 0 : i32
        %dma_wait3A_129 = tpu.memref_slice %arg9[%run_scoped3A_110, %dma_wait3A_127, %dma_wait3A_128] : memref<3x80x128xf32, #tpu.memory_space<vmem>> -> memref<1x80x128xf32, #tpu.memory_space<vmem>>
        %dma_wait3A_130 = tpu.memref_squeeze %dma_wait3A_129 : memref<1x80x128xf32, #tpu.memory_space<vmem>> -> memref<80x128xf32, #tpu.memory_space<vmem>>
        %dma_wait3A_131 = arith.constant 0 : i32
        %dma_wait3A_132 = tpu.memref_slice %arg6[%add3A_109, %dma_wait3A_131] : memref<10000x128xf32, #tpu.memory_space<vmem_shared>> -> memref<80x128xf32, #tpu.memory_space<vmem_shared>>
        %dma_wait3A_133 = arith.constant 0 : i32
        %dma_wait3A_134 = tpu.memref_slice %arg6[%add3A_109, %dma_wait3A_133] : memref<10000x128xf32, #tpu.memory_space<vmem_shared>> -> memref<80x128xf32, #tpu.memory_space<vmem_shared>>
        %dma_wait3A_135 = arith.constant 0 : i32
        %dma_wait3A_136 = arith.constant 0 : i32
        %dma_wait3A_137 = tpu.memref_slice %arg9[%run_scoped3A_110, %dma_wait3A_135, %dma_wait3A_136] : memref<3x80x128xf32, #tpu.memory_space<vmem>> -> memref<1x80x128xf32, #tpu.memory_space<vmem>>
        %dma_wait3A_138 = tpu.memref_squeeze %dma_wait3A_137 : memref<1x80x128xf32, #tpu.memory_space<vmem>> -> memref<80x128xf32, #tpu.memory_space<vmem>>
        tpu.wait_dma2 semaphore(%run_scoped3A_114 : memref<!tpu.dma_semaphore, #tpu.memory_space<semaphore_mem>>) src(%dma_wait3A_138 : memref<80x128xf32, #tpu.memory_space<vmem>>) dst(%dma_wait3A_134 : memref<80x128xf32, #tpu.memory_space<vmem_shared>>)
        tpu.yield
      }) : () -> ()
      %add3A_111 = arith.constant 560 : i32
      %add3A_112 = arith.addi %mul3A_2, %add3A_111 : i32
      %run_scoped3A_113 = arith.constant 0 : i32
      "tpu.region"() ({
        %run_scoped3A_114 = tpu.sem_alloc : memref<!tpu.dma_semaphore, #tpu.memory_space<semaphore_mem>>
        %dma_start3A_115 = arith.constant 0 : i32
        %dma_start3A_116 = arith.constant 0 : i32
        %dma_start3A_117 = tpu.memref_slice %arg9[%run_scoped3A_113, %dma_start3A_115, %dma_start3A_116] : memref<3x80x128xf32, #tpu.memory_space<vmem>> -> memref<1x80x128xf32, #tpu.memory_space<vmem>>
        %dma_start3A_118 = tpu.memref_squeeze %dma_start3A_117 : memref<1x80x128xf32, #tpu.memory_space<vmem>> -> memref<80x128xf32, #tpu.memory_space<vmem>>
        %dma_start3A_119 = arith.constant 0 : i32
        %dma_start3A_120 = arith.constant 0 : i32
        %dma_start3A_121 = tpu.memref_slice %dma_start3A_118[%dma_start3A_119, %dma_start3A_120] : memref<80x128xf32, #tpu.memory_space<vmem>> -> memref<64x128xf32, #tpu.memory_space<vmem>>
        %dma_start3A_122 = arith.constant 0 : i32
        %dma_start3A_123 = tpu.memref_slice %arg6[%add3A_112, %dma_start3A_122] : memref<10000x128xf32, #tpu.memory_space<vmem_shared>> -> memref<64x128xf32, #tpu.memory_space<vmem_shared>>
        %dma_start3A_124 = arith.constant 0 : i32
        %dma_start3A_125 = tpu.memref_slice %arg6[%add3A_112, %dma_start3A_124] : memref<10000x128xf32, #tpu.memory_space<vmem_shared>> -> memref<64x128xf32, #tpu.memory_space<vmem_shared>>
        %dma_start3A_126 = arith.constant 0 : i32
        %dma_start3A_127 = arith.constant 0 : i32
        %dma_start3A_128 = tpu.memref_slice %arg9[%run_scoped3A_113, %dma_start3A_126, %dma_start3A_127] : memref<3x80x128xf32, #tpu.memory_space<vmem>> -> memref<1x80x128xf32, #tpu.memory_space<vmem>>
        %dma_start3A_129 = tpu.memref_squeeze %dma_start3A_128 : memref<1x80x128xf32, #tpu.memory_space<vmem>> -> memref<80x128xf32, #tpu.memory_space<vmem>>
        %dma_start3A_130 = arith.constant 0 : i32
        %dma_start3A_131 = arith.constant 0 : i32
        %dma_start3A_132 = tpu.memref_slice %dma_start3A_129[%dma_start3A_130, %dma_start3A_131] : memref<80x128xf32, #tpu.memory_space<vmem>> -> memref<64x128xf32, #tpu.memory_space<vmem>>
        tpu.enqueue_dma source(%dma_start3A_132 : memref<64x128xf32, #tpu.memory_space<vmem>>) target(%dma_start3A_125 : memref<64x128xf32, #tpu.memory_space<vmem_shared>>) target_semaphore(%run_scoped3A_114 : memref<!tpu.dma_semaphore, #tpu.memory_space<semaphore_mem>>)
        %dma_wait3A_133 = arith.constant 0 : i32
        %dma_wait3A_134 = arith.constant 0 : i32
        %dma_wait3A_135 = tpu.memref_slice %arg9[%run_scoped3A_113, %dma_wait3A_133, %dma_wait3A_134] : memref<3x80x128xf32, #tpu.memory_space<vmem>> -> memref<1x80x128xf32, #tpu.memory_space<vmem>>
        %dma_wait3A_136 = tpu.memref_squeeze %dma_wait3A_135 : memref<1x80x128xf32, #tpu.memory_space<vmem>> -> memref<80x128xf32, #tpu.memory_space<vmem>>
        %dma_wait3A_137 = arith.constant 0 : i32
        %dma_wait3A_138 = arith.constant 0 : i32
        %dma_wait3A_139 = tpu.memref_slice %dma_wait3A_136[%dma_wait3A_137, %dma_wait3A_138] : memref<80x128xf32, #tpu.memory_space<vmem>> -> memref<64x128xf32, #tpu.memory_space<vmem>>
        %dma_wait3A_140 = arith.constant 0 : i32
        %dma_wait3A_141 = tpu.memref_slice %arg6[%add3A_112, %dma_wait3A_140] : memref<10000x128xf32, #tpu.memory_space<vmem_shared>> -> memref<64x128xf32, #tpu.memory_space<vmem_shared>>
        %dma_wait3A_142 = arith.constant 0 : i32
        %dma_wait3A_143 = tpu.memref_slice %arg6[%add3A_112, %dma_wait3A_142] : memref<10000x128xf32, #tpu.memory_space<vmem_shared>> -> memref<64x128xf32, #tpu.memory_space<vmem_shared>>
        %dma_wait3A_144 = arith.constant 0 : i32
        %dma_wait3A_145 = arith.constant 0 : i32
        %dma_wait3A_146 = tpu.memref_slice %arg9[%run_scoped3A_113, %dma_wait3A_144, %dma_wait3A_145] : memref<3x80x128xf32, #tpu.memory_space<vmem>> -> memref<1x80x128xf32, #tpu.memory_space<vmem>>
        %dma_wait3A_147 = tpu.memref_squeeze %dma_wait3A_146 : memref<1x80x128xf32, #tpu.memory_space<vmem>> -> memref<80x128xf32, #tpu.memory_space<vmem>>
        %dma_wait3A_148 = arith.constant 0 : i32
        %dma_wait3A_149 = arith.constant 0 : i32
        %dma_wait3A_150 = tpu.memref_slice %dma_wait3A_147[%dma_wait3A_148, %dma_wait3A_149] : memref<80x128xf32, #tpu.memory_space<vmem>> -> memref<64x128xf32, #tpu.memory_space<vmem>>
        tpu.wait_dma2 semaphore(%run_scoped3A_114 : memref<!tpu.dma_semaphore, #tpu.memory_space<semaphore_mem>>) src(%dma_wait3A_150 : memref<64x128xf32, #tpu.memory_space<vmem>>) dst(%dma_wait3A_143 : memref<64x128xf32, #tpu.memory_space<vmem_shared>>)
        tpu.yield
      }) : () -> ()
    } else {
    }
    %convert_element_type3A_18 = arith.extui %eq3A_3 : i1 to i32
    %cond3A_19 = arith.constant 0 : i32
    %cond3A_20 = arith.cmpi ne, %convert_element_type3A_18, %cond3A_19 : i32
    scf.if %cond3A_20 {
      %add3A_90 = arith.constant 0 : i32
      %add3A_91 = arith.addi %mul3A_2, %add3A_90 : i32
      %run_scoped3A_92 = arith.constant 0 : i32
      "tpu.region"() ({
        %run_scoped3A_114 = tpu.sem_alloc : memref<!tpu.dma_semaphore, #tpu.memory_space<semaphore_mem>>
        %dma_start3A_115 = arith.constant 0 : i32
        %dma_start3A_116 = arith.constant 0 : i32
        %dma_start3A_117 = tpu.memref_slice %arg9[%run_scoped3A_92, %dma_start3A_115, %dma_start3A_116] : memref<3x80x128xf32, #tpu.memory_space<vmem>> -> memref<1x80x128xf32, #tpu.memory_space<vmem>>
        %dma_start3A_118 = tpu.memref_squeeze %dma_start3A_117 : memref<1x80x128xf32, #tpu.memory_space<vmem>> -> memref<80x128xf32, #tpu.memory_space<vmem>>
        %dma_start3A_119 = arith.constant 0 : i32
        %dma_start3A_120 = tpu.memref_slice %arg6[%add3A_91, %dma_start3A_119] : memref<10000x128xf32, #tpu.memory_space<vmem_shared>> -> memref<80x128xf32, #tpu.memory_space<vmem_shared>>
        %dma_start3A_121 = arith.constant 0 : i32
        %dma_start3A_122 = tpu.memref_slice %arg6[%add3A_91, %dma_start3A_121] : memref<10000x128xf32, #tpu.memory_space<vmem_shared>> -> memref<80x128xf32, #tpu.memory_space<vmem_shared>>
        %dma_start3A_123 = arith.constant 0 : i32
        %dma_start3A_124 = arith.constant 0 : i32
        %dma_start3A_125 = tpu.memref_slice %arg9[%run_scoped3A_92, %dma_start3A_123, %dma_start3A_124] : memref<3x80x128xf32, #tpu.memory_space<vmem>> -> memref<1x80x128xf32, #tpu.memory_space<vmem>>
        %dma_start3A_126 = tpu.memref_squeeze %dma_start3A_125 : memref<1x80x128xf32, #tpu.memory_space<vmem>> -> memref<80x128xf32, #tpu.memory_space<vmem>>
        tpu.enqueue_dma source(%dma_start3A_126 : memref<80x128xf32, #tpu.memory_space<vmem>>) target(%dma_start3A_122 : memref<80x128xf32, #tpu.memory_space<vmem_shared>>) target_semaphore(%run_scoped3A_114 : memref<!tpu.dma_semaphore, #tpu.memory_space<semaphore_mem>>)
        %dma_wait3A_127 = arith.constant 0 : i32
        %dma_wait3A_128 = arith.constant 0 : i32
        %dma_wait3A_129 = tpu.memref_slice %arg9[%run_scoped3A_92, %dma_wait3A_127, %dma_wait3A_128] : memref<3x80x128xf32, #tpu.memory_space<vmem>> -> memref<1x80x128xf32, #tpu.memory_space<vmem>>
        %dma_wait3A_130 = tpu.memref_squeeze %dma_wait3A_129 : memref<1x80x128xf32, #tpu.memory_space<vmem>> -> memref<80x128xf32, #tpu.memory_space<vmem>>
        %dma_wait3A_131 = arith.constant 0 : i32
        %dma_wait3A_132 = tpu.memref_slice %arg6[%add3A_91, %dma_wait3A_131] : memref<10000x128xf32, #tpu.memory_space<vmem_shared>> -> memref<80x128xf32, #tpu.memory_space<vmem_shared>>
        %dma_wait3A_133 = arith.constant 0 : i32
        %dma_wait3A_134 = tpu.memref_slice %arg6[%add3A_91, %dma_wait3A_133] : memref<10000x128xf32, #tpu.memory_space<vmem_shared>> -> memref<80x128xf32, #tpu.memory_space<vmem_shared>>
        %dma_wait3A_135 = arith.constant 0 : i32
        %dma_wait3A_136 = arith.constant 0 : i32
        %dma_wait3A_137 = tpu.memref_slice %arg9[%run_scoped3A_92, %dma_wait3A_135, %dma_wait3A_136] : memref<3x80x128xf32, #tpu.memory_space<vmem>> -> memref<1x80x128xf32, #tpu.memory_space<vmem>>
        %dma_wait3A_138 = tpu.memref_squeeze %dma_wait3A_137 : memref<1x80x128xf32, #tpu.memory_space<vmem>> -> memref<80x128xf32, #tpu.memory_space<vmem>>
        tpu.wait_dma2 semaphore(%run_scoped3A_114 : memref<!tpu.dma_semaphore, #tpu.memory_space<semaphore_mem>>) src(%dma_wait3A_138 : memref<80x128xf32, #tpu.memory_space<vmem>>) dst(%dma_wait3A_134 : memref<80x128xf32, #tpu.memory_space<vmem_shared>>)
        tpu.yield
      }) : () -> ()
      %add3A_93 = arith.constant 80 : i32
      %add3A_94 = arith.addi %mul3A_2, %add3A_93 : i32
      %run_scoped3A_95 = arith.constant 0 : i32
      "tpu.region"() ({
        %run_scoped3A_114 = tpu.sem_alloc : memref<!tpu.dma_semaphore, #tpu.memory_space<semaphore_mem>>
        %dma_start3A_115 = arith.constant 0 : i32
        %dma_start3A_116 = arith.constant 0 : i32
        %dma_start3A_117 = tpu.memref_slice %arg9[%run_scoped3A_95, %dma_start3A_115, %dma_start3A_116] : memref<3x80x128xf32, #tpu.memory_space<vmem>> -> memref<1x80x128xf32, #tpu.memory_space<vmem>>
        %dma_start3A_118 = tpu.memref_squeeze %dma_start3A_117 : memref<1x80x128xf32, #tpu.memory_space<vmem>> -> memref<80x128xf32, #tpu.memory_space<vmem>>
        %dma_start3A_119 = arith.constant 0 : i32
        %dma_start3A_120 = tpu.memref_slice %arg6[%add3A_94, %dma_start3A_119] : memref<10000x128xf32, #tpu.memory_space<vmem_shared>> -> memref<80x128xf32, #tpu.memory_space<vmem_shared>>
        %dma_start3A_121 = arith.constant 0 : i32
        %dma_start3A_122 = tpu.memref_slice %arg6[%add3A_94, %dma_start3A_121] : memref<10000x128xf32, #tpu.memory_space<vmem_shared>> -> memref<80x128xf32, #tpu.memory_space<vmem_shared>>
        %dma_start3A_123 = arith.constant 0 : i32
        %dma_start3A_124 = arith.constant 0 : i32
        %dma_start3A_125 = tpu.memref_slice %arg9[%run_scoped3A_95, %dma_start3A_123, %dma_start3A_124] : memref<3x80x128xf32, #tpu.memory_space<vmem>> -> memref<1x80x128xf32, #tpu.memory_space<vmem>>
        %dma_start3A_126 = tpu.memref_squeeze %dma_start3A_125 : memref<1x80x128xf32, #tpu.memory_space<vmem>> -> memref<80x128xf32, #tpu.memory_space<vmem>>
        tpu.enqueue_dma source(%dma_start3A_126 : memref<80x128xf32, #tpu.memory_space<vmem>>) target(%dma_start3A_122 : memref<80x128xf32, #tpu.memory_space<vmem_shared>>) target_semaphore(%run_scoped3A_114 : memref<!tpu.dma_semaphore, #tpu.memory_space<semaphore_mem>>)
        %dma_wait3A_127 = arith.constant 0 : i32
        %dma_wait3A_128 = arith.constant 0 : i32
        %dma_wait3A_129 = tpu.memref_slice %arg9[%run_scoped3A_95, %dma_wait3A_127, %dma_wait3A_128] : memref<3x80x128xf32, #tpu.memory_space<vmem>> -> memref<1x80x128xf32, #tpu.memory_space<vmem>>
        %dma_wait3A_130 = tpu.memref_squeeze %dma_wait3A_129 : memref<1x80x128xf32, #tpu.memory_space<vmem>> -> memref<80x128xf32, #tpu.memory_space<vmem>>
        %dma_wait3A_131 = arith.constant 0 : i32
        %dma_wait3A_132 = tpu.memref_slice %arg6[%add3A_94, %dma_wait3A_131] : memref<10000x128xf32, #tpu.memory_space<vmem_shared>> -> memref<80x128xf32, #tpu.memory_space<vmem_shared>>
        %dma_wait3A_133 = arith.constant 0 : i32
        %dma_wait3A_134 = tpu.memref_slice %arg6[%add3A_94, %dma_wait3A_133] : memref<10000x128xf32, #tpu.memory_space<vmem_shared>> -> memref<80x128xf32, #tpu.memory_space<vmem_shared>>
        %dma_wait3A_135 = arith.constant 0 : i32
        %dma_wait3A_136 = arith.constant 0 : i32
        %dma_wait3A_137 = tpu.memref_slice %arg9[%run_scoped3A_95, %dma_wait3A_135, %dma_wait3A_136] : memref<3x80x128xf32, #tpu.memory_space<vmem>> -> memref<1x80x128xf32, #tpu.memory_space<vmem>>
        %dma_wait3A_138 = tpu.memref_squeeze %dma_wait3A_137 : memref<1x80x128xf32, #tpu.memory_space<vmem>> -> memref<80x128xf32, #tpu.memory_space<vmem>>
        tpu.wait_dma2 semaphore(%run_scoped3A_114 : memref<!tpu.dma_semaphore, #tpu.memory_space<semaphore_mem>>) src(%dma_wait3A_138 : memref<80x128xf32, #tpu.memory_space<vmem>>) dst(%dma_wait3A_134 : memref<80x128xf32, #tpu.memory_space<vmem_shared>>)
        tpu.yield
      }) : () -> ()
      %add3A_96 = arith.constant 160 : i32
      %add3A_97 = arith.addi %mul3A_2, %add3A_96 : i32
      %run_scoped3A_98 = arith.constant 0 : i32
      "tpu.region"() ({
        %run_scoped3A_114 = tpu.sem_alloc : memref<!tpu.dma_semaphore, #tpu.memory_space<semaphore_mem>>
        %dma_start3A_115 = arith.constant 0 : i32
        %dma_start3A_116 = arith.constant 0 : i32
        %dma_start3A_117 = tpu.memref_slice %arg9[%run_scoped3A_98, %dma_start3A_115, %dma_start3A_116] : memref<3x80x128xf32, #tpu.memory_space<vmem>> -> memref<1x80x128xf32, #tpu.memory_space<vmem>>
        %dma_start3A_118 = tpu.memref_squeeze %dma_start3A_117 : memref<1x80x128xf32, #tpu.memory_space<vmem>> -> memref<80x128xf32, #tpu.memory_space<vmem>>
        %dma_start3A_119 = arith.constant 0 : i32
        %dma_start3A_120 = tpu.memref_slice %arg6[%add3A_97, %dma_start3A_119] : memref<10000x128xf32, #tpu.memory_space<vmem_shared>> -> memref<80x128xf32, #tpu.memory_space<vmem_shared>>
        %dma_start3A_121 = arith.constant 0 : i32
        %dma_start3A_122 = tpu.memref_slice %arg6[%add3A_97, %dma_start3A_121] : memref<10000x128xf32, #tpu.memory_space<vmem_shared>> -> memref<80x128xf32, #tpu.memory_space<vmem_shared>>
        %dma_start3A_123 = arith.constant 0 : i32
        %dma_start3A_124 = arith.constant 0 : i32
        %dma_start3A_125 = tpu.memref_slice %arg9[%run_scoped3A_98, %dma_start3A_123, %dma_start3A_124] : memref<3x80x128xf32, #tpu.memory_space<vmem>> -> memref<1x80x128xf32, #tpu.memory_space<vmem>>
        %dma_start3A_126 = tpu.memref_squeeze %dma_start3A_125 : memref<1x80x128xf32, #tpu.memory_space<vmem>> -> memref<80x128xf32, #tpu.memory_space<vmem>>
        tpu.enqueue_dma source(%dma_start3A_126 : memref<80x128xf32, #tpu.memory_space<vmem>>) target(%dma_start3A_122 : memref<80x128xf32, #tpu.memory_space<vmem_shared>>) target_semaphore(%run_scoped3A_114 : memref<!tpu.dma_semaphore, #tpu.memory_space<semaphore_mem>>)
        %dma_wait3A_127 = arith.constant 0 : i32
        %dma_wait3A_128 = arith.constant 0 : i32
        %dma_wait3A_129 = tpu.memref_slice %arg9[%run_scoped3A_98, %dma_wait3A_127, %dma_wait3A_128] : memref<3x80x128xf32, #tpu.memory_space<vmem>> -> memref<1x80x128xf32, #tpu.memory_space<vmem>>
        %dma_wait3A_130 = tpu.memref_squeeze %dma_wait3A_129 : memref<1x80x128xf32, #tpu.memory_space<vmem>> -> memref<80x128xf32, #tpu.memory_space<vmem>>
        %dma_wait3A_131 = arith.constant 0 : i32
        %dma_wait3A_132 = tpu.memref_slice %arg6[%add3A_97, %dma_wait3A_131] : memref<10000x128xf32, #tpu.memory_space<vmem_shared>> -> memref<80x128xf32, #tpu.memory_space<vmem_shared>>
        %dma_wait3A_133 = arith.constant 0 : i32
        %dma_wait3A_134 = tpu.memref_slice %arg6[%add3A_97, %dma_wait3A_133] : memref<10000x128xf32, #tpu.memory_space<vmem_shared>> -> memref<80x128xf32, #tpu.memory_space<vmem_shared>>
        %dma_wait3A_135 = arith.constant 0 : i32
        %dma_wait3A_136 = arith.constant 0 : i32
        %dma_wait3A_137 = tpu.memref_slice %arg9[%run_scoped3A_98, %dma_wait3A_135, %dma_wait3A_136] : memref<3x80x128xf32, #tpu.memory_space<vmem>> -> memref<1x80x128xf32, #tpu.memory_space<vmem>>
        %dma_wait3A_138 = tpu.memref_squeeze %dma_wait3A_137 : memref<1x80x128xf32, #tpu.memory_space<vmem>> -> memref<80x128xf32, #tpu.memory_space<vmem>>
        tpu.wait_dma2 semaphore(%run_scoped3A_114 : memref<!tpu.dma_semaphore, #tpu.memory_space<semaphore_mem>>) src(%dma_wait3A_138 : memref<80x128xf32, #tpu.memory_space<vmem>>) dst(%dma_wait3A_134 : memref<80x128xf32, #tpu.memory_space<vmem_shared>>)
        tpu.yield
      }) : () -> ()
      %add3A_99 = arith.constant 240 : i32
      %add3A_100 = arith.addi %mul3A_2, %add3A_99 : i32
      %run_scoped3A_101 = arith.constant 0 : i32
      "tpu.region"() ({
        %run_scoped3A_114 = tpu.sem_alloc : memref<!tpu.dma_semaphore, #tpu.memory_space<semaphore_mem>>
        %dma_start3A_115 = arith.constant 0 : i32
        %dma_start3A_116 = arith.constant 0 : i32
        %dma_start3A_117 = tpu.memref_slice %arg9[%run_scoped3A_101, %dma_start3A_115, %dma_start3A_116] : memref<3x80x128xf32, #tpu.memory_space<vmem>> -> memref<1x80x128xf32, #tpu.memory_space<vmem>>
        %dma_start3A_118 = tpu.memref_squeeze %dma_start3A_117 : memref<1x80x128xf32, #tpu.memory_space<vmem>> -> memref<80x128xf32, #tpu.memory_space<vmem>>
        %dma_start3A_119 = arith.constant 0 : i32
        %dma_start3A_120 = tpu.memref_slice %arg6[%add3A_100, %dma_start3A_119] : memref<10000x128xf32, #tpu.memory_space<vmem_shared>> -> memref<80x128xf32, #tpu.memory_space<vmem_shared>>
        %dma_start3A_121 = arith.constant 0 : i32
        %dma_start3A_122 = tpu.memref_slice %arg6[%add3A_100, %dma_start3A_121] : memref<10000x128xf32, #tpu.memory_space<vmem_shared>> -> memref<80x128xf32, #tpu.memory_space<vmem_shared>>
        %dma_start3A_123 = arith.constant 0 : i32
        %dma_start3A_124 = arith.constant 0 : i32
        %dma_start3A_125 = tpu.memref_slice %arg9[%run_scoped3A_101, %dma_start3A_123, %dma_start3A_124] : memref<3x80x128xf32, #tpu.memory_space<vmem>> -> memref<1x80x128xf32, #tpu.memory_space<vmem>>
        %dma_start3A_126 = tpu.memref_squeeze %dma_start3A_125 : memref<1x80x128xf32, #tpu.memory_space<vmem>> -> memref<80x128xf32, #tpu.memory_space<vmem>>
        tpu.enqueue_dma source(%dma_start3A_126 : memref<80x128xf32, #tpu.memory_space<vmem>>) target(%dma_start3A_122 : memref<80x128xf32, #tpu.memory_space<vmem_shared>>) target_semaphore(%run_scoped3A_114 : memref<!tpu.dma_semaphore, #tpu.memory_space<semaphore_mem>>)
        %dma_wait3A_127 = arith.constant 0 : i32
        %dma_wait3A_128 = arith.constant 0 : i32
        %dma_wait3A_129 = tpu.memref_slice %arg9[%run_scoped3A_101, %dma_wait3A_127, %dma_wait3A_128] : memref<3x80x128xf32, #tpu.memory_space<vmem>> -> memref<1x80x128xf32, #tpu.memory_space<vmem>>
        %dma_wait3A_130 = tpu.memref_squeeze %dma_wait3A_129 : memref<1x80x128xf32, #tpu.memory_space<vmem>> -> memref<80x128xf32, #tpu.memory_space<vmem>>
        %dma_wait3A_131 = arith.constant 0 : i32
        %dma_wait3A_132 = tpu.memref_slice %arg6[%add3A_100, %dma_wait3A_131] : memref<10000x128xf32, #tpu.memory_space<vmem_shared>> -> memref<80x128xf32, #tpu.memory_space<vmem_shared>>
        %dma_wait3A_133 = arith.constant 0 : i32
        %dma_wait3A_134 = tpu.memref_slice %arg6[%add3A_100, %dma_wait3A_133] : memref<10000x128xf32, #tpu.memory_space<vmem_shared>> -> memref<80x128xf32, #tpu.memory_space<vmem_shared>>
        %dma_wait3A_135 = arith.constant 0 : i32
        %dma_wait3A_136 = arith.constant 0 : i32
        %dma_wait3A_137 = tpu.memref_slice %arg9[%run_scoped3A_101, %dma_wait3A_135, %dma_wait3A_136] : memref<3x80x128xf32, #tpu.memory_space<vmem>> -> memref<1x80x128xf32, #tpu.memory_space<vmem>>
        %dma_wait3A_138 = tpu.memref_squeeze %dma_wait3A_137 : memref<1x80x128xf32, #tpu.memory_space<vmem>> -> memref<80x128xf32, #tpu.memory_space<vmem>>
        tpu.wait_dma2 semaphore(%run_scoped3A_114 : memref<!tpu.dma_semaphore, #tpu.memory_space<semaphore_mem>>) src(%dma_wait3A_138 : memref<80x128xf32, #tpu.memory_space<vmem>>) dst(%dma_wait3A_134 : memref<80x128xf32, #tpu.memory_space<vmem_shared>>)
        tpu.yield
      }) : () -> ()
      %add3A_102 = arith.constant 320 : i32
      %add3A_103 = arith.addi %mul3A_2, %add3A_102 : i32
      %run_scoped3A_104 = arith.constant 0 : i32
      "tpu.region"() ({
        %run_scoped3A_114 = tpu.sem_alloc : memref<!tpu.dma_semaphore, #tpu.memory_space<semaphore_mem>>
        %dma_start3A_115 = arith.constant 0 : i32
        %dma_start3A_116 = arith.constant 0 : i32
        %dma_start3A_117 = tpu.memref_slice %arg9[%run_scoped3A_104, %dma_start3A_115, %dma_start3A_116] : memref<3x80x128xf32, #tpu.memory_space<vmem>> -> memref<1x80x128xf32, #tpu.memory_space<vmem>>
        %dma_start3A_118 = tpu.memref_squeeze %dma_start3A_117 : memref<1x80x128xf32, #tpu.memory_space<vmem>> -> memref<80x128xf32, #tpu.memory_space<vmem>>
        %dma_start3A_119 = arith.constant 0 : i32
        %dma_start3A_120 = tpu.memref_slice %arg6[%add3A_103, %dma_start3A_119] : memref<10000x128xf32, #tpu.memory_space<vmem_shared>> -> memref<80x128xf32, #tpu.memory_space<vmem_shared>>
        %dma_start3A_121 = arith.constant 0 : i32
        %dma_start3A_122 = tpu.memref_slice %arg6[%add3A_103, %dma_start3A_121] : memref<10000x128xf32, #tpu.memory_space<vmem_shared>> -> memref<80x128xf32, #tpu.memory_space<vmem_shared>>
        %dma_start3A_123 = arith.constant 0 : i32
        %dma_start3A_124 = arith.constant 0 : i32
        %dma_start3A_125 = tpu.memref_slice %arg9[%run_scoped3A_104, %dma_start3A_123, %dma_start3A_124] : memref<3x80x128xf32, #tpu.memory_space<vmem>> -> memref<1x80x128xf32, #tpu.memory_space<vmem>>
        %dma_start3A_126 = tpu.memref_squeeze %dma_start3A_125 : memref<1x80x128xf32, #tpu.memory_space<vmem>> -> memref<80x128xf32, #tpu.memory_space<vmem>>
        tpu.enqueue_dma source(%dma_start3A_126 : memref<80x128xf32, #tpu.memory_space<vmem>>) target(%dma_start3A_122 : memref<80x128xf32, #tpu.memory_space<vmem_shared>>) target_semaphore(%run_scoped3A_114 : memref<!tpu.dma_semaphore, #tpu.memory_space<semaphore_mem>>)
        %dma_wait3A_127 = arith.constant 0 : i32
        %dma_wait3A_128 = arith.constant 0 : i32
        %dma_wait3A_129 = tpu.memref_slice %arg9[%run_scoped3A_104, %dma_wait3A_127, %dma_wait3A_128] : memref<3x80x128xf32, #tpu.memory_space<vmem>> -> memref<1x80x128xf32, #tpu.memory_space<vmem>>
        %dma_wait3A_130 = tpu.memref_squeeze %dma_wait3A_129 : memref<1x80x128xf32, #tpu.memory_space<vmem>> -> memref<80x128xf32, #tpu.memory_space<vmem>>
        %dma_wait3A_131 = arith.constant 0 : i32
        %dma_wait3A_132 = tpu.memref_slice %arg6[%add3A_103, %dma_wait3A_131] : memref<10000x128xf32, #tpu.memory_space<vmem_shared>> -> memref<80x128xf32, #tpu.memory_space<vmem_shared>>
        %dma_wait3A_133 = arith.constant 0 : i32
        %dma_wait3A_134 = tpu.memref_slice %arg6[%add3A_103, %dma_wait3A_133] : memref<10000x128xf32, #tpu.memory_space<vmem_shared>> -> memref<80x128xf32, #tpu.memory_space<vmem_shared>>
        %dma_wait3A_135 = arith.constant 0 : i32
        %dma_wait3A_136 = arith.constant 0 : i32
        %dma_wait3A_137 = tpu.memref_slice %arg9[%run_scoped3A_104, %dma_wait3A_135, %dma_wait3A_136] : memref<3x80x128xf32, #tpu.memory_space<vmem>> -> memref<1x80x128xf32, #tpu.memory_space<vmem>>
        %dma_wait3A_138 = tpu.memref_squeeze %dma_wait3A_137 : memref<1x80x128xf32, #tpu.memory_space<vmem>> -> memref<80x128xf32, #tpu.memory_space<vmem>>
        tpu.wait_dma2 semaphore(%run_scoped3A_114 : memref<!tpu.dma_semaphore, #tpu.memory_space<semaphore_mem>>) src(%dma_wait3A_138 : memref<80x128xf32, #tpu.memory_space<vmem>>) dst(%dma_wait3A_134 : memref<80x128xf32, #tpu.memory_space<vmem_shared>>)
        tpu.yield
      }) : () -> ()
      %add3A_105 = arith.constant 400 : i32
      %add3A_106 = arith.addi %mul3A_2, %add3A_105 : i32
      %run_scoped3A_107 = arith.constant 0 : i32
      "tpu.region"() ({
        %run_scoped3A_114 = tpu.sem_alloc : memref<!tpu.dma_semaphore, #tpu.memory_space<semaphore_mem>>
        %dma_start3A_115 = arith.constant 0 : i32
        %dma_start3A_116 = arith.constant 0 : i32
        %dma_start3A_117 = tpu.memref_slice %arg9[%run_scoped3A_107, %dma_start3A_115, %dma_start3A_116] : memref<3x80x128xf32, #tpu.memory_space<vmem>> -> memref<1x80x128xf32, #tpu.memory_space<vmem>>
        %dma_start3A_118 = tpu.memref_squeeze %dma_start3A_117 : memref<1x80x128xf32, #tpu.memory_space<vmem>> -> memref<80x128xf32, #tpu.memory_space<vmem>>
        %dma_start3A_119 = arith.constant 0 : i32
        %dma_start3A_120 = tpu.memref_slice %arg6[%add3A_106, %dma_start3A_119] : memref<10000x128xf32, #tpu.memory_space<vmem_shared>> -> memref<80x128xf32, #tpu.memory_space<vmem_shared>>
        %dma_start3A_121 = arith.constant 0 : i32
        %dma_start3A_122 = tpu.memref_slice %arg6[%add3A_106, %dma_start3A_121] : memref<10000x128xf32, #tpu.memory_space<vmem_shared>> -> memref<80x128xf32, #tpu.memory_space<vmem_shared>>
        %dma_start3A_123 = arith.constant 0 : i32
        %dma_start3A_124 = arith.constant 0 : i32
        %dma_start3A_125 = tpu.memref_slice %arg9[%run_scoped3A_107, %dma_start3A_123, %dma_start3A_124] : memref<3x80x128xf32, #tpu.memory_space<vmem>> -> memref<1x80x128xf32, #tpu.memory_space<vmem>>
        %dma_start3A_126 = tpu.memref_squeeze %dma_start3A_125 : memref<1x80x128xf32, #tpu.memory_space<vmem>> -> memref<80x128xf32, #tpu.memory_space<vmem>>
        tpu.enqueue_dma source(%dma_start3A_126 : memref<80x128xf32, #tpu.memory_space<vmem>>) target(%dma_start3A_122 : memref<80x128xf32, #tpu.memory_space<vmem_shared>>) target_semaphore(%run_scoped3A_114 : memref<!tpu.dma_semaphore, #tpu.memory_space<semaphore_mem>>)
        %dma_wait3A_127 = arith.constant 0 : i32
        %dma_wait3A_128 = arith.constant 0 : i32
        %dma_wait3A_129 = tpu.memref_slice %arg9[%run_scoped3A_107, %dma_wait3A_127, %dma_wait3A_128] : memref<3x80x128xf32, #tpu.memory_space<vmem>> -> memref<1x80x128xf32, #tpu.memory_space<vmem>>
        %dma_wait3A_130 = tpu.memref_squeeze %dma_wait3A_129 : memref<1x80x128xf32, #tpu.memory_space<vmem>> -> memref<80x128xf32, #tpu.memory_space<vmem>>
        %dma_wait3A_131 = arith.constant 0 : i32
        %dma_wait3A_132 = tpu.memref_slice %arg6[%add3A_106, %dma_wait3A_131] : memref<10000x128xf32, #tpu.memory_space<vmem_shared>> -> memref<80x128xf32, #tpu.memory_space<vmem_shared>>
        %dma_wait3A_133 = arith.constant 0 : i32
        %dma_wait3A_134 = tpu.memref_slice %arg6[%add3A_106, %dma_wait3A_133] : memref<10000x128xf32, #tpu.memory_space<vmem_shared>> -> memref<80x128xf32, #tpu.memory_space<vmem_shared>>
        %dma_wait3A_135 = arith.constant 0 : i32
        %dma_wait3A_136 = arith.constant 0 : i32
        %dma_wait3A_137 = tpu.memref_slice %arg9[%run_scoped3A_107, %dma_wait3A_135, %dma_wait3A_136] : memref<3x80x128xf32, #tpu.memory_space<vmem>> -> memref<1x80x128xf32, #tpu.memory_space<vmem>>
        %dma_wait3A_138 = tpu.memref_squeeze %dma_wait3A_137 : memref<1x80x128xf32, #tpu.memory_space<vmem>> -> memref<80x128xf32, #tpu.memory_space<vmem>>
        tpu.wait_dma2 semaphore(%run_scoped3A_114 : memref<!tpu.dma_semaphore, #tpu.memory_space<semaphore_mem>>) src(%dma_wait3A_138 : memref<80x128xf32, #tpu.memory_space<vmem>>) dst(%dma_wait3A_134 : memref<80x128xf32, #tpu.memory_space<vmem_shared>>)
        tpu.yield
      }) : () -> ()
      %add3A_108 = arith.constant 480 : i32
      %add3A_109 = arith.addi %mul3A_2, %add3A_108 : i32
      %run_scoped3A_110 = arith.constant 0 : i32
      "tpu.region"() ({
        %run_scoped3A_114 = tpu.sem_alloc : memref<!tpu.dma_semaphore, #tpu.memory_space<semaphore_mem>>
        %dma_start3A_115 = arith.constant 0 : i32
        %dma_start3A_116 = arith.constant 0 : i32
        %dma_start3A_117 = tpu.memref_slice %arg9[%run_scoped3A_110, %dma_start3A_115, %dma_start3A_116] : memref<3x80x128xf32, #tpu.memory_space<vmem>> -> memref<1x80x128xf32, #tpu.memory_space<vmem>>
        %dma_start3A_118 = tpu.memref_squeeze %dma_start3A_117 : memref<1x80x128xf32, #tpu.memory_space<vmem>> -> memref<80x128xf32, #tpu.memory_space<vmem>>
        %dma_start3A_119 = arith.constant 0 : i32
        %dma_start3A_120 = tpu.memref_slice %arg6[%add3A_109, %dma_start3A_119] : memref<10000x128xf32, #tpu.memory_space<vmem_shared>> -> memref<80x128xf32, #tpu.memory_space<vmem_shared>>
        %dma_start3A_121 = arith.constant 0 : i32
        %dma_start3A_122 = tpu.memref_slice %arg6[%add3A_109, %dma_start3A_121] : memref<10000x128xf32, #tpu.memory_space<vmem_shared>> -> memref<80x128xf32, #tpu.memory_space<vmem_shared>>
        %dma_start3A_123 = arith.constant 0 : i32
        %dma_start3A_124 = arith.constant 0 : i32
        %dma_start3A_125 = tpu.memref_slice %arg9[%run_scoped3A_110, %dma_start3A_123, %dma_start3A_124] : memref<3x80x128xf32, #tpu.memory_space<vmem>> -> memref<1x80x128xf32, #tpu.memory_space<vmem>>
        %dma_start3A_126 = tpu.memref_squeeze %dma_start3A_125 : memref<1x80x128xf32, #tpu.memory_space<vmem>> -> memref<80x128xf32, #tpu.memory_space<vmem>>
        tpu.enqueue_dma source(%dma_start3A_126 : memref<80x128xf32, #tpu.memory_space<vmem>>) target(%dma_start3A_122 : memref<80x128xf32, #tpu.memory_space<vmem_shared>>) target_semaphore(%run_scoped3A_114 : memref<!tpu.dma_semaphore, #tpu.memory_space<semaphore_mem>>)
        %dma_wait3A_127 = arith.constant 0 : i32
        %dma_wait3A_128 = arith.constant 0 : i32
        %dma_wait3A_129 = tpu.memref_slice %arg9[%run_scoped3A_110, %dma_wait3A_127, %dma_wait3A_128] : memref<3x80x128xf32, #tpu.memory_space<vmem>> -> memref<1x80x128xf32, #tpu.memory_space<vmem>>
        %dma_wait3A_130 = tpu.memref_squeeze %dma_wait3A_129 : memref<1x80x128xf32, #tpu.memory_space<vmem>> -> memref<80x128xf32, #tpu.memory_space<vmem>>
        %dma_wait3A_131 = arith.constant 0 : i32
        %dma_wait3A_132 = tpu.memref_slice %arg6[%add3A_109, %dma_wait3A_131] : memref<10000x128xf32, #tpu.memory_space<vmem_shared>> -> memref<80x128xf32, #tpu.memory_space<vmem_shared>>
        %dma_wait3A_133 = arith.constant 0 : i32
        %dma_wait3A_134 = tpu.memref_slice %arg6[%add3A_109, %dma_wait3A_133] : memref<10000x128xf32, #tpu.memory_space<vmem_shared>> -> memref<80x128xf32, #tpu.memory_space<vmem_shared>>
        %dma_wait3A_135 = arith.constant 0 : i32
        %dma_wait3A_136 = arith.constant 0 : i32
        %dma_wait3A_137 = tpu.memref_slice %arg9[%run_scoped3A_110, %dma_wait3A_135, %dma_wait3A_136] : memref<3x80x128xf32, #tpu.memory_space<vmem>> -> memref<1x80x128xf32, #tpu.memory_space<vmem>>
        %dma_wait3A_138 = tpu.memref_squeeze %dma_wait3A_137 : memref<1x80x128xf32, #tpu.memory_space<vmem>> -> memref<80x128xf32, #tpu.memory_space<vmem>>
        tpu.wait_dma2 semaphore(%run_scoped3A_114 : memref<!tpu.dma_semaphore, #tpu.memory_space<semaphore_mem>>) src(%dma_wait3A_138 : memref<80x128xf32, #tpu.memory_space<vmem>>) dst(%dma_wait3A_134 : memref<80x128xf32, #tpu.memory_space<vmem_shared>>)
        tpu.yield
      }) : () -> ()
      %add3A_111 = arith.constant 560 : i32
      %add3A_112 = arith.addi %mul3A_2, %add3A_111 : i32
      %run_scoped3A_113 = arith.constant 0 : i32
      "tpu.region"() ({
        %run_scoped3A_114 = tpu.sem_alloc : memref<!tpu.dma_semaphore, #tpu.memory_space<semaphore_mem>>
        %dma_start3A_115 = arith.constant 0 : i32
        %dma_start3A_116 = arith.constant 0 : i32
        %dma_start3A_117 = tpu.memref_slice %arg9[%run_scoped3A_113, %dma_start3A_115, %dma_start3A_116] : memref<3x80x128xf32, #tpu.memory_space<vmem>> -> memref<1x80x128xf32, #tpu.memory_space<vmem>>
        %dma_start3A_118 = tpu.memref_squeeze %dma_start3A_117 : memref<1x80x128xf32, #tpu.memory_space<vmem>> -> memref<80x128xf32, #tpu.memory_space<vmem>>
        %dma_start3A_119 = arith.constant 0 : i32
        %dma_start3A_120 = tpu.memref_slice %arg6[%add3A_112, %dma_start3A_119] : memref<10000x128xf32, #tpu.memory_space<vmem_shared>> -> memref<80x128xf32, #tpu.memory_space<vmem_shared>>
        %dma_start3A_121 = arith.constant 0 : i32
        %dma_start3A_122 = tpu.memref_slice %arg6[%add3A_112, %dma_start3A_121] : memref<10000x128xf32, #tpu.memory_space<vmem_shared>> -> memref<80x128xf32, #tpu.memory_space<vmem_shared>>
        %dma_start3A_123 = arith.constant 0 : i32
        %dma_start3A_124 = arith.constant 0 : i32
        %dma_start3A_125 = tpu.memref_slice %arg9[%run_scoped3A_113, %dma_start3A_123, %dma_start3A_124] : memref<3x80x128xf32, #tpu.memory_space<vmem>> -> memref<1x80x128xf32, #tpu.memory_space<vmem>>
        %dma_start3A_126 = tpu.memref_squeeze %dma_start3A_125 : memref<1x80x128xf32, #tpu.memory_space<vmem>> -> memref<80x128xf32, #tpu.memory_space<vmem>>
        tpu.enqueue_dma source(%dma_start3A_126 : memref<80x128xf32, #tpu.memory_space<vmem>>) target(%dma_start3A_122 : memref<80x128xf32, #tpu.memory_space<vmem_shared>>) target_semaphore(%run_scoped3A_114 : memref<!tpu.dma_semaphore, #tpu.memory_space<semaphore_mem>>)
        %dma_wait3A_127 = arith.constant 0 : i32
        %dma_wait3A_128 = arith.constant 0 : i32
        %dma_wait3A_129 = tpu.memref_slice %arg9[%run_scoped3A_113, %dma_wait3A_127, %dma_wait3A_128] : memref<3x80x128xf32, #tpu.memory_space<vmem>> -> memref<1x80x128xf32, #tpu.memory_space<vmem>>
        %dma_wait3A_130 = tpu.memref_squeeze %dma_wait3A_129 : memref<1x80x128xf32, #tpu.memory_space<vmem>> -> memref<80x128xf32, #tpu.memory_space<vmem>>
        %dma_wait3A_131 = arith.constant 0 : i32
        %dma_wait3A_132 = tpu.memref_slice %arg6[%add3A_112, %dma_wait3A_131] : memref<10000x128xf32, #tpu.memory_space<vmem_shared>> -> memref<80x128xf32, #tpu.memory_space<vmem_shared>>
        %dma_wait3A_133 = arith.constant 0 : i32
        %dma_wait3A_134 = tpu.memref_slice %arg6[%add3A_112, %dma_wait3A_133] : memref<10000x128xf32, #tpu.memory_space<vmem_shared>> -> memref<80x128xf32, #tpu.memory_space<vmem_shared>>
        %dma_wait3A_135 = arith.constant 0 : i32
        %dma_wait3A_136 = arith.constant 0 : i32
        %dma_wait3A_137 = tpu.memref_slice %arg9[%run_scoped3A_113, %dma_wait3A_135, %dma_wait3A_136] : memref<3x80x128xf32, #tpu.memory_space<vmem>> -> memref<1x80x128xf32, #tpu.memory_space<vmem>>
        %dma_wait3A_138 = tpu.memref_squeeze %dma_wait3A_137 : memref<1x80x128xf32, #tpu.memory_space<vmem>> -> memref<80x128xf32, #tpu.memory_space<vmem>>
        tpu.wait_dma2 semaphore(%run_scoped3A_114 : memref<!tpu.dma_semaphore, #tpu.memory_space<semaphore_mem>>) src(%dma_wait3A_138 : memref<80x128xf32, #tpu.memory_space<vmem>>) dst(%dma_wait3A_134 : memref<80x128xf32, #tpu.memory_space<vmem_shared>>)
        tpu.yield
      }) : () -> ()
    } else {
    }
    %barrier3A = arith.constant 0 : index
    tpu.barrier barrier_id(%barrier3A)
    %dma_wait3A = tpu.memref_slice %arg3[%mul3A_5] : memref<320000xi32, #tpu.memory_space<hbm>> -> memref<10000xi32, #tpu.memory_space<hbm>>
    %dma_wait3A_21 = tpu.memref_slice %arg3[%mul3A_5] : memref<320000xi32, #tpu.memory_space<hbm>> -> memref<10000xi32, #tpu.memory_space<hbm>>
    tpu.wait_dma2 semaphore(%arg10 : memref<!tpu.dma_semaphore, #tpu.memory_space<semaphore_mem>>) src(%dma_wait3A_21 : memref<10000xi32, #tpu.memory_space<hbm>>) dst(%arg7 : memref<10000xi32, #tpu.memory_space<vmem>>)
    %dma_wait3A_22 = tpu.memref_slice %arg4[%mul3A_5] : memref<320000xi32, #tpu.memory_space<hbm>> -> memref<10000xi32, #tpu.memory_space<hbm>>
    %dma_wait3A_23 = tpu.memref_slice %arg4[%mul3A_5] : memref<320000xi32, #tpu.memory_space<hbm>> -> memref<10000xi32, #tpu.memory_space<hbm>>
    tpu.wait_dma2 semaphore(%arg10 : memref<!tpu.dma_semaphore, #tpu.memory_space<semaphore_mem>>) src(%dma_wait3A_23 : memref<10000xi32, #tpu.memory_space<hbm>>) dst(%arg8 : memref<10000xi32, #tpu.memory_space<vmem>>)
    %dma_start3A_24 = arith.constant 0 : i32
    %dma_start3A_25 = arith.constant 0 : i32
    %dma_start3A_26 = arith.constant 0 : i32
    %dma_start3A_27 = tpu.memref_slice %arg9[%dma_start3A_24, %dma_start3A_25, %dma_start3A_26] : memref<3x80x128xf32, #tpu.memory_space<vmem>> -> memref<1x80x128xf32, #tpu.memory_space<vmem>>
    %dma_start3A_28 = tpu.memref_squeeze %dma_start3A_27 : memref<1x80x128xf32, #tpu.memory_space<vmem>> -> memref<80x128xf32, #tpu.memory_space<vmem>>
    %dma_start3A_29 = arith.constant 0 : i32
    %dma_start3A_30 = tpu.memref_slice %arg7[%dma_start3A_29] : memref<10000xi32, #tpu.memory_space<vmem>> -> memref<80xi32, #tpu.memory_space<vmem>>
    %dma_start3A_31 = arith.constant 0 : i32
    %dma_start3A_32 = arith.constant 0 : i32
    %dma_start3A_33 = tpu.memref_slice %arg2[%dma_start3A_31, %dma_start3A_32] : memref<10000x128xf32, #tpu.memory_space<hbm>> -> memref<10000x128xf32, #tpu.memory_space<hbm>>
    tpu.enqueue_indirect_dma source(%dma_start3A_33 : memref<10000x128xf32, #tpu.memory_space<hbm>>) target(%dma_start3A_28 : memref<80x128xf32, #tpu.memory_space<vmem>>) offsets(%dma_start3A_30 : memref<80xi32, #tpu.memory_space<vmem>>) semaphore(%arg11 : memref<!tpu.dma_semaphore, #tpu.memory_space<semaphore_mem>>)
    %dma_start3A_34 = arith.constant 1 : i32
    %dma_start3A_35 = arith.constant 0 : i32
    %dma_start3A_36 = arith.constant 0 : i32
    %dma_start3A_37 = tpu.memref_slice %arg9[%dma_start3A_34, %dma_start3A_35, %dma_start3A_36] : memref<3x80x128xf32, #tpu.memory_space<vmem>> -> memref<1x80x128xf32, #tpu.memory_space<vmem>>
    %dma_start3A_38 = tpu.memref_squeeze %dma_start3A_37 : memref<1x80x128xf32, #tpu.memory_space<vmem>> -> memref<80x128xf32, #tpu.memory_space<vmem>>
    %dma_start3A_39 = arith.constant 80 : i32
    %dma_start3A_40 = tpu.memref_slice %arg7[%dma_start3A_39] : memref<10000xi32, #tpu.memory_space<vmem>> -> memref<80xi32, #tpu.memory_space<vmem>>
    %dma_start3A_41 = arith.constant 0 : i32
    %dma_start3A_42 = arith.constant 0 : i32
    %dma_start3A_43 = tpu.memref_slice %arg2[%dma_start3A_41, %dma_start3A_42] : memref<10000x128xf32, #tpu.memory_space<hbm>> -> memref<10000x128xf32, #tpu.memory_space<hbm>>
    tpu.enqueue_indirect_dma source(%dma_start3A_43 : memref<10000x128xf32, #tpu.memory_space<hbm>>) target(%dma_start3A_38 : memref<80x128xf32, #tpu.memory_space<vmem>>) offsets(%dma_start3A_40 : memref<80xi32, #tpu.memory_space<vmem>>) semaphore(%arg12 : memref<!tpu.dma_semaphore, #tpu.memory_space<semaphore_mem>>)
    %dma_start3A_44 = arith.constant 2 : i32
    %dma_start3A_45 = arith.constant 0 : i32
    %dma_start3A_46 = arith.constant 0 : i32
    %dma_start3A_47 = tpu.memref_slice %arg9[%dma_start3A_44, %dma_start3A_45, %dma_start3A_46] : memref<3x80x128xf32, #tpu.memory_space<vmem>> -> memref<1x80x128xf32, #tpu.memory_space<vmem>>
    %dma_start3A_48 = tpu.memref_squeeze %dma_start3A_47 : memref<1x80x128xf32, #tpu.memory_space<vmem>> -> memref<80x128xf32, #tpu.memory_space<vmem>>
    %dma_start3A_49 = arith.constant 160 : i32
    %dma_start3A_50 = tpu.memref_slice %arg7[%dma_start3A_49] : memref<10000xi32, #tpu.memory_space<vmem>> -> memref<80xi32, #tpu.memory_space<vmem>>
    %dma_start3A_51 = arith.constant 0 : i32
    %dma_start3A_52 = arith.constant 0 : i32
    %dma_start3A_53 = tpu.memref_slice %arg2[%dma_start3A_51, %dma_start3A_52] : memref<10000x128xf32, #tpu.memory_space<hbm>> -> memref<10000x128xf32, #tpu.memory_space<hbm>>
    tpu.enqueue_indirect_dma source(%dma_start3A_53 : memref<10000x128xf32, #tpu.memory_space<hbm>>) target(%dma_start3A_48 : memref<80x128xf32, #tpu.memory_space<vmem>>) offsets(%dma_start3A_50 : memref<80xi32, #tpu.memory_space<vmem>>) semaphore(%arg13 : memref<!tpu.dma_semaphore, #tpu.memory_space<semaphore_mem>>)
    %scan3A_54 = arith.constant 0 : i32
    %scan3A_55 = arith.constant 0 : i32
    %scan3A_56 = arith.constant 41 : i32
    %scan3A_57 = arith.addi %scan3A_55, %scan3A_56 : i32
    %scan3A_58 = arith.constant 1 : i32
    scf.for %scan3A_90 = %scan3A_55 to %scan3A_57 step %scan3A_58  : i32 {
      %mul3A_91 = arith.constant 3 : i32
      %mul3A_92 = arith.muli %mul3A_91, %scan3A_90 : i32
      %add3A_93 = arith.constant 0 : i32
      %add3A_94 = arith.addi %mul3A_92, %add3A_93 : i32
      %mul3A_95 = arith.constant 80 : i32
      %mul3A_96 = arith.muli %add3A_94, %mul3A_95 : i32
      %dma_wait3A_97 = arith.constant 0 : i32
      %dma_wait3A_98 = arith.constant 0 : i32
      %dma_wait3A_99 = arith.constant 0 : i32
      %dma_wait3A_100 = tpu.memref_slice %arg9[%dma_wait3A_97, %dma_wait3A_98, %dma_wait3A_99] : memref<3x80x128xf32, #tpu.memory_space<vmem>> -> memref<1x80x128xf32, #tpu.memory_space<vmem>>
      %dma_wait3A_101 = tpu.memref_squeeze %dma_wait3A_100 : memref<1x80x128xf32, #tpu.memory_space<vmem>> -> memref<80x128xf32, #tpu.memory_space<vmem>>
      %dma_wait3A_102 = tpu.memref_slice %arg7[%mul3A_96] : memref<10000xi32, #tpu.memory_space<vmem>> -> memref<80xi32, #tpu.memory_space<vmem>>
      %dma_wait3A_103 = arith.constant 0 : i32
      %dma_wait3A_104 = arith.constant 0 : i32
      %dma_wait3A_105 = tpu.memref_slice %arg2[%dma_wait3A_103, %dma_wait3A_104] : memref<10000x128xf32, #tpu.memory_space<hbm>> -> memref<10000x128xf32, #tpu.memory_space<hbm>>
      tpu.wait_indirect_dma semaphore(%arg11 : memref<!tpu.dma_semaphore, #tpu.memory_space<semaphore_mem>>) src(%dma_wait3A_105 : memref<10000x128xf32, #tpu.memory_space<hbm>>) dst(%dma_wait3A_101 : memref<80x128xf32, #tpu.memory_space<vmem>>)
      %add3A_106 = arith.constant 0 : i32
      %add3A_107 = arith.addi %mul3A_92, %add3A_106 : i32
      %mul3A_108 = arith.constant 80 : i32
      %mul3A_109 = arith.muli %add3A_107, %mul3A_108 : i32
      %dma_start3A_110 = arith.constant 0 : i32
      %dma_start3A_111 = arith.constant 0 : i32
      %dma_start3A_112 = arith.constant 0 : i32
      %dma_start3A_113 = tpu.memref_slice %arg9[%dma_start3A_110, %dma_start3A_111, %dma_start3A_112] : memref<3x80x128xf32, #tpu.memory_space<vmem>> -> memref<1x80x128xf32, #tpu.memory_space<vmem>>
      %dma_start3A_114 = tpu.memref_squeeze %dma_start3A_113 : memref<1x80x128xf32, #tpu.memory_space<vmem>> -> memref<80x128xf32, #tpu.memory_space<vmem>>
      %dma_start3A_115 = tpu.memref_slice %arg8[%mul3A_109] : memref<10000xi32, #tpu.memory_space<vmem>> -> memref<80xi32, #tpu.memory_space<vmem>>
      %dma_start3A_116 = arith.constant 0 : i32
      %dma_start3A_117 = arith.constant 0 : i32
      %dma_start3A_118 = tpu.memref_slice %arg6[%dma_start3A_116, %dma_start3A_117] : memref<10000x128xf32, #tpu.memory_space<vmem_shared>> -> memref<10000x128xf32, #tpu.memory_space<vmem_shared>>
      tpu.enqueue_indirect_dma source(%dma_start3A_114 : memref<80x128xf32, #tpu.memory_space<vmem>>) target(%dma_start3A_118 : memref<10000x128xf32, #tpu.memory_space<vmem_shared>>) offsets(%dma_start3A_115 : memref<80xi32, #tpu.memory_space<vmem>>) semaphore(%arg14 : memref<!tpu.dma_semaphore, #tpu.memory_space<semaphore_mem>>) {add = true}
      %add3A_119 = arith.constant 1 : i32
      %add3A_120 = arith.addi %mul3A_92, %add3A_119 : i32
      %mul3A_121 = arith.constant 80 : i32
      %mul3A_122 = arith.muli %add3A_120, %mul3A_121 : i32
      %dma_wait3A_123 = arith.constant 1 : i32
      %dma_wait3A_124 = arith.constant 0 : i32
      %dma_wait3A_125 = arith.constant 0 : i32
      %dma_wait3A_126 = tpu.memref_slice %arg9[%dma_wait3A_123, %dma_wait3A_124, %dma_wait3A_125] : memref<3x80x128xf32, #tpu.memory_space<vmem>> -> memref<1x80x128xf32, #tpu.memory_space<vmem>>
      %dma_wait3A_127 = tpu.memref_squeeze %dma_wait3A_126 : memref<1x80x128xf32, #tpu.memory_space<vmem>> -> memref<80x128xf32, #tpu.memory_space<vmem>>
      %dma_wait3A_128 = tpu.memref_slice %arg7[%mul3A_122] : memref<10000xi32, #tpu.memory_space<vmem>> -> memref<80xi32, #tpu.memory_space<vmem>>
      %dma_wait3A_129 = arith.constant 0 : i32
      %dma_wait3A_130 = arith.constant 0 : i32
      %dma_wait3A_131 = tpu.memref_slice %arg2[%dma_wait3A_129, %dma_wait3A_130] : memref<10000x128xf32, #tpu.memory_space<hbm>> -> memref<10000x128xf32, #tpu.memory_space<hbm>>
      tpu.wait_indirect_dma semaphore(%arg12 : memref<!tpu.dma_semaphore, #tpu.memory_space<semaphore_mem>>) src(%dma_wait3A_131 : memref<10000x128xf32, #tpu.memory_space<hbm>>) dst(%dma_wait3A_127 : memref<80x128xf32, #tpu.memory_space<vmem>>)
      %add3A_132 = arith.constant 1 : i32
      %add3A_133 = arith.addi %mul3A_92, %add3A_132 : i32
      %mul3A_134 = arith.constant 80 : i32
      %mul3A_135 = arith.muli %add3A_133, %mul3A_134 : i32
      %dma_start3A_136 = arith.constant 1 : i32
      %dma_start3A_137 = arith.constant 0 : i32
      %dma_start3A_138 = arith.constant 0 : i32
      %dma_start3A_139 = tpu.memref_slice %arg9[%dma_start3A_136, %dma_start3A_137, %dma_start3A_138] : memref<3x80x128xf32, #tpu.memory_space<vmem>> -> memref<1x80x128xf32, #tpu.memory_space<vmem>>
      %dma_start3A_140 = tpu.memref_squeeze %dma_start3A_139 : memref<1x80x128xf32, #tpu.memory_space<vmem>> -> memref<80x128xf32, #tpu.memory_space<vmem>>
      %dma_start3A_141 = tpu.memref_slice %arg8[%mul3A_135] : memref<10000xi32, #tpu.memory_space<vmem>> -> memref<80xi32, #tpu.memory_space<vmem>>
      %dma_start3A_142 = arith.constant 0 : i32
      %dma_start3A_143 = arith.constant 0 : i32
      %dma_start3A_144 = tpu.memref_slice %arg6[%dma_start3A_142, %dma_start3A_143] : memref<10000x128xf32, #tpu.memory_space<vmem_shared>> -> memref<10000x128xf32, #tpu.memory_space<vmem_shared>>
      tpu.enqueue_indirect_dma source(%dma_start3A_140 : memref<80x128xf32, #tpu.memory_space<vmem>>) target(%dma_start3A_144 : memref<10000x128xf32, #tpu.memory_space<vmem_shared>>) offsets(%dma_start3A_141 : memref<80xi32, #tpu.memory_space<vmem>>) semaphore(%arg15 : memref<!tpu.dma_semaphore, #tpu.memory_space<semaphore_mem>>) {add = true}
      %add3A_145 = arith.constant 2 : i32
      %add3A_146 = arith.addi %mul3A_92, %add3A_145 : i32
      %mul3A_147 = arith.constant 80 : i32
      %mul3A_148 = arith.muli %add3A_146, %mul3A_147 : i32
      %dma_wait3A_149 = arith.constant 2 : i32
      %dma_wait3A_150 = arith.constant 0 : i32
      %dma_wait3A_151 = arith.constant 0 : i32
      %dma_wait3A_152 = tpu.memref_slice %arg9[%dma_wait3A_149, %dma_wait3A_150, %dma_wait3A_151] : memref<3x80x128xf32, #tpu.memory_space<vmem>> -> memref<1x80x128xf32, #tpu.memory_space<vmem>>
      %dma_wait3A_153 = tpu.memref_squeeze %dma_wait3A_152 : memref<1x80x128xf32, #tpu.memory_space<vmem>> -> memref<80x128xf32, #tpu.memory_space<vmem>>
      %dma_wait3A_154 = tpu.memref_slice %arg7[%mul3A_148] : memref<10000xi32, #tpu.memory_space<vmem>> -> memref<80xi32, #tpu.memory_space<vmem>>
      %dma_wait3A_155 = arith.constant 0 : i32
      %dma_wait3A_156 = arith.constant 0 : i32
      %dma_wait3A_157 = tpu.memref_slice %arg2[%dma_wait3A_155, %dma_wait3A_156] : memref<10000x128xf32, #tpu.memory_space<hbm>> -> memref<10000x128xf32, #tpu.memory_space<hbm>>
      tpu.wait_indirect_dma semaphore(%arg13 : memref<!tpu.dma_semaphore, #tpu.memory_space<semaphore_mem>>) src(%dma_wait3A_157 : memref<10000x128xf32, #tpu.memory_space<hbm>>) dst(%dma_wait3A_153 : memref<80x128xf32, #tpu.memory_space<vmem>>)
      %add3A_158 = arith.constant 2 : i32
      %add3A_159 = arith.addi %mul3A_92, %add3A_158 : i32
      %mul3A_160 = arith.constant 80 : i32
      %mul3A_161 = arith.muli %add3A_159, %mul3A_160 : i32
      %dma_start3A_162 = arith.constant 2 : i32
      %dma_start3A_163 = arith.constant 0 : i32
      %dma_start3A_164 = arith.constant 0 : i32
      %dma_start3A_165 = tpu.memref_slice %arg9[%dma_start3A_162, %dma_start3A_163, %dma_start3A_164] : memref<3x80x128xf32, #tpu.memory_space<vmem>> -> memref<1x80x128xf32, #tpu.memory_space<vmem>>
      %dma_start3A_166 = tpu.memref_squeeze %dma_start3A_165 : memref<1x80x128xf32, #tpu.memory_space<vmem>> -> memref<80x128xf32, #tpu.memory_space<vmem>>
      %dma_start3A_167 = tpu.memref_slice %arg8[%mul3A_161] : memref<10000xi32, #tpu.memory_space<vmem>> -> memref<80xi32, #tpu.memory_space<vmem>>
      %dma_start3A_168 = arith.constant 0 : i32
      %dma_start3A_169 = arith.constant 0 : i32
      %dma_start3A_170 = tpu.memref_slice %arg6[%dma_start3A_168, %dma_start3A_169] : memref<10000x128xf32, #tpu.memory_space<vmem_shared>> -> memref<10000x128xf32, #tpu.memory_space<vmem_shared>>
      tpu.enqueue_indirect_dma source(%dma_start3A_166 : memref<80x128xf32, #tpu.memory_space<vmem>>) target(%dma_start3A_170 : memref<10000x128xf32, #tpu.memory_space<vmem_shared>>) offsets(%dma_start3A_167 : memref<80xi32, #tpu.memory_space<vmem>>) semaphore(%arg16 : memref<!tpu.dma_semaphore, #tpu.memory_space<semaphore_mem>>) {add = true}
      %add3A_171 = arith.constant 0 : i32
      %add3A_172 = arith.addi %mul3A_92, %add3A_171 : i32
      %mul3A_173 = arith.constant 80 : i32
      %mul3A_174 = arith.muli %add3A_172, %mul3A_173 : i32
      %dma_wait3A_175 = arith.constant 0 : i32
      %dma_wait3A_176 = arith.constant 0 : i32
      %dma_wait3A_177 = arith.constant 0 : i32
      %dma_wait3A_178 = tpu.memref_slice %arg9[%dma_wait3A_175, %dma_wait3A_176, %dma_wait3A_177] : memref<3x80x128xf32, #tpu.memory_space<vmem>> -> memref<1x80x128xf32, #tpu.memory_space<vmem>>
      %dma_wait3A_179 = tpu.memref_squeeze %dma_wait3A_178 : memref<1x80x128xf32, #tpu.memory_space<vmem>> -> memref<80x128xf32, #tpu.memory_space<vmem>>
      %dma_wait3A_180 = tpu.memref_slice %arg8[%mul3A_174] : memref<10000xi32, #tpu.memory_space<vmem>> -> memref<80xi32, #tpu.memory_space<vmem>>
      %dma_wait3A_181 = arith.constant 0 : i32
      %dma_wait3A_182 = arith.constant 0 : i32
      %dma_wait3A_183 = tpu.memref_slice %arg6[%dma_wait3A_181, %dma_wait3A_182] : memref<10000x128xf32, #tpu.memory_space<vmem_shared>> -> memref<10000x128xf32, #tpu.memory_space<vmem_shared>>
      tpu.wait_indirect_dma semaphore(%arg14 : memref<!tpu.dma_semaphore, #tpu.memory_space<semaphore_mem>>) src(%dma_wait3A_179 : memref<80x128xf32, #tpu.memory_space<vmem>>) dst(%dma_wait3A_183 : memref<10000x128xf32, #tpu.memory_space<vmem_shared>>)
      %add3A_184 = arith.constant 0 : i32
      %add3A_185 = arith.addi %mul3A_92, %add3A_184 : i32
      %add3A_186 = arith.constant 3 : i32
      %add3A_187 = arith.addi %add3A_185, %add3A_186 : i32
      %lt3A = arith.constant 125 : i32
      %lt3A_188 = arith.cmpi slt, %add3A_187, %lt3A : i32
      %convert_element_type3A_189 = arith.extui %lt3A_188 : i1 to i32
      %cond3A_190 = arith.constant 0 : i32
      %cond3A_191 = arith.cmpi ne, %convert_element_type3A_189, %cond3A_190 : i32
      scf.if %cond3A_191 {
        %add3A_236 = arith.constant 0 : i32
        %add3A_237 = arith.addi %mul3A_92, %add3A_236 : i32
        %add3A_238 = arith.constant 3 : i32
        %add3A_239 = arith.addi %add3A_237, %add3A_238 : i32
        %mul3A_240 = arith.constant 80 : i32
        %mul3A_241 = arith.muli %add3A_239, %mul3A_240 : i32
        %dma_start3A_242 = arith.constant 0 : i32
        %dma_start3A_243 = arith.constant 0 : i32
        %dma_start3A_244 = arith.constant 0 : i32
        %dma_start3A_245 = tpu.memref_slice %arg9[%dma_start3A_242, %dma_start3A_243, %dma_start3A_244] : memref<3x80x128xf32, #tpu.memory_space<vmem>> -> memref<1x80x128xf32, #tpu.memory_space<vmem>>
        %dma_start3A_246 = tpu.memref_squeeze %dma_start3A_245 : memref<1x80x128xf32, #tpu.memory_space<vmem>> -> memref<80x128xf32, #tpu.memory_space<vmem>>
        %dma_start3A_247 = tpu.memref_slice %arg7[%mul3A_241] : memref<10000xi32, #tpu.memory_space<vmem>> -> memref<80xi32, #tpu.memory_space<vmem>>
        %dma_start3A_248 = arith.constant 0 : i32
        %dma_start3A_249 = arith.constant 0 : i32
        %dma_start3A_250 = tpu.memref_slice %arg2[%dma_start3A_248, %dma_start3A_249] : memref<10000x128xf32, #tpu.memory_space<hbm>> -> memref<10000x128xf32, #tpu.memory_space<hbm>>
        tpu.enqueue_indirect_dma source(%dma_start3A_250 : memref<10000x128xf32, #tpu.memory_space<hbm>>) target(%dma_start3A_246 : memref<80x128xf32, #tpu.memory_space<vmem>>) offsets(%dma_start3A_247 : memref<80xi32, #tpu.memory_space<vmem>>) semaphore(%arg11 : memref<!tpu.dma_semaphore, #tpu.memory_space<semaphore_mem>>)
      } else {
      }
      %add3A_192 = arith.constant 1 : i32
      %add3A_193 = arith.addi %mul3A_92, %add3A_192 : i32
      %mul3A_194 = arith.constant 80 : i32
      %mul3A_195 = arith.muli %add3A_193, %mul3A_194 : i32
      %dma_wait3A_196 = arith.constant 1 : i32
      %dma_wait3A_197 = arith.constant 0 : i32
      %dma_wait3A_198 = arith.constant 0 : i32
      %dma_wait3A_199 = tpu.memref_slice %arg9[%dma_wait3A_196, %dma_wait3A_197, %dma_wait3A_198] : memref<3x80x128xf32, #tpu.memory_space<vmem>> -> memref<1x80x128xf32, #tpu.memory_space<vmem>>
      %dma_wait3A_200 = tpu.memref_squeeze %dma_wait3A_199 : memref<1x80x128xf32, #tpu.memory_space<vmem>> -> memref<80x128xf32, #tpu.memory_space<vmem>>
      %dma_wait3A_201 = tpu.memref_slice %arg8[%mul3A_195] : memref<10000xi32, #tpu.memory_space<vmem>> -> memref<80xi32, #tpu.memory_space<vmem>>
      %dma_wait3A_202 = arith.constant 0 : i32
      %dma_wait3A_203 = arith.constant 0 : i32
      %dma_wait3A_204 = tpu.memref_slice %arg6[%dma_wait3A_202, %dma_wait3A_203] : memref<10000x128xf32, #tpu.memory_space<vmem_shared>> -> memref<10000x128xf32, #tpu.memory_space<vmem_shared>>
      tpu.wait_indirect_dma semaphore(%arg15 : memref<!tpu.dma_semaphore, #tpu.memory_space<semaphore_mem>>) src(%dma_wait3A_200 : memref<80x128xf32, #tpu.memory_space<vmem>>) dst(%dma_wait3A_204 : memref<10000x128xf32, #tpu.memory_space<vmem_shared>>)
      %add3A_205 = arith.constant 1 : i32
      %add3A_206 = arith.addi %mul3A_92, %add3A_205 : i32
      %add3A_207 = arith.constant 3 : i32
      %add3A_208 = arith.addi %add3A_206, %add3A_207 : i32
      %lt3A_209 = arith.constant 125 : i32
      %lt3A_210 = arith.cmpi slt, %add3A_208, %lt3A_209 : i32
      %convert_element_type3A_211 = arith.extui %lt3A_210 : i1 to i32
      %cond3A_212 = arith.constant 0 : i32
      %cond3A_213 = arith.cmpi ne, %convert_element_type3A_211, %cond3A_212 : i32
      scf.if %cond3A_213 {
        %add3A_236 = arith.constant 1 : i32
        %add3A_237 = arith.addi %mul3A_92, %add3A_236 : i32
        %add3A_238 = arith.constant 3 : i32
        %add3A_239 = arith.addi %add3A_237, %add3A_238 : i32
        %mul3A_240 = arith.constant 80 : i32
        %mul3A_241 = arith.muli %add3A_239, %mul3A_240 : i32
        %dma_start3A_242 = arith.constant 1 : i32
        %dma_start3A_243 = arith.constant 0 : i32
        %dma_start3A_244 = arith.constant 0 : i32
        %dma_start3A_245 = tpu.memref_slice %arg9[%dma_start3A_242, %dma_start3A_243, %dma_start3A_244] : memref<3x80x128xf32, #tpu.memory_space<vmem>> -> memref<1x80x128xf32, #tpu.memory_space<vmem>>
        %dma_start3A_246 = tpu.memref_squeeze %dma_start3A_245 : memref<1x80x128xf32, #tpu.memory_space<vmem>> -> memref<80x128xf32, #tpu.memory_space<vmem>>
        %dma_start3A_247 = tpu.memref_slice %arg7[%mul3A_241] : memref<10000xi32, #tpu.memory_space<vmem>> -> memref<80xi32, #tpu.memory_space<vmem>>
        %dma_start3A_248 = arith.constant 0 : i32
        %dma_start3A_249 = arith.constant 0 : i32
        %dma_start3A_250 = tpu.memref_slice %arg2[%dma_start3A_248, %dma_start3A_249] : memref<10000x128xf32, #tpu.memory_space<hbm>> -> memref<10000x128xf32, #tpu.memory_space<hbm>>
        tpu.enqueue_indirect_dma source(%dma_start3A_250 : memref<10000x128xf32, #tpu.memory_space<hbm>>) target(%dma_start3A_246 : memref<80x128xf32, #tpu.memory_space<vmem>>) offsets(%dma_start3A_247 : memref<80xi32, #tpu.memory_space<vmem>>) semaphore(%arg12 : memref<!tpu.dma_semaphore, #tpu.memory_space<semaphore_mem>>)
      } else {
      }
      %add3A_214 = arith.constant 2 : i32
      %add3A_215 = arith.addi %mul3A_92, %add3A_214 : i32
      %mul3A_216 = arith.constant 80 : i32
      %mul3A_217 = arith.muli %add3A_215, %mul3A_216 : i32
      %dma_wait3A_218 = arith.constant 2 : i32
      %dma_wait3A_219 = arith.constant 0 : i32
      %dma_wait3A_220 = arith.constant 0 : i32
      %dma_wait3A_221 = tpu.memref_slice %arg9[%dma_wait3A_218, %dma_wait3A_219, %dma_wait3A_220] : memref<3x80x128xf32, #tpu.memory_space<vmem>> -> memref<1x80x128xf32, #tpu.memory_space<vmem>>
      %dma_wait3A_222 = tpu.memref_squeeze %dma_wait3A_221 : memref<1x80x128xf32, #tpu.memory_space<vmem>> -> memref<80x128xf32, #tpu.memory_space<vmem>>
      %dma_wait3A_223 = tpu.memref_slice %arg8[%mul3A_217] : memref<10000xi32, #tpu.memory_space<vmem>> -> memref<80xi32, #tpu.memory_space<vmem>>
      %dma_wait3A_224 = arith.constant 0 : i32
      %dma_wait3A_225 = arith.constant 0 : i32
      %dma_wait3A_226 = tpu.memref_slice %arg6[%dma_wait3A_224, %dma_wait3A_225] : memref<10000x128xf32, #tpu.memory_space<vmem_shared>> -> memref<10000x128xf32, #tpu.memory_space<vmem_shared>>
      tpu.wait_indirect_dma semaphore(%arg16 : memref<!tpu.dma_semaphore, #tpu.memory_space<semaphore_mem>>) src(%dma_wait3A_222 : memref<80x128xf32, #tpu.memory_space<vmem>>) dst(%dma_wait3A_226 : memref<10000x128xf32, #tpu.memory_space<vmem_shared>>)
      %add3A_227 = arith.constant 2 : i32
      %add3A_228 = arith.addi %mul3A_92, %add3A_227 : i32
      %add3A_229 = arith.constant 3 : i32
      %add3A_230 = arith.addi %add3A_228, %add3A_229 : i32
      %lt3A_231 = arith.constant 125 : i32
      %lt3A_232 = arith.cmpi slt, %add3A_230, %lt3A_231 : i32
      %convert_element_type3A_233 = arith.extui %lt3A_232 : i1 to i32
      %cond3A_234 = arith.constant 0 : i32
      %cond3A_235 = arith.cmpi ne, %convert_element_type3A_233, %cond3A_234 : i32
      scf.if %cond3A_235 {
        %add3A_236 = arith.constant 2 : i32
        %add3A_237 = arith.addi %mul3A_92, %add3A_236 : i32
        %add3A_238 = arith.constant 3 : i32
        %add3A_239 = arith.addi %add3A_237, %add3A_238 : i32
        %mul3A_240 = arith.constant 80 : i32
        %mul3A_241 = arith.muli %add3A_239, %mul3A_240 : i32
        %dma_start3A_242 = arith.constant 2 : i32
        %dma_start3A_243 = arith.constant 0 : i32
        %dma_start3A_244 = arith.constant 0 : i32
        %dma_start3A_245 = tpu.memref_slice %arg9[%dma_start3A_242, %dma_start3A_243, %dma_start3A_244] : memref<3x80x128xf32, #tpu.memory_space<vmem>> -> memref<1x80x128xf32, #tpu.memory_space<vmem>>
        %dma_start3A_246 = tpu.memref_squeeze %dma_start3A_245 : memref<1x80x128xf32, #tpu.memory_space<vmem>> -> memref<80x128xf32, #tpu.memory_space<vmem>>
        %dma_start3A_247 = tpu.memref_slice %arg7[%mul3A_241] : memref<10000xi32, #tpu.memory_space<vmem>> -> memref<80xi32, #tpu.memory_space<vmem>>
        %dma_start3A_248 = arith.constant 0 : i32
        %dma_start3A_249 = arith.constant 0 : i32
        %dma_start3A_250 = tpu.memref_slice %arg2[%dma_start3A_248, %dma_start3A_249] : memref<10000x128xf32, #tpu.memory_space<hbm>> -> memref<10000x128xf32, #tpu.memory_space<hbm>>
        tpu.enqueue_indirect_dma source(%dma_start3A_250 : memref<10000x128xf32, #tpu.memory_space<hbm>>) target(%dma_start3A_246 : memref<80x128xf32, #tpu.memory_space<vmem>>) offsets(%dma_start3A_247 : memref<80xi32, #tpu.memory_space<vmem>>) semaphore(%arg13 : memref<!tpu.dma_semaphore, #tpu.memory_space<semaphore_mem>>)
      } else {
      }
    }
    %scan3A_59 = arith.constant 41 : i32
    %dma_wait3A_60 = arith.constant 0 : i32
    %dma_wait3A_61 = arith.constant 0 : i32
    %dma_wait3A_62 = arith.constant 0 : i32
    %dma_wait3A_63 = tpu.memref_slice %arg9[%dma_wait3A_60, %dma_wait3A_61, %dma_wait3A_62] : memref<3x80x128xf32, #tpu.memory_space<vmem>> -> memref<1x80x128xf32, #tpu.memory_space<vmem>>
    %dma_wait3A_64 = tpu.memref_squeeze %dma_wait3A_63 : memref<1x80x128xf32, #tpu.memory_space<vmem>> -> memref<80x128xf32, #tpu.memory_space<vmem>>
    %dma_wait3A_65 = arith.constant 9840 : i32
    %dma_wait3A_66 = tpu.memref_slice %arg7[%dma_wait3A_65] : memref<10000xi32, #tpu.memory_space<vmem>> -> memref<80xi32, #tpu.memory_space<vmem>>
    %dma_wait3A_67 = arith.constant 0 : i32
    %dma_wait3A_68 = arith.constant 0 : i32
    %dma_wait3A_69 = tpu.memref_slice %arg2[%dma_wait3A_67, %dma_wait3A_68] : memref<10000x128xf32, #tpu.memory_space<hbm>> -> memref<10000x128xf32, #tpu.memory_space<hbm>>
    tpu.wait_indirect_dma semaphore(%arg11 : memref<!tpu.dma_semaphore, #tpu.memory_space<semaphore_mem>>) src(%dma_wait3A_69 : memref<10000x128xf32, #tpu.memory_space<hbm>>) dst(%dma_wait3A_64 : memref<80x128xf32, #tpu.memory_space<vmem>>)
    %run_scoped3A = arith.constant 0 : i32
    "tpu.region"() ({
      %run_scoped3A_90 = tpu.sem_alloc : memref<!tpu.dma_semaphore, #tpu.memory_space<semaphore_mem>>
      %dma_start3A_91 = arith.constant 0 : i32
      %dma_start3A_92 = arith.constant 0 : i32
      %dma_start3A_93 = tpu.memref_slice %arg9[%run_scoped3A, %dma_start3A_91, %dma_start3A_92] : memref<3x80x128xf32, #tpu.memory_space<vmem>> -> memref<1x80x128xf32, #tpu.memory_space<vmem>>
      %dma_start3A_94 = tpu.memref_squeeze %dma_start3A_93 : memref<1x80x128xf32, #tpu.memory_space<vmem>> -> memref<80x128xf32, #tpu.memory_space<vmem>>
      %dma_start3A_95 = arith.constant 9840 : i32
      %dma_start3A_96 = tpu.memref_slice %arg8[%dma_start3A_95] : memref<10000xi32, #tpu.memory_space<vmem>> -> memref<80xi32, #tpu.memory_space<vmem>>
      %dma_start3A_97 = arith.constant 0 : i32
      %dma_start3A_98 = arith.constant 0 : i32
      %dma_start3A_99 = tpu.memref_slice %arg6[%dma_start3A_97, %dma_start3A_98] : memref<10000x128xf32, #tpu.memory_space<vmem_shared>> -> memref<10000x128xf32, #tpu.memory_space<vmem_shared>>
      tpu.enqueue_indirect_dma source(%dma_start3A_94 : memref<80x128xf32, #tpu.memory_space<vmem>>) target(%dma_start3A_99 : memref<10000x128xf32, #tpu.memory_space<vmem_shared>>) offsets(%dma_start3A_96 : memref<80xi32, #tpu.memory_space<vmem>>) semaphore(%run_scoped3A_90 : memref<!tpu.dma_semaphore, #tpu.memory_space<semaphore_mem>>) {add = true}
      %dma_wait3A_100 = arith.constant 0 : i32
      %dma_wait3A_101 = arith.constant 0 : i32
      %dma_wait3A_102 = tpu.memref_slice %arg9[%run_scoped3A, %dma_wait3A_100, %dma_wait3A_101] : memref<3x80x128xf32, #tpu.memory_space<vmem>> -> memref<1x80x128xf32, #tpu.memory_space<vmem>>
      %dma_wait3A_103 = tpu.memref_squeeze %dma_wait3A_102 : memref<1x80x128xf32, #tpu.memory_space<vmem>> -> memref<80x128xf32, #tpu.memory_space<vmem>>
      %dma_wait3A_104 = arith.constant 9840 : i32
      %dma_wait3A_105 = tpu.memref_slice %arg8[%dma_wait3A_104] : memref<10000xi32, #tpu.memory_space<vmem>> -> memref<80xi32, #tpu.memory_space<vmem>>
      %dma_wait3A_106 = arith.constant 0 : i32
      %dma_wait3A_107 = arith.constant 0 : i32
      %dma_wait3A_108 = tpu.memref_slice %arg6[%dma_wait3A_106, %dma_wait3A_107] : memref<10000x128xf32, #tpu.memory_space<vmem_shared>> -> memref<10000x128xf32, #tpu.memory_space<vmem_shared>>
      tpu.wait_indirect_dma semaphore(%run_scoped3A_90 : memref<!tpu.dma_semaphore, #tpu.memory_space<semaphore_mem>>) src(%dma_wait3A_103 : memref<80x128xf32, #tpu.memory_space<vmem>>) dst(%dma_wait3A_108 : memref<10000x128xf32, #tpu.memory_space<vmem_shared>>)
      tpu.yield
    }) : () -> ()
    %dma_wait3A_70 = arith.constant 1 : i32
    %dma_wait3A_71 = arith.constant 0 : i32
    %dma_wait3A_72 = arith.constant 0 : i32
    %dma_wait3A_73 = tpu.memref_slice %arg9[%dma_wait3A_70, %dma_wait3A_71, %dma_wait3A_72] : memref<3x80x128xf32, #tpu.memory_space<vmem>> -> memref<1x80x128xf32, #tpu.memory_space<vmem>>
    %dma_wait3A_74 = tpu.memref_squeeze %dma_wait3A_73 : memref<1x80x128xf32, #tpu.memory_space<vmem>> -> memref<80x128xf32, #tpu.memory_space<vmem>>
    %dma_wait3A_75 = arith.constant 9920 : i32
    %dma_wait3A_76 = tpu.memref_slice %arg7[%dma_wait3A_75] : memref<10000xi32, #tpu.memory_space<vmem>> -> memref<80xi32, #tpu.memory_space<vmem>>
    %dma_wait3A_77 = arith.constant 0 : i32
    %dma_wait3A_78 = arith.constant 0 : i32
    %dma_wait3A_79 = tpu.memref_slice %arg2[%dma_wait3A_77, %dma_wait3A_78] : memref<10000x128xf32, #tpu.memory_space<hbm>> -> memref<10000x128xf32, #tpu.memory_space<hbm>>
    tpu.wait_indirect_dma semaphore(%arg12 : memref<!tpu.dma_semaphore, #tpu.memory_space<semaphore_mem>>) src(%dma_wait3A_79 : memref<10000x128xf32, #tpu.memory_space<hbm>>) dst(%dma_wait3A_74 : memref<80x128xf32, #tpu.memory_space<vmem>>)
    %run_scoped3A_80 = arith.constant 1 : i32
    "tpu.region"() ({
      %run_scoped3A_90 = tpu.sem_alloc : memref<!tpu.dma_semaphore, #tpu.memory_space<semaphore_mem>>
      %dma_start3A_91 = arith.constant 0 : i32
      %dma_start3A_92 = arith.constant 0 : i32
      %dma_start3A_93 = tpu.memref_slice %arg9[%run_scoped3A_80, %dma_start3A_91, %dma_start3A_92] : memref<3x80x128xf32, #tpu.memory_space<vmem>> -> memref<1x80x128xf32, #tpu.memory_space<vmem>>
      %dma_start3A_94 = tpu.memref_squeeze %dma_start3A_93 : memref<1x80x128xf32, #tpu.memory_space<vmem>> -> memref<80x128xf32, #tpu.memory_space<vmem>>
      %dma_start3A_95 = arith.constant 9920 : i32
      %dma_start3A_96 = tpu.memref_slice %arg8[%dma_start3A_95] : memref<10000xi32, #tpu.memory_space<vmem>> -> memref<80xi32, #tpu.memory_space<vmem>>
      %dma_start3A_97 = arith.constant 0 : i32
      %dma_start3A_98 = arith.constant 0 : i32
      %dma_start3A_99 = tpu.memref_slice %arg6[%dma_start3A_97, %dma_start3A_98] : memref<10000x128xf32, #tpu.memory_space<vmem_shared>> -> memref<10000x128xf32, #tpu.memory_space<vmem_shared>>
      tpu.enqueue_indirect_dma source(%dma_start3A_94 : memref<80x128xf32, #tpu.memory_space<vmem>>) target(%dma_start3A_99 : memref<10000x128xf32, #tpu.memory_space<vmem_shared>>) offsets(%dma_start3A_96 : memref<80xi32, #tpu.memory_space<vmem>>) semaphore(%run_scoped3A_90 : memref<!tpu.dma_semaphore, #tpu.memory_space<semaphore_mem>>) {add = true}
      %dma_wait3A_100 = arith.constant 0 : i32
      %dma_wait3A_101 = arith.constant 0 : i32
      %dma_wait3A_102 = tpu.memref_slice %arg9[%run_scoped3A_80, %dma_wait3A_100, %dma_wait3A_101] : memref<3x80x128xf32, #tpu.memory_space<vmem>> -> memref<1x80x128xf32, #tpu.memory_space<vmem>>
      %dma_wait3A_103 = tpu.memref_squeeze %dma_wait3A_102 : memref<1x80x128xf32, #tpu.memory_space<vmem>> -> memref<80x128xf32, #tpu.memory_space<vmem>>
      %dma_wait3A_104 = arith.constant 9920 : i32
      %dma_wait3A_105 = tpu.memref_slice %arg8[%dma_wait3A_104] : memref<10000xi32, #tpu.memory_space<vmem>> -> memref<80xi32, #tpu.memory_space<vmem>>
      %dma_wait3A_106 = arith.constant 0 : i32
      %dma_wait3A_107 = arith.constant 0 : i32
      %dma_wait3A_108 = tpu.memref_slice %arg6[%dma_wait3A_106, %dma_wait3A_107] : memref<10000x128xf32, #tpu.memory_space<vmem_shared>> -> memref<10000x128xf32, #tpu.memory_space<vmem_shared>>
      tpu.wait_indirect_dma semaphore(%run_scoped3A_90 : memref<!tpu.dma_semaphore, #tpu.memory_space<semaphore_mem>>) src(%dma_wait3A_103 : memref<80x128xf32, #tpu.memory_space<vmem>>) dst(%dma_wait3A_108 : memref<10000x128xf32, #tpu.memory_space<vmem_shared>>)
      tpu.yield
    }) : () -> ()
    %barrier3A_81 = arith.constant 0 : index
    tpu.barrier barrier_id(%barrier3A_81)
    %not3A_82 = arith.constant true
    %not3A_83 = arith.xori %eq3A_3, %not3A_82 : i1
    %convert_element_type3A_84 = arith.extui %not3A_83 : i1 to i32
    %cond3A_85 = arith.constant 0 : i32
    %cond3A_86 = arith.cmpi ne, %convert_element_type3A_84, %cond3A_85 : i32
    scf.if %cond3A_86 {
      %mul3A_90 = arith.constant 10000 : i32
      %mul3A_91 = arith.muli %arg0, %mul3A_90 : i32
      %add3A_92 = arith.addi %mul3A_91, %mul3A_2 : i32
      "tpu.region"() ({
        %run_scoped3A_93 = tpu.sem_alloc : memref<!tpu.dma_semaphore, #tpu.memory_space<semaphore_mem>>
        %dma_start3A_94 = arith.constant 0 : i32
        %dma_start3A_95 = tpu.memref_slice %arg5[%add3A_92, %dma_start3A_94] : memref<20000x128xf32, #tpu.memory_space<hbm>> -> memref<624x128xf32, #tpu.memory_space<hbm>>
        %dma_start3A_96 = arith.constant 0 : i32
        %dma_start3A_97 = tpu.memref_slice %arg6[%mul3A_2, %dma_start3A_96] : memref<10000x128xf32, #tpu.memory_space<vmem_shared>> -> memref<624x128xf32, #tpu.memory_space<vmem_shared>>
        tpu.enqueue_dma source(%dma_start3A_97 : memref<624x128xf32, #tpu.memory_space<vmem_shared>>) target(%dma_start3A_95 : memref<624x128xf32, #tpu.memory_space<hbm>>) target_semaphore(%run_scoped3A_93 : memref<!tpu.dma_semaphore, #tpu.memory_space<semaphore_mem>>)
        %dma_wait3A_98 = arith.constant 0 : i32
        %dma_wait3A_99 = tpu.memref_slice %arg5[%add3A_92, %dma_wait3A_98] : memref<20000x128xf32, #tpu.memory_space<hbm>> -> memref<624x128xf32, #tpu.memory_space<hbm>>
        %dma_wait3A_100 = arith.constant 0 : i32
        %dma_wait3A_101 = tpu.memref_slice %arg6[%mul3A_2, %dma_wait3A_100] : memref<10000x128xf32, #tpu.memory_space<vmem_shared>> -> memref<624x128xf32, #tpu.memory_space<vmem_shared>>
        tpu.wait_dma2 semaphore(%run_scoped3A_93 : memref<!tpu.dma_semaphore, #tpu.memory_space<semaphore_mem>>) src(%dma_wait3A_101 : memref<624x128xf32, #tpu.memory_space<vmem_shared>>) dst(%dma_wait3A_99 : memref<624x128xf32, #tpu.memory_space<hbm>>)
        tpu.yield
      }) : () -> ()
    } else {
    }
    %convert_element_type3A_87 = arith.extui %eq3A_3 : i1 to i32
    %cond3A_88 = arith.constant 0 : i32
    %cond3A_89 = arith.cmpi ne, %convert_element_type3A_87, %cond3A_88 : i32
    scf.if %cond3A_89 {
      %mul3A_90 = arith.constant 10000 : i32
      %mul3A_91 = arith.muli %arg0, %mul3A_90 : i32
      %add3A_92 = arith.addi %mul3A_91, %mul3A_2 : i32
      "tpu.region"() ({
        %run_scoped3A_93 = tpu.sem_alloc : memref<!tpu.dma_semaphore, #tpu.memory_space<semaphore_mem>>
        %dma_start3A_94 = arith.constant 0 : i32
        %dma_start3A_95 = tpu.memref_slice %arg5[%add3A_92, %dma_start3A_94] : memref<20000x128xf32, #tpu.memory_space<hbm>> -> memref<640x128xf32, #tpu.memory_space<hbm>>
        %dma_start3A_96 = arith.constant 0 : i32
        %dma_start3A_97 = tpu.memref_slice %arg6[%mul3A_2, %dma_start3A_96] : memref<10000x128xf32, #tpu.memory_space<vmem_shared>> -> memref<640x128xf32, #tpu.memory_space<vmem_shared>>
        tpu.enqueue_dma source(%dma_start3A_97 : memref<640x128xf32, #tpu.memory_space<vmem_shared>>) target(%dma_start3A_95 : memref<640x128xf32, #tpu.memory_space<hbm>>) target_semaphore(%run_scoped3A_93 : memref<!tpu.dma_semaphore, #tpu.memory_space<semaphore_mem>>)
        %dma_wait3A_98 = arith.constant 0 : i32
        %dma_wait3A_99 = tpu.memref_slice %arg5[%add3A_92, %dma_wait3A_98] : memref<20000x128xf32, #tpu.memory_space<hbm>> -> memref<640x128xf32, #tpu.memory_space<hbm>>
        %dma_wait3A_100 = arith.constant 0 : i32
        %dma_wait3A_101 = tpu.memref_slice %arg6[%mul3A_2, %dma_wait3A_100] : memref<10000x128xf32, #tpu.memory_space<vmem_shared>> -> memref<640x128xf32, #tpu.memory_space<vmem_shared>>
        tpu.wait_dma2 semaphore(%run_scoped3A_93 : memref<!tpu.dma_semaphore, #tpu.memory_space<semaphore_mem>>) src(%dma_wait3A_101 : memref<640x128xf32, #tpu.memory_space<vmem_shared>>) dst(%dma_wait3A_99 : memref<640x128xf32, #tpu.memory_space<hbm>>)
        tpu.yield
      }) : () -> ()
    } else {
    }
    return
  }
}

module attributes {stable_mosaic.version = 14 : i64} {
  func.func @_lin_body(%arg0: i32, %arg1: memref<1000x128xf32, #tpu.memory_space<vmem>>, %arg2: memref<128x128xf32, #tpu.memory_space<vmem>>, %arg3: memref<1x128xf32, #tpu.memory_space<vmem>>, %arg4: memref<1000x128xf32, #tpu.memory_space<vmem>>) attributes {dimension_semantics = [#tpu.dimension_semantics<arbitrary>], iteration_bounds = array<i64: 10>, scalar_prefetch = 0 : i64, scratch_operands = 0 : i64, tpu.core_type = #tpu.core_type<tc>, window_params = [{transform_indices = @transform_0, window_bounds = array<i64: 1000, 128>}, {pipeline_mode = #tpu.pipeline_mode<synchronous>, transform_indices = @transform_1, window_bounds = array<i64: 128, 128>}, {pipeline_mode = #tpu.pipeline_mode<synchronous>, transform_indices = @transform_2, window_bounds = array<i64: 1, 128>}, {transform_indices = @transform_3, window_bounds = array<i64: 1000, 128>}]} {
    %get3A = arith.constant 0 : index
    %get3A_0 = arith.constant 0 : index
    %get3A_1 = vector.load %arg1[%get3A, %get3A_0] : memref<1000x128xf32, #tpu.memory_space<vmem>>, vector<1000x128xf32>
    %get3A_2 = arith.constant 0 : index
    %get3A_3 = arith.constant 0 : index
    %get3A_4 = vector.load %arg2[%get3A_2, %get3A_3] : memref<128x128xf32, #tpu.memory_space<vmem>>, vector<128x128xf32>
    %dot_general3A = arith.constant dense<0.000000e+00> : vector<1000x128xf32>
    %dot_general3A_5 = tpu.matmul %get3A_1, %get3A_4, %dot_general3A {dimension_numbers = #tpu.dot_dimension_numbers<[1], [0], [0], [1], [0, 0, 1, 1], [], []>, transpose_lhs_hint = false} : vector<1000x128xf32>, vector<128x128xf32>, vector<1000x128xf32> -> vector<1000x128xf32>
    %get3A_6 = arith.constant 0 : index
    %get3A_7 = arith.constant 0 : index
    %get3A_8 = vector.load %arg3[%get3A_6, %get3A_7] : memref<1x128xf32, #tpu.memory_space<vmem>>, vector<1x128xf32>
    %add3A = vector.broadcast %get3A_8 : vector<1x128xf32> to vector<1000x128xf32>
    %add3A_9 = arith.addf %dot_general3A_5, %add3A : vector<1000x128xf32>
    %max3A = arith.constant 0.000000e+00 : f32
    %max3A_10 = vector.broadcast %max3A : f32 to vector<1000x128xf32>
    %max3A_11 = arith.maximumf %add3A_9, %max3A_10 : vector<1000x128xf32>
    %swap3A = arith.constant 0 : index
    %swap3A_12 = arith.constant 0 : index
    %swap3A_13 = vector.load %arg4[%swap3A, %swap3A_12] : memref<1000x128xf32, #tpu.memory_space<vmem>>, vector<1000x128xf32>
    tpu.vector_store %arg4[%swap3A, %swap3A_12], %max3A_11 {strides = array<i32>} : memref<1000x128xf32, #tpu.memory_space<vmem>>, vector<1000x128xf32>,
    return
  }
  func.func @transform_0(%arg0: i32) -> (i32, i32) {
    %c0_i32 = arith.constant 0 : i32
    %c0_i32_0 = arith.constant 0 : i32
    return %arg0, %c0_i32 : i32, i32
  }
  func.func @transform_1(%arg0: i32) -> (i32, i32) {
    %c0_i32 = arith.constant 0 : i32
    %c0_i32_0 = arith.constant 0 : i32
    %c0_i32_1 = arith.constant 0 : i32
    return %c0_i32, %c0_i32_0 : i32, i32
  }
  func.func @transform_2(%arg0: i32) -> (i32, i32) {
    %c0_i32 = arith.constant 0 : i32
    %c0_i32_0 = arith.constant 0 : i32
    %c0_i32_1 = arith.constant 0 : i32
    return %c0_i32, %c0_i32_0 : i32, i32
  }
  func.func @transform_3(%arg0: i32) -> (i32, i32) {
    %c0_i32 = arith.constant 0 : i32
    %c0_i32_0 = arith.constant 0 : i32
    return %arg0, %c0_i32 : i32, i32
  }
}

module attributes {stable_mosaic.version = 14 : i64} {
  func.func @_upd_body(%arg0: i32, %arg1: memref<1000x128xf32, #tpu.memory_space<vmem>>, %arg2: memref<1000x128xf32, #tpu.memory_space<vmem>>, %arg3: memref<1000x128xf32, #tpu.memory_space<vmem>>, %arg4: memref<1000x8xf32, #tpu.memory_space<vmem>>, %arg5: memref<1000x8xf32, #tpu.memory_space<vmem>>, %arg6: memref<1000x128xf32, #tpu.memory_space<vmem>>) attributes {dimension_semantics = [#tpu.dimension_semantics<arbitrary>], iteration_bounds = array<i64: 10>, scalar_prefetch = 0 : i64, scratch_operands = 0 : i64, tpu.core_type = #tpu.core_type<tc>, window_params = [{transform_indices = @transform_0, window_bounds = array<i64: 1000, 128>}, {transform_indices = @transform_1, window_bounds = array<i64: 1000, 128>}, {transform_indices = @transform_2, window_bounds = array<i64: 1000, 128>}, {transform_indices = @transform_3, window_bounds = array<i64: 1000, 8>}, {transform_indices = @transform_4, window_bounds = array<i64: 1000, 8>}, {transform_indices = @transform_5, window_bounds = array<i64: 1000, 128>}]} {
    %get3A = arith.constant 0 : index
    %get3A_0 = arith.constant 0 : index
    %get3A_1 = vector.load %arg4[%get3A, %get3A_0] : memref<1000x8xf32, #tpu.memory_space<vmem>>, vector<1000x1xf32>
    %get3A_2 = arith.constant 0 : index
    %get3A_3 = arith.constant 0 : index
    %get3A_4 = vector.load %arg5[%get3A_2, %get3A_3] : memref<1000x8xf32, #tpu.memory_space<vmem>>, vector<1000x1xf32>
    %add3A = arith.addf %get3A_1, %get3A_4 : vector<1000x1xf32>
    %max3A = arith.constant 1.000000e+00 : f32
    %max3A_5 = vector.broadcast %max3A : f32 to vector<1000x1xf32>
    %max3A_6 = arith.maximumf %add3A, %max3A_5 : vector<1000x1xf32>
    %div3A = arith.constant 1.000000e+00 : f32
    %div3A_7 = vector.broadcast %div3A : f32 to vector<1000x1xf32>
    %div3A_8 = arith.divf %div3A_7, %max3A_6 : vector<1000x1xf32>
    %get3A_9 = arith.constant 0 : index
    %get3A_10 = arith.constant 0 : index
    %get3A_11 = vector.load %arg1[%get3A_9, %get3A_10] : memref<1000x128xf32, #tpu.memory_space<vmem>>, vector<1000x128xf32>
    %get3A_12 = arith.constant 0 : index
    %get3A_13 = arith.constant 0 : index
    %get3A_14 = vector.load %arg2[%get3A_12, %get3A_13] : memref<1000x128xf32, #tpu.memory_space<vmem>>, vector<1000x128xf32>
    %get3A_15 = arith.constant 0 : index
    %get3A_16 = arith.constant 0 : index
    %get3A_17 = vector.load %arg3[%get3A_15, %get3A_16] : memref<1000x128xf32, #tpu.memory_space<vmem>>, vector<1000x128xf32>
    %add3A_18 = arith.addf %get3A_14, %get3A_17 : vector<1000x128xf32>
    %mul3A = vector.broadcast %div3A_8 : vector<1000x1xf32> to vector<1000x128xf32>
    %mul3A_19 = arith.mulf %add3A_18, %mul3A : vector<1000x128xf32>
    %add3A_20 = arith.addf %get3A_11, %mul3A_19 : vector<1000x128xf32>
    %mul3A_21 = arith.constant 5.000000e-01 : f32
    %mul3A_22 = vector.broadcast %mul3A_21 : f32 to vector<1000x128xf32>
    %mul3A_23 = arith.mulf %add3A_20, %mul3A_22 : vector<1000x128xf32>
    %swap3A = arith.constant 0 : index
    %swap3A_24 = arith.constant 0 : index
    %swap3A_25 = vector.load %arg6[%swap3A, %swap3A_24] : memref<1000x128xf32, #tpu.memory_space<vmem>>, vector<1000x128xf32>
    tpu.vector_store %arg6[%swap3A, %swap3A_24], %mul3A_23 {strides = array<i32>} : memref<1000x128xf32, #tpu.memory_space<vmem>>, vector<1000x128xf32>,
    return
  }
  func.func @transform_0(%arg0: i32) -> (i32, i32) {
    %c0_i32 = arith.constant 0 : i32
    %c0_i32_0 = arith.constant 0 : i32
    return %arg0, %c0_i32 : i32, i32
  }
  func.func @transform_1(%arg0: i32) -> (i32, i32) {
    %c0_i32 = arith.constant 0 : i32
    %c0_i32_0 = arith.constant 0 : i32
    return %arg0, %c0_i32 : i32, i32
  }
  func.func @transform_2(%arg0: i32) -> (i32, i32) {
    %add3A = arith.constant 10 : i32
    %add3A_0 = arith.addi %arg0, %add3A : i32
    %c0_i32 = arith.constant 0 : i32
    %c0_i32_1 = arith.constant 0 : i32
    return %add3A_0, %c0_i32 : i32, i32
  }
  func.func @transform_3(%arg0: i32) -> (i32, i32) {
    %c0_i32 = arith.constant 0 : i32
    %c0_i32_0 = arith.constant 0 : i32
    return %arg0, %c0_i32 : i32, i32
  }
  func.func @transform_4(%arg0: i32) -> (i32, i32) {
    %c0_i32 = arith.constant 0 : i32
    %c0_i32_0 = arith.constant 0 : i32
    return %arg0, %c0_i32 : i32, i32
  }
  func.func @transform_5(%arg0: i32) -> (i32, i32) {
    %c0_i32 = arith.constant 0 : i32
    %c0_i32_0 = arith.constant 0 : i32
    return %arg0, %c0_i32 : i32, i32
  }
}

module attributes {stable_mosaic.version = 14 : i64} {
  func.func @_upd_tail_body(%arg0: i32, %arg1: memref<1000x128xf32, #tpu.memory_space<vmem>>, %arg2: memref<1000x128xf32, #tpu.memory_space<vmem>>, %arg3: memref<1000x128xf32, #tpu.memory_space<vmem>>, %arg4: memref<1000x8xf32, #tpu.memory_space<vmem>>, %arg5: memref<1000x8xf32, #tpu.memory_space<vmem>>, %arg6: memref<128x64xf32, #tpu.memory_space<vmem>>, %arg7: memref<64x1xf32, #tpu.memory_space<vmem>>, %arg8: memref<1x1xf32, #tpu.memory_space<vmem>>, %arg9: memref<1x1xf32, #tpu.memory_space<vmem>>, %arg10: memref<1x128xf32, #tpu.memory_space<vmem>>) attributes {dimension_semantics = [#tpu.dimension_semantics<arbitrary>], iteration_bounds = array<i64: 10>, scalar_prefetch = 0 : i64, scratch_operands = 1 : i64, tpu.core_type = #tpu.core_type<tc>, window_params = [{transform_indices = @transform_0, window_bounds = array<i64: 1000, 128>}, {transform_indices = @transform_1, window_bounds = array<i64: 1000, 128>}, {transform_indices = @transform_2, window_bounds = array<i64: 1000, 128>}, {transform_indices = @transform_3, window_bounds = array<i64: 1000, 8>}, {transform_indices = @transform_4, window_bounds = array<i64: 1000, 8>}, {pipeline_mode = #tpu.pipeline_mode<synchronous>, transform_indices = @transform_5, window_bounds = array<i64: 128, 64>}, {pipeline_mode = #tpu.pipeline_mode<synchronous>, transform_indices = @transform_6, window_bounds = array<i64: 64, 1>}, {pipeline_mode = #tpu.pipeline_mode<synchronous>, transform_indices = @transform_7, window_bounds = array<i64: 1, 1>}, {pipeline_mode = #tpu.pipeline_mode<synchronous>, transform_indices = @transform_8, window_bounds = array<i64: 1, 1>}]} {
    %get3A = arith.constant 0 : index
    %get3A_0 = arith.constant 0 : index
    %get3A_1 = vector.load %arg4[%get3A, %get3A_0] : memref<1000x8xf32, #tpu.memory_space<vmem>>, vector<1000x1xf32>
    %get3A_2 = arith.constant 0 : index
    %get3A_3 = arith.constant 0 : index
    %get3A_4 = vector.load %arg5[%get3A_2, %get3A_3] : memref<1000x8xf32, #tpu.memory_space<vmem>>, vector<1000x1xf32>
    %add3A = arith.addf %get3A_1, %get3A_4 : vector<1000x1xf32>
    %max3A = arith.constant 1.000000e+00 : f32
    %max3A_5 = vector.broadcast %max3A : f32 to vector<1000x1xf32>
    %max3A_6 = arith.maximumf %add3A, %max3A_5 : vector<1000x1xf32>
    %div3A = arith.constant 1.000000e+00 : f32
    %div3A_7 = vector.broadcast %div3A : f32 to vector<1000x1xf32>
    %div3A_8 = arith.divf %div3A_7, %max3A_6 : vector<1000x1xf32>
    %get3A_9 = arith.constant 0 : index
    %get3A_10 = arith.constant 0 : index
    %get3A_11 = vector.load %arg1[%get3A_9, %get3A_10] : memref<1000x128xf32, #tpu.memory_space<vmem>>, vector<1000x128xf32>
    %get3A_12 = arith.constant 0 : index
    %get3A_13 = arith.constant 0 : index
    %get3A_14 = vector.load %arg2[%get3A_12, %get3A_13] : memref<1000x128xf32, #tpu.memory_space<vmem>>, vector<1000x128xf32>
    %get3A_15 = arith.constant 0 : index
    %get3A_16 = arith.constant 0 : index
    %get3A_17 = vector.load %arg3[%get3A_15, %get3A_16] : memref<1000x128xf32, #tpu.memory_space<vmem>>, vector<1000x128xf32>
    %add3A_18 = arith.addf %get3A_14, %get3A_17 : vector<1000x128xf32>
    %mul3A = vector.broadcast %div3A_8 : vector<1000x1xf32> to vector<1000x128xf32>
    %mul3A_19 = arith.mulf %add3A_18, %mul3A : vector<1000x128xf32>
    %add3A_20 = arith.addf %get3A_11, %mul3A_19 : vector<1000x128xf32>
    %mul3A_21 = arith.constant 5.000000e-01 : f32
    %mul3A_22 = vector.broadcast %mul3A_21 : f32 to vector<1000x128xf32>
    %mul3A_23 = arith.mulf %add3A_20, %mul3A_22 : vector<1000x128xf32>
    %max3A_24 = arith.constant 0.000000e+00 : f32
    %max3A_25 = vector.broadcast %max3A_24 : f32 to vector<1000x128xf32>
    %max3A_26 = arith.maximumf %mul3A_23, %max3A_25 : vector<1000x128xf32>
    %reduce_sum3A = arith.constant dense<0.000000e+00> : vector<128xf32>
    %reduce_sum3A_27 = vector.multi_reduction <add>, %max3A_26, %reduce_sum3A [0] : vector<1000x128xf32> to vector<128xf32>
    %broadcast_in_dim3A = vector.shape_cast %reduce_sum3A_27 : vector<128xf32> to vector<1x128xf32>
    %eq3A = arith.constant 0 : i32
    %eq3A_28 = arith.cmpi eq, %arg0, %eq3A : i32
    %convert_element_type3A = arith.extui %eq3A_28 : i1 to i32
    %cond3A = arith.constant 0 : i32
    %cond3A_29 = arith.cmpi ne, %convert_element_type3A, %cond3A : i32
    scf.if %cond3A_29 {
      %broadcast_in_dim3A_41 = arith.constant 0.000000e+00 : f32
      %broadcast_in_dim3A_42 = vector.broadcast %broadcast_in_dim3A_41 : f32 to vector<1x128xf32>
      %swap3A_43 = arith.constant 0 : index
      %swap3A_44 = arith.constant 0 : index
      %swap3A_45 = vector.load %arg10[%swap3A_43, %swap3A_44] : memref<1x128xf32, #tpu.memory_space<vmem>>, vector<1x128xf32>
      tpu.vector_store %arg10[%swap3A_43, %swap3A_44], %broadcast_in_dim3A_42 {strides = array<i32>} : memref<1x128xf32, #tpu.memory_space<vmem>>, vector<1x128xf32>,
    } else {
    }
    %get3A_30 = arith.constant 0 : index
    %get3A_31 = arith.constant 0 : index
    %get3A_32 = vector.load %arg10[%get3A_30, %get3A_31] : memref<1x128xf32, #tpu.memory_space<vmem>>, vector<1x128xf32>
    %add3A_33 = arith.addf %get3A_32, %broadcast_in_dim3A : vector<1x128xf32>
    %swap3A = arith.constant 0 : index
    %swap3A_34 = arith.constant 0 : index
    %swap3A_35 = vector.load %arg10[%swap3A, %swap3A_34] : memref<1x128xf32, #tpu.memory_space<vmem>>, vector<1x128xf32>
    tpu.vector_store %arg10[%swap3A, %swap3A_34], %add3A_33 {strides = array<i32>} : memref<1x128xf32, #tpu.memory_space<vmem>>, vector<1x128xf32>,
    %eq3A_36 = arith.constant 9 : i32
    %eq3A_37 = arith.cmpi eq, %arg0, %eq3A_36 : i32
    %convert_element_type3A_38 = arith.extui %eq3A_37 : i1 to i32
    %cond3A_39 = arith.constant 0 : i32
    %cond3A_40 = arith.cmpi ne, %convert_element_type3A_38, %cond3A_39 : i32
    scf.if %cond3A_40 {
      %get3A_41 = arith.constant 0 : index
      %get3A_42 = arith.constant 0 : index
      %get3A_43 = vector.load %arg10[%get3A_41, %get3A_42] : memref<1x128xf32, #tpu.memory_space<vmem>>, vector<1x128xf32>
      %mul3A_44 = arith.constant 9.99999974E-5 : f32
      %mul3A_45 = vector.broadcast %mul3A_44 : f32 to vector<1x128xf32>
      %mul3A_46 = arith.mulf %get3A_43, %mul3A_45 : vector<1x128xf32>
      %get3A_47 = arith.constant 0 : index
      %get3A_48 = arith.constant 0 : index
      %get3A_49 = vector.load %arg6[%get3A_47, %get3A_48] : memref<128x64xf32, #tpu.memory_space<vmem>>, vector<128x64xf32>
      %dot_general3A = arith.constant dense<0.000000e+00> : vector<1x64xf32>
      %dot_general3A_50 = tpu.matmul %mul3A_46, %get3A_49, %dot_general3A {dimension_numbers = #tpu.dot_dimension_numbers<[1], [0], [0], [1], [0, 0, 1, 1], [], []>, transpose_lhs_hint = false} : vector<1x128xf32>, vector<128x64xf32>, vector<1x64xf32> -> vector<1x64xf32>
      %get3A_51 = arith.constant 0 : index
      %get3A_52 = arith.constant 0 : index
      %get3A_53 = vector.load %arg7[%get3A_51, %get3A_52] : memref<64x1xf32, #tpu.memory_space<vmem>>, vector<64x1xf32>
      %dot_general3A_54 = arith.constant dense<0.000000e+00> : vector<1x1xf32>
      %dot_general3A_55 = tpu.matmul %dot_general3A_50, %get3A_53, %dot_general3A_54 {dimension_numbers = #tpu.dot_dimension_numbers<[1], [0], [0], [1], [0, 0, 1, 1], [], []>, transpose_lhs_hint = false} : vector<1x64xf32>, vector<64x1xf32>, vector<1x1xf32> -> vector<1x1xf32>
      %get3A_56 = arith.constant 0 : index
      %get3A_57 = arith.constant 0 : index
      %get3A_58 = vector.load %arg8[%get3A_56, %get3A_57] : memref<1x1xf32, #tpu.memory_space<vmem>>, vector<1x1xf32>
      %add3A_59 = arith.addf %dot_general3A_55, %get3A_58 : vector<1x1xf32>
      %swap3A_60 = arith.constant 0 : index
      %swap3A_61 = arith.constant 0 : index
      %swap3A_62 = vector.load %arg9[%swap3A_60, %swap3A_61] : memref<1x1xf32, #tpu.memory_space<vmem>>, vector<1x1xf32>
      tpu.vector_store %arg9[%swap3A_60, %swap3A_61], %add3A_59 {strides = array<i32>} : memref<1x1xf32, #tpu.memory_space<vmem>>, vector<1x1xf32>,
    } else {
    }
    return
  }
  func.func @transform_0(%arg0: i32) -> (i32, i32) {
    %c0_i32 = arith.constant 0 : i32
    %c0_i32_0 = arith.constant 0 : i32
    return %arg0, %c0_i32 : i32, i32
  }
  func.func @transform_1(%arg0: i32) -> (i32, i32) {
    %c0_i32 = arith.constant 0 : i32
    %c0_i32_0 = arith.constant 0 : i32
    return %arg0, %c0_i32 : i32, i32
  }
  func.func @transform_2(%arg0: i32) -> (i32, i32) {
    %add3A = arith.constant 10 : i32
    %add3A_0 = arith.addi %arg0, %add3A : i32
    %c0_i32 = arith.constant 0 : i32
    %c0_i32_1 = arith.constant 0 : i32
    return %add3A_0, %c0_i32 : i32, i32
  }
  func.func @transform_3(%arg0: i32) -> (i32, i32) {
    %c0_i32 = arith.constant 0 : i32
    %c0_i32_0 = arith.constant 0 : i32
    return %arg0, %c0_i32 : i32, i32
  }
  func.func @transform_4(%arg0: i32) -> (i32, i32) {
    %c0_i32 = arith.constant 0 : i32
    %c0_i32_0 = arith.constant 0 : i32
    return %arg0, %c0_i32 : i32, i32
  }
  func.func @transform_5(%arg0: i32) -> (i32, i32) {
    %c0_i32 = arith.constant 0 : i32
    %c0_i32_0 = arith.constant 0 : i32
    %c0_i32_1 = arith.constant 0 : i32
    return %c0_i32, %c0_i32_0 : i32, i32
  }
  func.func @transform_6(%arg0: i32) -> (i32, i32) {
    %c0_i32 = arith.constant 0 : i32
    %c0_i32_0 = arith.constant 0 : i32
    %c0_i32_1 = arith.constant 0 : i32
    return %c0_i32, %c0_i32_0 : i32, i32
  }
  func.func @transform_7(%arg0: i32) -> (i32, i32) {
    %c0_i32 = arith.constant 0 : i32
    %c0_i32_0 = arith.constant 0 : i32
    %c0_i32_1 = arith.constant 0 : i32
    return %c0_i32, %c0_i32_0 : i32, i32
  }
  func.func @transform_8(%arg0: i32) -> (i32, i32) {
    %c0_i32 = arith.constant 0 : i32
    %c0_i32_0 = arith.constant 0 : i32
    %c0_i32_1 = arith.constant 0 : i32
    return %c0_i32, %c0_i32_0 : i32, i32
  }
}

</mosaic_0001>

<sc_bundles>
// kernel: kernel.10.cloned.1.call-start
scs
__scs_entry_jumppad:
0x0: {  	(pc) =	sbr.rel $0x88, $3  }
0x1: {  	(tag) =	ssettag $0x0;
	lr =	simm.s32 $0x1  }
0x2: {  	[smem:$0x3F9A] =	sst lr;
	_ =	strace $0xD0000000  }
0x3: {  	_ = 	snop  }
0x4: {  	_ = 	snop  }
0x5: {  	_ = 	snop  }
0x6: {  	_ = 	snop  }
0x7: {  	_ = 	snop  }
__scs_overlays_trampoline_lowered:
0x8: {  	[smem:$0x3FA9] =	sst s0  }
0x9: {  	[smem:$0x3FAA] =	sst s1  }
0xa: {  	[smem:$0x3FAB] =	sst s2  }
0xb: {  	[smem:$0x3FAC] =	sst s3  }
0xc: {  	[smem:$0x3FAD] =	sst s4  }
0xd: {  	[smem:$0x3FAE] =	sst s5  }
0xe: {  	[smem:$0x3FAF] =	sst s6  }
0xf: {  	[smem:$0x3FB0] =	sst s7  }
0x10: {  	[smem:$0x3FB1] =	sst s8  }
0x11: {  	[smem:$0x3FB2] =	sst s9;
	s0 =	simm.s32 @!p0 $0x0  }
0x12: {  	s1 =	sld [smem:$0x3F98];
	s0 =	simm.s32 @p0 $0x1  }
0x13: {  	[smem:$0x3FB3] =	sst s0;
	s0 =	simm.s32 @!p1 $0x0  }
0x14: {  	s2 =	sld [smem:$0x3F97];
	s0 =	simm.s32 @p1 $0x1  }
0x15: {  	[smem:$0x3FB4] =	sst s0;
	s0 =	simm.s32 @!p2 $0x0  }
0x16: {  	s3 =	sld [smem:$0x3FDB];
	s0 =	simm.s32 @p2 $0x1  }
0x17: {  	s4 =	simm.s32 $0x1BF5;
	[smem:$0x3FB6] =	sst s0  }
0x18: {  	s0 =	sld [smem:$0x3F99];
	_ =	swait.ge [sflag:s4], $0x0  }
0x19: {  	s7 =	sld [smem:$0x3F9A]  }
0x1a: {  	s8 =	sadd.s32 $0xFFFFE003, lr  }
0x1b: {  	s9 =	sadd.s32 $0xFFFFFEF7, lr;
	s5 =	simm.s32 $0xFFFFFFFF;
	p2 =	slt.u32 s8, $0xFFFFF086  }
0x1c: {  	p1 =	slt.u32 s9, $0xF7A;
	s5 =	simm.s32 @!p2 $0x0  }
0x1d: {  	s5 =	simm.s32 @p1 $0x1;
	p0 =	seq.s32 s7, s2  }
0x1e: {  	s7 =	smul.u32 @!p0 $0xF7A, s2;
	p2 =	seq.s32 @!p0 s5, $0x0  }
0x1f: {  	s9 =	smul.u32 $0xF7A, s1;
	s8 =	simm.s32 @!p0 $0x1BF5;
	p2 =	por !p2, p0  }
0x20: {  	[sflag:s8] =	ssyncset.s32 @!p0 $0xFFFFF086;
	s6 =	sadd.s32 @!p0 s3, s7;
	s7 =	simm.s32 @!p0 $0x108  }
0x21: {  	s3 =	sadd.s32 s3, s9;
	s6 =	sadd.s32 @!p0 $0x88, s6;
	s7 =	simm.s32 @p2 $0x1082  }
0x22: {  	[simem:s7], [sflag:s8] =	dma.local @!p0 [hbm:s6], $0xF7A  }
0x23: {  	s9 =	sor.u32 $0xD0000000, s2;
	s6 =	simm.s32 $0x108;
	_ =	swait.ge @!p0 [sflag:s8], $0x0  }
0x24: {  	s3 =	sadd.s32 $0x88, s3;
	s6 =	simm.s32 @!p1 $0x1082;
	[sflag:s4] =	ssyncset.s32 $0xFFFFF086  }
0x25: {  	[simem:s6], [sflag:s4] =	dma.local [hbm:s3], $0xF7A  }
0x26: {  	[smem:$0x3F9A] =	sst s1;
	(tag) =	ssettag s2;
	_ =	strace s9  }
0x27: {  	s1 =	sld [smem:$0x3FAA]  }
0x28: {  	s2 =	sld [smem:$0x3FAB]  }
0x29: {  	s4 =	sld [smem:$0x3FAD]  }
0x2a: {  	p0 =	seq.s32 s5, $0x0;
	s5 =	sld [smem:$0x3FAE]  }
0x2b: {  	s6 =	sld [smem:$0x3FAF]  }
0x2c: {  	s7 =	sld [smem:$0x3FB0]  }
0x2d: {  	s3 =	simm.s32 $0x108;
	s8 =	sld [smem:$0x3FB1]  }
0x2e: {  	s3 =	simm.s32 @!p0 $0x1082;
	s9 =	sld [smem:$0x3FB2]  }
0x2f: {  	lr =	sadd.s32 s0, s3;
	s0 =	sld [smem:$0x3FA9]  }
0x30: {  	s3 =	sld [smem:$0x3FAC]  }
0x31: {  	[smem:$0x3FB5] =	sst s10  }
0x32: {  	s10 =	sld [smem:$0x3FB3];
	_ =	sdelay $0x3  }
0x33: {  	p0 =	seq.s32 s10, $0x1;
	s10 =	sld [smem:$0x3FB5];
	_ =	sdelay $0x3  }
0x34: {  	[smem:$0x3FB5] =	sst s10  }
0x35: {  	s10 =	sld [smem:$0x3FB4];
	_ =	sdelay $0x3  }
0x36: {  	p1 =	seq.s32 s10, $0x1;
	s10 =	sld [smem:$0x3FB5];
	_ =	sdelay $0x3  }
0x37: {  	[smem:$0x3FB5] =	sst s10  }
0x38: {  	s10 =	sld [smem:$0x3FB6]  }
0x39: {  	_ = 	snop;
	(pc) =	sbr.ind lr, $3  }
0x3a: {  	_ = 	snop  }
0x3b: {  	_ = 	snop  }
0x3c: {  	p2 =	seq.s32 s10, $0x1;
	s10 =	sld [smem:$0x3FB5]  }
0x3d: {  	_ =	shalt  }
0x3e: {  	_ =	shalt  }
0x3f: {  	_ =	shalt  }
0x40: {  	_ =	shalt  }
0x41: {  	_ =	shalt  }
0x42: {  	_ =	shalt  }
0x43: {  	_ =	shalt  }
0x44: {  	_ =	shalt  }
0x45: {  	_ =	shalt  }
0x46: {  	_ =	shalt  }
0x47: {  	_ =	shalt  }
0x48: {  	_ =	shalt  }
0x49: {  	_ =	shalt  }
0x4a: {  	_ =	shalt  }
0x4b: {  	_ =	shalt  }
0x4c: {  	_ =	shalt  }
0x4d: {  	_ =	shalt  }
0x4e: {  	_ =	shalt  }
0x4f: {  	_ =	shalt  }
0x50: {  	_ =	shalt  }
0x51: {  	_ =	shalt  }
0x52: {  	_ =	shalt  }
0x53: {  	_ =	shalt  }
0x54: {  	_ =	shalt  }
0x55: {  	_ =	shalt  }
0x56: {  	_ =	shalt  }
0x57: {  	_ =	shalt  }
0x58: {  	_ =	shalt  }
0x59: {  	_ =	shalt  }
0x5a: {  	_ =	shalt  }
0x5b: {  	_ =	shalt  }
0x5c: {  	_ =	shalt  }
0x5d: {  	_ =	shalt  }
0x5e: {  	_ =	shalt  }
0x5f: {  	_ =	shalt  }
0x60: {  	_ =	shalt  }
0x61: {  	_ =	shalt  }
0x62: {  	_ =	shalt  }
0x63: {  	_ =	shalt  }
0x64: {  	_ =	shalt  }
0x65: {  	_ =	shalt  }
0x66: {  	_ =	shalt  }
0x67: {  	_ =	shalt  }
0x68: {  	_ =	shalt  }
0x69: {  	_ =	shalt  }
0x6a: {  	_ =	shalt  }
0x6b: {  	_ =	shalt  }
0x6c: {  	_ =	shalt  }
0x6d: {  	_ =	shalt  }
0x6e: {  	_ =	shalt  }
0x6f: {  	_ =	shalt  }
0x70: {  	_ =	shalt  }
0x71: {  	_ =	shalt  }
0x72: {  	_ =	shalt  }
0x73: {  	_ =	shalt  }
0x74: {  	_ =	shalt  }
0x75: {  	_ =	shalt  }
0x76: {  	_ =	shalt  }
0x77: {  	_ =	shalt  }
0x78: {  	_ =	shalt  }
0x79: {  	_ =	shalt  }
0x7a: {  	_ =	shalt  }
0x7b: {  	_ =	shalt  }
0x7c: {  	_ =	shalt  }
0x7d: {  	_ =	shalt  }
0x7e: {  	_ =	shalt  }
0x7f: {  	_ =	shalt  }
0x80: {  	_ =	shalt  }
0x81: {  	_ =	shalt  }
0x82: {  	_ =	shalt  }
0x83: {  	_ =	shalt  }
0x84: {  	_ =	shalt  }
0x85: {  	_ =	shalt  }
0x86: {  	_ =	shalt  }
0x87: {  	_ =	shalt  }
.Lfunc_end0:
.L_simem_size_0:
called_computation_lowered:
.L_overlay_start_0:
0x88: {  	s2 =	sld [smem:$0x3FD9]  }
0x89: {  	s3 =	sld [smem:$0x3FFE];
	_ =	sdelay $0x1  }
0x8a: {  	s1 =	srdreg.scid  }
0x8b: {  	s0 =	sand.u32 $0x1, s1  }
0x8c: {  	s16 =	sshll.u32 s0, $0xA;
	s2 =	sadd.s32 s3, s2  }
0x8d: {  	s2 =	sadd.s32 s2, s16  }
0x8e: {  	[smem:$0x3FC1] =	sst s2  }
0x8f: {  	_ = 	snop  }
0x90: {  	(tm) =	ssettm $0x1  }
0x91: {  	s17 =	sld [smem:$0x3FFB];
	_ =	sdelay $0x3  }
0x92: {  	_ =	strace s17  }
0x93: {  	s2 =	sld [smem:$0x3FFC];
	_ =	sdelay $0x3  }
0x94: {  	_ =	strace s2  }
0x95: {  	s2 =	sld [smem:$0x3FFD];
	_ =	sdelay $0x3  }
0x96: {  	_ =	strace s2  }
0x97: {  	_ =	strace $0x8FFFFFFF  }
0x98: {  	s18 =	sld [smem:$0x3FDB];
	_ =	sdelay $0x1  }
0x99: {  	s19 =	simm.s32 $_scs_section_size  }
0x9a: {  	s4 =	simm.s32 $_size__tile_overlayer_lowered;
	s5 =	simm.s32 $_tile_overlayer_lowered  }
0x9b: {  	s22 =	simm.s32 $0x1BFF;
	s21 =	sshll.u32 s5, $0x1;
	s2 =	sadd.s32 s19, s18  }
0x9c: {  	s6 =	simm.s32 $0x0;
	s20 =	sshll.u32 s4, $0x1;
	s4 =	sadd.s32 s21, s2  }
0x9d: {  	[timem:s6], [sflag:s22] =	dma.local [hbm:s4], s20  }
0x9e: {  	_ =	swait.ge [sflag:s22], s20  }
0x9f: {  	s3 =	ssub.s32 $0x0, s20;
	[sflag:s22] =	ssyncset.done $0x0  }
0xa0: {  	[sflag:s22] =	ssyncadd.s32 s3;
	_ =	sdelay $0x1  }
0xa1: {  	s23 =	simm.s32 $0x1B8B  }
0xa2: {  	_ =	swait.ge [sflag:s23], $0x1  }
0xa3: {  	[sflag:s23] =	ssyncset.done $0x0  }
0xa4: {  	s25 =	simm.s32 $0x1B8E;
	s24 =	sld [smem:$0x3FFE];
	[sflag:s23] =	ssyncadd.s32 $0xFFFFFFFF  }
0xa5: {  	s26 =	simm.s32 $execute0_lowered;
	[smem:$0x3FD2] =	sst s25  }
0xa6: {  	s4 =	sshll.u32 s26, $0x1;
	_ =	strace $0x80000046;
	[dreg:$0x1] =	wrdreg $0xFFFFFFFF  }
0xa7: {  	s28 =	simm.s32 $_size_execute0_lowered;
	s2 =	sadd.s32 s2, s4;
	[dreg:$0x0] =	wrdreg $0x0  }
0xa8: {  	s4 =	sshll.u32 s28, $0x1;
	[dreg:$0x2] =	wrdreg s2  }
0xa9: {  	[dreg:$0x3] =	wrdreg s4  }
0xaa: {  	[dreg:$0x4] =	wrdreg $0xC0  }
0xab: {  	_ =	task [dreg:s6], $0x5FFFF  }
0xac: {  	[dreg:$0x1] =	wrdreg $0xFFFFFFFF  }
0xad: {  	[dreg:$0x0] =	wrdreg $0x60  }
0xae: {  	[dreg:$0x2] =	wrdreg s24  }
0xaf: {  	[dreg:$0x3] =	wrdreg $0x0  }
0xb0: {  	[dreg:$0x4] =	wrdreg $0x9  }
0xb1: {  	_ =	task.clear_ibuf [dreg:s6], $0x5FFFF;
	_ =	strace $0x90000046  }
0xb2: {  	s29 =	simm.s32 $0x9;
	_ =	strace $0x80000048  }
0xb3: {  	_ =	swait.ge [sflag:s29], $0x1  }
0xb4: {  	[sflag:s29] =	ssyncadd.s32 $0xFFFFFFFF  }
0xb5: {  	_ =	strace $0x90000048  }
0xb6: {  	_ =	sfence  }
0xb7: {  	s30 =	sld [smem:$0x0];
	_ =	sdelay $0x2  }
0xb8: {  	s31 =	sshll.u32 s1, $0xD;
	s1 =	sshrl.u32 s1, $0x2  }
0xb9: {  	s3 =	sand.u32 $0x4000, s31;
	s1 =	sadd.s32 s1, s30  }
0xba: {  	s0 =	sor.u32 s3, s0;
	s1 =	sshll.u32 s1, $0x11  }
0xbb: {  	s0 =	sor.u32 s1, s0  }
0xbc: {  	s0 =	sadd.s32 $0x8F2B, s0  }
0xbd: {  	[sflag:s0] =	ssyncadd.remote.s32 $0x1  }
0xbe: {  	_ =	sfence.sel $0xFFFF  }
0xbf: {  	[dreg:$0x0] =	wrdreg $0xFFFFFFFF;
	(pc) =	sbr.abs _section_cstart, $3  }
0xc0: {  	[dreg:$0x1] =	wrdreg $0xFFFFFFFF  }
0xc1: {  	_ =	task.clear_ibuf [dreg:s6], $0x2FFFF;
	_ =	strace $0x9FFFFFFF  }
0xc2: {  	(tm) =	ssettm $0x7FFFFFFF  }
0xc3: {  	_ =	shalt  }
tec
execute0_lowered:
.L_overlay_start_1:
0x0: {  	(tag) =	ssettag $0x1  }
0x1: {  	s0 =	srdreg.scid;
	s1 =	rddreg [dreg:$0x0]  }
0x2: {  	s6 =	stileid.u32;
	s2 =	rddreg [dreg:$0x1]  }
0x3: {  	s4 =	simm.s32 $0x0;
	s24 =	simm.s32 $0x13880;
	s28 =	simm.s32 $0x16000  }
0x4: {  	s31 =	simm.s32 $0x2;
	s30 =	simm.s32 $0x0;
	s0 =	sand.u32 $0x1, s0  }
0x5: {  	[smem:$0x7FF] =	sst s4;
	s25 =	smul.u32 $0x4E000, s6;
	s13 =	sadd.s32 $0x124800, s2  }
0x6: {  	s20 =	smul.u32 $0x2700, s6;
	s14 =	sadd.s32 $0x127000, s2;
	s17 =	sadd.s32 $0x12E800, s2  }
0x7: {  	s16 =	sadd.s32 $0x12C000, s2;
	s18 =	sadd.s32 $0x131000, s2;
	s19 =	sadd.s32 $0x133800, s2  }
0x8: {  	p0 =	seq.s32 s6, $0xF;
	s3 =	sshll.u32 s0, $0x4;
	s29 =	smul.u32 $0x27100, s0  }
0x9: {  	_ =	strace $0x80000047;
	s5 =	ssub.s32 $0x2, s0;
	s0 =	smul.u32 $0x138800, s0  }
0xa: {  	s3 =	sor.u32 s6, s3;
	s4 =	sshrl.u32 s25, $0x2;
	s15 =	sshrl.u32 s5, $0x1  }
0xb: {  	s25 =	simm.s32 $0x1;
	s3 =	smul.u32 $0x4E2, s3;
	s4 =	sadd.s32 s4, s2  }
0xc: {  	s5 =	ssub.s32 s5, s15;
	s15 =	sadd.s32 $0x129800, s2;
	s0 =	sshrl.u32 s0, $0x3  }
0xd: {  	s26 =	sadd.s32 $0x2800, s4;
	s7 =	sadd.s32 $0x5000, s4;
	s8 =	sadd.s32 $0x7800, s4  }
0xe: {  	s9 =	sadd.s32 $0xA000, s4;
	s10 =	sadd.s32 $0xC800, s4;
	s11 =	sadd.s32 $0xF000, s4  }
0xf: {  	s12 =	sadd.s32 $0x11800, s4;
	s23 =	smax.u32 s5, $0x1;
	s3 =	sadd.s32 s3, s1  }
0x10: {  	s1 =	sadd.s32 $0x16800, s1;
	[dreg:$0x4] =	wrdreg s26;
	s3 =	sadd.s32 $0x2C00, s3  }
0x11: {  	s26 =	simm.s32 $0x50;
	s0 =	sadd.s32 s1, s0;
	[dreg:$0x3] =	wrdreg s3  }
0x12: {  	s3 =	sadd.s32 s20, s29;
	s20 =	sadd.s32 $0x136000, s2;
	s22 =	sadd.s32 $0x24900, s0  }
0x13: {  	v0 =	vimm.f32 $0.0e+00;
	v1 =	vimm.f32 $1.000000000e+00;
	s21 =	sadd.s32 s1, s3;
	s1 =	simm.s32 $0x3;
	s3 =	simm.s32 $0x4  }
.LBB2_1:
0x14: {  	s0 =	simm.s32 $0x0;
	s5 =	rddreg [dreg:$0x3]  }
0x15: {  	[tilespmem:s24], [sflag:$0x1] =	stream.linear.gather [hbm4b:s5+s0], $0x2710, $0x38;
	[tilespmem:$0x1B000] =	vst v63  }
0x16: {  	s29 =	simm.s32 $0x0;
	s0 =	simm.s32 $0x0  }
.LBB2_2:
0x17: {  	p1 =	sne.s32 s29, $0x9FC0  }
.Ltmp0:
0x18: {  	_ = 	snop;
	(pc) =	sbr.rel @p1 .LBB2_2-.Ltmp0, $4  }
0x19: {  	s5 =	sand.u32 $0xFE00, s29  }
0x1a: {  	s6 =	sand.u32 $0x70, s0;
	s5 =	sshrl.u32 s5, $0x2  }
0x1b: {  	s5 =	sor.u32 s6, s5  }
0x1c: {  	s0 =	sadd.s32 $0x10, s0;
	s29 =	sadd.s32 $0x40, s29;
	[tilespmem:s5+$0x18800] =	vst v0  }
0x1d: {  	s0 =	simm.s32 $0x0  }
0x1e: {  	s5 =	sand.u32 $0xFE00, s0  }
0x1f: {  	s6 =	sand.u32 $0x70, s0;
	s5 =	sshrl.u32 s5, $0x2  }
0x20: {  	s29 =	simm.s32 $0x40;
	s5 =	sor.u32 s6, s5  }
.LBB2_4:
0x21: {  	p1 =	sne.s32 s29, $0x9FC0  }
0x22: {  	[tilespmem:s5+$0x16000] =	vst v1;
	s0 =	sadd.s32 $0x10, s0;
	s5 =	smov.u32 s29;
	s29 =	sadd.s32 $0x40, s29  }
.Ltmp1:
0x23: {  	(pc) =	sbr.rel @p1 .LBB2_4-.Ltmp1, $4  }
0x24: {  	_ = 	snop  }
0x25: {  	s5 =	sand.u32 $0xFE00, s5  }
0x26: {  	s6 =	sand.u32 $0x70, s0;
	s5 =	sshrl.u32 s5, $0x2  }
0x27: {  	s5 =	sor.u32 s6, s5  }
0x28: {  	[tilespmem:s5+$0x16000] =	vst v1;
	s0 =	simm.s32 @p0 $0x18800;
	s5 =	simm.s32 @p0 $0x5  }
0x29: {  	[spmem:s13] =	stream.linear.scatter @p0 [tilespmem:s0], [sflag:$0x5], $0x2800, $0x38;
	[tilespmem:$0x1B000] =	vst v63  }
0x2a: {  	_ =	swait.ge @p0 [sflag:s5], $0x2800  }
0x2b: {  	[sflag:s5] =	ssyncset.done @p0 $0x0  }
0x2c: {  	[sflag:s5] =	ssyncadd.s32 @p0 $0xFFFFD800  }
0x2d: {  	[spmem:s14] =	stream.linear.scatter @p0 [tilespmem:s0], [sflag:$0x5], $0x2800, $0x38;
	[tilespmem:$0x1B000] =	vst v63  }
0x2e: {  	_ =	swait.ge @p0 [sflag:s5], $0x2800  }
0x2f: {  	[sflag:s5] =	ssyncset.done @p0 $0x0  }
0x30: {  	[sflag:s5] =	ssyncadd.s32 @p0 $0xFFFFD800  }
0x31: {  	[spmem:s15] =	stream.linear.scatter @p0 [tilespmem:s0], [sflag:$0x5], $0x2800, $0x38;
	[tilespmem:$0x1B000] =	vst v63  }
0x32: {  	_ =	swait.ge @p0 [sflag:s5], $0x2800  }
0x33: {  	[sflag:s5] =	ssyncset.done @p0 $0x0  }
0x34: {  	[sflag:s5] =	ssyncadd.s32 @p0 $0xFFFFD800  }
0x35: {  	[spmem:s16] =	stream.linear.scatter @p0 [tilespmem:s0], [sflag:$0x5], $0x2800, $0x38;
	[tilespmem:$0x1B000] =	vst v63  }
0x36: {  	_ =	swait.ge @p0 [sflag:s5], $0x2800  }
0x37: {  	[sflag:s5] =	ssyncset.done @p0 $0x0  }
0x38: {  	[sflag:s5] =	ssyncadd.s32 @p0 $0xFFFFD800  }
0x39: {  	[spmem:s17] =	stream.linear.scatter @p0 [tilespmem:s0], [sflag:$0x5], $0x2800, $0x38;
	[tilespmem:$0x1B000] =	vst v63  }
0x3a: {  	_ =	swait.ge @p0 [sflag:s5], $0x2800  }
0x3b: {  	[sflag:s5] =	ssyncset.done @p0 $0x0  }
0x3c: {  	[sflag:s5] =	ssyncadd.s32 @p0 $0xFFFFD800  }
0x3d: {  	[spmem:s18] =	stream.linear.scatter @p0 [tilespmem:s0], [sflag:$0x5], $0x2800, $0x38;
	[tilespmem:$0x1B000] =	vst v63  }
0x3e: {  	_ =	swait.ge @p0 [sflag:s5], $0x2800  }
0x3f: {  	[sflag:s5] =	ssyncset.done @p0 $0x0  }
0x40: {  	[sflag:s5] =	ssyncadd.s32 @p0 $0xFFFFD800  }
0x41: {  	[spmem:s19] =	stream.linear.scatter @p0 [tilespmem:s0], [sflag:$0x5], $0x2800, $0x38;
	[tilespmem:$0x1B000] =	vst v63  }
0x42: {  	_ =	swait.ge @p0 [sflag:s5], $0x2800  }
0x43: {  	[sflag:s5] =	ssyncset.done @p0 $0x0  }
0x44: {  	[sflag:s5] =	ssyncadd.s32 @p0 $0xFFFFD800  }
0x45: {  	[spmem:s20] =	stream.linear.scatter @p0 [tilespmem:s0], [sflag:$0x5], $0x2800, $0x38;
	[tilespmem:$0x1B000] =	vst v63  }
0x46: {  	_ =	swait.ge @p0 [sflag:s5], $0x2800  }
0x47: {  	[sflag:s5] =	ssyncset.done @p0 $0x0  }
0x48: {  	s0 =	simm.s32 @!p0 $0x18800;
	[sflag:s5] =	ssyncadd.s32 @p0 $0xFFFFD800;
	s5 =	simm.s32 @!p0 $0x5  }
0x49: {  	[spmem:s4] =	stream.linear.scatter @!p0 [tilespmem:s0], [sflag:$0x5], $0x2800, $0x38;
	[tilespmem:$0x1B000] =	vst v63  }
0x4a: {  	_ =	swait.ge @!p0 [sflag:s5], $0x2800  }
0x4b: {  	[sflag:s5] =	ssyncset.done @!p0 $0x0  }
0x4c: {  	s6 =	rddreg [dreg:$0x4];
	[sflag:s5] =	ssyncadd.s32 @!p0 $0xFFFFD800  }
0x4d: {  	[spmem:s6] =	stream.linear.scatter @!p0 [tilespmem:s0], [sflag:$0x5], $0x2800, $0x38;
	[tilespmem:$0x1B000] =	vst v63  }
0x4e: {  	_ =	swait.ge @!p0 [sflag:s5], $0x2800  }
0x4f: {  	[sflag:s5] =	ssyncset.done @!p0 $0x0  }
0x50: {  	[sflag:s5] =	ssyncadd.s32 @!p0 $0xFFFFD800  }
0x51: {  	[spmem:s7] =	stream.linear.scatter @!p0 [tilespmem:s0], [sflag:$0x5], $0x2800, $0x38;
	[tilespmem:$0x1B000] =	vst v63  }
0x52: {  	_ =	swait.ge @!p0 [sflag:s5], $0x2800  }
0x53: {  	[sflag:s5] =	ssyncset.done @!p0 $0x0  }
0x54: {  	[sflag:s5] =	ssyncadd.s32 @!p0 $0xFFFFD800  }
0x55: {  	[spmem:s8] =	stream.linear.scatter @!p0 [tilespmem:s0], [sflag:$0x5], $0x2800, $0x38;
	[tilespmem:$0x1B000] =	vst v63  }
0x56: {  	_ =	swait.ge @!p0 [sflag:s5], $0x2800  }
0x57: {  	[sflag:s5] =	ssyncset.done @!p0 $0x0  }
0x58: {  	[sflag:s5] =	ssyncadd.s32 @!p0 $0xFFFFD800  }
0x59: {  	[spmem:s9] =	stream.linear.scatter @!p0 [tilespmem:s0], [sflag:$0x5], $0x2800, $0x38;
	[tilespmem:$0x1B000] =	vst v63  }
0x5a: {  	_ =	swait.ge @!p0 [sflag:s5], $0x2800  }
0x5b: {  	[sflag:s5] =	ssyncset.done @!p0 $0x0  }
0x5c: {  	[sflag:s5] =	ssyncadd.s32 @!p0 $0xFFFFD800  }
0x5d: {  	[spmem:s10] =	stream.linear.scatter @!p0 [tilespmem:s0], [sflag:$0x5], $0x2800, $0x38;
	[tilespmem:$0x1B000] =	vst v63  }
0x5e: {  	_ =	swait.ge @!p0 [sflag:s5], $0x2800  }
0x5f: {  	[sflag:s5] =	ssyncset.done @!p0 $0x0  }
0x60: {  	[sflag:s5] =	ssyncadd.s32 @!p0 $0xFFFFD800  }
0x61: {  	[spmem:s11] =	stream.linear.scatter @!p0 [tilespmem:s0], [sflag:$0x5], $0x2800, $0x38;
	[tilespmem:$0x1B000] =	vst v63  }
0x62: {  	_ =	swait.ge @!p0 [sflag:s5], $0x2800  }
0x63: {  	[sflag:s5] =	ssyncset.done @!p0 $0x0  }
0x64: {  	[sflag:s5] =	ssyncadd.s32 @!p0 $0xFFFFD800  }
0x65: {  	[spmem:s12] =	stream.linear.scatter @!p0 [tilespmem:s0], [sflag:$0x5], $0x2000, $0x38;
	[tilespmem:$0x1B000] =	vst v63  }
0x66: {  	_ =	swait.ge @!p0 [sflag:s5], $0x2000  }
0x67: {  	[sflag:s5] =	ssyncset.done @!p0 $0x0  }
0x68: {  	[sflag:s5] =	ssyncadd.s32 @!p0 $0xFFFFE000  }
0x69: {  	[bflag:$0x0] =	sbarrier.arrive $0xFFFF  }
0x6a: {  	_ =	swait.ge [sflag:s25], $0x2710  }
0x6b: {  	[sflag:s25] =	ssyncset.done $0x0  }
0x6c: {  	[sflag:s25] =	ssyncadd.s32 $0xFFFFD8F0  }
0x6d: {  	[spmem:s2] =	stream.indirect.scatter.add.f32 [tilespmem:s28], [sflag:$0x2], $0x80, s24, s26, $0xb8;
	[tilespmem:$0x1B000] =	vst v63  }
0x6e: {  	s29 =	simm.s32 $0x138D0  }
0x6f: {  	[spmem:s2] =	stream.indirect.scatter.add.f32 [tilespmem:s28], [sflag:$0x3], $0x80, s29, s26, $0xb8;
	[tilespmem:$0x1B000] =	vst v63  }
0x70: {  	s5 =	simm.s32 $0x13920  }
0x71: {  	[spmem:s2] =	stream.indirect.scatter.add.f32 [tilespmem:s28], [sflag:$0x4], $0x80, s5, s26, $0xb8;
	[tilespmem:$0x1B000] =	vst v63  }
0x72: {  	_ =	swait.ge [sflag:s31], $0x2800  }
0x73: {  	[sflag:s31] =	ssyncset.done $0x0  }
0x74: {  	s6 =	simm.s32 $0x13970;
	[sflag:s31] =	ssyncadd.s32 $0xFFFFD800  }
0x75: {  	[spmem:s2] =	stream.indirect.scatter.add.f32 [tilespmem:s28], [sflag:$0x2], $0x80, s6, s26, $0xb8;
	[tilespmem:$0x1B000] =	vst v63  }
0x76: {  	_ =	swait.ge [sflag:s1], $0x2800  }
0x77: {  	[sflag:s1] =	ssyncset.done $0x0  }
0x78: {  	s29 =	simm.s32 $0x139C0;
	[sflag:s1] =	ssyncadd.s32 $0xFFFFD800  }
0x79: {  	[spmem:s2] =	stream.indirect.scatter.add.f32 [tilespmem:s28], [sflag:$0x3], $0x80, s29, s26, $0xb8;
	[tilespmem:$0x1B000] =	vst v63  }
0x7a: {  	_ =	swait.ge [sflag:s3], $0x2800  }
0x7b: {  	[sflag:s3] =	ssyncset.done $0x0  }
0x7c: {  	s0 =	simm.s32 $0xFFFF6DC0;
	s5 =	simm.s32 $0x13A10;
	[sflag:s3] =	ssyncadd.s32 $0xFFFFD800  }
.LBB2_6:
0x7d: {  	[spmem:s2] =	stream.indirect.scatter.add.f32 [tilespmem:s28], [sflag:$0x4], $0x80, s5, s26, $0xb8;
	[tilespmem:$0x1B000] =	vst v63  }
0x7e: {  	s5 =	smov.u32 s0  }
0x7f: {  	p1 =	sne.s32 s0, $0xFFFFFC40;
	s0 =	sadd.s32 $0x3C0, s0;
	_ =	swait.ge [sflag:s31], $0x2800  }
0x80: {  	s5 =	sshra.s32 s5, $0x2;
	[sflag:s31] =	ssyncset.done $0x0  }
0x81: {  	s6 =	sadd.s32 $0x15EF0, s5;
	[sflag:s31] =	ssyncadd.s32 $0xFFFFD800  }
0x82: {  	[spmem:s2] =	stream.indirect.scatter.add.f32 [tilespmem:s28], [sflag:$0x2], $0x80, s6, s26, $0xb8;
	[tilespmem:$0x1B000] =	vst v63  }
0x83: {  	_ =	swait.ge [sflag:s1], $0x2800  }
0x84: {  	[sflag:s1] =	ssyncset.done $0x0  }
.Ltmp2:
0x85: {  	s6 =	sadd.s32 $0x15F40, s5;
	[sflag:s1] =	ssyncadd.s32 $0xFFFFD800;
	(pc) =	sbr.rel @p1 .LBB2_6-.Ltmp2, $4  }
0x86: {  	[spmem:s2] =	stream.indirect.scatter.add.f32 [tilespmem:s28], [sflag:$0x3], $0x80, s6, s26, $0xb8;
	[tilespmem:$0x1B000] =	vst v63  }
0x87: {  	_ =	swait.ge [sflag:s3], $0x2800  }
0x88: {  	[sflag:s3] =	ssyncset.done $0x0  }
0x89: {  	s5 =	sadd.s32 $0x15F90, s5;
	[sflag:s3] =	ssyncadd.s32 $0xFFFFD800  }
0x8a: {  	[spmem:s2] =	stream.indirect.scatter.add.f32 [tilespmem:s28], [sflag:$0x4], $0x80, s5, s26, $0xb8;
	[tilespmem:$0x1B000] =	vst v63  }
0x8b: {  	_ =	swait.ge [sflag:s31], $0x2800  }
0x8c: {  	[sflag:s31] =	ssyncset.done $0x0  }
0x8d: {  	s0 =	simm.s32 $0x15EF0;
	[sflag:s31] =	ssyncadd.s32 $0xFFFFD800  }
0x8e: {  	[spmem:s2] =	stream.indirect.scatter.add.f32 [tilespmem:s28], [sflag:$0x2], $0x80, s0, s26, $0xb8;
	[tilespmem:$0x1B000] =	vst v63  }
0x8f: {  	_ =	swait.ge [sflag:s1], $0x2800  }
0x90: {  	[sflag:s1] =	ssyncset.done $0x0  }
0x91: {  	s29 =	simm.s32 $0x15F40;
	[sflag:s1] =	ssyncadd.s32 $0xFFFFD800  }
0x92: {  	[spmem:s2] =	stream.indirect.scatter.add.f32 [tilespmem:s28], [sflag:$0x3], $0x80, s29, s26, $0xb8;
	[tilespmem:$0x1B000] =	vst v63  }
0x93: {  	_ =	swait.ge [sflag:s3], $0x2800  }
0x94: {  	[sflag:s3] =	ssyncset.done $0x0  }
0x95: {  	[sflag:s3] =	ssyncadd.s32 $0xFFFFD800  }
0x96: {  	_ =	swait.ge [sflag:s31], $0x2800  }
0x97: {  	[sflag:s31] =	ssyncset.done $0x0  }
0x98: {  	[sflag:s31] =	ssyncadd.s32 $0xFFFFD800  }
0x99: {  	_ =	swait.ge [sflag:s1], $0x2800  }
0x9a: {  	[sflag:s1] =	ssyncset.done $0x0  }
0x9b: {  	[sflag:s1] =	ssyncadd.s32 $0xFFFFD800  }
0x9c: {  	s5 =	simm.s32 @p0 $0x1FC5;
	s0 =	sshrl.u32 @p0 s13, $0x3;
	[bflag:$0x0] =	sbarrier.arrive $0xFFFF  }
0x9d: {  	[hbm:s22], [sflag:s5] =	dma.local @p0 [spmem:s0], $0x2800  }
0x9e: {  	s0 =	simm.s32 @p0 $0x5  }
0x9f: {  	s30 =	sadd.s32 $0x1, s30;
	s5 =	stileid.u32;
	_ =	swait.ge @p0 [sflag:s0], $0x2800  }
0xa0: {  	p1 =	sne.s32 s30, s23;
	s5 =	sshll.u32 @!p0 s5, $0x6;
	[sflag:s0] =	ssyncset.done @p0 $0x0  }
0xa1: {  	[sflag:s0] =	ssyncadd.s32 @p0 $0xFFFFD800;
	s0 =	sor.u32 @!p0 $0x1C05, s5;
	s5 =	sshrl.u32 @!p0 s4, $0x3  }
0xa2: {  	[hbm:s21], [sflag:s0] =	dma.local @!p0 [spmem:s5], $0x2700  }
.Ltmp3:
0xa3: {  	_ = 	snop;
	(pc) =	sbr.rel @p1 .LBB2_1-.Ltmp3, $4  }
0xa4: {  	s0 =	simm.s32 @!p0 $0x5  }
0xa5: {  	_ =	swait.ge @!p0 [sflag:s0], $0x2700  }
0xa6: {  	[sflag:s0] =	ssyncset.done @!p0 $0x0  }
0xa7: {  	[sflag:s0] =	ssyncadd.s32 @!p0 $0xFFFFD900  }
0xa8: {  	_ =	sfence.sel $0x180000  }
0xa9: {  	[bflag:$0x0] =	sbarrier.arrive $0xFFFF  }
0xaa: {  	_ =	strace $0x90000047  }
0xab: {  	s0 =	stileid.u32;
	[bflag:$0x2] =	sbarrier.arrive $0xFFFF  }
0xac: {  	p0 =	sne.s32 s0, $0x0;
	s0 =	rddreg [dreg:$0x2]  }
0xad: {  	s0 =	sadd.s32 @!p0 $0x100000, s0  }
0xae: {  	[sflag:s0] =	ssyncadd.tile.s32 @!p0 $0x1;
	_ =	shalt  }
.Lfunc_end2:
_tile_overlayer_lowered:
.L_overlay_start_2:
0xaf: {  	(tag) =	ssettag $0x2  }
0xb0: {  	s0 =	rddreg [dreg:$0x0];
	s2 =	stileid.u32  }
0xb1: {  	s1 =	rddreg [dreg:$0x1];
	p0 =	sne.s32 s2, $0x0  }
0xb2: {  	s3 =	rddreg [dreg:$0x2];
	[bflag:$0x3] =	sbarrier.arrive $0xFFFF;
	s2 =	simm.s32 @!p0 $0x1C05  }
0xb3: {  	[timem:s3], [sflag:s2] =	dma.local @!p0 [hbm:s0], s1  }
0xb4: {  	s0 =	simm.s32 @!p0 $0x5  }
0xb5: {  	_ =	swait.ge @!p0 [sflag:s0], s1  }
0xb6: {  	s1 =	ssub.s32 @!p0 $0x0, s1;
	[sflag:s0] =	ssyncset.done @!p0 $0x0  }
0xb7: {  	[sflag:s0] =	ssyncadd.s32 @!p0 s1  }
0xb8: {  	[bflag:$0x3] =	sbarrier.arrive $0xFFFF  }
0xb9: {  	_ =	shalt  }

// kernel: kernel.13.cloned.1.call-start
scs
__scs_entry_jumppad:
0x0: {  	(pc) =	sbr.rel $0x88, $3  }
0x1: {  	(tag) =	ssettag $0x0;
	lr =	simm.s32 $0x1  }
0x2: {  	[smem:$0x3F9A] =	sst lr;
	_ =	strace $0xD0000000  }
0x3: {  	_ = 	snop  }
0x4: {  	_ = 	snop  }
0x5: {  	_ = 	snop  }
0x6: {  	_ = 	snop  }
0x7: {  	_ = 	snop  }
__scs_overlays_trampoline_lowered:
0x8: {  	[smem:$0x3FA9] =	sst s0  }
0x9: {  	[smem:$0x3FAA] =	sst s1  }
0xa: {  	[smem:$0x3FAB] =	sst s2  }
0xb: {  	[smem:$0x3FAC] =	sst s3  }
0xc: {  	[smem:$0x3FAD] =	sst s4  }
0xd: {  	[smem:$0x3FAE] =	sst s5  }
0xe: {  	[smem:$0x3FAF] =	sst s6  }
0xf: {  	[smem:$0x3FB0] =	sst s7  }
0x10: {  	[smem:$0x3FB1] =	sst s8  }
0x11: {  	[smem:$0x3FB2] =	sst s9;
	s0 =	simm.s32 @!p0 $0x0  }
0x12: {  	s1 =	sld [smem:$0x3F98];
	s0 =	simm.s32 @p0 $0x1  }
0x13: {  	[smem:$0x3FB3] =	sst s0;
	s0 =	simm.s32 @!p1 $0x0  }
0x14: {  	s2 =	sld [smem:$0x3F97];
	s0 =	simm.s32 @p1 $0x1  }
0x15: {  	[smem:$0x3FB4] =	sst s0;
	s0 =	simm.s32 @!p2 $0x0  }
0x16: {  	s3 =	sld [smem:$0x3FDB];
	s0 =	simm.s32 @p2 $0x1  }
0x17: {  	s4 =	simm.s32 $0x1BF5;
	[smem:$0x3FB6] =	sst s0  }
0x18: {  	s0 =	sld [smem:$0x3F99];
	_ =	swait.ge [sflag:s4], $0x0  }
0x19: {  	s7 =	sld [smem:$0x3F9A]  }
0x1a: {  	s8 =	sadd.s32 $0xFFFFE003, lr  }
0x1b: {  	s9 =	sadd.s32 $0xFFFFFEF7, lr;
	s5 =	simm.s32 $0xFFFFFFFF;
	p2 =	slt.u32 s8, $0xFFFFF086  }
0x1c: {  	p1 =	slt.u32 s9, $0xF7A;
	s5 =	simm.s32 @!p2 $0x0  }
0x1d: {  	s5 =	simm.s32 @p1 $0x1;
	p0 =	seq.s32 s7, s2  }
0x1e: {  	s7 =	smul.u32 @!p0 $0xF7A, s2;
	p2 =	seq.s32 @!p0 s5, $0x0  }
0x1f: {  	s9 =	smul.u32 $0xF7A, s1;
	s8 =	simm.s32 @!p0 $0x1BF5;
	p2 =	por !p2, p0  }
0x20: {  	[sflag:s8] =	ssyncset.s32 @!p0 $0xFFFFF086;
	s6 =	sadd.s32 @!p0 s3, s7;
	s7 =	simm.s32 @!p0 $0x108  }
0x21: {  	s3 =	sadd.s32 s3, s9;
	s6 =	sadd.s32 @!p0 $0x88, s6;
	s7 =	simm.s32 @p2 $0x1082  }
0x22: {  	[simem:s7], [sflag:s8] =	dma.local @!p0 [hbm:s6], $0xF7A  }
0x23: {  	s9 =	sor.u32 $0xD0000000, s2;
	s6 =	simm.s32 $0x108;
	_ =	swait.ge @!p0 [sflag:s8], $0x0  }
0x24: {  	s3 =	sadd.s32 $0x88, s3;
	s6 =	simm.s32 @!p1 $0x1082;
	[sflag:s4] =	ssyncset.s32 $0xFFFFF086  }
0x25: {  	[simem:s6], [sflag:s4] =	dma.local [hbm:s3], $0xF7A  }
0x26: {  	[smem:$0x3F9A] =	sst s1;
	(tag) =	ssettag s2;
	_ =	strace s9  }
0x27: {  	s1 =	sld [smem:$0x3FAA]  }
0x28: {  	s2 =	sld [smem:$0x3FAB]  }
0x29: {  	s4 =	sld [smem:$0x3FAD]  }
0x2a: {  	p0 =	seq.s32 s5, $0x0;
	s5 =	sld [smem:$0x3FAE]  }
0x2b: {  	s6 =	sld [smem:$0x3FAF]  }
0x2c: {  	s7 =	sld [smem:$0x3FB0]  }
0x2d: {  	s3 =	simm.s32 $0x108;
	s8 =	sld [smem:$0x3FB1]  }
0x2e: {  	s3 =	simm.s32 @!p0 $0x1082;
	s9 =	sld [smem:$0x3FB2]  }
0x2f: {  	lr =	sadd.s32 s0, s3;
	s0 =	sld [smem:$0x3FA9]  }
0x30: {  	s3 =	sld [smem:$0x3FAC]  }
0x31: {  	[smem:$0x3FB5] =	sst s10  }
0x32: {  	s10 =	sld [smem:$0x3FB3];
	_ =	sdelay $0x3  }
0x33: {  	p0 =	seq.s32 s10, $0x1;
	s10 =	sld [smem:$0x3FB5];
	_ =	sdelay $0x3  }
0x34: {  	[smem:$0x3FB5] =	sst s10  }
0x35: {  	s10 =	sld [smem:$0x3FB4];
	_ =	sdelay $0x3  }
0x36: {  	p1 =	seq.s32 s10, $0x1;
	s10 =	sld [smem:$0x3FB5];
	_ =	sdelay $0x3  }
0x37: {  	[smem:$0x3FB5] =	sst s10  }
0x38: {  	s10 =	sld [smem:$0x3FB6]  }
0x39: {  	_ = 	snop;
	(pc) =	sbr.ind lr, $3  }
0x3a: {  	_ = 	snop  }
0x3b: {  	_ = 	snop  }
0x3c: {  	p2 =	seq.s32 s10, $0x1;
	s10 =	sld [smem:$0x3FB5]  }
0x3d: {  	_ =	shalt  }
0x3e: {  	_ =	shalt  }
0x3f: {  	_ =	shalt  }
0x40: {  	_ =	shalt  }
0x41: {  	_ =	shalt  }
0x42: {  	_ =	shalt  }
0x43: {  	_ =	shalt  }
0x44: {  	_ =	shalt  }
0x45: {  	_ =	shalt  }
0x46: {  	_ =	shalt  }
0x47: {  	_ =	shalt  }
0x48: {  	_ =	shalt  }
0x49: {  	_ =	shalt  }
0x4a: {  	_ =	shalt  }
0x4b: {  	_ =	shalt  }
0x4c: {  	_ =	shalt  }
0x4d: {  	_ =	shalt  }
0x4e: {  	_ =	shalt  }
0x4f: {  	_ =	shalt  }
0x50: {  	_ =	shalt  }
0x51: {  	_ =	shalt  }
0x52: {  	_ =	shalt  }
0x53: {  	_ =	shalt  }
0x54: {  	_ =	shalt  }
0x55: {  	_ =	shalt  }
0x56: {  	_ =	shalt  }
0x57: {  	_ =	shalt  }
0x58: {  	_ =	shalt  }
0x59: {  	_ =	shalt  }
0x5a: {  	_ =	shalt  }
0x5b: {  	_ =	shalt  }
0x5c: {  	_ =	shalt  }
0x5d: {  	_ =	shalt  }
0x5e: {  	_ =	shalt  }
0x5f: {  	_ =	shalt  }
0x60: {  	_ =	shalt  }
0x61: {  	_ =	shalt  }
0x62: {  	_ =	shalt  }
0x63: {  	_ =	shalt  }
0x64: {  	_ =	shalt  }
0x65: {  	_ =	shalt  }
0x66: {  	_ =	shalt  }
0x67: {  	_ =	shalt  }
0x68: {  	_ =	shalt  }
0x69: {  	_ =	shalt  }
0x6a: {  	_ =	shalt  }
0x6b: {  	_ =	shalt  }
0x6c: {  	_ =	shalt  }
0x6d: {  	_ =	shalt  }
0x6e: {  	_ =	shalt  }
0x6f: {  	_ =	shalt  }
0x70: {  	_ =	shalt  }
0x71: {  	_ =	shalt  }
0x72: {  	_ =	shalt  }
0x73: {  	_ =	shalt  }
0x74: {  	_ =	shalt  }
0x75: {  	_ =	shalt  }
0x76: {  	_ =	shalt  }
0x77: {  	_ =	shalt  }
0x78: {  	_ =	shalt  }
0x79: {  	_ =	shalt  }
0x7a: {  	_ =	shalt  }
0x7b: {  	_ =	shalt  }
0x7c: {  	_ =	shalt  }
0x7d: {  	_ =	shalt  }
0x7e: {  	_ =	shalt  }
0x7f: {  	_ =	shalt  }
0x80: {  	_ =	shalt  }
0x81: {  	_ =	shalt  }
0x82: {  	_ =	shalt  }
0x83: {  	_ =	shalt  }
0x84: {  	_ =	shalt  }
0x85: {  	_ =	shalt  }
0x86: {  	_ =	shalt  }
0x87: {  	_ =	shalt  }
.Lfunc_end0:
.L_simem_size_0:
called_computation.1_lowered:
.L_overlay_start_0:
0x88: {  	s2 =	sld [smem:$0x3FD9]  }
0x89: {  	s3 =	sld [smem:$0x3FFE];
	_ =	sdelay $0x1  }
0x8a: {  	s1 =	srdreg.scid  }
0x8b: {  	s0 =	sand.u32 $0x1, s1  }
0x8c: {  	s17 =	sshll.u32 s0, $0xA;
	s2 =	sadd.s32 s3, s2  }
0x8d: {  	s2 =	sadd.s32 s2, s17  }
0x8e: {  	[smem:$0x3FC1] =	sst s2  }
0x8f: {  	_ = 	snop  }
0x90: {  	(tm) =	ssettm $0x1  }
0x91: {  	s18 =	sld [smem:$0x3FFB];
	_ =	sdelay $0x3  }
0x92: {  	_ =	strace s18  }
0x93: {  	s2 =	sld [smem:$0x3FFC];
	_ =	sdelay $0x3  }
0x94: {  	_ =	strace s2  }
0x95: {  	s2 =	sld [smem:$0x3FFD];
	_ =	sdelay $0x3  }
0x96: {  	_ =	strace s2  }
0x97: {  	_ =	strace $0x8FFFFFFF  }
0x98: {  	s19 =	sld [smem:$0x3FDB];
	_ =	sdelay $0x1  }
0x99: {  	s20 =	simm.s32 $_scs_section_size  }
0x9a: {  	s4 =	simm.s32 $_size__tile_overlayer_lowered;
	s5 =	simm.s32 $_tile_overlayer_lowered  }
0x9b: {  	s6 =	simm.s32 $0x1BFF;
	s21 =	sshll.u32 s5, $0x1;
	s3 =	sadd.s32 s20, s19  }
0x9c: {  	s22 =	simm.s32 $0x0;
	s4 =	sshll.u32 s4, $0x1;
	s5 =	sadd.s32 s21, s3  }
0x9d: {  	[timem:s22], [sflag:s6] =	dma.local [hbm:s5], s4  }
0x9e: {  	_ =	swait.ge [sflag:s6], s4  }
0x9f: {  	s4 =	ssub.s32 $0x0, s4;
	[sflag:s6] =	ssyncset.done $0x0  }
0xa0: {  	[sflag:s6] =	ssyncadd.s32 s4;
	_ =	sdelay $0x1  }
0xa1: {  	s23 =	simm.s32 $0x1B8B  }
0xa2: {  	_ =	swait.ge [sflag:s23], $0x1  }
0xa3: {  	[sflag:s23] =	ssyncset.done $0x0  }
0xa4: {  	[sflag:s23] =	ssyncadd.s32 $0xFFFFFFFF  }
0xa5: {  	s4 =	sld [smem:$0x0]  }
0xa6: {  	s5 =	sand.u32 $0xFFFFFFFE, s1  }
0xa7: {  	p0 =	sne.s32 s1, s5  }
0xa8: {  	s5 =	sshll.u32 @p0 s5, $0xE  }
0xa9: {  	s5 =	sadd.s32 @p0 $0x11B8D, s5;
	s6 =	sshll.u32 @p0 s4, $0x11  }
0xaa: {  	s5 =	sor.u32 @p0 s6, s5  }
0xab: {  	[sflag:s5] =	ssyncadd.remote.s32 @p0 $0x1;
	_ =	sdelay $0x1  }
0xac: {  	s5 =	simm.s32 @p0 $0x1B8D  }
0xad: {  	_ =	swait.eq @p0 [sflag:s5], $0x1  }
0xae: {  	[sflag:s5] =	ssyncadd.s32 @p0 $0xFFFFFFFF  }
0xaf: {  	s6 =	sshll.u32 @!p0 s1, $0xE  }
0xb0: {  	s6 =	sor.u32 @!p0 $0x4000, s6;
	s5 =	simm.s32 @!p0 $0x1B8D  }
0xb1: {  	s4 =	sshll.u32 @!p0 s4, $0x11;
	s6 =	sadd.s32 @!p0 $0x11B8D, s6;
	_ =	swait.eq @!p0 [sflag:s5], $0x1  }
0xb2: {  	s4 =	sor.u32 @!p0 s4, s6;
	[sflag:s5] =	ssyncadd.s32 @!p0 $0xFFFFFFFF  }
0xb3: {  	s25 =	simm.s32 $0x1B8E;
	s24 =	sld [smem:$0x3FFE];
	[sflag:s4] =	ssyncadd.remote.s32 @!p0 $0x1  }
0xb4: {  	s26 =	simm.s32 $execute0_lowered;
	[smem:$0x3FD2] =	sst s25  }
0xb5: {  	s5 =	sshll.u32 s26, $0x1;
	_ =	strace $0x80000049;
	[dreg:$0x1] =	wrdreg $0xFFFFFFFF  }
0xb6: {  	s28 =	simm.s32 $_size_execute0_lowered;
	s3 =	sadd.s32 s3, s5;
	[dreg:$0x0] =	wrdreg $0x0  }
0xb7: {  	s5 =	sshll.u32 s28, $0x1;
	[dreg:$0x2] =	wrdreg s3  }
0xb8: {  	[dreg:$0x3] =	wrdreg s5  }
0xb9: {  	[dreg:$0x4] =	wrdreg $0xC0  }
0xba: {  	_ =	task [dreg:s22], $0x5FFFF  }
0xbb: {  	[dreg:$0x1] =	wrdreg $0xFFFFFFFF  }
0xbc: {  	[dreg:$0x0] =	wrdreg $0x60  }
0xbd: {  	[dreg:$0x2] =	wrdreg s24  }
0xbe: {  	[dreg:$0x3] =	wrdreg $0x0  }
0xbf: {  	[dreg:$0x4] =	wrdreg $0xA  }
0xc0: {  	_ =	task.clear_ibuf [dreg:s22], $0x5FFFF;
	_ =	strace $0x90000049  }
0xc1: {  	s29 =	simm.s32 $0xA;
	_ =	strace $0x8000004B  }
0xc2: {  	_ =	swait.ge [sflag:s29], $0x1  }
0xc3: {  	[sflag:s29] =	ssyncadd.s32 $0xFFFFFFFF  }
0xc4: {  	_ =	strace $0x9000004B  }
0xc5: {  	_ =	sfence  }
0xc6: {  	s30 =	sld [smem:$0x0];
	_ =	sdelay $0x2  }
0xc7: {  	s31 =	sshll.u32 s1, $0xD;
	s1 =	sshrl.u32 s1, $0x2  }
0xc8: {  	s4 =	sand.u32 $0x4000, s31;
	s1 =	sadd.s32 s1, s30  }
0xc9: {  	s0 =	sor.u32 s4, s0;
	s1 =	sshll.u32 s1, $0x11  }
0xca: {  	s0 =	sor.u32 s1, s0  }
0xcb: {  	s0 =	sadd.s32 $0x8F2B, s0  }
0xcc: {  	[sflag:s0] =	ssyncadd.remote.s32 $0x1  }
0xcd: {  	_ =	sfence.sel $0xFFFF  }
0xce: {  	[dreg:$0x0] =	wrdreg $0xFFFFFFFF;
	(pc) =	sbr.abs _section_cstart, $3  }
0xcf: {  	[dreg:$0x1] =	wrdreg $0xFFFFFFFF  }
0xd0: {  	_ =	task.clear_ibuf [dreg:s22], $0x2FFFF;
	_ =	strace $0x9FFFFFFF  }
0xd1: {  	(tm) =	ssettm $0x7FFFFFFF  }
tec
execute0_lowered:
.L_overlay_start_1:
0x0: {  	(tag) =	ssettag $0x1  }
0x1: {  	s0 =	srdreg.scid  }
0x2: {  	s1 =	rddreg [dreg:$0x0];
	s10 =	stileid.u32  }
0x3: {  	s2 =	rddreg [dreg:$0x1];
	s29 =	simm.s32 $0x1;
	s30 =	simm.s32 $0x50  }
0x4: {  	s31 =	simm.s32 $0x18780;
	s28 =	simm.s32 $0x2;
	s6 =	smul.u32 $0x4E000, s10  }
0x5: {  	s12 =	simm.s32 $0x0;
	s0 =	sand.u32 $0x1, s0;
	s9 =	smul.u32 $0x2700, s10  }
0x6: {  	s24 =	sadd.s32 $0x127000, s2;
	s26 =	sadd.s32 $0x129800, s2;
	s3 =	sshll.u32 s0, $0x4  }
0x7: {  	p0 =	seq.s32 s10, $0xF;
	s25 =	smul.u32 $0x27100, s0;
	s4 =	sor.u32 s10, s3  }
0x8: {  	s8 =	ssub.s32 $0x2, s0;
	s3 =	simm.s32 $0x0;
	s5 =	smul.u32 $0x4E2, s4  }
0x9: {  	s0 =	smul.u32 $0x138800, s0;
	s15 =	sshrl.u32 s6, $0x2;
	[smem:$0x7FF] =	sst s3  }
0xa: {  	_ =	strace $0x8000004A;
	[dreg:$0xc] =	wrdreg s24;
	s7 =	sadd.s32 s5, s1  }
0xb: {  	s16 =	sshrl.u32 s8, $0x1;
	[dreg:$0xd] =	wrdreg s26;
	s11 =	sadd.s32 $0xCA00, s7  }
0xc: {  	s5 =	sadd.s32 s15, s2;
	s7 =	sadd.s32 $0x2C00, s7;
	[dreg:$0x3] =	wrdreg s11  }
0xd: {  	s10 =	simm.s32 $0x7;
	s17 =	sadd.s32 $0x2800, s5;
	[dreg:$0x4] =	wrdreg s7  }
0xe: {  	s4 =	sadd.s32 $0x64A00, s1;
	s18 =	sadd.s32 $0x5000, s5;
	[dreg:$0x5] =	wrdreg s17  }
0xf: {  	s6 =	ssub.s32 s8, s16;
	s19 =	sadd.s32 $0x7800, s5;
	[dreg:$0x6] =	wrdreg s18  }
0x10: {  	s0 =	sshrl.u32 s0, $0x3;
	s20 =	sadd.s32 $0xA000, s5;
	[dreg:$0x7] =	wrdreg s19  }
0x11: {  	s8 =	simm.s32 $0x5;
	s21 =	sadd.s32 $0xC800, s5;
	[dreg:$0x8] =	wrdreg s20  }
0x12: {  	s26 =	simm.s32 $0x13880;
	s22 =	sadd.s32 $0xF000, s5;
	[dreg:$0x9] =	wrdreg s21  }
0x13: {  	s1 =	sadd.s32 $0x8BC00, s1;
	s23 =	sadd.s32 $0x11800, s5;
	[dreg:$0xa] =	wrdreg s22  }
0x14: {  	s15 =	sadd.s32 $0x124800, s2;
	s0 =	sadd.s32 s1, s0;
	[dreg:$0xb] =	wrdreg s23  }
0x15: {  	s18 =	sadd.s32 $0x12C000, s2;
	s19 =	sadd.s32 $0x12E800, s2;
	s20 =	sadd.s32 $0x131000, s2  }
0x16: {  	s7 =	sadd.s32 s9, s25;
	s21 =	sadd.s32 $0x133800, s2;
	s23 =	sadd.s32 $0x136000, s2  }
0x17: {  	s24 =	sadd.s32 $0x24900, s0;
	s25 =	smax.u32 s6, $0x1;
	s0 =	simm.s32 $0x1AF80  }
0x18: {  	s6 =	simm.s32 $0x3;
	s9 =	simm.s32 $0x6;
	s11 =	simm.s32 $0x8  }
0x19: {  	v0 =	vimm.f32 $0.0e+00;
	s22 =	sadd.s32 s1, s7;
	s1 =	simm.s32 $0x1D780;
	s7 =	simm.s32 $0x4  }
.LBB2_1:
0x1a: {  	s13 =	rddreg [dreg:$0x3]  }
0x1b: {  	[tilespmem:s26], [sflag:$0x1] =	stream.linear.gather [hbm4b:s13+s3], $0x2710, $0x38;
	[tilespmem:$0x1FF80] =	vst v63  }
0x1c: {  	s17 =	rddreg [dreg:$0x4];
	s14 =	simm.s32 $0x16000;
	s16 =	sand.u32 $0xFE00, s3  }
0x1d: {  	[tilespmem:s14], [sflag:$0x1] =	stream.linear.gather [hbm4b:s17+s3], $0x2710, $0x38;
	[tilespmem:$0x1FF80] =	vst v63  }
0x1e: {  	s16 =	sshrl.u32 s16, $0x2;
	s17 =	sand.u32 $0x70, s3  }
0x1f: {  	s13 =	simm.s32 $0x40;
	s14 =	simm.s32 $0x0;
	s16 =	sor.u32 s17, s16  }
.LBB2_2:
0x20: {  	p1 =	sne.s32 s13, $0x9FC0  }
0x21: {  	[tilespmem:s16+$0x18780] =	vst v0;
	s14 =	sadd.s32 $0x10, s14;
	s16 =	smov.u32 s13;
	s13 =	sadd.s32 $0x40, s13  }
.Ltmp0:
0x22: {  	(pc) =	sbr.rel @p1 .LBB2_2-.Ltmp0, $4  }
0x23: {  	_ = 	snop  }
0x24: {  	s16 =	sand.u32 $0xFE00, s16  }
0x25: {  	s17 =	sand.u32 $0x70, s14;
	s16 =	sshrl.u32 s16, $0x2  }
0x26: {  	s16 =	sor.u32 s17, s16  }
0x27: {  	[tilespmem:s16+$0x18780] =	vst v0;
	s13 =	simm.s32 @p0 $0x18780;
	s14 =	simm.s32 @p0 $0x8  }
0x28: {  	[spmem:s15] =	stream.linear.scatter @p0 [tilespmem:s13], [sflag:$0x8], $0x2800, $0x38;
	[tilespmem:$0x1FF80] =	vst v63  }
0x29: {  	_ =	swait.ge @p0 [sflag:s14], $0x2800  }
0x2a: {  	[sflag:s14] =	ssyncset.done @p0 $0x0  }
0x2b: {  	s16 =	rddreg [dreg:$0xc];
	[sflag:s14] =	ssyncadd.s32 @p0 $0xFFFFD800  }
0x2c: {  	[spmem:s16] =	stream.linear.scatter @p0 [tilespmem:s13], [sflag:$0x8], $0x2800, $0x38;
	[tilespmem:$0x1FF80] =	vst v63  }
0x2d: {  	_ =	swait.ge @p0 [sflag:s14], $0x2800  }
0x2e: {  	[sflag:s14] =	ssyncset.done @p0 $0x0  }
0x2f: {  	s16 =	rddreg [dreg:$0xd];
	[sflag:s14] =	ssyncadd.s32 @p0 $0xFFFFD800  }
0x30: {  	[spmem:s16] =	stream.linear.scatter @p0 [tilespmem:s13], [sflag:$0x8], $0x2800, $0x38;
	[tilespmem:$0x1FF80] =	vst v63  }
0x31: {  	_ =	swait.ge @p0 [sflag:s14], $0x2800  }
0x32: {  	[sflag:s14] =	ssyncset.done @p0 $0x0  }
0x33: {  	[sflag:s14] =	ssyncadd.s32 @p0 $0xFFFFD800  }
0x34: {  	[spmem:s18] =	stream.linear.scatter @p0 [tilespmem:s13], [sflag:$0x8], $0x2800, $0x38;
	[tilespmem:$0x1FF80] =	vst v63  }
0x35: {  	_ =	swait.ge @p0 [sflag:s14], $0x2800  }
0x36: {  	[sflag:s14] =	ssyncset.done @p0 $0x0  }
0x37: {  	[sflag:s14] =	ssyncadd.s32 @p0 $0xFFFFD800  }
0x38: {  	[spmem:s19] =	stream.linear.scatter @p0 [tilespmem:s13], [sflag:$0x8], $0x2800, $0x38;
	[tilespmem:$0x1FF80] =	vst v63  }
0x39: {  	_ =	swait.ge @p0 [sflag:s14], $0x2800  }
0x3a: {  	[sflag:s14] =	ssyncset.done @p0 $0x0  }
0x3b: {  	[sflag:s14] =	ssyncadd.s32 @p0 $0xFFFFD800  }
0x3c: {  	[spmem:s20] =	stream.linear.scatter @p0 [tilespmem:s13], [sflag:$0x8], $0x2800, $0x38;
	[tilespmem:$0x1FF80] =	vst v63  }
0x3d: {  	_ =	swait.ge @p0 [sflag:s14], $0x2800  }
0x3e: {  	[sflag:s14] =	ssyncset.done @p0 $0x0  }
0x3f: {  	[sflag:s14] =	ssyncadd.s32 @p0 $0xFFFFD800  }
0x40: {  	[spmem:s21] =	stream.linear.scatter @p0 [tilespmem:s13], [sflag:$0x8], $0x2800, $0x38;
	[tilespmem:$0x1FF80] =	vst v63  }
0x41: {  	_ =	swait.ge @p0 [sflag:s14], $0x2800  }
0x42: {  	[sflag:s14] =	ssyncset.done @p0 $0x0  }
0x43: {  	[sflag:s14] =	ssyncadd.s32 @p0 $0xFFFFD800  }
0x44: {  	[spmem:s23] =	stream.linear.scatter @p0 [tilespmem:s13], [sflag:$0x8], $0x2800, $0x38;
	[tilespmem:$0x1FF80] =	vst v63  }
0x45: {  	_ =	swait.ge @p0 [sflag:s14], $0x2800  }
0x46: {  	[sflag:s14] =	ssyncset.done @p0 $0x0  }
0x47: {  	s13 =	simm.s32 @!p0 $0x18780;
	[sflag:s14] =	ssyncadd.s32 @p0 $0xFFFFD800;
	s14 =	simm.s32 @!p0 $0x8  }
0x48: {  	[spmem:s5] =	stream.linear.scatter @!p0 [tilespmem:s13], [sflag:$0x8], $0x2800, $0x38;
	[tilespmem:$0x1FF80] =	vst v63  }
0x49: {  	_ =	swait.ge @!p0 [sflag:s14], $0x2800  }
0x4a: {  	[sflag:s14] =	ssyncset.done @!p0 $0x0  }
0x4b: {  	s16 =	rddreg [dreg:$0x5];
	[sflag:s14] =	ssyncadd.s32 @!p0 $0xFFFFD800  }
0x4c: {  	[spmem:s16] =	stream.linear.scatter @!p0 [tilespmem:s13], [sflag:$0x8], $0x2800, $0x38;
	[tilespmem:$0x1FF80] =	vst v63  }
0x4d: {  	_ =	swait.ge @!p0 [sflag:s14], $0x2800  }
0x4e: {  	[sflag:s14] =	ssyncset.done @!p0 $0x0  }
0x4f: {  	s16 =	rddreg [dreg:$0x6];
	[sflag:s14] =	ssyncadd.s32 @!p0 $0xFFFFD800  }
0x50: {  	[spmem:s16] =	stream.linear.scatter @!p0 [tilespmem:s13], [sflag:$0x8], $0x2800, $0x38;
	[tilespmem:$0x1FF80] =	vst v63  }
0x51: {  	_ =	swait.ge @!p0 [sflag:s14], $0x2800  }
0x52: {  	[sflag:s14] =	ssyncset.done @!p0 $0x0  }
0x53: {  	s16 =	rddreg [dreg:$0x7];
	[sflag:s14] =	ssyncadd.s32 @!p0 $0xFFFFD800  }
0x54: {  	[spmem:s16] =	stream.linear.scatter @!p0 [tilespmem:s13], [sflag:$0x8], $0x2800, $0x38;
	[tilespmem:$0x1FF80] =	vst v63  }
0x55: {  	_ =	swait.ge @!p0 [sflag:s14], $0x2800  }
0x56: {  	[sflag:s14] =	ssyncset.done @!p0 $0x0  }
0x57: {  	s16 =	rddreg [dreg:$0x8];
	[sflag:s14] =	ssyncadd.s32 @!p0 $0xFFFFD800  }
0x58: {  	[spmem:s16] =	stream.linear.scatter @!p0 [tilespmem:s13], [sflag:$0x8], $0x2800, $0x38;
	[tilespmem:$0x1FF80] =	vst v63  }
0x59: {  	_ =	swait.ge @!p0 [sflag:s14], $0x2800  }
0x5a: {  	[sflag:s14] =	ssyncset.done @!p0 $0x0  }
0x5b: {  	s16 =	rddreg [dreg:$0x9];
	[sflag:s14] =	ssyncadd.s32 @!p0 $0xFFFFD800  }
0x5c: {  	[spmem:s16] =	stream.linear.scatter @!p0 [tilespmem:s13], [sflag:$0x8], $0x2800, $0x38;
	[tilespmem:$0x1FF80] =	vst v63  }
0x5d: {  	_ =	swait.ge @!p0 [sflag:s14], $0x2800  }
0x5e: {  	[sflag:s14] =	ssyncset.done @!p0 $0x0  }
0x5f: {  	s16 =	rddreg [dreg:$0xa];
	[sflag:s14] =	ssyncadd.s32 @!p0 $0xFFFFD800  }
0x60: {  	[spmem:s16] =	stream.linear.scatter @!p0 [tilespmem:s13], [sflag:$0x8], $0x2800, $0x38;
	[tilespmem:$0x1FF80] =	vst v63  }
0x61: {  	_ =	swait.ge @!p0 [sflag:s14], $0x2800  }
0x62: {  	[sflag:s14] =	ssyncset.done @!p0 $0x0  }
0x63: {  	s16 =	rddreg [dreg:$0xb];
	[sflag:s14] =	ssyncadd.s32 @!p0 $0xFFFFD800  }
0x64: {  	[spmem:s16] =	stream.linear.scatter @!p0 [tilespmem:s13], [sflag:$0x8], $0x2000, $0x38;
	[tilespmem:$0x1FF80] =	vst v63  }
0x65: {  	_ =	swait.ge @!p0 [sflag:s14], $0x2000  }
0x66: {  	[sflag:s14] =	ssyncset.done @!p0 $0x0  }
0x67: {  	[sflag:s14] =	ssyncadd.s32 @!p0 $0xFFFFE000  }
0x68: {  	[bflag:$0x0] =	sbarrier.arrive $0xFFFF  }
0x69: {  	_ =	swait.ge [sflag:s29], $0x2710  }
0x6a: {  	[sflag:s29] =	ssyncset.done $0x0  }
0x6b: {  	[sflag:s29] =	ssyncadd.s32 $0xFFFFD8F0  }
0x6c: {  	_ =	swait.ge [sflag:s29], $0x2710  }
0x6d: {  	[sflag:s29] =	ssyncset.done $0x0  }
0x6e: {  	[sflag:s29] =	ssyncadd.s32 $0xFFFFD8F0  }
0x6f: {  	[tilespmem:s31], [sflag:$0x2] =	stream.indirect.gather [hbm4b:s4+s30], $0x80, s26, s30, $0xb8;
	[tilespmem:$0x1FF80] =	vst v63  }
0x70: {  	s17 =	simm.s32 $0x138D0  }
0x71: {  	[tilespmem:s0], [sflag:$0x3] =	stream.indirect.gather [hbm4b:s4+s30], $0x80, s17, s30, $0xb8;
	[tilespmem:$0x1FF80] =	vst v63  }
0x72: {  	s14 =	simm.s32 $0x13920  }
0x73: {  	[tilespmem:s1], [sflag:$0x4] =	stream.indirect.gather [hbm4b:s4+s30], $0x80, s14, s30, $0xb8;
	[tilespmem:$0x1FF80] =	vst v63  }
0x74: {  	_ =	swait.ge [sflag:s28], $0x2800  }
0x75: {  	[sflag:s28] =	ssyncset.done $0x0  }
0x76: {  	s16 =	simm.s32 $0x16000;
	[sflag:s28] =	ssyncadd.s32 $0xFFFFD800  }
0x77: {  	[spmem:s2] =	stream.indirect.scatter.add.f32 [tilespmem:s31], [sflag:$0x5], $0x80, s16, s30, $0xb8;
	[tilespmem:$0x1FF80] =	vst v63  }
0x78: {  	_ =	swait.ge [sflag:s6], $0x2800  }
0x79: {  	[sflag:s6] =	ssyncset.done $0x0  }
0x7a: {  	s17 =	simm.s32 $0x16050;
	[sflag:s6] =	ssyncadd.s32 $0xFFFFD800  }
0x7b: {  	[spmem:s2] =	stream.indirect.scatter.add.f32 [tilespmem:s0], [sflag:$0x6], $0x80, s17, s30, $0xb8;
	[tilespmem:$0x1FF80] =	vst v63  }
0x7c: {  	_ =	swait.ge [sflag:s7], $0x2800  }
0x7d: {  	[sflag:s7] =	ssyncset.done $0x0  }
0x7e: {  	s14 =	simm.s32 $0x160A0;
	[sflag:s7] =	ssyncadd.s32 $0xFFFFD800  }
0x7f: {  	[spmem:s2] =	stream.indirect.scatter.add.f32 [tilespmem:s1], [sflag:$0x7], $0x80, s14, s30, $0xb8;
	[tilespmem:$0x1FF80] =	vst v63  }
0x80: {  	_ =	swait.ge [sflag:s8], $0x2800  }
0x81: {  	[sflag:s8] =	ssyncset.done $0x0  }
0x82: {  	s16 =	simm.s32 $0x13970;
	[sflag:s8] =	ssyncadd.s32 $0xFFFFD800  }
0x83: {  	[tilespmem:s31], [sflag:$0x2] =	stream.indirect.gather [hbm4b:s4+s30], $0x80, s16, s30, $0xb8;
	[tilespmem:$0x1FF80] =	vst v63  }
0x84: {  	_ =	swait.ge [sflag:s9], $0x2800  }
0x85: {  	[sflag:s9] =	ssyncset.done $0x0  }
0x86: {  	s17 =	simm.s32 $0x139C0;
	[sflag:s9] =	ssyncadd.s32 $0xFFFFD800  }
0x87: {  	[tilespmem:s0], [sflag:$0x3] =	stream.indirect.gather [hbm4b:s4+s30], $0x80, s17, s30, $0xb8;
	[tilespmem:$0x1FF80] =	vst v63  }
0x88: {  	_ =	swait.ge [sflag:s10], $0x2800  }
0x89: {  	[sflag:s10] =	ssyncset.done $0x0  }
0x8a: {  	s13 =	simm.s32 $0x3C0;
	s14 =	simm.s32 $0x13A10;
	[sflag:s10] =	ssyncadd.s32 $0xFFFFD800  }
.LBB2_4:
0x8b: {  	[tilespmem:s1], [sflag:$0x4] =	stream.indirect.gather [hbm4b:s4+s30], $0x80, s14, s30, $0xb8;
	[tilespmem:$0x1FF80] =	vst v63  }
0x8c: {  	s14 =	smov.u32 s13  }
0x8d: {  	p1 =	sne.s32 s13, $0x9240;
	s13 =	sadd.s32 $0x3C0, s13;
	_ =	swait.ge [sflag:s28], $0x2800  }
0x8e: {  	s14 =	sshra.s32 s14, $0x2;
	[sflag:s28] =	ssyncset.done $0x0  }
0x8f: {  	s16 =	sadd.s32 $0x16000, s14;
	[sflag:s28] =	ssyncadd.s32 $0xFFFFD800  }
0x90: {  	[spmem:s2] =	stream.indirect.scatter.add.f32 [tilespmem:s31], [sflag:$0x5], $0x80, s16, s30, $0xb8;
	[tilespmem:$0x1FF80] =	vst v63  }
0x91: {  	_ =	swait.ge [sflag:s6], $0x2800  }
0x92: {  	[sflag:s6] =	ssyncset.done $0x0  }
0x93: {  	s16 =	sadd.s32 $0x16050, s14;
	[sflag:s6] =	ssyncadd.s32 $0xFFFFD800  }
0x94: {  	[spmem:s2] =	stream.indirect.scatter.add.f32 [tilespmem:s0], [sflag:$0x6], $0x80, s16, s30, $0xb8;
	[tilespmem:$0x1FF80] =	vst v63  }
0x95: {  	_ =	swait.ge [sflag:s7], $0x2800  }
0x96: {  	[sflag:s7] =	ssyncset.done $0x0  }
0x97: {  	s16 =	sadd.s32 $0x160A0, s14;
	[sflag:s7] =	ssyncadd.s32 $0xFFFFD800  }
0x98: {  	[spmem:s2] =	stream.indirect.scatter.add.f32 [tilespmem:s1], [sflag:$0x7], $0x80, s16, s30, $0xb8;
	[tilespmem:$0x1FF80] =	vst v63  }
0x99: {  	_ =	swait.ge [sflag:s8], $0x2800  }
0x9a: {  	[sflag:s8] =	ssyncset.done $0x0  }
0x9b: {  	s16 =	sadd.s32 $0x13970, s14;
	[sflag:s8] =	ssyncadd.s32 $0xFFFFD800  }
0x9c: {  	[tilespmem:s31], [sflag:$0x2] =	stream.indirect.gather [hbm4b:s4+s30], $0x80, s16, s30, $0xb8;
	[tilespmem:$0x1FF80] =	vst v63  }
0x9d: {  	_ =	swait.ge [sflag:s9], $0x2800  }
0x9e: {  	[sflag:s9] =	ssyncset.done $0x0  }
.Ltmp1:
0x9f: {  	s16 =	sadd.s32 $0x139C0, s14;
	[sflag:s9] =	ssyncadd.s32 $0xFFFFD800;
	(pc) =	sbr.rel @p1 .LBB2_4-.Ltmp1, $4  }
0xa0: {  	[tilespmem:s0], [sflag:$0x3] =	stream.indirect.gather [hbm4b:s4+s30], $0x80, s16, s30, $0xb8;
	[tilespmem:$0x1FF80] =	vst v63  }
0xa1: {  	_ =	swait.ge [sflag:s10], $0x2800  }
0xa2: {  	[sflag:s10] =	ssyncset.done $0x0  }
0xa3: {  	s14 =	sadd.s32 $0x13A10, s14;
	[sflag:s10] =	ssyncadd.s32 $0xFFFFD800  }
0xa4: {  	[tilespmem:s1], [sflag:$0x4] =	stream.indirect.gather [hbm4b:s4+s30], $0x80, s14, s30, $0xb8;
	[tilespmem:$0x1FF80] =	vst v63  }
0xa5: {  	_ =	swait.ge [sflag:s28], $0x2800  }
0xa6: {  	[sflag:s28] =	ssyncset.done $0x0  }
0xa7: {  	s13 =	simm.s32 $0x18580;
	[sflag:s28] =	ssyncadd.s32 $0xFFFFD800  }
0xa8: {  	[spmem:s2] =	stream.indirect.scatter.add.f32 [tilespmem:s31], [sflag:$0x5], $0x80, s13, s30, $0xb8;
	[tilespmem:$0x1FF80] =	vst v63  }
0xa9: {  	_ =	swait.ge [sflag:s6], $0x2800  }
0xaa: {  	[sflag:s6] =	ssyncset.done $0x0  }
0xab: {  	s14 =	simm.s32 $0x185D0;
	[sflag:s6] =	ssyncadd.s32 $0xFFFFD800  }
0xac: {  	[spmem:s2] =	stream.indirect.scatter.add.f32 [tilespmem:s0], [sflag:$0x6], $0x80, s14, s30, $0xb8;
	[tilespmem:$0x1FF80] =	vst v63  }
0xad: {  	_ =	swait.ge [sflag:s7], $0x2800  }
0xae: {  	[sflag:s7] =	ssyncset.done $0x0  }
0xaf: {  	s16 =	simm.s32 $0x18620;
	[sflag:s7] =	ssyncadd.s32 $0xFFFFD800  }
0xb0: {  	[spmem:s2] =	stream.indirect.scatter.add.f32 [tilespmem:s1], [sflag:$0x7], $0x80, s16, s30, $0xb8;
	[tilespmem:$0x1FF80] =	vst v63  }
0xb1: {  	_ =	swait.ge [sflag:s8], $0x2800  }
0xb2: {  	[sflag:s8] =	ssyncset.done $0x0  }
0xb3: {  	s17 =	simm.s32 $0x15EF0;
	[sflag:s8] =	ssyncadd.s32 $0xFFFFD800  }
0xb4: {  	[tilespmem:s31], [sflag:$0x2] =	stream.indirect.gather [hbm4b:s4+s30], $0x80, s17, s30, $0xb8;
	[tilespmem:$0x1FF80] =	vst v63  }
0xb5: {  	_ =	swait.ge [sflag:s9], $0x2800  }
0xb6: {  	[sflag:s9] =	ssyncset.done $0x0  }
0xb7: {  	s14 =	simm.s32 $0x15F40;
	[sflag:s9] =	ssyncadd.s32 $0xFFFFD800  }
0xb8: {  	[tilespmem:s0], [sflag:$0x3] =	stream.indirect.gather [hbm4b:s4+s30], $0x80, s14, s30, $0xb8;
	[tilespmem:$0x1FF80] =	vst v63  }
0xb9: {  	_ =	swait.ge [sflag:s10], $0x2800  }
0xba: {  	[sflag:s10] =	ssyncset.done $0x0  }
0xbb: {  	[sflag:s10] =	ssyncadd.s32 $0xFFFFD800  }
0xbc: {  	_ =	swait.ge [sflag:s28], $0x2800  }
0xbd: {  	[sflag:s28] =	ssyncset.done $0x0  }
0xbe: {  	s16 =	simm.s32 $0x18670;
	[sflag:s28] =	ssyncadd.s32 $0xFFFFD800  }
0xbf: {  	[spmem:s2] =	stream.indirect.scatter.add.f32 [tilespmem:s31], [sflag:$0x8], $0x80, s16, s30, $0xb8;
	[tilespmem:$0x1FF80] =	vst v63  }
0xc0: {  	_ =	swait.ge [sflag:s11], $0x2800  }
0xc1: {  	[sflag:s11] =	ssyncset.done $0x0  }
0xc2: {  	[sflag:s11] =	ssyncadd.s32 $0xFFFFD800  }
0xc3: {  	_ =	swait.ge [sflag:s6], $0x2800  }
0xc4: {  	[sflag:s6] =	ssyncset.done $0x0  }
0xc5: {  	s17 =	simm.s32 $0x186C0;
	[sflag:s6] =	ssyncadd.s32 $0xFFFFD800  }
0xc6: {  	[spmem:s2] =	stream.indirect.scatter.add.f32 [tilespmem:s0], [sflag:$0x8], $0x80, s17, s30, $0xb8;
	[tilespmem:$0x1FF80] =	vst v63  }
0xc7: {  	_ =	swait.ge [sflag:s11], $0x2800  }
0xc8: {  	[sflag:s11] =	ssyncset.done $0x0  }
0xc9: {  	[sflag:s11] =	ssyncadd.s32 $0xFFFFD800  }
0xca: {  	s13 =	sshrl.u32 @p0 s15, $0x3;
	s14 =	simm.s32 @p0 $0x1FC8;
	[bflag:$0x0] =	sbarrier.arrive $0xFFFF  }
0xcb: {  	[hbm:s24], [sflag:s14] =	dma.local @p0 [spmem:s13], $0x2800  }
0xcc: {  	s13 =	simm.s32 @p0 $0x8  }
0xcd: {  	s12 =	sadd.s32 $0x1, s12;
	s14 =	stileid.u32;
	_ =	swait.ge @p0 [sflag:s13], $0x2800  }
0xce: {  	p1 =	sne.s32 s12, s25;
	s14 =	sshll.u32 @!p0 s14, $0x6;
	[sflag:s13] =	ssyncset.done @p0 $0x0  }
0xcf: {  	[sflag:s13] =	ssyncadd.s32 @p0 $0xFFFFD800;
	s13 =	sor.u32 @!p0 $0x1C08, s14;
	s14 =	sshrl.u32 @!p0 s5, $0x3  }
0xd0: {  	[hbm:s22], [sflag:s13] =	dma.local @!p0 [spmem:s14], $0x2700  }
.Ltmp2:
0xd1: {  	_ = 	snop;
	(pc) =	sbr.rel @p1 .LBB2_1-.Ltmp2, $4  }
0xd2: {  	s13 =	simm.s32 @!p0 $0x8  }
0xd3: {  	_ =	swait.ge @!p0 [sflag:s13], $0x2700  }
0xd4: {  	[sflag:s13] =	ssyncset.done @!p0 $0x0  }
0xd5: {  	[sflag:s13] =	ssyncadd.s32 @!p0 $0xFFFFD900  }
0xd6: {  	_ =	sfence.sel $0x180000  }
0xd7: {  	[bflag:$0x0] =	sbarrier.arrive $0xFFFF  }
0xd8: {  	_ =	strace $0x9000004A  }
0xd9: {  	s0 =	stileid.u32;
	[bflag:$0x2] =	sbarrier.arrive $0xFFFF  }
0xda: {  	p0 =	sne.s32 s0, $0x0;
	s0 =	rddreg [dreg:$0x2]  }
0xdb: {  	s0 =	sadd.s32 @!p0 $0x100000, s0  }
0xdc: {  	[sflag:s0] =	ssyncadd.tile.s32 @!p0 $0x1;
	_ =	shalt  }
.Lfunc_end2:
_tile_overlayer_lowered:
.L_overlay_start_2:
0xdd: {  	(tag) =	ssettag $0x2  }
0xde: {  	s0 =	rddreg [dreg:$0x0];
	s2 =	stileid.u32  }
0xdf: {  	s1 =	rddreg [dreg:$0x1];
	p0 =	sne.s32 s2, $0x0  }
0xe0: {  	s3 =	rddreg [dreg:$0x2];
	[bflag:$0x3] =	sbarrier.arrive $0xFFFF;
	s2 =	simm.s32 @!p0 $0x1C08  }
0xe1: {  	[timem:s3], [sflag:s2] =	dma.local @!p0 [hbm:s0], s1  }
0xe2: {  	s0 =	simm.s32 @!p0 $0x8  }
0xe3: {  	_ =	swait.ge @!p0 [sflag:s0], s1  }
0xe4: {  	s1 =	ssub.s32 @!p0 $0x0, s1;
	[sflag:s0] =	ssyncset.done @!p0 $0x0  }
0xe5: {  	[sflag:s0] =	ssyncadd.s32 @!p0 s1  }
0xe6: {  	[bflag:$0x3] =	sbarrier.arrive $0xFFFF  }
0xe7: {  	_ =	shalt  }

// kernel: kernel.16.cloned.1.call-start
scs
__scs_entry_jumppad:
0x0: {  	(pc) =	sbr.rel $0x88, $3  }
0x1: {  	(tag) =	ssettag $0x0;
	lr =	simm.s32 $0x1  }
0x2: {  	[smem:$0x3F9A] =	sst lr;
	_ =	strace $0xD0000000  }
0x3: {  	_ = 	snop  }
0x4: {  	_ = 	snop  }
0x5: {  	_ = 	snop  }
0x6: {  	_ = 	snop  }
0x7: {  	_ = 	snop  }
__scs_overlays_trampoline_lowered:
0x8: {  	[smem:$0x3FA9] =	sst s0  }
0x9: {  	[smem:$0x3FAA] =	sst s1  }
0xa: {  	[smem:$0x3FAB] =	sst s2  }
0xb: {  	[smem:$0x3FAC] =	sst s3  }
0xc: {  	[smem:$0x3FAD] =	sst s4  }
0xd: {  	[smem:$0x3FAE] =	sst s5  }
0xe: {  	[smem:$0x3FAF] =	sst s6  }
0xf: {  	[smem:$0x3FB0] =	sst s7  }
0x10: {  	[smem:$0x3FB1] =	sst s8  }
0x11: {  	[smem:$0x3FB2] =	sst s9;
	s0 =	simm.s32 @!p0 $0x0  }
0x12: {  	s1 =	sld [smem:$0x3F98];
	s0 =	simm.s32 @p0 $0x1  }
0x13: {  	[smem:$0x3FB3] =	sst s0;
	s0 =	simm.s32 @!p1 $0x0  }
0x14: {  	s2 =	sld [smem:$0x3F97];
	s0 =	simm.s32 @p1 $0x1  }
0x15: {  	[smem:$0x3FB4] =	sst s0;
	s0 =	simm.s32 @!p2 $0x0  }
0x16: {  	s3 =	sld [smem:$0x3FDB];
	s0 =	simm.s32 @p2 $0x1  }
0x17: {  	s4 =	simm.s32 $0x1BF5;
	[smem:$0x3FB6] =	sst s0  }
0x18: {  	s0 =	sld [smem:$0x3F99];
	_ =	swait.ge [sflag:s4], $0x0  }
0x19: {  	s7 =	sld [smem:$0x3F9A]  }
0x1a: {  	s8 =	sadd.s32 $0xFFFFE003, lr  }
0x1b: {  	s9 =	sadd.s32 $0xFFFFFEF7, lr;
	s5 =	simm.s32 $0xFFFFFFFF;
	p2 =	slt.u32 s8, $0xFFFFF086  }
0x1c: {  	p1 =	slt.u32 s9, $0xF7A;
	s5 =	simm.s32 @!p2 $0x0  }
0x1d: {  	s5 =	simm.s32 @p1 $0x1;
	p0 =	seq.s32 s7, s2  }
0x1e: {  	s7 =	smul.u32 @!p0 $0xF7A, s2;
	p2 =	seq.s32 @!p0 s5, $0x0  }
0x1f: {  	s9 =	smul.u32 $0xF7A, s1;
	s8 =	simm.s32 @!p0 $0x1BF5;
	p2 =	por !p2, p0  }
0x20: {  	[sflag:s8] =	ssyncset.s32 @!p0 $0xFFFFF086;
	s6 =	sadd.s32 @!p0 s3, s7;
	s7 =	simm.s32 @!p0 $0x108  }
0x21: {  	s3 =	sadd.s32 s3, s9;
	s6 =	sadd.s32 @!p0 $0x88, s6;
	s7 =	simm.s32 @p2 $0x1082  }
0x22: {  	[simem:s7], [sflag:s8] =	dma.local @!p0 [hbm:s6], $0xF7A  }
0x23: {  	s9 =	sor.u32 $0xD0000000, s2;
	s6 =	simm.s32 $0x108;
	_ =	swait.ge @!p0 [sflag:s8], $0x0  }
0x24: {  	s3 =	sadd.s32 $0x88, s3;
	s6 =	simm.s32 @!p1 $0x1082;
	[sflag:s4] =	ssyncset.s32 $0xFFFFF086  }
0x25: {  	[simem:s6], [sflag:s4] =	dma.local [hbm:s3], $0xF7A  }
0x26: {  	[smem:$0x3F9A] =	sst s1;
	(tag) =	ssettag s2;
	_ =	strace s9  }
0x27: {  	s1 =	sld [smem:$0x3FAA]  }
0x28: {  	s2 =	sld [smem:$0x3FAB]  }
0x29: {  	s4 =	sld [smem:$0x3FAD]  }
0x2a: {  	p0 =	seq.s32 s5, $0x0;
	s5 =	sld [smem:$0x3FAE]  }
0x2b: {  	s6 =	sld [smem:$0x3FAF]  }
0x2c: {  	s7 =	sld [smem:$0x3FB0]  }
0x2d: {  	s3 =	simm.s32 $0x108;
	s8 =	sld [smem:$0x3FB1]  }
0x2e: {  	s3 =	simm.s32 @!p0 $0x1082;
	s9 =	sld [smem:$0x3FB2]  }
0x2f: {  	lr =	sadd.s32 s0, s3;
	s0 =	sld [smem:$0x3FA9]  }
0x30: {  	s3 =	sld [smem:$0x3FAC]  }
0x31: {  	[smem:$0x3FB5] =	sst s10  }
0x32: {  	s10 =	sld [smem:$0x3FB3];
	_ =	sdelay $0x3  }
0x33: {  	p0 =	seq.s32 s10, $0x1;
	s10 =	sld [smem:$0x3FB5];
	_ =	sdelay $0x3  }
0x34: {  	[smem:$0x3FB5] =	sst s10  }
0x35: {  	s10 =	sld [smem:$0x3FB4];
	_ =	sdelay $0x3  }
0x36: {  	p1 =	seq.s32 s10, $0x1;
	s10 =	sld [smem:$0x3FB5];
	_ =	sdelay $0x3  }
0x37: {  	[smem:$0x3FB5] =	sst s10  }
0x38: {  	s10 =	sld [smem:$0x3FB6]  }
0x39: {  	_ = 	snop;
	(pc) =	sbr.ind lr, $3  }
0x3a: {  	_ = 	snop  }
0x3b: {  	_ = 	snop  }
0x3c: {  	p2 =	seq.s32 s10, $0x1;
	s10 =	sld [smem:$0x3FB5]  }
0x3d: {  	_ =	shalt  }
0x3e: {  	_ =	shalt  }
0x3f: {  	_ =	shalt  }
0x40: {  	_ =	shalt  }
0x41: {  	_ =	shalt  }
0x42: {  	_ =	shalt  }
0x43: {  	_ =	shalt  }
0x44: {  	_ =	shalt  }
0x45: {  	_ =	shalt  }
0x46: {  	_ =	shalt  }
0x47: {  	_ =	shalt  }
0x48: {  	_ =	shalt  }
0x49: {  	_ =	shalt  }
0x4a: {  	_ =	shalt  }
0x4b: {  	_ =	shalt  }
0x4c: {  	_ =	shalt  }
0x4d: {  	_ =	shalt  }
0x4e: {  	_ =	shalt  }
0x4f: {  	_ =	shalt  }
0x50: {  	_ =	shalt  }
0x51: {  	_ =	shalt  }
0x52: {  	_ =	shalt  }
0x53: {  	_ =	shalt  }
0x54: {  	_ =	shalt  }
0x55: {  	_ =	shalt  }
0x56: {  	_ =	shalt  }
0x57: {  	_ =	shalt  }
0x58: {  	_ =	shalt  }
0x59: {  	_ =	shalt  }
0x5a: {  	_ =	shalt  }
0x5b: {  	_ =	shalt  }
0x5c: {  	_ =	shalt  }
0x5d: {  	_ =	shalt  }
0x5e: {  	_ =	shalt  }
0x5f: {  	_ =	shalt  }
0x60: {  	_ =	shalt  }
0x61: {  	_ =	shalt  }
0x62: {  	_ =	shalt  }
0x63: {  	_ =	shalt  }
0x64: {  	_ =	shalt  }
0x65: {  	_ =	shalt  }
0x66: {  	_ =	shalt  }
0x67: {  	_ =	shalt  }
0x68: {  	_ =	shalt  }
0x69: {  	_ =	shalt  }
0x6a: {  	_ =	shalt  }
0x6b: {  	_ =	shalt  }
0x6c: {  	_ =	shalt  }
0x6d: {  	_ =	shalt  }
0x6e: {  	_ =	shalt  }
0x6f: {  	_ =	shalt  }
0x70: {  	_ =	shalt  }
0x71: {  	_ =	shalt  }
0x72: {  	_ =	shalt  }
0x73: {  	_ =	shalt  }
0x74: {  	_ =	shalt  }
0x75: {  	_ =	shalt  }
0x76: {  	_ =	shalt  }
0x77: {  	_ =	shalt  }
0x78: {  	_ =	shalt  }
0x79: {  	_ =	shalt  }
0x7a: {  	_ =	shalt  }
0x7b: {  	_ =	shalt  }
0x7c: {  	_ =	shalt  }
0x7d: {  	_ =	shalt  }
0x7e: {  	_ =	shalt  }
0x7f: {  	_ =	shalt  }
0x80: {  	_ =	shalt  }
0x81: {  	_ =	shalt  }
0x82: {  	_ =	shalt  }
0x83: {  	_ =	shalt  }
0x84: {  	_ =	shalt  }
0x85: {  	_ =	shalt  }
0x86: {  	_ =	shalt  }
0x87: {  	_ =	shalt  }
.Lfunc_end0:
.L_simem_size_0:
called_computation.2_lowered:
.L_overlay_start_0:
0x88: {  	s2 =	sld [smem:$0x3FD9]  }
0x89: {  	s3 =	sld [smem:$0x3FFE];
	_ =	sdelay $0x1  }
0x8a: {  	s1 =	srdreg.scid  }
0x8b: {  	s0 =	sand.u32 $0x1, s1  }
0x8c: {  	s16 =	sshll.u32 s0, $0xA;
	s2 =	sadd.s32 s3, s2  }
0x8d: {  	s2 =	sadd.s32 s2, s16  }
0x8e: {  	[smem:$0x3FC1] =	sst s2  }
0x8f: {  	_ = 	snop  }
0x90: {  	(tm) =	ssettm $0x1  }
0x91: {  	s17 =	sld [smem:$0x3FFB];
	_ =	sdelay $0x3  }
0x92: {  	_ =	strace s17  }
0x93: {  	s2 =	sld [smem:$0x3FFC];
	_ =	sdelay $0x3  }
0x94: {  	_ =	strace s2  }
0x95: {  	s2 =	sld [smem:$0x3FFD];
	_ =	sdelay $0x3  }
0x96: {  	_ =	strace s2  }
0x97: {  	_ =	strace $0x8FFFFFFF  }
0x98: {  	s18 =	sld [smem:$0x3FDB];
	_ =	sdelay $0x1  }
0x99: {  	s19 =	simm.s32 $_scs_section_size  }
0x9a: {  	s4 =	simm.s32 $_size__tile_overlayer_lowered;
	s5 =	simm.s32 $_tile_overlayer_lowered  }
0x9b: {  	s22 =	simm.s32 $0x1BFF;
	s21 =	sshll.u32 s5, $0x1;
	s2 =	sadd.s32 s19, s18  }
0x9c: {  	s6 =	simm.s32 $0x0;
	s20 =	sshll.u32 s4, $0x1;
	s4 =	sadd.s32 s21, s2  }
0x9d: {  	[timem:s6], [sflag:s22] =	dma.local [hbm:s4], s20  }
0x9e: {  	_ =	swait.ge [sflag:s22], s20  }
0x9f: {  	s3 =	ssub.s32 $0x0, s20;
	[sflag:s22] =	ssyncset.done $0x0  }
0xa0: {  	[sflag:s22] =	ssyncadd.s32 s3;
	_ =	sdelay $0x1  }
0xa1: {  	s23 =	simm.s32 $0x1B8B  }
0xa2: {  	_ =	swait.ge [sflag:s23], $0x1  }
0xa3: {  	[sflag:s23] =	ssyncset.done $0x0  }
0xa4: {  	s25 =	simm.s32 $0x1B8E;
	s24 =	sld [smem:$0x3FFE];
	[sflag:s23] =	ssyncadd.s32 $0xFFFFFFFF  }
0xa5: {  	s26 =	simm.s32 $execute0_lowered;
	[smem:$0x3FD2] =	sst s25  }
0xa6: {  	s4 =	sshll.u32 s26, $0x1;
	_ =	strace $0x8000004C;
	[dreg:$0x1] =	wrdreg $0xFFFFFFFF  }
0xa7: {  	s28 =	simm.s32 $_size_execute0_lowered;
	s2 =	sadd.s32 s2, s4;
	[dreg:$0x0] =	wrdreg $0x0  }
0xa8: {  	s4 =	sshll.u32 s28, $0x1;
	[dreg:$0x2] =	wrdreg s2  }
0xa9: {  	[dreg:$0x3] =	wrdreg s4  }
0xaa: {  	[dreg:$0x4] =	wrdreg $0xC0  }
0xab: {  	_ =	task [dreg:s6], $0x5FFFF  }
0xac: {  	[dreg:$0x1] =	wrdreg $0xFFFFFFFF  }
0xad: {  	[dreg:$0x0] =	wrdreg $0x60  }
0xae: {  	[dreg:$0x2] =	wrdreg s24  }
0xaf: {  	[dreg:$0x3] =	wrdreg $0x0  }
0xb0: {  	[dreg:$0x4] =	wrdreg $0x9  }
0xb1: {  	_ =	task.clear_ibuf [dreg:s6], $0x5FFFF;
	_ =	strace $0x9000004C  }
0xb2: {  	s29 =	simm.s32 $0x9;
	_ =	strace $0x8000004E  }
0xb3: {  	_ =	swait.ge [sflag:s29], $0x1  }
0xb4: {  	[sflag:s29] =	ssyncadd.s32 $0xFFFFFFFF  }
0xb5: {  	_ =	strace $0x9000004E  }
0xb6: {  	_ =	sfence  }
0xb7: {  	s30 =	sld [smem:$0x0];
	_ =	sdelay $0x2  }
0xb8: {  	s31 =	sshll.u32 s1, $0xD;
	s1 =	sshrl.u32 s1, $0x2  }
0xb9: {  	s3 =	sand.u32 $0x4000, s31;
	s1 =	sadd.s32 s1, s30  }
0xba: {  	s0 =	sor.u32 s3, s0;
	s1 =	sshll.u32 s1, $0x11  }
0xbb: {  	s0 =	sor.u32 s1, s0  }
0xbc: {  	s0 =	sadd.s32 $0x8F2B, s0  }
0xbd: {  	[sflag:s0] =	ssyncadd.remote.s32 $0x1  }
0xbe: {  	_ =	sfence.sel $0xFFFF  }
0xbf: {  	[dreg:$0x0] =	wrdreg $0xFFFFFFFF;
	(pc) =	sbr.abs _section_cstart, $3  }
0xc0: {  	[dreg:$0x1] =	wrdreg $0xFFFFFFFF  }
0xc1: {  	_ =	task.clear_ibuf [dreg:s6], $0x2FFFF;
	_ =	strace $0x9FFFFFFF  }
0xc2: {  	(tm) =	ssettm $0x7FFFFFFF  }
0xc3: {  	_ =	shalt  }
tec
execute0_lowered:
.L_overlay_start_1:
0x0: {  	(tag) =	ssettag $0x1  }
0x1: {  	s0 =	srdreg.scid  }
0x2: {  	s1 =	rddreg [dreg:$0x0];
	s10 =	stileid.u32  }
0x3: {  	s2 =	rddreg [dreg:$0x1];
	s29 =	simm.s32 $0x1;
	s30 =	simm.s32 $0x50  }
0x4: {  	s31 =	simm.s32 $0x18780;
	s28 =	simm.s32 $0x2;
	s6 =	smul.u32 $0x4E000, s10  }
0x5: {  	s12 =	simm.s32 $0x0;
	s0 =	sand.u32 $0x1, s0;
	s9 =	smul.u32 $0x2700, s10  }
0x6: {  	s24 =	sadd.s32 $0x127000, s2;
	s26 =	sadd.s32 $0x129800, s2;
	s3 =	sshll.u32 s0, $0x4  }
0x7: {  	p0 =	seq.s32 s10, $0xF;
	s25 =	smul.u32 $0x27100, s0;
	s4 =	sor.u32 s10, s3  }
0x8: {  	s8 =	ssub.s32 $0x2, s0;
	s3 =	simm.s32 $0x0;
	s5 =	smul.u32 $0x4E2, s4  }
0x9: {  	s0 =	smul.u32 $0x138800, s0;
	s15 =	sshrl.u32 s6, $0x2;
	[smem:$0x7FF] =	sst s3  }
0xa: {  	_ =	strace $0x8000004D;
	[dreg:$0xc] =	wrdreg s24;
	s7 =	sadd.s32 s5, s1  }
0xb: {  	s16 =	sshrl.u32 s8, $0x1;
	[dreg:$0xd] =	wrdreg s26;
	s11 =	sadd.s32 $0xCA00, s7  }
0xc: {  	s5 =	sadd.s32 s15, s2;
	s7 =	sadd.s32 $0x2C00, s7;
	[dreg:$0x3] =	wrdreg s11  }
0xd: {  	s10 =	simm.s32 $0x7;
	s17 =	sadd.s32 $0x2800, s5;
	[dreg:$0x4] =	wrdreg s7  }
0xe: {  	s4 =	sadd.s32 $0x16800, s1;
	s18 =	sadd.s32 $0x5000, s5;
	[dreg:$0x5] =	wrdreg s17  }
0xf: {  	s6 =	ssub.s32 s8, s16;
	s19 =	sadd.s32 $0x7800, s5;
	[dreg:$0x6] =	wrdreg s18  }
0x10: {  	s0 =	sshrl.u32 s0, $0x3;
	s20 =	sadd.s32 $0xA000, s5;
	[dreg:$0x7] =	wrdreg s19  }
0x11: {  	s8 =	simm.s32 $0x5;
	s21 =	sadd.s32 $0xC800, s5;
	[dreg:$0x8] =	wrdreg s20  }
0x12: {  	s26 =	simm.s32 $0x13880;
	s22 =	sadd.s32 $0xF000, s5;
	[dreg:$0x9] =	wrdreg s21  }
0x13: {  	s1 =	sadd.s32 $0x3DA00, s1;
	s23 =	sadd.s32 $0x11800, s5;
	[dreg:$0xa] =	wrdreg s22  }
0x14: {  	s15 =	sadd.s32 $0x124800, s2;
	s0 =	sadd.s32 s1, s0;
	[dreg:$0xb] =	wrdreg s23  }
0x15: {  	s18 =	sadd.s32 $0x12C000, s2;
	s19 =	sadd.s32 $0x12E800, s2;
	s20 =	sadd.s32 $0x131000, s2  }
0x16: {  	s7 =	sadd.s32 s9, s25;
	s21 =	sadd.s32 $0x133800, s2;
	s23 =	sadd.s32 $0x136000, s2  }
0x17: {  	s24 =	sadd.s32 $0x24900, s0;
	s25 =	smax.u32 s6, $0x1;
	s0 =	simm.s32 $0x1AF80  }
0x18: {  	s6 =	simm.s32 $0x3;
	s9 =	simm.s32 $0x6;
	s11 =	simm.s32 $0x8  }
0x19: {  	v0 =	vimm.f32 $0.0e+00;
	s22 =	sadd.s32 s1, s7;
	s1 =	simm.s32 $0x1D780;
	s7 =	simm.s32 $0x4  }
.LBB2_1:
0x1a: {  	s13 =	rddreg [dreg:$0x3]  }
0x1b: {  	[tilespmem:s26], [sflag:$0x1] =	stream.linear.gather [hbm4b:s13+s3], $0x2710, $0x38;
	[tilespmem:$0x1FF80] =	vst v63  }
0x1c: {  	s17 =	rddreg [dreg:$0x4];
	s14 =	simm.s32 $0x16000;
	s16 =	sand.u32 $0xFE00, s3  }
0x1d: {  	[tilespmem:s14], [sflag:$0x1] =	stream.linear.gather [hbm4b:s17+s3], $0x2710, $0x38;
	[tilespmem:$0x1FF80] =	vst v63  }
0x1e: {  	s16 =	sshrl.u32 s16, $0x2;
	s17 =	sand.u32 $0x70, s3  }
0x1f: {  	s13 =	simm.s32 $0x40;
	s14 =	simm.s32 $0x0;
	s16 =	sor.u32 s17, s16  }
.LBB2_2:
0x20: {  	p1 =	sne.s32 s13, $0x9FC0  }
0x21: {  	[tilespmem:s16+$0x18780] =	vst v0;
	s14 =	sadd.s32 $0x10, s14;
	s16 =	smov.u32 s13;
	s13 =	sadd.s32 $0x40, s13  }
.Ltmp0:
0x22: {  	(pc) =	sbr.rel @p1 .LBB2_2-.Ltmp0, $4  }
0x23: {  	_ = 	snop  }
0x24: {  	s16 =	sand.u32 $0xFE00, s16  }
0x25: {  	s17 =	sand.u32 $0x70, s14;
	s16 =	sshrl.u32 s16, $0x2  }
0x26: {  	s16 =	sor.u32 s17, s16  }
0x27: {  	[tilespmem:s16+$0x18780] =	vst v0;
	s13 =	simm.s32 @p0 $0x18780;
	s14 =	simm.s32 @p0 $0x8  }
0x28: {  	[spmem:s15] =	stream.linear.scatter @p0 [tilespmem:s13], [sflag:$0x8], $0x2800, $0x38;
	[tilespmem:$0x1FF80] =	vst v63  }
0x29: {  	_ =	swait.ge @p0 [sflag:s14], $0x2800  }
0x2a: {  	[sflag:s14] =	ssyncset.done @p0 $0x0  }
0x2b: {  	s16 =	rddreg [dreg:$0xc];
	[sflag:s14] =	ssyncadd.s32 @p0 $0xFFFFD800  }
0x2c: {  	[spmem:s16] =	stream.linear.scatter @p0 [tilespmem:s13], [sflag:$0x8], $0x2800, $0x38;
	[tilespmem:$0x1FF80] =	vst v63  }
0x2d: {  	_ =	swait.ge @p0 [sflag:s14], $0x2800  }
0x2e: {  	[sflag:s14] =	ssyncset.done @p0 $0x0  }
0x2f: {  	s16 =	rddreg [dreg:$0xd];
	[sflag:s14] =	ssyncadd.s32 @p0 $0xFFFFD800  }
0x30: {  	[spmem:s16] =	stream.linear.scatter @p0 [tilespmem:s13], [sflag:$0x8], $0x2800, $0x38;
	[tilespmem:$0x1FF80] =	vst v63  }
0x31: {  	_ =	swait.ge @p0 [sflag:s14], $0x2800  }
0x32: {  	[sflag:s14] =	ssyncset.done @p0 $0x0  }
0x33: {  	[sflag:s14] =	ssyncadd.s32 @p0 $0xFFFFD800  }
0x34: {  	[spmem:s18] =	stream.linear.scatter @p0 [tilespmem:s13], [sflag:$0x8], $0x2800, $0x38;
	[tilespmem:$0x1FF80] =	vst v63  }
0x35: {  	_ =	swait.ge @p0 [sflag:s14], $0x2800  }
0x36: {  	[sflag:s14] =	ssyncset.done @p0 $0x0  }
0x37: {  	[sflag:s14] =	ssyncadd.s32 @p0 $0xFFFFD800  }
0x38: {  	[spmem:s19] =	stream.linear.scatter @p0 [tilespmem:s13], [sflag:$0x8], $0x2800, $0x38;
	[tilespmem:$0x1FF80] =	vst v63  }
0x39: {  	_ =	swait.ge @p0 [sflag:s14], $0x2800  }
0x3a: {  	[sflag:s14] =	ssyncset.done @p0 $0x0  }
0x3b: {  	[sflag:s14] =	ssyncadd.s32 @p0 $0xFFFFD800  }
0x3c: {  	[spmem:s20] =	stream.linear.scatter @p0 [tilespmem:s13], [sflag:$0x8], $0x2800, $0x38;
	[tilespmem:$0x1FF80] =	vst v63  }
0x3d: {  	_ =	swait.ge @p0 [sflag:s14], $0x2800  }
0x3e: {  	[sflag:s14] =	ssyncset.done @p0 $0x0  }
0x3f: {  	[sflag:s14] =	ssyncadd.s32 @p0 $0xFFFFD800  }
0x40: {  	[spmem:s21] =	stream.linear.scatter @p0 [tilespmem:s13], [sflag:$0x8], $0x2800, $0x38;
	[tilespmem:$0x1FF80] =	vst v63  }
0x41: {  	_ =	swait.ge @p0 [sflag:s14], $0x2800  }
0x42: {  	[sflag:s14] =	ssyncset.done @p0 $0x0  }
0x43: {  	[sflag:s14] =	ssyncadd.s32 @p0 $0xFFFFD800  }
0x44: {  	[spmem:s23] =	stream.linear.scatter @p0 [tilespmem:s13], [sflag:$0x8], $0x2800, $0x38;
	[tilespmem:$0x1FF80] =	vst v63  }
0x45: {  	_ =	swait.ge @p0 [sflag:s14], $0x2800  }
0x46: {  	[sflag:s14] =	ssyncset.done @p0 $0x0  }
0x47: {  	s13 =	simm.s32 @!p0 $0x18780;
	[sflag:s14] =	ssyncadd.s32 @p0 $0xFFFFD800;
	s14 =	simm.s32 @!p0 $0x8  }
0x48: {  	[spmem:s5] =	stream.linear.scatter @!p0 [tilespmem:s13], [sflag:$0x8], $0x2800, $0x38;
	[tilespmem:$0x1FF80] =	vst v63  }
0x49: {  	_ =	swait.ge @!p0 [sflag:s14], $0x2800  }
0x4a: {  	[sflag:s14] =	ssyncset.done @!p0 $0x0  }
0x4b: {  	s16 =	rddreg [dreg:$0x5];
	[sflag:s14] =	ssyncadd.s32 @!p0 $0xFFFFD800  }
0x4c: {  	[spmem:s16] =	stream.linear.scatter @!p0 [tilespmem:s13], [sflag:$0x8], $0x2800, $0x38;
	[tilespmem:$0x1FF80] =	vst v63  }
0x4d: {  	_ =	swait.ge @!p0 [sflag:s14], $0x2800  }
0x4e: {  	[sflag:s14] =	ssyncset.done @!p0 $0x0  }
0x4f: {  	s16 =	rddreg [dreg:$0x6];
	[sflag:s14] =	ssyncadd.s32 @!p0 $0xFFFFD800  }
0x50: {  	[spmem:s16] =	stream.linear.scatter @!p0 [tilespmem:s13], [sflag:$0x8], $0x2800, $0x38;
	[tilespmem:$0x1FF80] =	vst v63  }
0x51: {  	_ =	swait.ge @!p0 [sflag:s14], $0x2800  }
0x52: {  	[sflag:s14] =	ssyncset.done @!p0 $0x0  }
0x53: {  	s16 =	rddreg [dreg:$0x7];
	[sflag:s14] =	ssyncadd.s32 @!p0 $0xFFFFD800  }
0x54: {  	[spmem:s16] =	stream.linear.scatter @!p0 [tilespmem:s13], [sflag:$0x8], $0x2800, $0x38;
	[tilespmem:$0x1FF80] =	vst v63  }
0x55: {  	_ =	swait.ge @!p0 [sflag:s14], $0x2800  }
0x56: {  	[sflag:s14] =	ssyncset.done @!p0 $0x0  }
0x57: {  	s16 =	rddreg [dreg:$0x8];
	[sflag:s14] =	ssyncadd.s32 @!p0 $0xFFFFD800  }
0x58: {  	[spmem:s16] =	stream.linear.scatter @!p0 [tilespmem:s13], [sflag:$0x8], $0x2800, $0x38;
	[tilespmem:$0x1FF80] =	vst v63  }
0x59: {  	_ =	swait.ge @!p0 [sflag:s14], $0x2800  }
0x5a: {  	[sflag:s14] =	ssyncset.done @!p0 $0x0  }
0x5b: {  	s16 =	rddreg [dreg:$0x9];
	[sflag:s14] =	ssyncadd.s32 @!p0 $0xFFFFD800  }
0x5c: {  	[spmem:s16] =	stream.linear.scatter @!p0 [tilespmem:s13], [sflag:$0x8], $0x2800, $0x38;
	[tilespmem:$0x1FF80] =	vst v63  }
0x5d: {  	_ =	swait.ge @!p0 [sflag:s14], $0x2800  }
0x5e: {  	[sflag:s14] =	ssyncset.done @!p0 $0x0  }
0x5f: {  	s16 =	rddreg [dreg:$0xa];
	[sflag:s14] =	ssyncadd.s32 @!p0 $0xFFFFD800  }
0x60: {  	[spmem:s16] =	stream.linear.scatter @!p0 [tilespmem:s13], [sflag:$0x8], $0x2800, $0x38;
	[tilespmem:$0x1FF80] =	vst v63  }
0x61: {  	_ =	swait.ge @!p0 [sflag:s14], $0x2800  }
0x62: {  	[sflag:s14] =	ssyncset.done @!p0 $0x0  }
0x63: {  	s16 =	rddreg [dreg:$0xb];
	[sflag:s14] =	ssyncadd.s32 @!p0 $0xFFFFD800  }
0x64: {  	[spmem:s16] =	stream.linear.scatter @!p0 [tilespmem:s13], [sflag:$0x8], $0x2000, $0x38;
	[tilespmem:$0x1FF80] =	vst v63  }
0x65: {  	_ =	swait.ge @!p0 [sflag:s14], $0x2000  }
0x66: {  	[sflag:s14] =	ssyncset.done @!p0 $0x0  }
0x67: {  	[sflag:s14] =	ssyncadd.s32 @!p0 $0xFFFFE000  }
0x68: {  	[bflag:$0x0] =	sbarrier.arrive $0xFFFF  }
0x69: {  	_ =	swait.ge [sflag:s29], $0x2710  }
0x6a: {  	[sflag:s29] =	ssyncset.done $0x0  }
0x6b: {  	[sflag:s29] =	ssyncadd.s32 $0xFFFFD8F0  }
0x6c: {  	_ =	swait.ge [sflag:s29], $0x2710  }
0x6d: {  	[sflag:s29] =	ssyncset.done $0x0  }
0x6e: {  	[sflag:s29] =	ssyncadd.s32 $0xFFFFD8F0  }
0x6f: {  	[tilespmem:s31], [sflag:$0x2] =	stream.indirect.gather [hbm4b:s4+s30], $0x80, s26, s30, $0xb8;
	[tilespmem:$0x1FF80] =	vst v63  }
0x70: {  	s17 =	simm.s32 $0x138D0  }
0x71: {  	[tilespmem:s0], [sflag:$0x3] =	stream.indirect.gather [hbm4b:s4+s30], $0x80, s17, s30, $0xb8;
	[tilespmem:$0x1FF80] =	vst v63  }
0x72: {  	s14 =	simm.s32 $0x13920  }
0x73: {  	[tilespmem:s1], [sflag:$0x4] =	stream.indirect.gather [hbm4b:s4+s30], $0x80, s14, s30, $0xb8;
	[tilespmem:$0x1FF80] =	vst v63  }
0x74: {  	_ =	swait.ge [sflag:s28], $0x2800  }
0x75: {  	[sflag:s28] =	ssyncset.done $0x0  }
0x76: {  	s16 =	simm.s32 $0x16000;
	[sflag:s28] =	ssyncadd.s32 $0xFFFFD800  }
0x77: {  	[spmem:s2] =	stream.indirect.scatter.add.f32 [tilespmem:s31], [sflag:$0x5], $0x80, s16, s30, $0xb8;
	[tilespmem:$0x1FF80] =	vst v63  }
0x78: {  	_ =	swait.ge [sflag:s6], $0x2800  }
0x79: {  	[sflag:s6] =	ssyncset.done $0x0  }
0x7a: {  	s17 =	simm.s32 $0x16050;
	[sflag:s6] =	ssyncadd.s32 $0xFFFFD800  }
0x7b: {  	[spmem:s2] =	stream.indirect.scatter.add.f32 [tilespmem:s0], [sflag:$0x6], $0x80, s17, s30, $0xb8;
	[tilespmem:$0x1FF80] =	vst v63  }
0x7c: {  	_ =	swait.ge [sflag:s7], $0x2800  }
0x7d: {  	[sflag:s7] =	ssyncset.done $0x0  }
0x7e: {  	s14 =	simm.s32 $0x160A0;
	[sflag:s7] =	ssyncadd.s32 $0xFFFFD800  }
0x7f: {  	[spmem:s2] =	stream.indirect.scatter.add.f32 [tilespmem:s1], [sflag:$0x7], $0x80, s14, s30, $0xb8;
	[tilespmem:$0x1FF80] =	vst v63  }
0x80: {  	_ =	swait.ge [sflag:s8], $0x2800  }
0x81: {  	[sflag:s8] =	ssyncset.done $0x0  }
0x82: {  	s16 =	simm.s32 $0x13970;
	[sflag:s8] =	ssyncadd.s32 $0xFFFFD800  }
0x83: {  	[tilespmem:s31], [sflag:$0x2] =	stream.indirect.gather [hbm4b:s4+s30], $0x80, s16, s30, $0xb8;
	[tilespmem:$0x1FF80] =	vst v63  }
0x84: {  	_ =	swait.ge [sflag:s9], $0x2800  }
0x85: {  	[sflag:s9] =	ssyncset.done $0x0  }
0x86: {  	s17 =	simm.s32 $0x139C0;
	[sflag:s9] =	ssyncadd.s32 $0xFFFFD800  }
0x87: {  	[tilespmem:s0], [sflag:$0x3] =	stream.indirect.gather [hbm4b:s4+s30], $0x80, s17, s30, $0xb8;
	[tilespmem:$0x1FF80] =	vst v63  }
0x88: {  	_ =	swait.ge [sflag:s10], $0x2800  }
0x89: {  	[sflag:s10] =	ssyncset.done $0x0  }
0x8a: {  	s13 =	simm.s32 $0x3C0;
	s14 =	simm.s32 $0x13A10;
	[sflag:s10] =	ssyncadd.s32 $0xFFFFD800  }
.LBB2_4:
0x8b: {  	[tilespmem:s1], [sflag:$0x4] =	stream.indirect.gather [hbm4b:s4+s30], $0x80, s14, s30, $0xb8;
	[tilespmem:$0x1FF80] =	vst v63  }
0x8c: {  	s14 =	smov.u32 s13  }
0x8d: {  	p1 =	sne.s32 s13, $0x9240;
	s13 =	sadd.s32 $0x3C0, s13;
	_ =	swait.ge [sflag:s28], $0x2800  }
0x8e: {  	s14 =	sshra.s32 s14, $0x2;
	[sflag:s28] =	ssyncset.done $0x0  }
0x8f: {  	s16 =	sadd.s32 $0x16000, s14;
	[sflag:s28] =	ssyncadd.s32 $0xFFFFD800  }
0x90: {  	[spmem:s2] =	stream.indirect.scatter.add.f32 [tilespmem:s31], [sflag:$0x5], $0x80, s16, s30, $0xb8;
	[tilespmem:$0x1FF80] =	vst v63  }
0x91: {  	_ =	swait.ge [sflag:s6], $0x2800  }
0x92: {  	[sflag:s6] =	ssyncset.done $0x0  }
0x93: {  	s16 =	sadd.s32 $0x16050, s14;
	[sflag:s6] =	ssyncadd.s32 $0xFFFFD800  }
0x94: {  	[spmem:s2] =	stream.indirect.scatter.add.f32 [tilespmem:s0], [sflag:$0x6], $0x80, s16, s30, $0xb8;
	[tilespmem:$0x1FF80] =	vst v63  }
0x95: {  	_ =	swait.ge [sflag:s7], $0x2800  }
0x96: {  	[sflag:s7] =	ssyncset.done $0x0  }
0x97: {  	s16 =	sadd.s32 $0x160A0, s14;
	[sflag:s7] =	ssyncadd.s32 $0xFFFFD800  }
0x98: {  	[spmem:s2] =	stream.indirect.scatter.add.f32 [tilespmem:s1], [sflag:$0x7], $0x80, s16, s30, $0xb8;
	[tilespmem:$0x1FF80] =	vst v63  }
0x99: {  	_ =	swait.ge [sflag:s8], $0x2800  }
0x9a: {  	[sflag:s8] =	ssyncset.done $0x0  }
0x9b: {  	s16 =	sadd.s32 $0x13970, s14;
	[sflag:s8] =	ssyncadd.s32 $0xFFFFD800  }
0x9c: {  	[tilespmem:s31], [sflag:$0x2] =	stream.indirect.gather [hbm4b:s4+s30], $0x80, s16, s30, $0xb8;
	[tilespmem:$0x1FF80] =	vst v63  }
0x9d: {  	_ =	swait.ge [sflag:s9], $0x2800  }
0x9e: {  	[sflag:s9] =	ssyncset.done $0x0  }
.Ltmp1:
0x9f: {  	s16 =	sadd.s32 $0x139C0, s14;
	[sflag:s9] =	ssyncadd.s32 $0xFFFFD800;
	(pc) =	sbr.rel @p1 .LBB2_4-.Ltmp1, $4  }
0xa0: {  	[tilespmem:s0], [sflag:$0x3] =	stream.indirect.gather [hbm4b:s4+s30], $0x80, s16, s30, $0xb8;
	[tilespmem:$0x1FF80] =	vst v63  }
0xa1: {  	_ =	swait.ge [sflag:s10], $0x2800  }
0xa2: {  	[sflag:s10] =	ssyncset.done $0x0  }
0xa3: {  	s14 =	sadd.s32 $0x13A10, s14;
	[sflag:s10] =	ssyncadd.s32 $0xFFFFD800  }
0xa4: {  	[tilespmem:s1], [sflag:$0x4] =	stream.indirect.gather [hbm4b:s4+s30], $0x80, s14, s30, $0xb8;
	[tilespmem:$0x1FF80] =	vst v63  }
0xa5: {  	_ =	swait.ge [sflag:s28], $0x2800  }
0xa6: {  	[sflag:s28] =	ssyncset.done $0x0  }
0xa7: {  	s13 =	simm.s32 $0x18580;
	[sflag:s28] =	ssyncadd.s32 $0xFFFFD800  }
0xa8: {  	[spmem:s2] =	stream.indirect.scatter.add.f32 [tilespmem:s31], [sflag:$0x5], $0x80, s13, s30, $0xb8;
	[tilespmem:$0x1FF80] =	vst v63  }
0xa9: {  	_ =	swait.ge [sflag:s6], $0x2800  }
0xaa: {  	[sflag:s6] =	ssyncset.done $0x0  }
0xab: {  	s14 =	simm.s32 $0x185D0;
	[sflag:s6] =	ssyncadd.s32 $0xFFFFD800  }
0xac: {  	[spmem:s2] =	stream.indirect.scatter.add.f32 [tilespmem:s0], [sflag:$0x6], $0x80, s14, s30, $0xb8;
	[tilespmem:$0x1FF80] =	vst v63  }
0xad: {  	_ =	swait.ge [sflag:s7], $0x2800  }
0xae: {  	[sflag:s7] =	ssyncset.done $0x0  }
0xaf: {  	s16 =	simm.s32 $0x18620;
	[sflag:s7] =	ssyncadd.s32 $0xFFFFD800  }
0xb0: {  	[spmem:s2] =	stream.indirect.scatter.add.f32 [tilespmem:s1], [sflag:$0x7], $0x80, s16, s30, $0xb8;
	[tilespmem:$0x1FF80] =	vst v63  }
0xb1: {  	_ =	swait.ge [sflag:s8], $0x2800  }
0xb2: {  	[sflag:s8] =	ssyncset.done $0x0  }
0xb3: {  	s17 =	simm.s32 $0x15EF0;
	[sflag:s8] =	ssyncadd.s32 $0xFFFFD800  }
0xb4: {  	[tilespmem:s31], [sflag:$0x2] =	stream.indirect.gather [hbm4b:s4+s30], $0x80, s17, s30, $0xb8;
	[tilespmem:$0x1FF80] =	vst v63  }
0xb5: {  	_ =	swait.ge [sflag:s9], $0x2800  }
0xb6: {  	[sflag:s9] =	ssyncset.done $0x0  }
0xb7: {  	s14 =	simm.s32 $0x15F40;
	[sflag:s9] =	ssyncadd.s32 $0xFFFFD800  }
0xb8: {  	[tilespmem:s0], [sflag:$0x3] =	stream.indirect.gather [hbm4b:s4+s30], $0x80, s14, s30, $0xb8;
	[tilespmem:$0x1FF80] =	vst v63  }
0xb9: {  	_ =	swait.ge [sflag:s10], $0x2800  }
0xba: {  	[sflag:s10] =	ssyncset.done $0x0  }
0xbb: {  	[sflag:s10] =	ssyncadd.s32 $0xFFFFD800  }
0xbc: {  	_ =	swait.ge [sflag:s28], $0x2800  }
0xbd: {  	[sflag:s28] =	ssyncset.done $0x0  }
0xbe: {  	s16 =	simm.s32 $0x18670;
	[sflag:s28] =	ssyncadd.s32 $0xFFFFD800  }
0xbf: {  	[spmem:s2] =	stream.indirect.scatter.add.f32 [tilespmem:s31], [sflag:$0x8], $0x80, s16, s30, $0xb8;
	[tilespmem:$0x1FF80] =	vst v63  }
0xc0: {  	_ =	swait.ge [sflag:s11], $0x2800  }
0xc1: {  	[sflag:s11] =	ssyncset.done $0x0  }
0xc2: {  	[sflag:s11] =	ssyncadd.s32 $0xFFFFD800  }
0xc3: {  	_ =	swait.ge [sflag:s6], $0x2800  }
0xc4: {  	[sflag:s6] =	ssyncset.done $0x0  }
0xc5: {  	s17 =	simm.s32 $0x186C0;
	[sflag:s6] =	ssyncadd.s32 $0xFFFFD800  }
0xc6: {  	[spmem:s2] =	stream.indirect.scatter.add.f32 [tilespmem:s0], [sflag:$0x8], $0x80, s17, s30, $0xb8;
	[tilespmem:$0x1FF80] =	vst v63  }
0xc7: {  	_ =	swait.ge [sflag:s11], $0x2800  }
0xc8: {  	[sflag:s11] =	ssyncset.done $0x0  }
0xc9: {  	[sflag:s11] =	ssyncadd.s32 $0xFFFFD800  }
0xca: {  	s13 =	sshrl.u32 @p0 s15, $0x3;
	s14 =	simm.s32 @p0 $0x1FC8;
	[bflag:$0x0] =	sbarrier.arrive $0xFFFF  }
0xcb: {  	[hbm:s24], [sflag:s14] =	dma.local @p0 [spmem:s13], $0x2800  }
0xcc: {  	s13 =	simm.s32 @p0 $0x8  }
0xcd: {  	s12 =	sadd.s32 $0x1, s12;
	s14 =	stileid.u32;
	_ =	swait.ge @p0 [sflag:s13], $0x2800  }
0xce: {  	p1 =	sne.s32 s12, s25;
	s14 =	sshll.u32 @!p0 s14, $0x6;
	[sflag:s13] =	ssyncset.done @p0 $0x0  }
0xcf: {  	[sflag:s13] =	ssyncadd.s32 @p0 $0xFFFFD800;
	s13 =	sor.u32 @!p0 $0x1C08, s14;
	s14 =	sshrl.u32 @!p0 s5, $0x3  }
0xd0: {  	[hbm:s22], [sflag:s13] =	dma.local @!p0 [spmem:s14], $0x2700  }
.Ltmp2:
0xd1: {  	_ = 	snop;
	(pc) =	sbr.rel @p1 .LBB2_1-.Ltmp2, $4  }
0xd2: {  	s13 =	simm.s32 @!p0 $0x8  }
0xd3: {  	_ =	swait.ge @!p0 [sflag:s13], $0x2700  }
0xd4: {  	[sflag:s13] =	ssyncset.done @!p0 $0x0  }
0xd5: {  	[sflag:s13] =	ssyncadd.s32 @!p0 $0xFFFFD900  }
0xd6: {  	_ =	sfence.sel $0x180000  }
0xd7: {  	[bflag:$0x0] =	sbarrier.arrive $0xFFFF  }
0xd8: {  	_ =	strace $0x9000004D  }
0xd9: {  	s0 =	stileid.u32;
	[bflag:$0x2] =	sbarrier.arrive $0xFFFF  }
0xda: {  	p0 =	sne.s32 s0, $0x0;
	s0 =	rddreg [dreg:$0x2]  }
0xdb: {  	s0 =	sadd.s32 @!p0 $0x100000, s0  }
0xdc: {  	[sflag:s0] =	ssyncadd.tile.s32 @!p0 $0x1;
	_ =	shalt  }
.Lfunc_end2:
_tile_overlayer_lowered:
.L_overlay_start_2:
0xdd: {  	(tag) =	ssettag $0x2  }
0xde: {  	s0 =	rddreg [dreg:$0x0];
	s2 =	stileid.u32  }
0xdf: {  	s1 =	rddreg [dreg:$0x1];
	p0 =	sne.s32 s2, $0x0  }
0xe0: {  	s3 =	rddreg [dreg:$0x2];
	[bflag:$0x3] =	sbarrier.arrive $0xFFFF;
	s2 =	simm.s32 @!p0 $0x1C08  }
0xe1: {  	[timem:s3], [sflag:s2] =	dma.local @!p0 [hbm:s0], s1  }
0xe2: {  	s0 =	simm.s32 @!p0 $0x8  }
0xe3: {  	_ =	swait.ge @!p0 [sflag:s0], s1  }
0xe4: {  	s1 =	ssub.s32 @!p0 $0x0, s1;
	[sflag:s0] =	ssyncset.done @!p0 $0x0  }
0xe5: {  	[sflag:s0] =	ssyncadd.s32 @!p0 s1  }
0xe6: {  	[bflag:$0x3] =	sbarrier.arrive $0xFFFF  }
0xe7: {  	_ =	shalt  }

// kernel: kernel.19.cloned.1.call-start
scs
__scs_entry_jumppad:
0x0: {  	(pc) =	sbr.rel $0x88, $3  }
0x1: {  	(tag) =	ssettag $0x0;
	lr =	simm.s32 $0x1  }
0x2: {  	[smem:$0x3F9A] =	sst lr;
	_ =	strace $0xD0000000  }
0x3: {  	_ = 	snop  }
0x4: {  	_ = 	snop  }
0x5: {  	_ = 	snop  }
0x6: {  	_ = 	snop  }
0x7: {  	_ = 	snop  }
__scs_overlays_trampoline_lowered:
0x8: {  	[smem:$0x3FA9] =	sst s0  }
0x9: {  	[smem:$0x3FAA] =	sst s1  }
0xa: {  	[smem:$0x3FAB] =	sst s2  }
0xb: {  	[smem:$0x3FAC] =	sst s3  }
0xc: {  	[smem:$0x3FAD] =	sst s4  }
0xd: {  	[smem:$0x3FAE] =	sst s5  }
0xe: {  	[smem:$0x3FAF] =	sst s6  }
0xf: {  	[smem:$0x3FB0] =	sst s7  }
0x10: {  	[smem:$0x3FB1] =	sst s8  }
0x11: {  	[smem:$0x3FB2] =	sst s9;
	s0 =	simm.s32 @!p0 $0x0  }
0x12: {  	s1 =	sld [smem:$0x3F98];
	s0 =	simm.s32 @p0 $0x1  }
0x13: {  	[smem:$0x3FB3] =	sst s0;
	s0 =	simm.s32 @!p1 $0x0  }
0x14: {  	s2 =	sld [smem:$0x3F97];
	s0 =	simm.s32 @p1 $0x1  }
0x15: {  	[smem:$0x3FB4] =	sst s0;
	s0 =	simm.s32 @!p2 $0x0  }
0x16: {  	s3 =	sld [smem:$0x3FDB];
	s0 =	simm.s32 @p2 $0x1  }
0x17: {  	s4 =	simm.s32 $0x1BF5;
	[smem:$0x3FB6] =	sst s0  }
0x18: {  	s0 =	sld [smem:$0x3F99];
	_ =	swait.ge [sflag:s4], $0x0  }
0x19: {  	s7 =	sld [smem:$0x3F9A]  }
0x1a: {  	s8 =	sadd.s32 $0xFFFFE003, lr  }
0x1b: {  	s9 =	sadd.s32 $0xFFFFFEF7, lr;
	s5 =	simm.s32 $0xFFFFFFFF;
	p2 =	slt.u32 s8, $0xFFFFF086  }
0x1c: {  	p1 =	slt.u32 s9, $0xF7A;
	s5 =	simm.s32 @!p2 $0x0  }
0x1d: {  	s5 =	simm.s32 @p1 $0x1;
	p0 =	seq.s32 s7, s2  }
0x1e: {  	s7 =	smul.u32 @!p0 $0xF7A, s2;
	p2 =	seq.s32 @!p0 s5, $0x0  }
0x1f: {  	s9 =	smul.u32 $0xF7A, s1;
	s8 =	simm.s32 @!p0 $0x1BF5;
	p2 =	por !p2, p0  }
0x20: {  	[sflag:s8] =	ssyncset.s32 @!p0 $0xFFFFF086;
	s6 =	sadd.s32 @!p0 s3, s7;
	s7 =	simm.s32 @!p0 $0x108  }
0x21: {  	s3 =	sadd.s32 s3, s9;
	s6 =	sadd.s32 @!p0 $0x88, s6;
	s7 =	simm.s32 @p2 $0x1082  }
0x22: {  	[simem:s7], [sflag:s8] =	dma.local @!p0 [hbm:s6], $0xF7A  }
0x23: {  	s9 =	sor.u32 $0xD0000000, s2;
	s6 =	simm.s32 $0x108;
	_ =	swait.ge @!p0 [sflag:s8], $0x0  }
0x24: {  	s3 =	sadd.s32 $0x88, s3;
	s6 =	simm.s32 @!p1 $0x1082;
	[sflag:s4] =	ssyncset.s32 $0xFFFFF086  }
0x25: {  	[simem:s6], [sflag:s4] =	dma.local [hbm:s3], $0xF7A  }
0x26: {  	[smem:$0x3F9A] =	sst s1;
	(tag) =	ssettag s2;
	_ =	strace s9  }
0x27: {  	s1 =	sld [smem:$0x3FAA]  }
0x28: {  	s2 =	sld [smem:$0x3FAB]  }
0x29: {  	s4 =	sld [smem:$0x3FAD]  }
0x2a: {  	p0 =	seq.s32 s5, $0x0;
	s5 =	sld [smem:$0x3FAE]  }
0x2b: {  	s6 =	sld [smem:$0x3FAF]  }
0x2c: {  	s7 =	sld [smem:$0x3FB0]  }
0x2d: {  	s3 =	simm.s32 $0x108;
	s8 =	sld [smem:$0x3FB1]  }
0x2e: {  	s3 =	simm.s32 @!p0 $0x1082;
	s9 =	sld [smem:$0x3FB2]  }
0x2f: {  	lr =	sadd.s32 s0, s3;
	s0 =	sld [smem:$0x3FA9]  }
0x30: {  	s3 =	sld [smem:$0x3FAC]  }
0x31: {  	[smem:$0x3FB5] =	sst s10  }
0x32: {  	s10 =	sld [smem:$0x3FB3];
	_ =	sdelay $0x3  }
0x33: {  	p0 =	seq.s32 s10, $0x1;
	s10 =	sld [smem:$0x3FB5];
	_ =	sdelay $0x3  }
0x34: {  	[smem:$0x3FB5] =	sst s10  }
0x35: {  	s10 =	sld [smem:$0x3FB4];
	_ =	sdelay $0x3  }
0x36: {  	p1 =	seq.s32 s10, $0x1;
	s10 =	sld [smem:$0x3FB5];
	_ =	sdelay $0x3  }
0x37: {  	[smem:$0x3FB5] =	sst s10  }
0x38: {  	s10 =	sld [smem:$0x3FB6]  }
0x39: {  	_ = 	snop;
	(pc) =	sbr.ind lr, $3  }
0x3a: {  	_ = 	snop  }
0x3b: {  	_ = 	snop  }
0x3c: {  	p2 =	seq.s32 s10, $0x1;
	s10 =	sld [smem:$0x3FB5]  }
0x3d: {  	_ =	shalt  }
0x3e: {  	_ =	shalt  }
0x3f: {  	_ =	shalt  }
0x40: {  	_ =	shalt  }
0x41: {  	_ =	shalt  }
0x42: {  	_ =	shalt  }
0x43: {  	_ =	shalt  }
0x44: {  	_ =	shalt  }
0x45: {  	_ =	shalt  }
0x46: {  	_ =	shalt  }
0x47: {  	_ =	shalt  }
0x48: {  	_ =	shalt  }
0x49: {  	_ =	shalt  }
0x4a: {  	_ =	shalt  }
0x4b: {  	_ =	shalt  }
0x4c: {  	_ =	shalt  }
0x4d: {  	_ =	shalt  }
0x4e: {  	_ =	shalt  }
0x4f: {  	_ =	shalt  }
0x50: {  	_ =	shalt  }
0x51: {  	_ =	shalt  }
0x52: {  	_ =	shalt  }
0x53: {  	_ =	shalt  }
0x54: {  	_ =	shalt  }
0x55: {  	_ =	shalt  }
0x56: {  	_ =	shalt  }
0x57: {  	_ =	shalt  }
0x58: {  	_ =	shalt  }
0x59: {  	_ =	shalt  }
0x5a: {  	_ =	shalt  }
0x5b: {  	_ =	shalt  }
0x5c: {  	_ =	shalt  }
0x5d: {  	_ =	shalt  }
0x5e: {  	_ =	shalt  }
0x5f: {  	_ =	shalt  }
0x60: {  	_ =	shalt  }
0x61: {  	_ =	shalt  }
0x62: {  	_ =	shalt  }
0x63: {  	_ =	shalt  }
0x64: {  	_ =	shalt  }
0x65: {  	_ =	shalt  }
0x66: {  	_ =	shalt  }
0x67: {  	_ =	shalt  }
0x68: {  	_ =	shalt  }
0x69: {  	_ =	shalt  }
0x6a: {  	_ =	shalt  }
0x6b: {  	_ =	shalt  }
0x6c: {  	_ =	shalt  }
0x6d: {  	_ =	shalt  }
0x6e: {  	_ =	shalt  }
0x6f: {  	_ =	shalt  }
0x70: {  	_ =	shalt  }
0x71: {  	_ =	shalt  }
0x72: {  	_ =	shalt  }
0x73: {  	_ =	shalt  }
0x74: {  	_ =	shalt  }
0x75: {  	_ =	shalt  }
0x76: {  	_ =	shalt  }
0x77: {  	_ =	shalt  }
0x78: {  	_ =	shalt  }
0x79: {  	_ =	shalt  }
0x7a: {  	_ =	shalt  }
0x7b: {  	_ =	shalt  }
0x7c: {  	_ =	shalt  }
0x7d: {  	_ =	shalt  }
0x7e: {  	_ =	shalt  }
0x7f: {  	_ =	shalt  }
0x80: {  	_ =	shalt  }
0x81: {  	_ =	shalt  }
0x82: {  	_ =	shalt  }
0x83: {  	_ =	shalt  }
0x84: {  	_ =	shalt  }
0x85: {  	_ =	shalt  }
0x86: {  	_ =	shalt  }
0x87: {  	_ =	shalt  }
.Lfunc_end0:
.L_simem_size_0:
called_computation.3_lowered:
.L_overlay_start_0:
0x88: {  	s2 =	sld [smem:$0x3FD9]  }
0x89: {  	s3 =	sld [smem:$0x3FFE];
	_ =	sdelay $0x1  }
0x8a: {  	s1 =	srdreg.scid  }
0x8b: {  	s0 =	sand.u32 $0x1, s1  }
0x8c: {  	s16 =	sshll.u32 s0, $0xA;
	s2 =	sadd.s32 s3, s2  }
0x8d: {  	s2 =	sadd.s32 s2, s16  }
0x8e: {  	[smem:$0x3FC1] =	sst s2  }
0x8f: {  	_ = 	snop  }
0x90: {  	(tm) =	ssettm $0x1  }
0x91: {  	s17 =	sld [smem:$0x3FFB];
	_ =	sdelay $0x3  }
0x92: {  	_ =	strace s17  }
0x93: {  	s2 =	sld [smem:$0x3FFC];
	_ =	sdelay $0x3  }
0x94: {  	_ =	strace s2  }
0x95: {  	s2 =	sld [smem:$0x3FFD];
	_ =	sdelay $0x3  }
0x96: {  	_ =	strace s2  }
0x97: {  	_ =	strace $0x8FFFFFFF  }
0x98: {  	s18 =	sld [smem:$0x3FDB];
	_ =	sdelay $0x1  }
0x99: {  	s19 =	simm.s32 $_scs_section_size  }
0x9a: {  	s4 =	simm.s32 $_size__tile_overlayer_lowered;
	s5 =	simm.s32 $_tile_overlayer_lowered  }
0x9b: {  	s22 =	simm.s32 $0x1BFF;
	s21 =	sshll.u32 s5, $0x1;
	s2 =	sadd.s32 s19, s18  }
0x9c: {  	s6 =	simm.s32 $0x0;
	s20 =	sshll.u32 s4, $0x1;
	s4 =	sadd.s32 s21, s2  }
0x9d: {  	[timem:s6], [sflag:s22] =	dma.local [hbm:s4], s20  }
0x9e: {  	_ =	swait.ge [sflag:s22], s20  }
0x9f: {  	s3 =	ssub.s32 $0x0, s20;
	[sflag:s22] =	ssyncset.done $0x0  }
0xa0: {  	[sflag:s22] =	ssyncadd.s32 s3;
	_ =	sdelay $0x1  }
0xa1: {  	s23 =	simm.s32 $0x1B8B  }
0xa2: {  	_ =	swait.ge [sflag:s23], $0x1  }
0xa3: {  	[sflag:s23] =	ssyncset.done $0x0  }
0xa4: {  	s25 =	simm.s32 $0x1B8E;
	s24 =	sld [smem:$0x3FFE];
	[sflag:s23] =	ssyncadd.s32 $0xFFFFFFFF  }
0xa5: {  	s26 =	simm.s32 $execute0_lowered;
	[smem:$0x3FD2] =	sst s25  }
0xa6: {  	s4 =	sshll.u32 s26, $0x1;
	_ =	strace $0x8000004F;
	[dreg:$0x1] =	wrdreg $0xFFFFFFFF  }
0xa7: {  	s28 =	simm.s32 $_size_execute0_lowered;
	s2 =	sadd.s32 s2, s4;
	[dreg:$0x0] =	wrdreg $0x0  }
0xa8: {  	s4 =	sshll.u32 s28, $0x1;
	[dreg:$0x2] =	wrdreg s2  }
0xa9: {  	[dreg:$0x3] =	wrdreg s4  }
0xaa: {  	[dreg:$0x4] =	wrdreg $0xC0  }
0xab: {  	_ =	task [dreg:s6], $0x5FFFF  }
0xac: {  	[dreg:$0x1] =	wrdreg $0xFFFFFFFF  }
0xad: {  	[dreg:$0x0] =	wrdreg $0x60  }
0xae: {  	[dreg:$0x2] =	wrdreg s24  }
0xaf: {  	[dreg:$0x3] =	wrdreg $0x0  }
0xb0: {  	[dreg:$0x4] =	wrdreg $0x9  }
0xb1: {  	_ =	task.clear_ibuf [dreg:s6], $0x5FFFF;
	_ =	strace $0x9000004F  }
0xb2: {  	s29 =	simm.s32 $0x9;
	_ =	strace $0x80000051  }
0xb3: {  	_ =	swait.ge [sflag:s29], $0x1  }
0xb4: {  	[sflag:s29] =	ssyncadd.s32 $0xFFFFFFFF  }
0xb5: {  	_ =	strace $0x90000051  }
0xb6: {  	_ =	sfence  }
0xb7: {  	s30 =	sld [smem:$0x0];
	_ =	sdelay $0x2  }
0xb8: {  	s31 =	sshll.u32 s1, $0xD;
	s1 =	sshrl.u32 s1, $0x2  }
0xb9: {  	s3 =	sand.u32 $0x4000, s31;
	s1 =	sadd.s32 s1, s30  }
0xba: {  	s0 =	sor.u32 s3, s0;
	s1 =	sshll.u32 s1, $0x11  }
0xbb: {  	s0 =	sor.u32 s1, s0  }
0xbc: {  	s0 =	sadd.s32 $0x8F2B, s0  }
0xbd: {  	[sflag:s0] =	ssyncadd.remote.s32 $0x1  }
0xbe: {  	_ =	sfence.sel $0xFFFF  }
0xbf: {  	[dreg:$0x0] =	wrdreg $0xFFFFFFFF;
	(pc) =	sbr.abs _section_cstart, $3  }
0xc0: {  	[dreg:$0x1] =	wrdreg $0xFFFFFFFF  }
0xc1: {  	_ =	task.clear_ibuf [dreg:s6], $0x2FFFF;
	_ =	strace $0x9FFFFFFF  }
0xc2: {  	(tm) =	ssettm $0x7FFFFFFF  }
0xc3: {  	_ =	shalt  }
tec
execute0_lowered:
.L_overlay_start_1:
0x0: {  	(tag) =	ssettag $0x1  }
0x1: {  	s0 =	srdreg.scid  }
0x2: {  	s1 =	rddreg [dreg:$0x0];
	s10 =	stileid.u32  }
0x3: {  	s2 =	rddreg [dreg:$0x1];
	s29 =	simm.s32 $0x1;
	s30 =	simm.s32 $0x50  }
0x4: {  	s31 =	simm.s32 $0x18780;
	s28 =	simm.s32 $0x2;
	s6 =	smul.u32 $0x4E000, s10  }
0x5: {  	s12 =	simm.s32 $0x0;
	s0 =	sand.u32 $0x1, s0;
	s9 =	smul.u32 $0x2700, s10  }
0x6: {  	s24 =	sadd.s32 $0x127000, s2;
	s26 =	sadd.s32 $0x129800, s2;
	s3 =	sshll.u32 s0, $0x4  }
0x7: {  	p0 =	seq.s32 s10, $0xF;
	s25 =	smul.u32 $0x27100, s0;
	s4 =	sor.u32 s10, s3  }
0x8: {  	s8 =	ssub.s32 $0x2, s0;
	s3 =	simm.s32 $0x0;
	s5 =	smul.u32 $0x4E2, s4  }
0x9: {  	s0 =	smul.u32 $0x138800, s0;
	s15 =	sshrl.u32 s6, $0x2;
	[smem:$0x7FF] =	sst s3  }
0xa: {  	_ =	strace $0x80000050;
	[dreg:$0xc] =	wrdreg s24;
	s7 =	sadd.s32 s5, s1  }
0xb: {  	s16 =	sshrl.u32 s8, $0x1;
	[dreg:$0xd] =	wrdreg s26;
	s11 =	sadd.s32 $0xCA00, s7  }
0xc: {  	s5 =	sadd.s32 s15, s2;
	s7 =	sadd.s32 $0x2C00, s7;
	[dreg:$0x3] =	wrdreg s11  }
0xd: {  	s10 =	simm.s32 $0x7;
	s17 =	sadd.s32 $0x2800, s5;
	[dreg:$0x4] =	wrdreg s7  }
0xe: {  	s4 =	sadd.s32 $0x16800, s1;
	s18 =	sadd.s32 $0x5000, s5;
	[dreg:$0x5] =	wrdreg s17  }
0xf: {  	s6 =	ssub.s32 s8, s16;
	s19 =	sadd.s32 $0x7800, s5;
	[dreg:$0x6] =	wrdreg s18  }
0x10: {  	s0 =	sshrl.u32 s0, $0x3;
	s20 =	sadd.s32 $0xA000, s5;
	[dreg:$0x7] =	wrdreg s19  }
0x11: {  	s8 =	simm.s32 $0x5;
	s21 =	sadd.s32 $0xC800, s5;
	[dreg:$0x8] =	wrdreg s20  }
0x12: {  	s26 =	simm.s32 $0x13880;
	s22 =	sadd.s32 $0xF000, s5;
	[dreg:$0x9] =	wrdreg s21  }
0x13: {  	s1 =	sadd.s32 $0x3DA00, s1;
	s23 =	sadd.s32 $0x11800, s5;
	[dreg:$0xa] =	wrdreg s22  }
0x14: {  	s15 =	sadd.s32 $0x124800, s2;
	s0 =	sadd.s32 s1, s0;
	[dreg:$0xb] =	wrdreg s23  }
0x15: {  	s18 =	sadd.s32 $0x12C000, s2;
	s19 =	sadd.s32 $0x12E800, s2;
	s20 =	sadd.s32 $0x131000, s2  }
0x16: {  	s7 =	sadd.s32 s9, s25;
	s21 =	sadd.s32 $0x133800, s2;
	s23 =	sadd.s32 $0x136000, s2  }
0x17: {  	s24 =	sadd.s32 $0x24900, s0;
	s25 =	smax.u32 s6, $0x1;
	s0 =	simm.s32 $0x1AF80  }
0x18: {  	s6 =	simm.s32 $0x3;
	s9 =	simm.s32 $0x6;
	s11 =	simm.s32 $0x8  }
0x19: {  	v0 =	vimm.f32 $0.0e+00;
	s22 =	sadd.s32 s1, s7;
	s1 =	simm.s32 $0x1D780;
	s7 =	simm.s32 $0x4  }
.LBB2_1:
0x1a: {  	s13 =	rddreg [dreg:$0x3]  }
0x1b: {  	[tilespmem:s26], [sflag:$0x1] =	stream.linear.gather [hbm4b:s13+s3], $0x2710, $0x38;
	[tilespmem:$0x1FF80] =	vst v63  }
0x1c: {  	s17 =	rddreg [dreg:$0x4];
	s14 =	simm.s32 $0x16000;
	s16 =	sand.u32 $0xFE00, s3  }
0x1d: {  	[tilespmem:s14], [sflag:$0x1] =	stream.linear.gather [hbm4b:s17+s3], $0x2710, $0x38;
	[tilespmem:$0x1FF80] =	vst v63  }
0x1e: {  	s16 =	sshrl.u32 s16, $0x2;
	s17 =	sand.u32 $0x70, s3  }
0x1f: {  	s13 =	simm.s32 $0x40;
	s14 =	simm.s32 $0x0;
	s16 =	sor.u32 s17, s16  }
.LBB2_2:
0x20: {  	p1 =	sne.s32 s13, $0x9FC0  }
0x21: {  	[tilespmem:s16+$0x18780] =	vst v0;
	s14 =	sadd.s32 $0x10, s14;
	s16 =	smov.u32 s13;
	s13 =	sadd.s32 $0x40, s13  }
.Ltmp0:
0x22: {  	(pc) =	sbr.rel @p1 .LBB2_2-.Ltmp0, $4  }
0x23: {  	_ = 	snop  }
0x24: {  	s16 =	sand.u32 $0xFE00, s16  }
0x25: {  	s17 =	sand.u32 $0x70, s14;
	s16 =	sshrl.u32 s16, $0x2  }
0x26: {  	s16 =	sor.u32 s17, s16  }
0x27: {  	[tilespmem:s16+$0x18780] =	vst v0;
	s13 =	simm.s32 @p0 $0x18780;
	s14 =	simm.s32 @p0 $0x8  }
0x28: {  	[spmem:s15] =	stream.linear.scatter @p0 [tilespmem:s13], [sflag:$0x8], $0x2800, $0x38;
	[tilespmem:$0x1FF80] =	vst v63  }
0x29: {  	_ =	swait.ge @p0 [sflag:s14], $0x2800  }
0x2a: {  	[sflag:s14] =	ssyncset.done @p0 $0x0  }
0x2b: {  	s16 =	rddreg [dreg:$0xc];
	[sflag:s14] =	ssyncadd.s32 @p0 $0xFFFFD800  }
0x2c: {  	[spmem:s16] =	stream.linear.scatter @p0 [tilespmem:s13], [sflag:$0x8], $0x2800, $0x38;
	[tilespmem:$0x1FF80] =	vst v63  }
0x2d: {  	_ =	swait.ge @p0 [sflag:s14], $0x2800  }
0x2e: {  	[sflag:s14] =	ssyncset.done @p0 $0x0  }
0x2f: {  	s16 =	rddreg [dreg:$0xd];
	[sflag:s14] =	ssyncadd.s32 @p0 $0xFFFFD800  }
0x30: {  	[spmem:s16] =	stream.linear.scatter @p0 [tilespmem:s13], [sflag:$0x8], $0x2800, $0x38;
	[tilespmem:$0x1FF80] =	vst v63  }
0x31: {  	_ =	swait.ge @p0 [sflag:s14], $0x2800  }
0x32: {  	[sflag:s14] =	ssyncset.done @p0 $0x0  }
0x33: {  	[sflag:s14] =	ssyncadd.s32 @p0 $0xFFFFD800  }
0x34: {  	[spmem:s18] =	stream.linear.scatter @p0 [tilespmem:s13], [sflag:$0x8], $0x2800, $0x38;
	[tilespmem:$0x1FF80] =	vst v63  }
0x35: {  	_ =	swait.ge @p0 [sflag:s14], $0x2800  }
0x36: {  	[sflag:s14] =	ssyncset.done @p0 $0x0  }
0x37: {  	[sflag:s14] =	ssyncadd.s32 @p0 $0xFFFFD800  }
0x38: {  	[spmem:s19] =	stream.linear.scatter @p0 [tilespmem:s13], [sflag:$0x8], $0x2800, $0x38;
	[tilespmem:$0x1FF80] =	vst v63  }
0x39: {  	_ =	swait.ge @p0 [sflag:s14], $0x2800  }
0x3a: {  	[sflag:s14] =	ssyncset.done @p0 $0x0  }
0x3b: {  	[sflag:s14] =	ssyncadd.s32 @p0 $0xFFFFD800  }
0x3c: {  	[spmem:s20] =	stream.linear.scatter @p0 [tilespmem:s13], [sflag:$0x8], $0x2800, $0x38;
	[tilespmem:$0x1FF80] =	vst v63  }
0x3d: {  	_ =	swait.ge @p0 [sflag:s14], $0x2800  }
0x3e: {  	[sflag:s14] =	ssyncset.done @p0 $0x0  }
0x3f: {  	[sflag:s14] =	ssyncadd.s32 @p0 $0xFFFFD800  }
0x40: {  	[spmem:s21] =	stream.linear.scatter @p0 [tilespmem:s13], [sflag:$0x8], $0x2800, $0x38;
	[tilespmem:$0x1FF80] =	vst v63  }
0x41: {  	_ =	swait.ge @p0 [sflag:s14], $0x2800  }
0x42: {  	[sflag:s14] =	ssyncset.done @p0 $0x0  }
0x43: {  	[sflag:s14] =	ssyncadd.s32 @p0 $0xFFFFD800  }
0x44: {  	[spmem:s23] =	stream.linear.scatter @p0 [tilespmem:s13], [sflag:$0x8], $0x2800, $0x38;
	[tilespmem:$0x1FF80] =	vst v63  }
0x45: {  	_ =	swait.ge @p0 [sflag:s14], $0x2800  }
0x46: {  	[sflag:s14] =	ssyncset.done @p0 $0x0  }
0x47: {  	s13 =	simm.s32 @!p0 $0x18780;
	[sflag:s14] =	ssyncadd.s32 @p0 $0xFFFFD800;
	s14 =	simm.s32 @!p0 $0x8  }
0x48: {  	[spmem:s5] =	stream.linear.scatter @!p0 [tilespmem:s13], [sflag:$0x8], $0x2800, $0x38;
	[tilespmem:$0x1FF80] =	vst v63  }
0x49: {  	_ =	swait.ge @!p0 [sflag:s14], $0x2800  }
0x4a: {  	[sflag:s14] =	ssyncset.done @!p0 $0x0  }
0x4b: {  	s16 =	rddreg [dreg:$0x5];
	[sflag:s14] =	ssyncadd.s32 @!p0 $0xFFFFD800  }
0x4c: {  	[spmem:s16] =	stream.linear.scatter @!p0 [tilespmem:s13], [sflag:$0x8], $0x2800, $0x38;
	[tilespmem:$0x1FF80] =	vst v63  }
0x4d: {  	_ =	swait.ge @!p0 [sflag:s14], $0x2800  }
0x4e: {  	[sflag:s14] =	ssyncset.done @!p0 $0x0  }
0x4f: {  	s16 =	rddreg [dreg:$0x6];
	[sflag:s14] =	ssyncadd.s32 @!p0 $0xFFFFD800  }
0x50: {  	[spmem:s16] =	stream.linear.scatter @!p0 [tilespmem:s13], [sflag:$0x8], $0x2800, $0x38;
	[tilespmem:$0x1FF80] =	vst v63  }
0x51: {  	_ =	swait.ge @!p0 [sflag:s14], $0x2800  }
0x52: {  	[sflag:s14] =	ssyncset.done @!p0 $0x0  }
0x53: {  	s16 =	rddreg [dreg:$0x7];
	[sflag:s14] =	ssyncadd.s32 @!p0 $0xFFFFD800  }
0x54: {  	[spmem:s16] =	stream.linear.scatter @!p0 [tilespmem:s13], [sflag:$0x8], $0x2800, $0x38;
	[tilespmem:$0x1FF80] =	vst v63  }
0x55: {  	_ =	swait.ge @!p0 [sflag:s14], $0x2800  }
0x56: {  	[sflag:s14] =	ssyncset.done @!p0 $0x0  }
0x57: {  	s16 =	rddreg [dreg:$0x8];
	[sflag:s14] =	ssyncadd.s32 @!p0 $0xFFFFD800  }
0x58: {  	[spmem:s16] =	stream.linear.scatter @!p0 [tilespmem:s13], [sflag:$0x8], $0x2800, $0x38;
	[tilespmem:$0x1FF80] =	vst v63  }
0x59: {  	_ =	swait.ge @!p0 [sflag:s14], $0x2800  }
0x5a: {  	[sflag:s14] =	ssyncset.done @!p0 $0x0  }
0x5b: {  	s16 =	rddreg [dreg:$0x9];
	[sflag:s14] =	ssyncadd.s32 @!p0 $0xFFFFD800  }
0x5c: {  	[spmem:s16] =	stream.linear.scatter @!p0 [tilespmem:s13], [sflag:$0x8], $0x2800, $0x38;
	[tilespmem:$0x1FF80] =	vst v63  }
0x5d: {  	_ =	swait.ge @!p0 [sflag:s14], $0x2800  }
0x5e: {  	[sflag:s14] =	ssyncset.done @!p0 $0x0  }
0x5f: {  	s16 =	rddreg [dreg:$0xa];
	[sflag:s14] =	ssyncadd.s32 @!p0 $0xFFFFD800  }
0x60: {  	[spmem:s16] =	stream.linear.scatter @!p0 [tilespmem:s13], [sflag:$0x8], $0x2800, $0x38;
	[tilespmem:$0x1FF80] =	vst v63  }
0x61: {  	_ =	swait.ge @!p0 [sflag:s14], $0x2800  }
0x62: {  	[sflag:s14] =	ssyncset.done @!p0 $0x0  }
0x63: {  	s16 =	rddreg [dreg:$0xb];
	[sflag:s14] =	ssyncadd.s32 @!p0 $0xFFFFD800  }
0x64: {  	[spmem:s16] =	stream.linear.scatter @!p0 [tilespmem:s13], [sflag:$0x8], $0x2000, $0x38;
	[tilespmem:$0x1FF80] =	vst v63  }
0x65: {  	_ =	swait.ge @!p0 [sflag:s14], $0x2000  }
0x66: {  	[sflag:s14] =	ssyncset.done @!p0 $0x0  }
0x67: {  	[sflag:s14] =	ssyncadd.s32 @!p0 $0xFFFFE000  }
0x68: {  	[bflag:$0x0] =	sbarrier.arrive $0xFFFF  }
0x69: {  	_ =	swait.ge [sflag:s29], $0x2710  }
0x6a: {  	[sflag:s29] =	ssyncset.done $0x0  }
0x6b: {  	[sflag:s29] =	ssyncadd.s32 $0xFFFFD8F0  }
0x6c: {  	_ =	swait.ge [sflag:s29], $0x2710  }
0x6d: {  	[sflag:s29] =	ssyncset.done $0x0  }
0x6e: {  	[sflag:s29] =	ssyncadd.s32 $0xFFFFD8F0  }
0x6f: {  	[tilespmem:s31], [sflag:$0x2] =	stream.indirect.gather [hbm4b:s4+s30], $0x80, s26, s30, $0xb8;
	[tilespmem:$0x1FF80] =	vst v63  }
0x70: {  	s17 =	simm.s32 $0x138D0  }
0x71: {  	[tilespmem:s0], [sflag:$0x3] =	stream.indirect.gather [hbm4b:s4+s30], $0x80, s17, s30, $0xb8;
	[tilespmem:$0x1FF80] =	vst v63  }
0x72: {  	s14 =	simm.s32 $0x13920  }
0x73: {  	[tilespmem:s1], [sflag:$0x4] =	stream.indirect.gather [hbm4b:s4+s30], $0x80, s14, s30, $0xb8;
	[tilespmem:$0x1FF80] =	vst v63  }
0x74: {  	_ =	swait.ge [sflag:s28], $0x2800  }
0x75: {  	[sflag:s28] =	ssyncset.done $0x0  }
0x76: {  	s16 =	simm.s32 $0x16000;
	[sflag:s28] =	ssyncadd.s32 $0xFFFFD800  }
0x77: {  	[spmem:s2] =	stream.indirect.scatter.add.f32 [tilespmem:s31], [sflag:$0x5], $0x80, s16, s30, $0xb8;
	[tilespmem:$0x1FF80] =	vst v63  }
0x78: {  	_ =	swait.ge [sflag:s6], $0x2800  }
0x79: {  	[sflag:s6] =	ssyncset.done $0x0  }
0x7a: {  	s17 =	simm.s32 $0x16050;
	[sflag:s6] =	ssyncadd.s32 $0xFFFFD800  }
0x7b: {  	[spmem:s2] =	stream.indirect.scatter.add.f32 [tilespmem:s0], [sflag:$0x6], $0x80, s17, s30, $0xb8;
	[tilespmem:$0x1FF80] =	vst v63  }
0x7c: {  	_ =	swait.ge [sflag:s7], $0x2800  }
0x7d: {  	[sflag:s7] =	ssyncset.done $0x0  }
0x7e: {  	s14 =	simm.s32 $0x160A0;
	[sflag:s7] =	ssyncadd.s32 $0xFFFFD800  }
0x7f: {  	[spmem:s2] =	stream.indirect.scatter.add.f32 [tilespmem:s1], [sflag:$0x7], $0x80, s14, s30, $0xb8;
	[tilespmem:$0x1FF80] =	vst v63  }
0x80: {  	_ =	swait.ge [sflag:s8], $0x2800  }
0x81: {  	[sflag:s8] =	ssyncset.done $0x0  }
0x82: {  	s16 =	simm.s32 $0x13970;
	[sflag:s8] =	ssyncadd.s32 $0xFFFFD800  }
0x83: {  	[tilespmem:s31], [sflag:$0x2] =	stream.indirect.gather [hbm4b:s4+s30], $0x80, s16, s30, $0xb8;
	[tilespmem:$0x1FF80] =	vst v63  }
0x84: {  	_ =	swait.ge [sflag:s9], $0x2800  }
0x85: {  	[sflag:s9] =	ssyncset.done $0x0  }
0x86: {  	s17 =	simm.s32 $0x139C0;
	[sflag:s9] =	ssyncadd.s32 $0xFFFFD800  }
0x87: {  	[tilespmem:s0], [sflag:$0x3] =	stream.indirect.gather [hbm4b:s4+s30], $0x80, s17, s30, $0xb8;
	[tilespmem:$0x1FF80] =	vst v63  }
0x88: {  	_ =	swait.ge [sflag:s10], $0x2800  }
0x89: {  	[sflag:s10] =	ssyncset.done $0x0  }
0x8a: {  	s13 =	simm.s32 $0x3C0;
	s14 =	simm.s32 $0x13A10;
	[sflag:s10] =	ssyncadd.s32 $0xFFFFD800  }
.LBB2_4:
0x8b: {  	[tilespmem:s1], [sflag:$0x4] =	stream.indirect.gather [hbm4b:s4+s30], $0x80, s14, s30, $0xb8;
	[tilespmem:$0x1FF80] =	vst v63  }
0x8c: {  	s14 =	smov.u32 s13  }
0x8d: {  	p1 =	sne.s32 s13, $0x9240;
	s13 =	sadd.s32 $0x3C0, s13;
	_ =	swait.ge [sflag:s28], $0x2800  }
0x8e: {  	s14 =	sshra.s32 s14, $0x2;
	[sflag:s28] =	ssyncset.done $0x0  }
0x8f: {  	s16 =	sadd.s32 $0x16000, s14;
	[sflag:s28] =	ssyncadd.s32 $0xFFFFD800  }
0x90: {  	[spmem:s2] =	stream.indirect.scatter.add.f32 [tilespmem:s31], [sflag:$0x5], $0x80, s16, s30, $0xb8;
	[tilespmem:$0x1FF80] =	vst v63  }
0x91: {  	_ =	swait.ge [sflag:s6], $0x2800  }
0x92: {  	[sflag:s6] =	ssyncset.done $0x0  }
0x93: {  	s16 =	sadd.s32 $0x16050, s14;
	[sflag:s6] =	ssyncadd.s32 $0xFFFFD800  }
0x94: {  	[spmem:s2] =	stream.indirect.scatter.add.f32 [tilespmem:s0], [sflag:$0x6], $0x80, s16, s30, $0xb8;
	[tilespmem:$0x1FF80] =	vst v63  }
0x95: {  	_ =	swait.ge [sflag:s7], $0x2800  }
0x96: {  	[sflag:s7] =	ssyncset.done $0x0  }
0x97: {  	s16 =	sadd.s32 $0x160A0, s14;
	[sflag:s7] =	ssyncadd.s32 $0xFFFFD800  }
0x98: {  	[spmem:s2] =	stream.indirect.scatter.add.f32 [tilespmem:s1], [sflag:$0x7], $0x80, s16, s30, $0xb8;
	[tilespmem:$0x1FF80] =	vst v63  }
0x99: {  	_ =	swait.ge [sflag:s8], $0x2800  }
0x9a: {  	[sflag:s8] =	ssyncset.done $0x0  }
0x9b: {  	s16 =	sadd.s32 $0x13970, s14;
	[sflag:s8] =	ssyncadd.s32 $0xFFFFD800  }
0x9c: {  	[tilespmem:s31], [sflag:$0x2] =	stream.indirect.gather [hbm4b:s4+s30], $0x80, s16, s30, $0xb8;
	[tilespmem:$0x1FF80] =	vst v63  }
0x9d: {  	_ =	swait.ge [sflag:s9], $0x2800  }
0x9e: {  	[sflag:s9] =	ssyncset.done $0x0  }
.Ltmp1:
0x9f: {  	s16 =	sadd.s32 $0x139C0, s14;
	[sflag:s9] =	ssyncadd.s32 $0xFFFFD800;
	(pc) =	sbr.rel @p1 .LBB2_4-.Ltmp1, $4  }
0xa0: {  	[tilespmem:s0], [sflag:$0x3] =	stream.indirect.gather [hbm4b:s4+s30], $0x80, s16, s30, $0xb8;
	[tilespmem:$0x1FF80] =	vst v63  }
0xa1: {  	_ =	swait.ge [sflag:s10], $0x2800  }
0xa2: {  	[sflag:s10] =	ssyncset.done $0x0  }
0xa3: {  	s14 =	sadd.s32 $0x13A10, s14;
	[sflag:s10] =	ssyncadd.s32 $0xFFFFD800  }
0xa4: {  	[tilespmem:s1], [sflag:$0x4] =	stream.indirect.gather [hbm4b:s4+s30], $0x80, s14, s30, $0xb8;
	[tilespmem:$0x1FF80] =	vst v63  }
0xa5: {  	_ =	swait.ge [sflag:s28], $0x2800  }
0xa6: {  	[sflag:s28] =	ssyncset.done $0x0  }
0xa7: {  	s13 =	simm.s32 $0x18580;
	[sflag:s28] =	ssyncadd.s32 $0xFFFFD800  }
0xa8: {  	[spmem:s2] =	stream.indirect.scatter.add.f32 [tilespmem:s31], [sflag:$0x5], $0x80, s13, s30, $0xb8;
	[tilespmem:$0x1FF80] =	vst v63  }
0xa9: {  	_ =	swait.ge [sflag:s6], $0x2800  }
0xaa: {  	[sflag:s6] =	ssyncset.done $0x0  }
0xab: {  	s14 =	simm.s32 $0x185D0;
	[sflag:s6] =	ssyncadd.s32 $0xFFFFD800  }
0xac: {  	[spmem:s2] =	stream.indirect.scatter.add.f32 [tilespmem:s0], [sflag:$0x6], $0x80, s14, s30, $0xb8;
	[tilespmem:$0x1FF80] =	vst v63  }
0xad: {  	_ =	swait.ge [sflag:s7], $0x2800  }
0xae: {  	[sflag:s7] =	ssyncset.done $0x0  }
0xaf: {  	s16 =	simm.s32 $0x18620;
	[sflag:s7] =	ssyncadd.s32 $0xFFFFD800  }
0xb0: {  	[spmem:s2] =	stream.indirect.scatter.add.f32 [tilespmem:s1], [sflag:$0x7], $0x80, s16, s30, $0xb8;
	[tilespmem:$0x1FF80] =	vst v63  }
0xb1: {  	_ =	swait.ge [sflag:s8], $0x2800  }
0xb2: {  	[sflag:s8] =	ssyncset.done $0x0  }
0xb3: {  	s17 =	simm.s32 $0x15EF0;
	[sflag:s8] =	ssyncadd.s32 $0xFFFFD800  }
0xb4: {  	[tilespmem:s31], [sflag:$0x2] =	stream.indirect.gather [hbm4b:s4+s30], $0x80, s17, s30, $0xb8;
	[tilespmem:$0x1FF80] =	vst v63  }
0xb5: {  	_ =	swait.ge [sflag:s9], $0x2800  }
0xb6: {  	[sflag:s9] =	ssyncset.done $0x0  }
0xb7: {  	s14 =	simm.s32 $0x15F40;
	[sflag:s9] =	ssyncadd.s32 $0xFFFFD800  }
0xb8: {  	[tilespmem:s0], [sflag:$0x3] =	stream.indirect.gather [hbm4b:s4+s30], $0x80, s14, s30, $0xb8;
	[tilespmem:$0x1FF80] =	vst v63  }
0xb9: {  	_ =	swait.ge [sflag:s10], $0x2800  }
0xba: {  	[sflag:s10] =	ssyncset.done $0x0  }
0xbb: {  	[sflag:s10] =	ssyncadd.s32 $0xFFFFD800  }
0xbc: {  	_ =	swait.ge [sflag:s28], $0x2800  }
0xbd: {  	[sflag:s28] =	ssyncset.done $0x0  }
0xbe: {  	s16 =	simm.s32 $0x18670;
	[sflag:s28] =	ssyncadd.s32 $0xFFFFD800  }
0xbf: {  	[spmem:s2] =	stream.indirect.scatter.add.f32 [tilespmem:s31], [sflag:$0x8], $0x80, s16, s30, $0xb8;
	[tilespmem:$0x1FF80] =	vst v63  }
0xc0: {  	_ =	swait.ge [sflag:s11], $0x2800  }
0xc1: {  	[sflag:s11] =	ssyncset.done $0x0  }
0xc2: {  	[sflag:s11] =	ssyncadd.s32 $0xFFFFD800  }
0xc3: {  	_ =	swait.ge [sflag:s6], $0x2800  }
0xc4: {  	[sflag:s6] =	ssyncset.done $0x0  }
0xc5: {  	s17 =	simm.s32 $0x186C0;
	[sflag:s6] =	ssyncadd.s32 $0xFFFFD800  }
0xc6: {  	[spmem:s2] =	stream.indirect.scatter.add.f32 [tilespmem:s0], [sflag:$0x8], $0x80, s17, s30, $0xb8;
	[tilespmem:$0x1FF80] =	vst v63  }
0xc7: {  	_ =	swait.ge [sflag:s11], $0x2800  }
0xc8: {  	[sflag:s11] =	ssyncset.done $0x0  }
0xc9: {  	[sflag:s11] =	ssyncadd.s32 $0xFFFFD800  }
0xca: {  	s13 =	sshrl.u32 @p0 s15, $0x3;
	s14 =	simm.s32 @p0 $0x1FC8;
	[bflag:$0x0] =	sbarrier.arrive $0xFFFF  }
0xcb: {  	[hbm:s24], [sflag:s14] =	dma.local @p0 [spmem:s13], $0x2800  }
0xcc: {  	s13 =	simm.s32 @p0 $0x8  }
0xcd: {  	s12 =	sadd.s32 $0x1, s12;
	s14 =	stileid.u32;
	_ =	swait.ge @p0 [sflag:s13], $0x2800  }
0xce: {  	p1 =	sne.s32 s12, s25;
	s14 =	sshll.u32 @!p0 s14, $0x6;
	[sflag:s13] =	ssyncset.done @p0 $0x0  }
0xcf: {  	[sflag:s13] =	ssyncadd.s32 @p0 $0xFFFFD800;
	s13 =	sor.u32 @!p0 $0x1C08, s14;
	s14 =	sshrl.u32 @!p0 s5, $0x3  }
0xd0: {  	[hbm:s22], [sflag:s13] =	dma.local @!p0 [spmem:s14], $0x2700  }
.Ltmp2:
0xd1: {  	_ = 	snop;
	(pc) =	sbr.rel @p1 .LBB2_1-.Ltmp2, $4  }
0xd2: {  	s13 =	simm.s32 @!p0 $0x8  }
0xd3: {  	_ =	swait.ge @!p0 [sflag:s13], $0x2700  }
0xd4: {  	[sflag:s13] =	ssyncset.done @!p0 $0x0  }
0xd5: {  	[sflag:s13] =	ssyncadd.s32 @!p0 $0xFFFFD900  }
0xd6: {  	_ =	sfence.sel $0x180000  }
0xd7: {  	[bflag:$0x0] =	sbarrier.arrive $0xFFFF  }
0xd8: {  	_ =	strace $0x90000050  }
0xd9: {  	s0 =	stileid.u32;
	[bflag:$0x2] =	sbarrier.arrive $0xFFFF  }
0xda: {  	p0 =	sne.s32 s0, $0x0;
	s0 =	rddreg [dreg:$0x2]  }
0xdb: {  	s0 =	sadd.s32 @!p0 $0x100000, s0  }
0xdc: {  	[sflag:s0] =	ssyncadd.tile.s32 @!p0 $0x1;
	_ =	shalt  }
.Lfunc_end2:
_tile_overlayer_lowered:
.L_overlay_start_2:
0xdd: {  	(tag) =	ssettag $0x2  }
0xde: {  	s0 =	rddreg [dreg:$0x0];
	s2 =	stileid.u32  }
0xdf: {  	s1 =	rddreg [dreg:$0x1];
	p0 =	sne.s32 s2, $0x0  }
0xe0: {  	s3 =	rddreg [dreg:$0x2];
	[bflag:$0x3] =	sbarrier.arrive $0xFFFF;
	s2 =	simm.s32 @!p0 $0x1C08  }
0xe1: {  	[timem:s3], [sflag:s2] =	dma.local @!p0 [hbm:s0], s1  }
0xe2: {  	s0 =	simm.s32 @!p0 $0x8  }
0xe3: {  	_ =	swait.ge @!p0 [sflag:s0], s1  }
0xe4: {  	s1 =	ssub.s32 @!p0 $0x0, s1;
	[sflag:s0] =	ssyncset.done @!p0 $0x0  }
0xe5: {  	[sflag:s0] =	ssyncadd.s32 @!p0 s1  }
0xe6: {  	[bflag:$0x3] =	sbarrier.arrive $0xFFFF  }
0xe7: {  	_ =	shalt  }

</sc_bundles>
